<compile_context>
chip_gen: v7x
topology: tpu7x:2x2x1
jax: 0.10.2.dev20260603
libtpu: 0.0.44.dev20260713+nightly
codegen_flags: <defaults>
</compile_context>

<pallas_src>
import functools

import jax
import jax.numpy as jnp
from jax import lax
from jax.experimental import pallas as pl
from jax.experimental.pallas import tpu as pltpu
from jax.experimental.pallas import tpu_sc as plsc

B = 16384
D = 16
NC = 2
NS = 16
NW = NC * NS
BPW = B // NW
G = 16
H = 8
NG = BPW // G

_mesh = plsc.VectorSubcoreMesh(core_axis_name="c", subcore_axis_name="s")


@functools.partial(
    pl.kernel,
    out_type=jax.ShapeDtypeStruct((NW, BPW), jnp.float32),
    mesh=_mesh,
    scratch_types=[
        pltpu.VMEM((BPW,), jnp.int32),
        pltpu.VMEM((BPW,), jnp.int32),
        pltpu.VMEM((2, H, D, 128), jnp.float32),
        pltpu.VMEM((2, H, D, 128), jnp.float32),
        pltpu.VMEM((BPW,), jnp.float32),
        pltpu.SemaphoreType.DMA,
        pltpu.SemaphoreType.DMA,
    ],
    compiler_params=pltpu.CompilerParams(needs_layout_passes=False),
)
def _mf_scores(uid_hbm, iid_hbm, utab_hbm, itab_hbm, out_hbm,
               uidx_v, iidx_v, ustg_v, istg_v, out_v, sem0, sem1):
    wid = lax.axis_index("s") * NC + lax.axis_index("c")

    pltpu.sync_copy(uid_hbm.at[wid], uidx_v)
    pltpu.sync_copy(iid_hbm.at[wid], iidx_v)

    lanes = lax.iota(jnp.int32, G)
    sems = (sem0, sem1)

    _dnums = lax.GatherDimensionNumbers(
        offset_dims=(), collapsed_slice_dims=(0,), start_index_map=(0,))

    def take16(vec, idx):
        return lax.gather(vec, idx[:, None], _dnums, slice_sizes=(1,),
                          mode=lax.GatherScatterMode.PROMISE_IN_BOUNDS)

    def fire(g, half, buf):
        sem = sems[buf]
        uvec = uidx_v[pl.ds(g * G, G)]
        ivec = iidx_v[pl.ds(g * G, G)]
        ublk = (uvec // 128) * 128
        iblk = (ivec // 128) * 128
        for j in range(H):
            sel = lanes == (half * H + j)
            o_u = pl.multiple_of(jnp.sum(jnp.where(sel, ublk, 0)), 128)
            o_i = pl.multiple_of(jnp.sum(jnp.where(sel, iblk, 0)), 128)
            pltpu.async_copy(utab_hbm.at[:, pl.ds(o_u, 128)],
                             ustg_v.at[buf, j], sem)
            pltpu.async_copy(itab_hbm.at[:, pl.ds(o_i, 128)],
                             istg_v.at[buf, j], sem)
        return uvec % 128, ivec % 128

    def drain(buf):
        sem = sems[buf]
        for _ in range(H):
            pltpu.make_async_copy(utab_hbm.at[:, pl.ds(0, 128)],
                                  ustg_v.at[buf, 0], sem).wait()
            pltpu.make_async_copy(itab_hbm.at[:, pl.ds(0, 128)],
                                  istg_v.at[buf, 0], sem).wait()

    def compute(half, buf, umod, imod, acc):
        for j in range(H):
            jj = jnp.full((G,), half * H + j, jnp.int32)
            lu = take16(umod, jj)
            li = take16(imod, jj)
            u = plsc.load_gather(ustg_v.at[buf, j], [lanes, lu])
            it = plsc.load_gather(istg_v.at[buf, j], [lanes, li])
            s = jnp.sum(u * it)
            acc = jnp.where(lanes == (half * H + j), s, acc)
        return acc

    dummy = lanes
    um0, im0 = fire(0, 0, 0)
    um1, im1 = fire(0, 1, 1)

    def step(g, carry):
        um0, im0, um1, im1 = carry
        acc = jnp.zeros((G,), jnp.float32)
        drain(0)
        acc = compute(0, 0, um0, im0, acc)
        nxt0 = lax.cond(g + 1 < NG,
                        lambda: fire(g + 1, 0, 0),
                        lambda: (dummy, dummy))
        drain(1)
        acc = compute(1, 1, um1, im1, acc)
        nxt1 = lax.cond(g + 1 < NG,
                        lambda: fire(g + 1, 1, 1),
                        lambda: (dummy, dummy))
        out_v[pl.ds(g * G, G)] = 1.0 + 4.0 / (1.0 + jnp.exp(-acc))
        return nxt0[0], nxt0[1], nxt1[0], nxt1[1]

    lax.fori_loop(0, NG, step, (um0, im0, um1, im1))
    pltpu.sync_copy(out_v, out_hbm.at[wid])


def kernel(inputs, user_table, item_table):
    uid = inputs[:, 0].astype(jnp.int32).reshape(NW, BPW)
    iid = inputs[:, 1].astype(jnp.int32).reshape(NW, BPW)
    out = _mf_scores(uid, iid, user_table.T, item_table.T)
    return out.reshape(B)

# --- scband reference (transcript-rebuilt; emitter-appended) ---
"""Pipeline reference for scband-matrix-factorization-nn-283467842747 (READ-ONLY COPY).

The authoritative reference and input builder live on the scoring server;
editing this copy changes nothing except your own understanding.
"""

import jax, jax.numpy as jnp
import numpy as np

NUM_USERS = 1000000
NUM_ITEMS = 1000000
EMBED_DIM = 16
BATCH = 16384


def setup_inputs(seed: int = 0) -> dict:
    key = jax.random.key(seed)
    k_idx, k_user, k_item = jax.random.split(key, 3)
    inputs = jax.random.randint(k_idx, (BATCH, 2), 0, NUM_USERS, dtype=jnp.int64) if jax.config.jax_enable_x64 else jax.random.randint(k_idx, (BATCH, 2), 0, NUM_USERS, dtype=jnp.int32)
    # he_normal: stddev = sqrt(2 / fan_in); Keras Embedding fan_in = embedding_dim per TF convention on last axis
    std = float(np.sqrt(2.0 / EMBED_DIM))
    user_table = jax.random.normal(k_user, (NUM_USERS, EMBED_DIM), dtype=jnp.float32) * std
    item_table = jax.random.normal(k_item, (NUM_ITEMS, EMBED_DIM), dtype=jnp.float32) * std
    return {"inputs": inputs, "user_table": user_table, "item_table": item_table}


def reference(inputs, user_table, item_table):
    user_id = inputs[:, 0]
    item_id = inputs[:, 1]
    user_vec = jnp.take(user_table, user_id, axis=0)
    item_vec = jnp.take(item_table, item_id, axis=0)
    interaction = user_vec * item_vec
    score = jnp.sum(interaction, axis=1)
    predicted_ratings = 1.0 + 4.0 * jax.nn.sigmoid(score)
    return predicted_ratings

if __name__ == "__main__":
    import jax
    _d = setup_inputs()
    print(jax.jit(kernel)(*tuple(_d.values())))

</pallas_src>

<mosaic_0001>
#map = affine_map<(d0, d1) -> (0, 0)>
module attributes {stable_mosaic.version = 14 : i64} {
  func.func @_mf_scores(%arg0: i32, %arg1: i32, %arg2: memref<32x512xi32, #tpu.memory_space<hbm>>, %arg3: memref<32x512xi32, #tpu.memory_space<hbm>>, %arg4: memref<16x1000000xf32, #tpu.memory_space<hbm>>, %arg5: memref<16x1000000xf32, #tpu.memory_space<hbm>>, %arg6: memref<32x512xf32, #tpu.memory_space<hbm>>, %arg7: memref<512xi32, #tpu.memory_space<vmem>>, %arg8: memref<512xi32, #tpu.memory_space<vmem>>, %arg9: memref<2x8x16x128xf32, #tpu.memory_space<vmem>>, %arg10: memref<2x8x16x128xf32, #tpu.memory_space<vmem>>, %arg11: memref<512xf32, #tpu.memory_space<vmem>>, %arg12: memref<!tpu.dma_semaphore, #tpu.memory_space<semaphore_mem>>, %arg13: memref<!tpu.dma_semaphore, #tpu.memory_space<semaphore_mem>>) attributes {dimension_semantics = [#tpu.dimension_semantics<core_parallel>, #tpu.dimension_semantics<subcore_parallel>], iteration_bounds = array<i64: 2, 16>, scalar_prefetch = 0 : i64, scratch_operands = 7 : i64, tpu.core_type = #tpu.core_type<sc_vector_subcore>, window_params = [{transform_indices = #map}, {transform_indices = #map}, {transform_indices = #map}, {transform_indices = #map}, {transform_indices = #map}]} {
    %mul3A = arith.constant 2 : i32
    %mul3A_0 = arith.muli %arg1, %mul3A : i32
    %add3A = arith.addi %mul3A_0, %arg0 : i32
    "tpu.region"() ({
      %run_scoped3A = tpu.sem_alloc : memref<!tpu.dma_semaphore, #tpu.memory_space<semaphore_mem>>
      %dma_start3A_975 = arith.constant 0 : i32
      %dma_start3A_976 = tpu.memref_slice %arg2[%add3A, %dma_start3A_975] : memref<32x512xi32, #tpu.memory_space<hbm>> -> memref<1x512xi32, #tpu.memory_space<hbm>>
      %dma_start3A_977 = tpu.memref_squeeze %dma_start3A_976 : memref<1x512xi32, #tpu.memory_space<hbm>> -> memref<512xi32, #tpu.memory_space<hbm>>
      %dma_start3A_978 = arith.constant 0 : i32
      %dma_start3A_979 = tpu.memref_slice %arg2[%add3A, %dma_start3A_978] : memref<32x512xi32, #tpu.memory_space<hbm>> -> memref<1x512xi32, #tpu.memory_space<hbm>>
      %dma_start3A_980 = tpu.memref_squeeze %dma_start3A_979 : memref<1x512xi32, #tpu.memory_space<hbm>> -> memref<512xi32, #tpu.memory_space<hbm>>
      tpu.enqueue_dma source(%dma_start3A_980 : memref<512xi32, #tpu.memory_space<hbm>>) target(%arg7 : memref<512xi32, #tpu.memory_space<vmem>>) target_semaphore(%run_scoped3A : memref<!tpu.dma_semaphore, #tpu.memory_space<semaphore_mem>>)
      %dma_wait3A = arith.constant 0 : i32
      %dma_wait3A_981 = tpu.memref_slice %arg2[%add3A, %dma_wait3A] : memref<32x512xi32, #tpu.memory_space<hbm>> -> memref<1x512xi32, #tpu.memory_space<hbm>>
      %dma_wait3A_982 = tpu.memref_squeeze %dma_wait3A_981 : memref<1x512xi32, #tpu.memory_space<hbm>> -> memref<512xi32, #tpu.memory_space<hbm>>
      %dma_wait3A_983 = arith.constant 0 : i32
      %dma_wait3A_984 = tpu.memref_slice %arg2[%add3A, %dma_wait3A_983] : memref<32x512xi32, #tpu.memory_space<hbm>> -> memref<1x512xi32, #tpu.memory_space<hbm>>
      %dma_wait3A_985 = tpu.memref_squeeze %dma_wait3A_984 : memref<1x512xi32, #tpu.memory_space<hbm>> -> memref<512xi32, #tpu.memory_space<hbm>>
      tpu.wait_dma2 semaphore(%run_scoped3A : memref<!tpu.dma_semaphore, #tpu.memory_space<semaphore_mem>>) src(%dma_wait3A_985 : memref<512xi32, #tpu.memory_space<hbm>>) dst(%arg7 : memref<512xi32, #tpu.memory_space<vmem>>)
      tpu.yield
    }) : () -> ()
    "tpu.region"() ({
      %run_scoped3A = tpu.sem_alloc : memref<!tpu.dma_semaphore, #tpu.memory_space<semaphore_mem>>
      %dma_start3A_975 = arith.constant 0 : i32
      %dma_start3A_976 = tpu.memref_slice %arg3[%add3A, %dma_start3A_975] : memref<32x512xi32, #tpu.memory_space<hbm>> -> memref<1x512xi32, #tpu.memory_space<hbm>>
      %dma_start3A_977 = tpu.memref_squeeze %dma_start3A_976 : memref<1x512xi32, #tpu.memory_space<hbm>> -> memref<512xi32, #tpu.memory_space<hbm>>
      %dma_start3A_978 = arith.constant 0 : i32
      %dma_start3A_979 = tpu.memref_slice %arg3[%add3A, %dma_start3A_978] : memref<32x512xi32, #tpu.memory_space<hbm>> -> memref<1x512xi32, #tpu.memory_space<hbm>>
      %dma_start3A_980 = tpu.memref_squeeze %dma_start3A_979 : memref<1x512xi32, #tpu.memory_space<hbm>> -> memref<512xi32, #tpu.memory_space<hbm>>
      tpu.enqueue_dma source(%dma_start3A_980 : memref<512xi32, #tpu.memory_space<hbm>>) target(%arg8 : memref<512xi32, #tpu.memory_space<vmem>>) target_semaphore(%run_scoped3A : memref<!tpu.dma_semaphore, #tpu.memory_space<semaphore_mem>>)
      %dma_wait3A = arith.constant 0 : i32
      %dma_wait3A_981 = tpu.memref_slice %arg3[%add3A, %dma_wait3A] : memref<32x512xi32, #tpu.memory_space<hbm>> -> memref<1x512xi32, #tpu.memory_space<hbm>>
      %dma_wait3A_982 = tpu.memref_squeeze %dma_wait3A_981 : memref<1x512xi32, #tpu.memory_space<hbm>> -> memref<512xi32, #tpu.memory_space<hbm>>
      %dma_wait3A_983 = arith.constant 0 : i32
      %dma_wait3A_984 = tpu.memref_slice %arg3[%add3A, %dma_wait3A_983] : memref<32x512xi32, #tpu.memory_space<hbm>> -> memref<1x512xi32, #tpu.memory_space<hbm>>
      %dma_wait3A_985 = tpu.memref_squeeze %dma_wait3A_984 : memref<1x512xi32, #tpu.memory_space<hbm>> -> memref<512xi32, #tpu.memory_space<hbm>>
      tpu.wait_dma2 semaphore(%run_scoped3A : memref<!tpu.dma_semaphore, #tpu.memory_space<semaphore_mem>>) src(%dma_wait3A_985 : memref<512xi32, #tpu.memory_space<hbm>>) dst(%arg8 : memref<512xi32, #tpu.memory_space<vmem>>)
      tpu.yield
    }) : () -> ()
    %iota3A = tpu.iota {dimensions = array<i32: 0>} : vector<16xi32>
    %get3A = arith.constant 0 : index
    %get3A_1 = tpu.vector_load %arg7[%get3A] {strides = array<i32>} : memref<512xi32, #tpu.memory_space<vmem>>, vector<16xi32>,
    %get3A_2 = arith.constant 0 : index
    %get3A_3 = tpu.vector_load %arg8[%get3A_2] {strides = array<i32>} : memref<512xi32, #tpu.memory_space<vmem>>, vector<16xi32>,
    %jit3A = arith.constant 128 : i32
    %div3A = vector.broadcast %jit3A : i32 to vector<16xi32>
    %div3A_4 = arith.divsi %get3A_1, %div3A : vector<16xi32>
    %sign3A = arith.constant 0 : i32
    %sign3A_5 = vector.broadcast %sign3A : i32 to vector<16xi32>
    %sign3A_6 = arith.cmpi sgt, %get3A_1, %sign3A_5 : vector<16xi32>
    %sign3A_7 = arith.extui %sign3A_6 : vector<16xi1> to vector<16xi32>
    %sign3A_8 = arith.constant 0 : i32
    %sign3A_9 = vector.broadcast %sign3A_8 : i32 to vector<16xi32>
    %sign3A_10 = arith.cmpi slt, %get3A_1, %sign3A_9 : vector<16xi32>
    %sign3A_11 = arith.extui %sign3A_10 : vector<16xi1> to vector<16xi32>
    %sign3A_12 = arith.subi %sign3A_7, %sign3A_11 : vector<16xi32>
    %sign3A_13 = arith.constant 0 : i32
    %sign3A_14 = arith.cmpi sgt, %jit3A, %sign3A_13 : i32
    %sign3A_15 = arith.extui %sign3A_14 : i1 to i32
    %sign3A_16 = arith.constant 0 : i32
    %sign3A_17 = arith.cmpi slt, %jit3A, %sign3A_16 : i32
    %sign3A_18 = arith.extui %sign3A_17 : i1 to i32
    %sign3A_19 = arith.subi %sign3A_15, %sign3A_18 : i32
    %ne3A = vector.broadcast %sign3A_19 : i32 to vector<16xi32>
    %ne3A_20 = arith.cmpi ne, %sign3A_12, %ne3A : vector<16xi32>
    %rem3A = vector.broadcast %jit3A : i32 to vector<16xi32>
    %rem3A_21 = arith.remsi %get3A_1, %rem3A : vector<16xi32>
    %ne3A_22 = arith.constant 0 : i32
    %ne3A_23 = vector.broadcast %ne3A_22 : i32 to vector<16xi32>
    %ne3A_24 = arith.cmpi ne, %rem3A_21, %ne3A_23 : vector<16xi32>
    %and3A = arith.andi %ne3A_20, %ne3A_24 : vector<16xi1>
    %sub3A = arith.constant 1 : i32
    %sub3A_25 = vector.broadcast %sub3A : i32 to vector<16xi32>
    %sub3A_26 = arith.subi %div3A_4, %sub3A_25 : vector<16xi32>
    %select_n3A = arith.select %and3A, %sub3A_26, %div3A_4 : vector<16xi1>, vector<16xi32>
    %mul3A_27 = arith.constant 128 : i32
    %mul3A_28 = vector.broadcast %mul3A_27 : i32 to vector<16xi32>
    %mul3A_29 = arith.muli %select_n3A, %mul3A_28 : vector<16xi32>
    %jit3A_30 = arith.constant 128 : i32
    %div3A_31 = vector.broadcast %jit3A_30 : i32 to vector<16xi32>
    %div3A_32 = arith.divsi %get3A_3, %div3A_31 : vector<16xi32>
    %sign3A_33 = arith.constant 0 : i32
    %sign3A_34 = vector.broadcast %sign3A_33 : i32 to vector<16xi32>
    %sign3A_35 = arith.cmpi sgt, %get3A_3, %sign3A_34 : vector<16xi32>
    %sign3A_36 = arith.extui %sign3A_35 : vector<16xi1> to vector<16xi32>
    %sign3A_37 = arith.constant 0 : i32
    %sign3A_38 = vector.broadcast %sign3A_37 : i32 to vector<16xi32>
    %sign3A_39 = arith.cmpi slt, %get3A_3, %sign3A_38 : vector<16xi32>
    %sign3A_40 = arith.extui %sign3A_39 : vector<16xi1> to vector<16xi32>
    %sign3A_41 = arith.subi %sign3A_36, %sign3A_40 : vector<16xi32>
    %sign3A_42 = arith.constant 0 : i32
    %sign3A_43 = arith.cmpi sgt, %jit3A_30, %sign3A_42 : i32
    %sign3A_44 = arith.extui %sign3A_43 : i1 to i32
    %sign3A_45 = arith.constant 0 : i32
    %sign3A_46 = arith.cmpi slt, %jit3A_30, %sign3A_45 : i32
    %sign3A_47 = arith.extui %sign3A_46 : i1 to i32
    %sign3A_48 = arith.subi %sign3A_44, %sign3A_47 : i32
    %ne3A_49 = vector.broadcast %sign3A_48 : i32 to vector<16xi32>
    %ne3A_50 = arith.cmpi ne, %sign3A_41, %ne3A_49 : vector<16xi32>
    %rem3A_51 = vector.broadcast %jit3A_30 : i32 to vector<16xi32>
    %rem3A_52 = arith.remsi %get3A_3, %rem3A_51 : vector<16xi32>
    %ne3A_53 = arith.constant 0 : i32
    %ne3A_54 = vector.broadcast %ne3A_53 : i32 to vector<16xi32>
    %ne3A_55 = arith.cmpi ne, %rem3A_52, %ne3A_54 : vector<16xi32>
    %and3A_56 = arith.andi %ne3A_50, %ne3A_55 : vector<16xi1>
    %sub3A_57 = arith.constant 1 : i32
    %sub3A_58 = vector.broadcast %sub3A_57 : i32 to vector<16xi32>
    %sub3A_59 = arith.subi %div3A_32, %sub3A_58 : vector<16xi32>
    %select_n3A_60 = arith.select %and3A_56, %sub3A_59, %div3A_32 : vector<16xi1>, vector<16xi32>
    %mul3A_61 = arith.constant 128 : i32
    %mul3A_62 = vector.broadcast %mul3A_61 : i32 to vector<16xi32>
    %mul3A_63 = arith.muli %select_n3A_60, %mul3A_62 : vector<16xi32>
    %eq3A = arith.constant 0 : i32
    %eq3A_64 = vector.broadcast %eq3A : i32 to vector<16xi32>
    %eq3A_65 = arith.cmpi eq, %iota3A, %eq3A_64 : vector<16xi32>
    %jit3A_66 = arith.constant 0 : i32
    %broadcast_in_dim3A = vector.broadcast %jit3A_66 : i32 to vector<16xi32>
    %select_n3A_67 = arith.select %eq3A_65, %mul3A_29, %broadcast_in_dim3A : vector<16xi1>, vector<16xi32>
    %reduce_sum3A = arith.constant true
    %reduce_sum3A_68 = vector.broadcast %reduce_sum3A : i1 to vector<16xi1>
    %reduce_sum3A_69 = tpu.scan <sum>, %select_n3A_67 masked %reduce_sum3A_68 : vector<16xi32>, vector<16xi1> -> vector<16xi32>
    %reduce_sum3A_70 = vector.extract %reduce_sum3A_69[15] : i32 from vector<16xi32>
    %multiple_of3A = tpu.assume_multiple %reduce_sum3A_70, 128 : i32
    %jit3A_71 = arith.constant 0 : i32
    %broadcast_in_dim3A_72 = vector.broadcast %jit3A_71 : i32 to vector<16xi32>
    %select_n3A_73 = arith.select %eq3A_65, %mul3A_63, %broadcast_in_dim3A_72 : vector<16xi1>, vector<16xi32>
    %reduce_sum3A_74 = arith.constant true
    %reduce_sum3A_75 = vector.broadcast %reduce_sum3A_74 : i1 to vector<16xi1>
    %reduce_sum3A_76 = tpu.scan <sum>, %select_n3A_73 masked %reduce_sum3A_75 : vector<16xi32>, vector<16xi1> -> vector<16xi32>
    %reduce_sum3A_77 = vector.extract %reduce_sum3A_76[15] : i32 from vector<16xi32>
    %multiple_of3A_78 = tpu.assume_multiple %reduce_sum3A_77, 128 : i32
    %dma_start3A = arith.constant 0 : i32
    %dma_start3A_79 = arith.constant 0 : i32
    %dma_start3A_80 = arith.constant 0 : i32
    %dma_start3A_81 = arith.constant 0 : i32
    %dma_start3A_82 = tpu.memref_slice %arg9[%dma_start3A, %dma_start3A_79, %dma_start3A_80, %dma_start3A_81] : memref<2x8x16x128xf32, #tpu.memory_space<vmem>> -> memref<1x1x16x128xf32, #tpu.memory_space<vmem>>
    %dma_start3A_83 = tpu.memref_squeeze %dma_start3A_82 : memref<1x1x16x128xf32, #tpu.memory_space<vmem>> -> memref<16x128xf32, #tpu.memory_space<vmem>>
    %dma_start3A_84 = arith.constant 0 : i32
    %dma_start3A_85 = tpu.memref_slice %arg4[%dma_start3A_84, %multiple_of3A] : memref<16x1000000xf32, #tpu.memory_space<hbm>> -> memref<16x128xf32, #tpu.memory_space<hbm>>
    %dma_start3A_86 = arith.constant 0 : i32
    %dma_start3A_87 = arith.constant 0 : i32
    %dma_start3A_88 = tpu.memref_slice %arg9[%dma_start3A, %dma_start3A_79, %dma_start3A_86, %dma_start3A_87] : memref<2x8x16x128xf32, #tpu.memory_space<vmem>> -> memref<1x1x16x128xf32, #tpu.memory_space<vmem>>
    %dma_start3A_89 = tpu.memref_squeeze %dma_start3A_88 : memref<1x1x16x128xf32, #tpu.memory_space<vmem>> -> memref<16x128xf32, #tpu.memory_space<vmem>>
    %dma_start3A_90 = arith.constant 0 : i32
    %dma_start3A_91 = tpu.memref_slice %arg4[%dma_start3A_90, %multiple_of3A] : memref<16x1000000xf32, #tpu.memory_space<hbm>> -> memref<16x128xf32, #tpu.memory_space<hbm>>
    tpu.enqueue_dma source(%dma_start3A_91 : memref<16x128xf32, #tpu.memory_space<hbm>>) target(%dma_start3A_89 : memref<16x128xf32, #tpu.memory_space<vmem>>) target_semaphore(%arg12 : memref<!tpu.dma_semaphore, #tpu.memory_space<semaphore_mem>>)
    %dma_start3A_92 = arith.constant 0 : i32
    %dma_start3A_93 = arith.constant 0 : i32
    %dma_start3A_94 = arith.constant 0 : i32
    %dma_start3A_95 = arith.constant 0 : i32
    %dma_start3A_96 = tpu.memref_slice %arg10[%dma_start3A_92, %dma_start3A_93, %dma_start3A_94, %dma_start3A_95] : memref<2x8x16x128xf32, #tpu.memory_space<vmem>> -> memref<1x1x16x128xf32, #tpu.memory_space<vmem>>
    %dma_start3A_97 = tpu.memref_squeeze %dma_start3A_96 : memref<1x1x16x128xf32, #tpu.memory_space<vmem>> -> memref<16x128xf32, #tpu.memory_space<vmem>>
    %dma_start3A_98 = arith.constant 0 : i32
    %dma_start3A_99 = tpu.memref_slice %arg5[%dma_start3A_98, %multiple_of3A_78] : memref<16x1000000xf32, #tpu.memory_space<hbm>> -> memref<16x128xf32, #tpu.memory_space<hbm>>
    %dma_start3A_100 = arith.constant 0 : i32
    %dma_start3A_101 = arith.constant 0 : i32
    %dma_start3A_102 = tpu.memref_slice %arg10[%dma_start3A_92, %dma_start3A_93, %dma_start3A_100, %dma_start3A_101] : memref<2x8x16x128xf32, #tpu.memory_space<vmem>> -> memref<1x1x16x128xf32, #tpu.memory_space<vmem>>
    %dma_start3A_103 = tpu.memref_squeeze %dma_start3A_102 : memref<1x1x16x128xf32, #tpu.memory_space<vmem>> -> memref<16x128xf32, #tpu.memory_space<vmem>>
    %dma_start3A_104 = arith.constant 0 : i32
    %dma_start3A_105 = tpu.memref_slice %arg5[%dma_start3A_104, %multiple_of3A_78] : memref<16x1000000xf32, #tpu.memory_space<hbm>> -> memref<16x128xf32, #tpu.memory_space<hbm>>
    tpu.enqueue_dma source(%dma_start3A_105 : memref<16x128xf32, #tpu.memory_space<hbm>>) target(%dma_start3A_103 : memref<16x128xf32, #tpu.memory_space<vmem>>) target_semaphore(%arg12 : memref<!tpu.dma_semaphore, #tpu.memory_space<semaphore_mem>>)
    %eq3A_106 = arith.constant 1 : i32
    %eq3A_107 = vector.broadcast %eq3A_106 : i32 to vector<16xi32>
    %eq3A_108 = arith.cmpi eq, %iota3A, %eq3A_107 : vector<16xi32>
    %jit3A_109 = arith.constant 0 : i32
    %broadcast_in_dim3A_110 = vector.broadcast %jit3A_109 : i32 to vector<16xi32>
    %select_n3A_111 = arith.select %eq3A_108, %mul3A_29, %broadcast_in_dim3A_110 : vector<16xi1>, vector<16xi32>
    %reduce_sum3A_112 = arith.constant true
    %reduce_sum3A_113 = vector.broadcast %reduce_sum3A_112 : i1 to vector<16xi1>
    %reduce_sum3A_114 = tpu.scan <sum>, %select_n3A_111 masked %reduce_sum3A_113 : vector<16xi32>, vector<16xi1> -> vector<16xi32>
    %reduce_sum3A_115 = vector.extract %reduce_sum3A_114[15] : i32 from vector<16xi32>
    %multiple_of3A_116 = tpu.assume_multiple %reduce_sum3A_115, 128 : i32
    %jit3A_117 = arith.constant 0 : i32
    %broadcast_in_dim3A_118 = vector.broadcast %jit3A_117 : i32 to vector<16xi32>
    %select_n3A_119 = arith.select %eq3A_108, %mul3A_63, %broadcast_in_dim3A_118 : vector<16xi1>, vector<16xi32>
    %reduce_sum3A_120 = arith.constant true
    %reduce_sum3A_121 = vector.broadcast %reduce_sum3A_120 : i1 to vector<16xi1>
    %reduce_sum3A_122 = tpu.scan <sum>, %select_n3A_119 masked %reduce_sum3A_121 : vector<16xi32>, vector<16xi1> -> vector<16xi32>
    %reduce_sum3A_123 = vector.extract %reduce_sum3A_122[15] : i32 from vector<16xi32>
    %multiple_of3A_124 = tpu.assume_multiple %reduce_sum3A_123, 128 : i32
    %dma_start3A_125 = arith.constant 0 : i32
    %dma_start3A_126 = arith.constant 1 : i32
    %dma_start3A_127 = arith.constant 0 : i32
    %dma_start3A_128 = arith.constant 0 : i32
    %dma_start3A_129 = tpu.memref_slice %arg9[%dma_start3A_125, %dma_start3A_126, %dma_start3A_127, %dma_start3A_128] : memref<2x8x16x128xf32, #tpu.memory_space<vmem>> -> memref<1x1x16x128xf32, #tpu.memory_space<vmem>>
    %dma_start3A_130 = tpu.memref_squeeze %dma_start3A_129 : memref<1x1x16x128xf32, #tpu.memory_space<vmem>> -> memref<16x128xf32, #tpu.memory_space<vmem>>
    %dma_start3A_131 = arith.constant 0 : i32
    %dma_start3A_132 = tpu.memref_slice %arg4[%dma_start3A_131, %multiple_of3A_116] : memref<16x1000000xf32, #tpu.memory_space<hbm>> -> memref<16x128xf32, #tpu.memory_space<hbm>>
    %dma_start3A_133 = arith.constant 0 : i32
    %dma_start3A_134 = arith.constant 0 : i32
    %dma_start3A_135 = tpu.memref_slice %arg9[%dma_start3A_125, %dma_start3A_126, %dma_start3A_133, %dma_start3A_134] : memref<2x8x16x128xf32, #tpu.memory_space<vmem>> -> memref<1x1x16x128xf32, #tpu.memory_space<vmem>>
    %dma_start3A_136 = tpu.memref_squeeze %dma_start3A_135 : memref<1x1x16x128xf32, #tpu.memory_space<vmem>> -> memref<16x128xf32, #tpu.memory_space<vmem>>
    %dma_start3A_137 = arith.constant 0 : i32
    %dma_start3A_138 = tpu.memref_slice %arg4[%dma_start3A_137, %multiple_of3A_116] : memref<16x1000000xf32, #tpu.memory_space<hbm>> -> memref<16x128xf32, #tpu.memory_space<hbm>>
    tpu.enqueue_dma source(%dma_start3A_138 : memref<16x128xf32, #tpu.memory_space<hbm>>) target(%dma_start3A_136 : memref<16x128xf32, #tpu.memory_space<vmem>>) target_semaphore(%arg12 : memref<!tpu.dma_semaphore, #tpu.memory_space<semaphore_mem>>)
    %dma_start3A_139 = arith.constant 0 : i32
    %dma_start3A_140 = arith.constant 1 : i32
    %dma_start3A_141 = arith.constant 0 : i32
    %dma_start3A_142 = arith.constant 0 : i32
    %dma_start3A_143 = tpu.memref_slice %arg10[%dma_start3A_139, %dma_start3A_140, %dma_start3A_141, %dma_start3A_142] : memref<2x8x16x128xf32, #tpu.memory_space<vmem>> -> memref<1x1x16x128xf32, #tpu.memory_space<vmem>>
    %dma_start3A_144 = tpu.memref_squeeze %dma_start3A_143 : memref<1x1x16x128xf32, #tpu.memory_space<vmem>> -> memref<16x128xf32, #tpu.memory_space<vmem>>
    %dma_start3A_145 = arith.constant 0 : i32
    %dma_start3A_146 = tpu.memref_slice %arg5[%dma_start3A_145, %multiple_of3A_124] : memref<16x1000000xf32, #tpu.memory_space<hbm>> -> memref<16x128xf32, #tpu.memory_space<hbm>>
    %dma_start3A_147 = arith.constant 0 : i32
    %dma_start3A_148 = arith.constant 0 : i32
    %dma_start3A_149 = tpu.memref_slice %arg10[%dma_start3A_139, %dma_start3A_140, %dma_start3A_147, %dma_start3A_148] : memref<2x8x16x128xf32, #tpu.memory_space<vmem>> -> memref<1x1x16x128xf32, #tpu.memory_space<vmem>>
    %dma_start3A_150 = tpu.memref_squeeze %dma_start3A_149 : memref<1x1x16x128xf32, #tpu.memory_space<vmem>> -> memref<16x128xf32, #tpu.memory_space<vmem>>
    %dma_start3A_151 = arith.constant 0 : i32
    %dma_start3A_152 = tpu.memref_slice %arg5[%dma_start3A_151, %multiple_of3A_124] : memref<16x1000000xf32, #tpu.memory_space<hbm>> -> memref<16x128xf32, #tpu.memory_space<hbm>>
    tpu.enqueue_dma source(%dma_start3A_152 : memref<16x128xf32, #tpu.memory_space<hbm>>) target(%dma_start3A_150 : memref<16x128xf32, #tpu.memory_space<vmem>>) target_semaphore(%arg12 : memref<!tpu.dma_semaphore, #tpu.memory_space<semaphore_mem>>)
    %eq3A_153 = arith.constant 2 : i32
    %eq3A_154 = vector.broadcast %eq3A_153 : i32 to vector<16xi32>
    %eq3A_155 = arith.cmpi eq, %iota3A, %eq3A_154 : vector<16xi32>
    %jit3A_156 = arith.constant 0 : i32
    %broadcast_in_dim3A_157 = vector.broadcast %jit3A_156 : i32 to vector<16xi32>
    %select_n3A_158 = arith.select %eq3A_155, %mul3A_29, %broadcast_in_dim3A_157 : vector<16xi1>, vector<16xi32>
    %reduce_sum3A_159 = arith.constant true
    %reduce_sum3A_160 = vector.broadcast %reduce_sum3A_159 : i1 to vector<16xi1>
    %reduce_sum3A_161 = tpu.scan <sum>, %select_n3A_158 masked %reduce_sum3A_160 : vector<16xi32>, vector<16xi1> -> vector<16xi32>
    %reduce_sum3A_162 = vector.extract %reduce_sum3A_161[15] : i32 from vector<16xi32>
    %multiple_of3A_163 = tpu.assume_multiple %reduce_sum3A_162, 128 : i32
    %jit3A_164 = arith.constant 0 : i32
    %broadcast_in_dim3A_165 = vector.broadcast %jit3A_164 : i32 to vector<16xi32>
    %select_n3A_166 = arith.select %eq3A_155, %mul3A_63, %broadcast_in_dim3A_165 : vector<16xi1>, vector<16xi32>
    %reduce_sum3A_167 = arith.constant true
    %reduce_sum3A_168 = vector.broadcast %reduce_sum3A_167 : i1 to vector<16xi1>
    %reduce_sum3A_169 = tpu.scan <sum>, %select_n3A_166 masked %reduce_sum3A_168 : vector<16xi32>, vector<16xi1> -> vector<16xi32>
    %reduce_sum3A_170 = vector.extract %reduce_sum3A_169[15] : i32 from vector<16xi32>
    %multiple_of3A_171 = tpu.assume_multiple %reduce_sum3A_170, 128 : i32
    %dma_start3A_172 = arith.constant 0 : i32
    %dma_start3A_173 = arith.constant 2 : i32
    %dma_start3A_174 = arith.constant 0 : i32
    %dma_start3A_175 = arith.constant 0 : i32
    %dma_start3A_176 = tpu.memref_slice %arg9[%dma_start3A_172, %dma_start3A_173, %dma_start3A_174, %dma_start3A_175] : memref<2x8x16x128xf32, #tpu.memory_space<vmem>> -> memref<1x1x16x128xf32, #tpu.memory_space<vmem>>
    %dma_start3A_177 = tpu.memref_squeeze %dma_start3A_176 : memref<1x1x16x128xf32, #tpu.memory_space<vmem>> -> memref<16x128xf32, #tpu.memory_space<vmem>>
    %dma_start3A_178 = arith.constant 0 : i32
    %dma_start3A_179 = tpu.memref_slice %arg4[%dma_start3A_178, %multiple_of3A_163] : memref<16x1000000xf32, #tpu.memory_space<hbm>> -> memref<16x128xf32, #tpu.memory_space<hbm>>
    %dma_start3A_180 = arith.constant 0 : i32
    %dma_start3A_181 = arith.constant 0 : i32
    %dma_start3A_182 = tpu.memref_slice %arg9[%dma_start3A_172, %dma_start3A_173, %dma_start3A_180, %dma_start3A_181] : memref<2x8x16x128xf32, #tpu.memory_space<vmem>> -> memref<1x1x16x128xf32, #tpu.memory_space<vmem>>
    %dma_start3A_183 = tpu.memref_squeeze %dma_start3A_182 : memref<1x1x16x128xf32, #tpu.memory_space<vmem>> -> memref<16x128xf32, #tpu.memory_space<vmem>>
    %dma_start3A_184 = arith.constant 0 : i32
    %dma_start3A_185 = tpu.memref_slice %arg4[%dma_start3A_184, %multiple_of3A_163] : memref<16x1000000xf32, #tpu.memory_space<hbm>> -> memref<16x128xf32, #tpu.memory_space<hbm>>
    tpu.enqueue_dma source(%dma_start3A_185 : memref<16x128xf32, #tpu.memory_space<hbm>>) target(%dma_start3A_183 : memref<16x128xf32, #tpu.memory_space<vmem>>) target_semaphore(%arg12 : memref<!tpu.dma_semaphore, #tpu.memory_space<semaphore_mem>>)
    %dma_start3A_186 = arith.constant 0 : i32
    %dma_start3A_187 = arith.constant 2 : i32
    %dma_start3A_188 = arith.constant 0 : i32
    %dma_start3A_189 = arith.constant 0 : i32
    %dma_start3A_190 = tpu.memref_slice %arg10[%dma_start3A_186, %dma_start3A_187, %dma_start3A_188, %dma_start3A_189] : memref<2x8x16x128xf32, #tpu.memory_space<vmem>> -> memref<1x1x16x128xf32, #tpu.memory_space<vmem>>
    %dma_start3A_191 = tpu.memref_squeeze %dma_start3A_190 : memref<1x1x16x128xf32, #tpu.memory_space<vmem>> -> memref<16x128xf32, #tpu.memory_space<vmem>>
    %dma_start3A_192 = arith.constant 0 : i32
    %dma_start3A_193 = tpu.memref_slice %arg5[%dma_start3A_192, %multiple_of3A_171] : memref<16x1000000xf32, #tpu.memory_space<hbm>> -> memref<16x128xf32, #tpu.memory_space<hbm>>
    %dma_start3A_194 = arith.constant 0 : i32
    %dma_start3A_195 = arith.constant 0 : i32
    %dma_start3A_196 = tpu.memref_slice %arg10[%dma_start3A_186, %dma_start3A_187, %dma_start3A_194, %dma_start3A_195] : memref<2x8x16x128xf32, #tpu.memory_space<vmem>> -> memref<1x1x16x128xf32, #tpu.memory_space<vmem>>
    %dma_start3A_197 = tpu.memref_squeeze %dma_start3A_196 : memref<1x1x16x128xf32, #tpu.memory_space<vmem>> -> memref<16x128xf32, #tpu.memory_space<vmem>>
    %dma_start3A_198 = arith.constant 0 : i32
    %dma_start3A_199 = tpu.memref_slice %arg5[%dma_start3A_198, %multiple_of3A_171] : memref<16x1000000xf32, #tpu.memory_space<hbm>> -> memref<16x128xf32, #tpu.memory_space<hbm>>
    tpu.enqueue_dma source(%dma_start3A_199 : memref<16x128xf32, #tpu.memory_space<hbm>>) target(%dma_start3A_197 : memref<16x128xf32, #tpu.memory_space<vmem>>) target_semaphore(%arg12 : memref<!tpu.dma_semaphore, #tpu.memory_space<semaphore_mem>>)
    %eq3A_200 = arith.constant 3 : i32
    %eq3A_201 = vector.broadcast %eq3A_200 : i32 to vector<16xi32>
    %eq3A_202 = arith.cmpi eq, %iota3A, %eq3A_201 : vector<16xi32>
    %jit3A_203 = arith.constant 0 : i32
    %broadcast_in_dim3A_204 = vector.broadcast %jit3A_203 : i32 to vector<16xi32>
    %select_n3A_205 = arith.select %eq3A_202, %mul3A_29, %broadcast_in_dim3A_204 : vector<16xi1>, vector<16xi32>
    %reduce_sum3A_206 = arith.constant true
    %reduce_sum3A_207 = vector.broadcast %reduce_sum3A_206 : i1 to vector<16xi1>
    %reduce_sum3A_208 = tpu.scan <sum>, %select_n3A_205 masked %reduce_sum3A_207 : vector<16xi32>, vector<16xi1> -> vector<16xi32>
    %reduce_sum3A_209 = vector.extract %reduce_sum3A_208[15] : i32 from vector<16xi32>
    %multiple_of3A_210 = tpu.assume_multiple %reduce_sum3A_209, 128 : i32
    %jit3A_211 = arith.constant 0 : i32
    %broadcast_in_dim3A_212 = vector.broadcast %jit3A_211 : i32 to vector<16xi32>
    %select_n3A_213 = arith.select %eq3A_202, %mul3A_63, %broadcast_in_dim3A_212 : vector<16xi1>, vector<16xi32>
    %reduce_sum3A_214 = arith.constant true
    %reduce_sum3A_215 = vector.broadcast %reduce_sum3A_214 : i1 to vector<16xi1>
    %reduce_sum3A_216 = tpu.scan <sum>, %select_n3A_213 masked %reduce_sum3A_215 : vector<16xi32>, vector<16xi1> -> vector<16xi32>
    %reduce_sum3A_217 = vector.extract %reduce_sum3A_216[15] : i32 from vector<16xi32>
    %multiple_of3A_218 = tpu.assume_multiple %reduce_sum3A_217, 128 : i32
    %dma_start3A_219 = arith.constant 0 : i32
    %dma_start3A_220 = arith.constant 3 : i32
    %dma_start3A_221 = arith.constant 0 : i32
    %dma_start3A_222 = arith.constant 0 : i32
    %dma_start3A_223 = tpu.memref_slice %arg9[%dma_start3A_219, %dma_start3A_220, %dma_start3A_221, %dma_start3A_222] : memref<2x8x16x128xf32, #tpu.memory_space<vmem>> -> memref<1x1x16x128xf32, #tpu.memory_space<vmem>>
    %dma_start3A_224 = tpu.memref_squeeze %dma_start3A_223 : memref<1x1x16x128xf32, #tpu.memory_space<vmem>> -> memref<16x128xf32, #tpu.memory_space<vmem>>
    %dma_start3A_225 = arith.constant 0 : i32
    %dma_start3A_226 = tpu.memref_slice %arg4[%dma_start3A_225, %multiple_of3A_210] : memref<16x1000000xf32, #tpu.memory_space<hbm>> -> memref<16x128xf32, #tpu.memory_space<hbm>>
    %dma_start3A_227 = arith.constant 0 : i32
    %dma_start3A_228 = arith.constant 0 : i32
    %dma_start3A_229 = tpu.memref_slice %arg9[%dma_start3A_219, %dma_start3A_220, %dma_start3A_227, %dma_start3A_228] : memref<2x8x16x128xf32, #tpu.memory_space<vmem>> -> memref<1x1x16x128xf32, #tpu.memory_space<vmem>>
    %dma_start3A_230 = tpu.memref_squeeze %dma_start3A_229 : memref<1x1x16x128xf32, #tpu.memory_space<vmem>> -> memref<16x128xf32, #tpu.memory_space<vmem>>
    %dma_start3A_231 = arith.constant 0 : i32
    %dma_start3A_232 = tpu.memref_slice %arg4[%dma_start3A_231, %multiple_of3A_210] : memref<16x1000000xf32, #tpu.memory_space<hbm>> -> memref<16x128xf32, #tpu.memory_space<hbm>>
    tpu.enqueue_dma source(%dma_start3A_232 : memref<16x128xf32, #tpu.memory_space<hbm>>) target(%dma_start3A_230 : memref<16x128xf32, #tpu.memory_space<vmem>>) target_semaphore(%arg12 : memref<!tpu.dma_semaphore, #tpu.memory_space<semaphore_mem>>)
    %dma_start3A_233 = arith.constant 0 : i32
    %dma_start3A_234 = arith.constant 3 : i32
    %dma_start3A_235 = arith.constant 0 : i32
    %dma_start3A_236 = arith.constant 0 : i32
    %dma_start3A_237 = tpu.memref_slice %arg10[%dma_start3A_233, %dma_start3A_234, %dma_start3A_235, %dma_start3A_236] : memref<2x8x16x128xf32, #tpu.memory_space<vmem>> -> memref<1x1x16x128xf32, #tpu.memory_space<vmem>>
    %dma_start3A_238 = tpu.memref_squeeze %dma_start3A_237 : memref<1x1x16x128xf32, #tpu.memory_space<vmem>> -> memref<16x128xf32, #tpu.memory_space<vmem>>
    %dma_start3A_239 = arith.constant 0 : i32
    %dma_start3A_240 = tpu.memref_slice %arg5[%dma_start3A_239, %multiple_of3A_218] : memref<16x1000000xf32, #tpu.memory_space<hbm>> -> memref<16x128xf32, #tpu.memory_space<hbm>>
    %dma_start3A_241 = arith.constant 0 : i32
    %dma_start3A_242 = arith.constant 0 : i32
    %dma_start3A_243 = tpu.memref_slice %arg10[%dma_start3A_233, %dma_start3A_234, %dma_start3A_241, %dma_start3A_242] : memref<2x8x16x128xf32, #tpu.memory_space<vmem>> -> memref<1x1x16x128xf32, #tpu.memory_space<vmem>>
    %dma_start3A_244 = tpu.memref_squeeze %dma_start3A_243 : memref<1x1x16x128xf32, #tpu.memory_space<vmem>> -> memref<16x128xf32, #tpu.memory_space<vmem>>
    %dma_start3A_245 = arith.constant 0 : i32
    %dma_start3A_246 = tpu.memref_slice %arg5[%dma_start3A_245, %multiple_of3A_218] : memref<16x1000000xf32, #tpu.memory_space<hbm>> -> memref<16x128xf32, #tpu.memory_space<hbm>>
    tpu.enqueue_dma source(%dma_start3A_246 : memref<16x128xf32, #tpu.memory_space<hbm>>) target(%dma_start3A_244 : memref<16x128xf32, #tpu.memory_space<vmem>>) target_semaphore(%arg12 : memref<!tpu.dma_semaphore, #tpu.memory_space<semaphore_mem>>)
    %eq3A_247 = arith.constant 4 : i32
    %eq3A_248 = vector.broadcast %eq3A_247 : i32 to vector<16xi32>
    %eq3A_249 = arith.cmpi eq, %iota3A, %eq3A_248 : vector<16xi32>
    %jit3A_250 = arith.constant 0 : i32
    %broadcast_in_dim3A_251 = vector.broadcast %jit3A_250 : i32 to vector<16xi32>
    %select_n3A_252 = arith.select %eq3A_249, %mul3A_29, %broadcast_in_dim3A_251 : vector<16xi1>, vector<16xi32>
    %reduce_sum3A_253 = arith.constant true
    %reduce_sum3A_254 = vector.broadcast %reduce_sum3A_253 : i1 to vector<16xi1>
    %reduce_sum3A_255 = tpu.scan <sum>, %select_n3A_252 masked %reduce_sum3A_254 : vector<16xi32>, vector<16xi1> -> vector<16xi32>
    %reduce_sum3A_256 = vector.extract %reduce_sum3A_255[15] : i32 from vector<16xi32>
    %multiple_of3A_257 = tpu.assume_multiple %reduce_sum3A_256, 128 : i32
    %jit3A_258 = arith.constant 0 : i32
    %broadcast_in_dim3A_259 = vector.broadcast %jit3A_258 : i32 to vector<16xi32>
    %select_n3A_260 = arith.select %eq3A_249, %mul3A_63, %broadcast_in_dim3A_259 : vector<16xi1>, vector<16xi32>
    %reduce_sum3A_261 = arith.constant true
    %reduce_sum3A_262 = vector.broadcast %reduce_sum3A_261 : i1 to vector<16xi1>
    %reduce_sum3A_263 = tpu.scan <sum>, %select_n3A_260 masked %reduce_sum3A_262 : vector<16xi32>, vector<16xi1> -> vector<16xi32>
    %reduce_sum3A_264 = vector.extract %reduce_sum3A_263[15] : i32 from vector<16xi32>
    %multiple_of3A_265 = tpu.assume_multiple %reduce_sum3A_264, 128 : i32
    %dma_start3A_266 = arith.constant 0 : i32
    %dma_start3A_267 = arith.constant 4 : i32
    %dma_start3A_268 = arith.constant 0 : i32
    %dma_start3A_269 = arith.constant 0 : i32
    %dma_start3A_270 = tpu.memref_slice %arg9[%dma_start3A_266, %dma_start3A_267, %dma_start3A_268, %dma_start3A_269] : memref<2x8x16x128xf32, #tpu.memory_space<vmem>> -> memref<1x1x16x128xf32, #tpu.memory_space<vmem>>
    %dma_start3A_271 = tpu.memref_squeeze %dma_start3A_270 : memref<1x1x16x128xf32, #tpu.memory_space<vmem>> -> memref<16x128xf32, #tpu.memory_space<vmem>>
    %dma_start3A_272 = arith.constant 0 : i32
    %dma_start3A_273 = tpu.memref_slice %arg4[%dma_start3A_272, %multiple_of3A_257] : memref<16x1000000xf32, #tpu.memory_space<hbm>> -> memref<16x128xf32, #tpu.memory_space<hbm>>
    %dma_start3A_274 = arith.constant 0 : i32
    %dma_start3A_275 = arith.constant 0 : i32
    %dma_start3A_276 = tpu.memref_slice %arg9[%dma_start3A_266, %dma_start3A_267, %dma_start3A_274, %dma_start3A_275] : memref<2x8x16x128xf32, #tpu.memory_space<vmem>> -> memref<1x1x16x128xf32, #tpu.memory_space<vmem>>
    %dma_start3A_277 = tpu.memref_squeeze %dma_start3A_276 : memref<1x1x16x128xf32, #tpu.memory_space<vmem>> -> memref<16x128xf32, #tpu.memory_space<vmem>>
    %dma_start3A_278 = arith.constant 0 : i32
    %dma_start3A_279 = tpu.memref_slice %arg4[%dma_start3A_278, %multiple_of3A_257] : memref<16x1000000xf32, #tpu.memory_space<hbm>> -> memref<16x128xf32, #tpu.memory_space<hbm>>
    tpu.enqueue_dma source(%dma_start3A_279 : memref<16x128xf32, #tpu.memory_space<hbm>>) target(%dma_start3A_277 : memref<16x128xf32, #tpu.memory_space<vmem>>) target_semaphore(%arg12 : memref<!tpu.dma_semaphore, #tpu.memory_space<semaphore_mem>>)
    %dma_start3A_280 = arith.constant 0 : i32
    %dma_start3A_281 = arith.constant 4 : i32
    %dma_start3A_282 = arith.constant 0 : i32
    %dma_start3A_283 = arith.constant 0 : i32
    %dma_start3A_284 = tpu.memref_slice %arg10[%dma_start3A_280, %dma_start3A_281, %dma_start3A_282, %dma_start3A_283] : memref<2x8x16x128xf32, #tpu.memory_space<vmem>> -> memref<1x1x16x128xf32, #tpu.memory_space<vmem>>
    %dma_start3A_285 = tpu.memref_squeeze %dma_start3A_284 : memref<1x1x16x128xf32, #tpu.memory_space<vmem>> -> memref<16x128xf32, #tpu.memory_space<vmem>>
    %dma_start3A_286 = arith.constant 0 : i32
    %dma_start3A_287 = tpu.memref_slice %arg5[%dma_start3A_286, %multiple_of3A_265] : memref<16x1000000xf32, #tpu.memory_space<hbm>> -> memref<16x128xf32, #tpu.memory_space<hbm>>
    %dma_start3A_288 = arith.constant 0 : i32
    %dma_start3A_289 = arith.constant 0 : i32
    %dma_start3A_290 = tpu.memref_slice %arg10[%dma_start3A_280, %dma_start3A_281, %dma_start3A_288, %dma_start3A_289] : memref<2x8x16x128xf32, #tpu.memory_space<vmem>> -> memref<1x1x16x128xf32, #tpu.memory_space<vmem>>
    %dma_start3A_291 = tpu.memref_squeeze %dma_start3A_290 : memref<1x1x16x128xf32, #tpu.memory_space<vmem>> -> memref<16x128xf32, #tpu.memory_space<vmem>>
    %dma_start3A_292 = arith.constant 0 : i32
    %dma_start3A_293 = tpu.memref_slice %arg5[%dma_start3A_292, %multiple_of3A_265] : memref<16x1000000xf32, #tpu.memory_space<hbm>> -> memref<16x128xf32, #tpu.memory_space<hbm>>
    tpu.enqueue_dma source(%dma_start3A_293 : memref<16x128xf32, #tpu.memory_space<hbm>>) target(%dma_start3A_291 : memref<16x128xf32, #tpu.memory_space<vmem>>) target_semaphore(%arg12 : memref<!tpu.dma_semaphore, #tpu.memory_space<semaphore_mem>>)
    %eq3A_294 = arith.constant 5 : i32
    %eq3A_295 = vector.broadcast %eq3A_294 : i32 to vector<16xi32>
    %eq3A_296 = arith.cmpi eq, %iota3A, %eq3A_295 : vector<16xi32>
    %jit3A_297 = arith.constant 0 : i32
    %broadcast_in_dim3A_298 = vector.broadcast %jit3A_297 : i32 to vector<16xi32>
    %select_n3A_299 = arith.select %eq3A_296, %mul3A_29, %broadcast_in_dim3A_298 : vector<16xi1>, vector<16xi32>
    %reduce_sum3A_300 = arith.constant true
    %reduce_sum3A_301 = vector.broadcast %reduce_sum3A_300 : i1 to vector<16xi1>
    %reduce_sum3A_302 = tpu.scan <sum>, %select_n3A_299 masked %reduce_sum3A_301 : vector<16xi32>, vector<16xi1> -> vector<16xi32>
    %reduce_sum3A_303 = vector.extract %reduce_sum3A_302[15] : i32 from vector<16xi32>
    %multiple_of3A_304 = tpu.assume_multiple %reduce_sum3A_303, 128 : i32
    %jit3A_305 = arith.constant 0 : i32
    %broadcast_in_dim3A_306 = vector.broadcast %jit3A_305 : i32 to vector<16xi32>
    %select_n3A_307 = arith.select %eq3A_296, %mul3A_63, %broadcast_in_dim3A_306 : vector<16xi1>, vector<16xi32>
    %reduce_sum3A_308 = arith.constant true
    %reduce_sum3A_309 = vector.broadcast %reduce_sum3A_308 : i1 to vector<16xi1>
    %reduce_sum3A_310 = tpu.scan <sum>, %select_n3A_307 masked %reduce_sum3A_309 : vector<16xi32>, vector<16xi1> -> vector<16xi32>
    %reduce_sum3A_311 = vector.extract %reduce_sum3A_310[15] : i32 from vector<16xi32>
    %multiple_of3A_312 = tpu.assume_multiple %reduce_sum3A_311, 128 : i32
    %dma_start3A_313 = arith.constant 0 : i32
    %dma_start3A_314 = arith.constant 5 : i32
    %dma_start3A_315 = arith.constant 0 : i32
    %dma_start3A_316 = arith.constant 0 : i32
    %dma_start3A_317 = tpu.memref_slice %arg9[%dma_start3A_313, %dma_start3A_314, %dma_start3A_315, %dma_start3A_316] : memref<2x8x16x128xf32, #tpu.memory_space<vmem>> -> memref<1x1x16x128xf32, #tpu.memory_space<vmem>>
    %dma_start3A_318 = tpu.memref_squeeze %dma_start3A_317 : memref<1x1x16x128xf32, #tpu.memory_space<vmem>> -> memref<16x128xf32, #tpu.memory_space<vmem>>
    %dma_start3A_319 = arith.constant 0 : i32
    %dma_start3A_320 = tpu.memref_slice %arg4[%dma_start3A_319, %multiple_of3A_304] : memref<16x1000000xf32, #tpu.memory_space<hbm>> -> memref<16x128xf32, #tpu.memory_space<hbm>>
    %dma_start3A_321 = arith.constant 0 : i32
    %dma_start3A_322 = arith.constant 0 : i32
    %dma_start3A_323 = tpu.memref_slice %arg9[%dma_start3A_313, %dma_start3A_314, %dma_start3A_321, %dma_start3A_322] : memref<2x8x16x128xf32, #tpu.memory_space<vmem>> -> memref<1x1x16x128xf32, #tpu.memory_space<vmem>>
    %dma_start3A_324 = tpu.memref_squeeze %dma_start3A_323 : memref<1x1x16x128xf32, #tpu.memory_space<vmem>> -> memref<16x128xf32, #tpu.memory_space<vmem>>
    %dma_start3A_325 = arith.constant 0 : i32
    %dma_start3A_326 = tpu.memref_slice %arg4[%dma_start3A_325, %multiple_of3A_304] : memref<16x1000000xf32, #tpu.memory_space<hbm>> -> memref<16x128xf32, #tpu.memory_space<hbm>>
    tpu.enqueue_dma source(%dma_start3A_326 : memref<16x128xf32, #tpu.memory_space<hbm>>) target(%dma_start3A_324 : memref<16x128xf32, #tpu.memory_space<vmem>>) target_semaphore(%arg12 : memref<!tpu.dma_semaphore, #tpu.memory_space<semaphore_mem>>)
    %dma_start3A_327 = arith.constant 0 : i32
    %dma_start3A_328 = arith.constant 5 : i32
    %dma_start3A_329 = arith.constant 0 : i32
    %dma_start3A_330 = arith.constant 0 : i32
    %dma_start3A_331 = tpu.memref_slice %arg10[%dma_start3A_327, %dma_start3A_328, %dma_start3A_329, %dma_start3A_330] : memref<2x8x16x128xf32, #tpu.memory_space<vmem>> -> memref<1x1x16x128xf32, #tpu.memory_space<vmem>>
    %dma_start3A_332 = tpu.memref_squeeze %dma_start3A_331 : memref<1x1x16x128xf32, #tpu.memory_space<vmem>> -> memref<16x128xf32, #tpu.memory_space<vmem>>
    %dma_start3A_333 = arith.constant 0 : i32
    %dma_start3A_334 = tpu.memref_slice %arg5[%dma_start3A_333, %multiple_of3A_312] : memref<16x1000000xf32, #tpu.memory_space<hbm>> -> memref<16x128xf32, #tpu.memory_space<hbm>>
    %dma_start3A_335 = arith.constant 0 : i32
    %dma_start3A_336 = arith.constant 0 : i32
    %dma_start3A_337 = tpu.memref_slice %arg10[%dma_start3A_327, %dma_start3A_328, %dma_start3A_335, %dma_start3A_336] : memref<2x8x16x128xf32, #tpu.memory_space<vmem>> -> memref<1x1x16x128xf32, #tpu.memory_space<vmem>>
    %dma_start3A_338 = tpu.memref_squeeze %dma_start3A_337 : memref<1x1x16x128xf32, #tpu.memory_space<vmem>> -> memref<16x128xf32, #tpu.memory_space<vmem>>
    %dma_start3A_339 = arith.constant 0 : i32
    %dma_start3A_340 = tpu.memref_slice %arg5[%dma_start3A_339, %multiple_of3A_312] : memref<16x1000000xf32, #tpu.memory_space<hbm>> -> memref<16x128xf32, #tpu.memory_space<hbm>>
    tpu.enqueue_dma source(%dma_start3A_340 : memref<16x128xf32, #tpu.memory_space<hbm>>) target(%dma_start3A_338 : memref<16x128xf32, #tpu.memory_space<vmem>>) target_semaphore(%arg12 : memref<!tpu.dma_semaphore, #tpu.memory_space<semaphore_mem>>)
    %eq3A_341 = arith.constant 6 : i32
    %eq3A_342 = vector.broadcast %eq3A_341 : i32 to vector<16xi32>
    %eq3A_343 = arith.cmpi eq, %iota3A, %eq3A_342 : vector<16xi32>
    %jit3A_344 = arith.constant 0 : i32
    %broadcast_in_dim3A_345 = vector.broadcast %jit3A_344 : i32 to vector<16xi32>
    %select_n3A_346 = arith.select %eq3A_343, %mul3A_29, %broadcast_in_dim3A_345 : vector<16xi1>, vector<16xi32>
    %reduce_sum3A_347 = arith.constant true
    %reduce_sum3A_348 = vector.broadcast %reduce_sum3A_347 : i1 to vector<16xi1>
    %reduce_sum3A_349 = tpu.scan <sum>, %select_n3A_346 masked %reduce_sum3A_348 : vector<16xi32>, vector<16xi1> -> vector<16xi32>
    %reduce_sum3A_350 = vector.extract %reduce_sum3A_349[15] : i32 from vector<16xi32>
    %multiple_of3A_351 = tpu.assume_multiple %reduce_sum3A_350, 128 : i32
    %jit3A_352 = arith.constant 0 : i32
    %broadcast_in_dim3A_353 = vector.broadcast %jit3A_352 : i32 to vector<16xi32>
    %select_n3A_354 = arith.select %eq3A_343, %mul3A_63, %broadcast_in_dim3A_353 : vector<16xi1>, vector<16xi32>
    %reduce_sum3A_355 = arith.constant true
    %reduce_sum3A_356 = vector.broadcast %reduce_sum3A_355 : i1 to vector<16xi1>
    %reduce_sum3A_357 = tpu.scan <sum>, %select_n3A_354 masked %reduce_sum3A_356 : vector<16xi32>, vector<16xi1> -> vector<16xi32>
    %reduce_sum3A_358 = vector.extract %reduce_sum3A_357[15] : i32 from vector<16xi32>
    %multiple_of3A_359 = tpu.assume_multiple %reduce_sum3A_358, 128 : i32
    %dma_start3A_360 = arith.constant 0 : i32
    %dma_start3A_361 = arith.constant 6 : i32
    %dma_start3A_362 = arith.constant 0 : i32
    %dma_start3A_363 = arith.constant 0 : i32
    %dma_start3A_364 = tpu.memref_slice %arg9[%dma_start3A_360, %dma_start3A_361, %dma_start3A_362, %dma_start3A_363] : memref<2x8x16x128xf32, #tpu.memory_space<vmem>> -> memref<1x1x16x128xf32, #tpu.memory_space<vmem>>
    %dma_start3A_365 = tpu.memref_squeeze %dma_start3A_364 : memref<1x1x16x128xf32, #tpu.memory_space<vmem>> -> memref<16x128xf32, #tpu.memory_space<vmem>>
    %dma_start3A_366 = arith.constant 0 : i32
    %dma_start3A_367 = tpu.memref_slice %arg4[%dma_start3A_366, %multiple_of3A_351] : memref<16x1000000xf32, #tpu.memory_space<hbm>> -> memref<16x128xf32, #tpu.memory_space<hbm>>
    %dma_start3A_368 = arith.constant 0 : i32
    %dma_start3A_369 = arith.constant 0 : i32
    %dma_start3A_370 = tpu.memref_slice %arg9[%dma_start3A_360, %dma_start3A_361, %dma_start3A_368, %dma_start3A_369] : memref<2x8x16x128xf32, #tpu.memory_space<vmem>> -> memref<1x1x16x128xf32, #tpu.memory_space<vmem>>
    %dma_start3A_371 = tpu.memref_squeeze %dma_start3A_370 : memref<1x1x16x128xf32, #tpu.memory_space<vmem>> -> memref<16x128xf32, #tpu.memory_space<vmem>>
    %dma_start3A_372 = arith.constant 0 : i32
    %dma_start3A_373 = tpu.memref_slice %arg4[%dma_start3A_372, %multiple_of3A_351] : memref<16x1000000xf32, #tpu.memory_space<hbm>> -> memref<16x128xf32, #tpu.memory_space<hbm>>
    tpu.enqueue_dma source(%dma_start3A_373 : memref<16x128xf32, #tpu.memory_space<hbm>>) target(%dma_start3A_371 : memref<16x128xf32, #tpu.memory_space<vmem>>) target_semaphore(%arg12 : memref<!tpu.dma_semaphore, #tpu.memory_space<semaphore_mem>>)
    %dma_start3A_374 = arith.constant 0 : i32
    %dma_start3A_375 = arith.constant 6 : i32
    %dma_start3A_376 = arith.constant 0 : i32
    %dma_start3A_377 = arith.constant 0 : i32
    %dma_start3A_378 = tpu.memref_slice %arg10[%dma_start3A_374, %dma_start3A_375, %dma_start3A_376, %dma_start3A_377] : memref<2x8x16x128xf32, #tpu.memory_space<vmem>> -> memref<1x1x16x128xf32, #tpu.memory_space<vmem>>
    %dma_start3A_379 = tpu.memref_squeeze %dma_start3A_378 : memref<1x1x16x128xf32, #tpu.memory_space<vmem>> -> memref<16x128xf32, #tpu.memory_space<vmem>>
    %dma_start3A_380 = arith.constant 0 : i32
    %dma_start3A_381 = tpu.memref_slice %arg5[%dma_start3A_380, %multiple_of3A_359] : memref<16x1000000xf32, #tpu.memory_space<hbm>> -> memref<16x128xf32, #tpu.memory_space<hbm>>
    %dma_start3A_382 = arith.constant 0 : i32
    %dma_start3A_383 = arith.constant 0 : i32
    %dma_start3A_384 = tpu.memref_slice %arg10[%dma_start3A_374, %dma_start3A_375, %dma_start3A_382, %dma_start3A_383] : memref<2x8x16x128xf32, #tpu.memory_space<vmem>> -> memref<1x1x16x128xf32, #tpu.memory_space<vmem>>
    %dma_start3A_385 = tpu.memref_squeeze %dma_start3A_384 : memref<1x1x16x128xf32, #tpu.memory_space<vmem>> -> memref<16x128xf32, #tpu.memory_space<vmem>>
    %dma_start3A_386 = arith.constant 0 : i32
    %dma_start3A_387 = tpu.memref_slice %arg5[%dma_start3A_386, %multiple_of3A_359] : memref<16x1000000xf32, #tpu.memory_space<hbm>> -> memref<16x128xf32, #tpu.memory_space<hbm>>
    tpu.enqueue_dma source(%dma_start3A_387 : memref<16x128xf32, #tpu.memory_space<hbm>>) target(%dma_start3A_385 : memref<16x128xf32, #tpu.memory_space<vmem>>) target_semaphore(%arg12 : memref<!tpu.dma_semaphore, #tpu.memory_space<semaphore_mem>>)
    %eq3A_388 = arith.constant 7 : i32
    %eq3A_389 = vector.broadcast %eq3A_388 : i32 to vector<16xi32>
    %eq3A_390 = arith.cmpi eq, %iota3A, %eq3A_389 : vector<16xi32>
    %jit3A_391 = arith.constant 0 : i32
    %broadcast_in_dim3A_392 = vector.broadcast %jit3A_391 : i32 to vector<16xi32>
    %select_n3A_393 = arith.select %eq3A_390, %mul3A_29, %broadcast_in_dim3A_392 : vector<16xi1>, vector<16xi32>
    %reduce_sum3A_394 = arith.constant true
    %reduce_sum3A_395 = vector.broadcast %reduce_sum3A_394 : i1 to vector<16xi1>
    %reduce_sum3A_396 = tpu.scan <sum>, %select_n3A_393 masked %reduce_sum3A_395 : vector<16xi32>, vector<16xi1> -> vector<16xi32>
    %reduce_sum3A_397 = vector.extract %reduce_sum3A_396[15] : i32 from vector<16xi32>
    %multiple_of3A_398 = tpu.assume_multiple %reduce_sum3A_397, 128 : i32
    %jit3A_399 = arith.constant 0 : i32
    %broadcast_in_dim3A_400 = vector.broadcast %jit3A_399 : i32 to vector<16xi32>
    %select_n3A_401 = arith.select %eq3A_390, %mul3A_63, %broadcast_in_dim3A_400 : vector<16xi1>, vector<16xi32>
    %reduce_sum3A_402 = arith.constant true
    %reduce_sum3A_403 = vector.broadcast %reduce_sum3A_402 : i1 to vector<16xi1>
    %reduce_sum3A_404 = tpu.scan <sum>, %select_n3A_401 masked %reduce_sum3A_403 : vector<16xi32>, vector<16xi1> -> vector<16xi32>
    %reduce_sum3A_405 = vector.extract %reduce_sum3A_404[15] : i32 from vector<16xi32>
    %multiple_of3A_406 = tpu.assume_multiple %reduce_sum3A_405, 128 : i32
    %dma_start3A_407 = arith.constant 0 : i32
    %dma_start3A_408 = arith.constant 7 : i32
    %dma_start3A_409 = arith.constant 0 : i32
    %dma_start3A_410 = arith.constant 0 : i32
    %dma_start3A_411 = tpu.memref_slice %arg9[%dma_start3A_407, %dma_start3A_408, %dma_start3A_409, %dma_start3A_410] : memref<2x8x16x128xf32, #tpu.memory_space<vmem>> -> memref<1x1x16x128xf32, #tpu.memory_space<vmem>>
    %dma_start3A_412 = tpu.memref_squeeze %dma_start3A_411 : memref<1x1x16x128xf32, #tpu.memory_space<vmem>> -> memref<16x128xf32, #tpu.memory_space<vmem>>
    %dma_start3A_413 = arith.constant 0 : i32
    %dma_start3A_414 = tpu.memref_slice %arg4[%dma_start3A_413, %multiple_of3A_398] : memref<16x1000000xf32, #tpu.memory_space<hbm>> -> memref<16x128xf32, #tpu.memory_space<hbm>>
    %dma_start3A_415 = arith.constant 0 : i32
    %dma_start3A_416 = arith.constant 0 : i32
    %dma_start3A_417 = tpu.memref_slice %arg9[%dma_start3A_407, %dma_start3A_408, %dma_start3A_415, %dma_start3A_416] : memref<2x8x16x128xf32, #tpu.memory_space<vmem>> -> memref<1x1x16x128xf32, #tpu.memory_space<vmem>>
    %dma_start3A_418 = tpu.memref_squeeze %dma_start3A_417 : memref<1x1x16x128xf32, #tpu.memory_space<vmem>> -> memref<16x128xf32, #tpu.memory_space<vmem>>
    %dma_start3A_419 = arith.constant 0 : i32
    %dma_start3A_420 = tpu.memref_slice %arg4[%dma_start3A_419, %multiple_of3A_398] : memref<16x1000000xf32, #tpu.memory_space<hbm>> -> memref<16x128xf32, #tpu.memory_space<hbm>>
    tpu.enqueue_dma source(%dma_start3A_420 : memref<16x128xf32, #tpu.memory_space<hbm>>) target(%dma_start3A_418 : memref<16x128xf32, #tpu.memory_space<vmem>>) target_semaphore(%arg12 : memref<!tpu.dma_semaphore, #tpu.memory_space<semaphore_mem>>)
    %dma_start3A_421 = arith.constant 0 : i32
    %dma_start3A_422 = arith.constant 7 : i32
    %dma_start3A_423 = arith.constant 0 : i32
    %dma_start3A_424 = arith.constant 0 : i32
    %dma_start3A_425 = tpu.memref_slice %arg10[%dma_start3A_421, %dma_start3A_422, %dma_start3A_423, %dma_start3A_424] : memref<2x8x16x128xf32, #tpu.memory_space<vmem>> -> memref<1x1x16x128xf32, #tpu.memory_space<vmem>>
    %dma_start3A_426 = tpu.memref_squeeze %dma_start3A_425 : memref<1x1x16x128xf32, #tpu.memory_space<vmem>> -> memref<16x128xf32, #tpu.memory_space<vmem>>
    %dma_start3A_427 = arith.constant 0 : i32
    %dma_start3A_428 = tpu.memref_slice %arg5[%dma_start3A_427, %multiple_of3A_406] : memref<16x1000000xf32, #tpu.memory_space<hbm>> -> memref<16x128xf32, #tpu.memory_space<hbm>>
    %dma_start3A_429 = arith.constant 0 : i32
    %dma_start3A_430 = arith.constant 0 : i32
    %dma_start3A_431 = tpu.memref_slice %arg10[%dma_start3A_421, %dma_start3A_422, %dma_start3A_429, %dma_start3A_430] : memref<2x8x16x128xf32, #tpu.memory_space<vmem>> -> memref<1x1x16x128xf32, #tpu.memory_space<vmem>>
    %dma_start3A_432 = tpu.memref_squeeze %dma_start3A_431 : memref<1x1x16x128xf32, #tpu.memory_space<vmem>> -> memref<16x128xf32, #tpu.memory_space<vmem>>
    %dma_start3A_433 = arith.constant 0 : i32
    %dma_start3A_434 = tpu.memref_slice %arg5[%dma_start3A_433, %multiple_of3A_406] : memref<16x1000000xf32, #tpu.memory_space<hbm>> -> memref<16x128xf32, #tpu.memory_space<hbm>>
    tpu.enqueue_dma source(%dma_start3A_434 : memref<16x128xf32, #tpu.memory_space<hbm>>) target(%dma_start3A_432 : memref<16x128xf32, #tpu.memory_space<vmem>>) target_semaphore(%arg12 : memref<!tpu.dma_semaphore, #tpu.memory_space<semaphore_mem>>)
    %jit3A_435 = arith.constant 128 : i32
    %eq3A_436 = arith.constant 0 : i32
    %eq3A_437 = arith.cmpi eq, %jit3A_435, %eq3A_436 : i32
    %jit3A_438 = arith.constant 1 : i32
    %select_n3A_439 = arith.select %eq3A_437, %jit3A_438, %jit3A_435 : i32
    %rem3A_440 = vector.broadcast %select_n3A_439 : i32 to vector<16xi32>
    %rem3A_441 = arith.remsi %get3A_1, %rem3A_440 : vector<16xi32>
    %ne3A_442 = arith.constant 0 : i32
    %ne3A_443 = vector.broadcast %ne3A_442 : i32 to vector<16xi32>
    %ne3A_444 = arith.cmpi ne, %rem3A_441, %ne3A_443 : vector<16xi32>
    %lt3A = arith.constant 0 : i32
    %lt3A_445 = vector.broadcast %lt3A : i32 to vector<16xi32>
    %lt3A_446 = arith.cmpi slt, %rem3A_441, %lt3A_445 : vector<16xi32>
    %lt3A_447 = arith.constant 0 : i32
    %lt3A_448 = arith.cmpi slt, %select_n3A_439, %lt3A_447 : i32
    %ne3A_449 = vector.broadcast %lt3A_448 : i1 to vector<16xi1>
    %ne3A_450 = vector.broadcast %ne3A_449 : vector<16xi1> to vector<16xi1>
    %ne3A_451 = arith.xori %lt3A_446, %ne3A_450 : vector<16xi1>
    %and3A_452 = arith.andi %ne3A_451, %ne3A_444 : vector<16xi1>
    %add3A_453 = vector.broadcast %select_n3A_439 : i32 to vector<16xi32>
    %add3A_454 = arith.addi %rem3A_441, %add3A_453 : vector<16xi32>
    %select_n3A_455 = arith.select %and3A_452, %add3A_454, %rem3A_441 : vector<16xi1>, vector<16xi32>
    %jit3A_456 = arith.constant 128 : i32
    %eq3A_457 = arith.constant 0 : i32
    %eq3A_458 = arith.cmpi eq, %jit3A_456, %eq3A_457 : i32
    %jit3A_459 = arith.constant 1 : i32
    %select_n3A_460 = arith.select %eq3A_458, %jit3A_459, %jit3A_456 : i32
    %rem3A_461 = vector.broadcast %select_n3A_460 : i32 to vector<16xi32>
    %rem3A_462 = arith.remsi %get3A_3, %rem3A_461 : vector<16xi32>
    %ne3A_463 = arith.constant 0 : i32
    %ne3A_464 = vector.broadcast %ne3A_463 : i32 to vector<16xi32>
    %ne3A_465 = arith.cmpi ne, %rem3A_462, %ne3A_464 : vector<16xi32>
    %lt3A_466 = arith.constant 0 : i32
    %lt3A_467 = vector.broadcast %lt3A_466 : i32 to vector<16xi32>
    %lt3A_468 = arith.cmpi slt, %rem3A_462, %lt3A_467 : vector<16xi32>
    %lt3A_469 = arith.constant 0 : i32
    %lt3A_470 = arith.cmpi slt, %select_n3A_460, %lt3A_469 : i32
    %ne3A_471 = vector.broadcast %lt3A_470 : i1 to vector<16xi1>
    %ne3A_472 = vector.broadcast %ne3A_471 : vector<16xi1> to vector<16xi1>
    %ne3A_473 = arith.xori %lt3A_468, %ne3A_472 : vector<16xi1>
    %and3A_474 = arith.andi %ne3A_473, %ne3A_465 : vector<16xi1>
    %add3A_475 = vector.broadcast %select_n3A_460 : i32 to vector<16xi32>
    %add3A_476 = arith.addi %rem3A_462, %add3A_475 : vector<16xi32>
    %select_n3A_477 = arith.select %and3A_474, %add3A_476, %rem3A_462 : vector<16xi1>, vector<16xi32>
    %get3A_478 = arith.constant 0 : index
    %get3A_479 = tpu.vector_load %arg7[%get3A_478] {strides = array<i32>} : memref<512xi32, #tpu.memory_space<vmem>>, vector<16xi32>,
    %get3A_480 = arith.constant 0 : index
    %get3A_481 = tpu.vector_load %arg8[%get3A_480] {strides = array<i32>} : memref<512xi32, #tpu.memory_space<vmem>>, vector<16xi32>,
    %jit3A_482 = arith.constant 128 : i32
    %div3A_483 = vector.broadcast %jit3A_482 : i32 to vector<16xi32>
    %div3A_484 = arith.divsi %get3A_479, %div3A_483 : vector<16xi32>
    %sign3A_485 = arith.constant 0 : i32
    %sign3A_486 = vector.broadcast %sign3A_485 : i32 to vector<16xi32>
    %sign3A_487 = arith.cmpi sgt, %get3A_479, %sign3A_486 : vector<16xi32>
    %sign3A_488 = arith.extui %sign3A_487 : vector<16xi1> to vector<16xi32>
    %sign3A_489 = arith.constant 0 : i32
    %sign3A_490 = vector.broadcast %sign3A_489 : i32 to vector<16xi32>
    %sign3A_491 = arith.cmpi slt, %get3A_479, %sign3A_490 : vector<16xi32>
    %sign3A_492 = arith.extui %sign3A_491 : vector<16xi1> to vector<16xi32>
    %sign3A_493 = arith.subi %sign3A_488, %sign3A_492 : vector<16xi32>
    %sign3A_494 = arith.constant 0 : i32
    %sign3A_495 = arith.cmpi sgt, %jit3A_482, %sign3A_494 : i32
    %sign3A_496 = arith.extui %sign3A_495 : i1 to i32
    %sign3A_497 = arith.constant 0 : i32
    %sign3A_498 = arith.cmpi slt, %jit3A_482, %sign3A_497 : i32
    %sign3A_499 = arith.extui %sign3A_498 : i1 to i32
    %sign3A_500 = arith.subi %sign3A_496, %sign3A_499 : i32
    %ne3A_501 = vector.broadcast %sign3A_500 : i32 to vector<16xi32>
    %ne3A_502 = arith.cmpi ne, %sign3A_493, %ne3A_501 : vector<16xi32>
    %rem3A_503 = vector.broadcast %jit3A_482 : i32 to vector<16xi32>
    %rem3A_504 = arith.remsi %get3A_479, %rem3A_503 : vector<16xi32>
    %ne3A_505 = arith.constant 0 : i32
    %ne3A_506 = vector.broadcast %ne3A_505 : i32 to vector<16xi32>
    %ne3A_507 = arith.cmpi ne, %rem3A_504, %ne3A_506 : vector<16xi32>
    %and3A_508 = arith.andi %ne3A_502, %ne3A_507 : vector<16xi1>
    %sub3A_509 = arith.constant 1 : i32
    %sub3A_510 = vector.broadcast %sub3A_509 : i32 to vector<16xi32>
    %sub3A_511 = arith.subi %div3A_484, %sub3A_510 : vector<16xi32>
    %select_n3A_512 = arith.select %and3A_508, %sub3A_511, %div3A_484 : vector<16xi1>, vector<16xi32>
    %mul3A_513 = arith.constant 128 : i32
    %mul3A_514 = vector.broadcast %mul3A_513 : i32 to vector<16xi32>
    %mul3A_515 = arith.muli %select_n3A_512, %mul3A_514 : vector<16xi32>
    %jit3A_516 = arith.constant 128 : i32
    %div3A_517 = vector.broadcast %jit3A_516 : i32 to vector<16xi32>
    %div3A_518 = arith.divsi %get3A_481, %div3A_517 : vector<16xi32>
    %sign3A_519 = arith.constant 0 : i32
    %sign3A_520 = vector.broadcast %sign3A_519 : i32 to vector<16xi32>
    %sign3A_521 = arith.cmpi sgt, %get3A_481, %sign3A_520 : vector<16xi32>
    %sign3A_522 = arith.extui %sign3A_521 : vector<16xi1> to vector<16xi32>
    %sign3A_523 = arith.constant 0 : i32
    %sign3A_524 = vector.broadcast %sign3A_523 : i32 to vector<16xi32>
    %sign3A_525 = arith.cmpi slt, %get3A_481, %sign3A_524 : vector<16xi32>
    %sign3A_526 = arith.extui %sign3A_525 : vector<16xi1> to vector<16xi32>
    %sign3A_527 = arith.subi %sign3A_522, %sign3A_526 : vector<16xi32>
    %sign3A_528 = arith.constant 0 : i32
    %sign3A_529 = arith.cmpi sgt, %jit3A_516, %sign3A_528 : i32
    %sign3A_530 = arith.extui %sign3A_529 : i1 to i32
    %sign3A_531 = arith.constant 0 : i32
    %sign3A_532 = arith.cmpi slt, %jit3A_516, %sign3A_531 : i32
    %sign3A_533 = arith.extui %sign3A_532 : i1 to i32
    %sign3A_534 = arith.subi %sign3A_530, %sign3A_533 : i32
    %ne3A_535 = vector.broadcast %sign3A_534 : i32 to vector<16xi32>
    %ne3A_536 = arith.cmpi ne, %sign3A_527, %ne3A_535 : vector<16xi32>
    %rem3A_537 = vector.broadcast %jit3A_516 : i32 to vector<16xi32>
    %rem3A_538 = arith.remsi %get3A_481, %rem3A_537 : vector<16xi32>
    %ne3A_539 = arith.constant 0 : i32
    %ne3A_540 = vector.broadcast %ne3A_539 : i32 to vector<16xi32>
    %ne3A_541 = arith.cmpi ne, %rem3A_538, %ne3A_540 : vector<16xi32>
    %and3A_542 = arith.andi %ne3A_536, %ne3A_541 : vector<16xi1>
    %sub3A_543 = arith.constant 1 : i32
    %sub3A_544 = vector.broadcast %sub3A_543 : i32 to vector<16xi32>
    %sub3A_545 = arith.subi %div3A_518, %sub3A_544 : vector<16xi32>
    %select_n3A_546 = arith.select %and3A_542, %sub3A_545, %div3A_518 : vector<16xi1>, vector<16xi32>
    %mul3A_547 = arith.constant 128 : i32
    %mul3A_548 = vector.broadcast %mul3A_547 : i32 to vector<16xi32>
    %mul3A_549 = arith.muli %select_n3A_546, %mul3A_548 : vector<16xi32>
    %eq3A_550 = arith.constant 8 : i32
    %eq3A_551 = vector.broadcast %eq3A_550 : i32 to vector<16xi32>
    %eq3A_552 = arith.cmpi eq, %iota3A, %eq3A_551 : vector<16xi32>
    %jit3A_553 = arith.constant 0 : i32
    %broadcast_in_dim3A_554 = vector.broadcast %jit3A_553 : i32 to vector<16xi32>
    %select_n3A_555 = arith.select %eq3A_552, %mul3A_515, %broadcast_in_dim3A_554 : vector<16xi1>, vector<16xi32>
    %reduce_sum3A_556 = arith.constant true
    %reduce_sum3A_557 = vector.broadcast %reduce_sum3A_556 : i1 to vector<16xi1>
    %reduce_sum3A_558 = tpu.scan <sum>, %select_n3A_555 masked %reduce_sum3A_557 : vector<16xi32>, vector<16xi1> -> vector<16xi32>
    %reduce_sum3A_559 = vector.extract %reduce_sum3A_558[15] : i32 from vector<16xi32>
    %multiple_of3A_560 = tpu.assume_multiple %reduce_sum3A_559, 128 : i32
    %jit3A_561 = arith.constant 0 : i32
    %broadcast_in_dim3A_562 = vector.broadcast %jit3A_561 : i32 to vector<16xi32>
    %select_n3A_563 = arith.select %eq3A_552, %mul3A_549, %broadcast_in_dim3A_562 : vector<16xi1>, vector<16xi32>
    %reduce_sum3A_564 = arith.constant true
    %reduce_sum3A_565 = vector.broadcast %reduce_sum3A_564 : i1 to vector<16xi1>
    %reduce_sum3A_566 = tpu.scan <sum>, %select_n3A_563 masked %reduce_sum3A_565 : vector<16xi32>, vector<16xi1> -> vector<16xi32>
    %reduce_sum3A_567 = vector.extract %reduce_sum3A_566[15] : i32 from vector<16xi32>
    %multiple_of3A_568 = tpu.assume_multiple %reduce_sum3A_567, 128 : i32
    %dma_start3A_569 = arith.constant 1 : i32
    %dma_start3A_570 = arith.constant 0 : i32
    %dma_start3A_571 = arith.constant 0 : i32
    %dma_start3A_572 = arith.constant 0 : i32
    %dma_start3A_573 = tpu.memref_slice %arg9[%dma_start3A_569, %dma_start3A_570, %dma_start3A_571, %dma_start3A_572] : memref<2x8x16x128xf32, #tpu.memory_space<vmem>> -> memref<1x1x16x128xf32, #tpu.memory_space<vmem>>
    %dma_start3A_574 = tpu.memref_squeeze %dma_start3A_573 : memref<1x1x16x128xf32, #tpu.memory_space<vmem>> -> memref<16x128xf32, #tpu.memory_space<vmem>>
    %dma_start3A_575 = arith.constant 0 : i32
    %dma_start3A_576 = tpu.memref_slice %arg4[%dma_start3A_575, %multiple_of3A_560] : memref<16x1000000xf32, #tpu.memory_space<hbm>> -> memref<16x128xf32, #tpu.memory_space<hbm>>
    %dma_start3A_577 = arith.constant 0 : i32
    %dma_start3A_578 = arith.constant 0 : i32
    %dma_start3A_579 = tpu.memref_slice %arg9[%dma_start3A_569, %dma_start3A_570, %dma_start3A_577, %dma_start3A_578] : memref<2x8x16x128xf32, #tpu.memory_space<vmem>> -> memref<1x1x16x128xf32, #tpu.memory_space<vmem>>
    %dma_start3A_580 = tpu.memref_squeeze %dma_start3A_579 : memref<1x1x16x128xf32, #tpu.memory_space<vmem>> -> memref<16x128xf32, #tpu.memory_space<vmem>>
    %dma_start3A_581 = arith.constant 0 : i32
    %dma_start3A_582 = tpu.memref_slice %arg4[%dma_start3A_581, %multiple_of3A_560] : memref<16x1000000xf32, #tpu.memory_space<hbm>> -> memref<16x128xf32, #tpu.memory_space<hbm>>
    tpu.enqueue_dma source(%dma_start3A_582 : memref<16x128xf32, #tpu.memory_space<hbm>>) target(%dma_start3A_580 : memref<16x128xf32, #tpu.memory_space<vmem>>) target_semaphore(%arg13 : memref<!tpu.dma_semaphore, #tpu.memory_space<semaphore_mem>>)
    %dma_start3A_583 = arith.constant 1 : i32
    %dma_start3A_584 = arith.constant 0 : i32
    %dma_start3A_585 = arith.constant 0 : i32
    %dma_start3A_586 = arith.constant 0 : i32
    %dma_start3A_587 = tpu.memref_slice %arg10[%dma_start3A_583, %dma_start3A_584, %dma_start3A_585, %dma_start3A_586] : memref<2x8x16x128xf32, #tpu.memory_space<vmem>> -> memref<1x1x16x128xf32, #tpu.memory_space<vmem>>
    %dma_start3A_588 = tpu.memref_squeeze %dma_start3A_587 : memref<1x1x16x128xf32, #tpu.memory_space<vmem>> -> memref<16x128xf32, #tpu.memory_space<vmem>>
    %dma_start3A_589 = arith.constant 0 : i32
    %dma_start3A_590 = tpu.memref_slice %arg5[%dma_start3A_589, %multiple_of3A_568] : memref<16x1000000xf32, #tpu.memory_space<hbm>> -> memref<16x128xf32, #tpu.memory_space<hbm>>
    %dma_start3A_591 = arith.constant 0 : i32
    %dma_start3A_592 = arith.constant 0 : i32
    %dma_start3A_593 = tpu.memref_slice %arg10[%dma_start3A_583, %dma_start3A_584, %dma_start3A_591, %dma_start3A_592] : memref<2x8x16x128xf32, #tpu.memory_space<vmem>> -> memref<1x1x16x128xf32, #tpu.memory_space<vmem>>
    %dma_start3A_594 = tpu.memref_squeeze %dma_start3A_593 : memref<1x1x16x128xf32, #tpu.memory_space<vmem>> -> memref<16x128xf32, #tpu.memory_space<vmem>>
    %dma_start3A_595 = arith.constant 0 : i32
    %dma_start3A_596 = tpu.memref_slice %arg5[%dma_start3A_595, %multiple_of3A_568] : memref<16x1000000xf32, #tpu.memory_space<hbm>> -> memref<16x128xf32, #tpu.memory_space<hbm>>
    tpu.enqueue_dma source(%dma_start3A_596 : memref<16x128xf32, #tpu.memory_space<hbm>>) target(%dma_start3A_594 : memref<16x128xf32, #tpu.memory_space<vmem>>) target_semaphore(%arg13 : memref<!tpu.dma_semaphore, #tpu.memory_space<semaphore_mem>>)
    %eq3A_597 = arith.constant 9 : i32
    %eq3A_598 = vector.broadcast %eq3A_597 : i32 to vector<16xi32>
    %eq3A_599 = arith.cmpi eq, %iota3A, %eq3A_598 : vector<16xi32>
    %jit3A_600 = arith.constant 0 : i32
    %broadcast_in_dim3A_601 = vector.broadcast %jit3A_600 : i32 to vector<16xi32>
    %select_n3A_602 = arith.select %eq3A_599, %mul3A_515, %broadcast_in_dim3A_601 : vector<16xi1>, vector<16xi32>
    %reduce_sum3A_603 = arith.constant true
    %reduce_sum3A_604 = vector.broadcast %reduce_sum3A_603 : i1 to vector<16xi1>
    %reduce_sum3A_605 = tpu.scan <sum>, %select_n3A_602 masked %reduce_sum3A_604 : vector<16xi32>, vector<16xi1> -> vector<16xi32>
    %reduce_sum3A_606 = vector.extract %reduce_sum3A_605[15] : i32 from vector<16xi32>
    %multiple_of3A_607 = tpu.assume_multiple %reduce_sum3A_606, 128 : i32
    %jit3A_608 = arith.constant 0 : i32
    %broadcast_in_dim3A_609 = vector.broadcast %jit3A_608 : i32 to vector<16xi32>
    %select_n3A_610 = arith.select %eq3A_599, %mul3A_549, %broadcast_in_dim3A_609 : vector<16xi1>, vector<16xi32>
    %reduce_sum3A_611 = arith.constant true
    %reduce_sum3A_612 = vector.broadcast %reduce_sum3A_611 : i1 to vector<16xi1>
    %reduce_sum3A_613 = tpu.scan <sum>, %select_n3A_610 masked %reduce_sum3A_612 : vector<16xi32>, vector<16xi1> -> vector<16xi32>
    %reduce_sum3A_614 = vector.extract %reduce_sum3A_613[15] : i32 from vector<16xi32>
    %multiple_of3A_615 = tpu.assume_multiple %reduce_sum3A_614, 128 : i32
    %dma_start3A_616 = arith.constant 1 : i32
    %dma_start3A_617 = arith.constant 1 : i32
    %dma_start3A_618 = arith.constant 0 : i32
    %dma_start3A_619 = arith.constant 0 : i32
    %dma_start3A_620 = tpu.memref_slice %arg9[%dma_start3A_616, %dma_start3A_617, %dma_start3A_618, %dma_start3A_619] : memref<2x8x16x128xf32, #tpu.memory_space<vmem>> -> memref<1x1x16x128xf32, #tpu.memory_space<vmem>>
    %dma_start3A_621 = tpu.memref_squeeze %dma_start3A_620 : memref<1x1x16x128xf32, #tpu.memory_space<vmem>> -> memref<16x128xf32, #tpu.memory_space<vmem>>
    %dma_start3A_622 = arith.constant 0 : i32
    %dma_start3A_623 = tpu.memref_slice %arg4[%dma_start3A_622, %multiple_of3A_607] : memref<16x1000000xf32, #tpu.memory_space<hbm>> -> memref<16x128xf32, #tpu.memory_space<hbm>>
    %dma_start3A_624 = arith.constant 0 : i32
    %dma_start3A_625 = arith.constant 0 : i32
    %dma_start3A_626 = tpu.memref_slice %arg9[%dma_start3A_616, %dma_start3A_617, %dma_start3A_624, %dma_start3A_625] : memref<2x8x16x128xf32, #tpu.memory_space<vmem>> -> memref<1x1x16x128xf32, #tpu.memory_space<vmem>>
    %dma_start3A_627 = tpu.memref_squeeze %dma_start3A_626 : memref<1x1x16x128xf32, #tpu.memory_space<vmem>> -> memref<16x128xf32, #tpu.memory_space<vmem>>
    %dma_start3A_628 = arith.constant 0 : i32
    %dma_start3A_629 = tpu.memref_slice %arg4[%dma_start3A_628, %multiple_of3A_607] : memref<16x1000000xf32, #tpu.memory_space<hbm>> -> memref<16x128xf32, #tpu.memory_space<hbm>>
    tpu.enqueue_dma source(%dma_start3A_629 : memref<16x128xf32, #tpu.memory_space<hbm>>) target(%dma_start3A_627 : memref<16x128xf32, #tpu.memory_space<vmem>>) target_semaphore(%arg13 : memref<!tpu.dma_semaphore, #tpu.memory_space<semaphore_mem>>)
    %dma_start3A_630 = arith.constant 1 : i32
    %dma_start3A_631 = arith.constant 1 : i32
    %dma_start3A_632 = arith.constant 0 : i32
    %dma_start3A_633 = arith.constant 0 : i32
    %dma_start3A_634 = tpu.memref_slice %arg10[%dma_start3A_630, %dma_start3A_631, %dma_start3A_632, %dma_start3A_633] : memref<2x8x16x128xf32, #tpu.memory_space<vmem>> -> memref<1x1x16x128xf32, #tpu.memory_space<vmem>>
    %dma_start3A_635 = tpu.memref_squeeze %dma_start3A_634 : memref<1x1x16x128xf32, #tpu.memory_space<vmem>> -> memref<16x128xf32, #tpu.memory_space<vmem>>
    %dma_start3A_636 = arith.constant 0 : i32
    %dma_start3A_637 = tpu.memref_slice %arg5[%dma_start3A_636, %multiple_of3A_615] : memref<16x1000000xf32, #tpu.memory_space<hbm>> -> memref<16x128xf32, #tpu.memory_space<hbm>>
    %dma_start3A_638 = arith.constant 0 : i32
    %dma_start3A_639 = arith.constant 0 : i32
    %dma_start3A_640 = tpu.memref_slice %arg10[%dma_start3A_630, %dma_start3A_631, %dma_start3A_638, %dma_start3A_639] : memref<2x8x16x128xf32, #tpu.memory_space<vmem>> -> memref<1x1x16x128xf32, #tpu.memory_space<vmem>>
    %dma_start3A_641 = tpu.memref_squeeze %dma_start3A_640 : memref<1x1x16x128xf32, #tpu.memory_space<vmem>> -> memref<16x128xf32, #tpu.memory_space<vmem>>
    %dma_start3A_642 = arith.constant 0 : i32
    %dma_start3A_643 = tpu.memref_slice %arg5[%dma_start3A_642, %multiple_of3A_615] : memref<16x1000000xf32, #tpu.memory_space<hbm>> -> memref<16x128xf32, #tpu.memory_space<hbm>>
    tpu.enqueue_dma source(%dma_start3A_643 : memref<16x128xf32, #tpu.memory_space<hbm>>) target(%dma_start3A_641 : memref<16x128xf32, #tpu.memory_space<vmem>>) target_semaphore(%arg13 : memref<!tpu.dma_semaphore, #tpu.memory_space<semaphore_mem>>)
    %eq3A_644 = arith.constant 10 : i32
    %eq3A_645 = vector.broadcast %eq3A_644 : i32 to vector<16xi32>
    %eq3A_646 = arith.cmpi eq, %iota3A, %eq3A_645 : vector<16xi32>
    %jit3A_647 = arith.constant 0 : i32
    %broadcast_in_dim3A_648 = vector.broadcast %jit3A_647 : i32 to vector<16xi32>
    %select_n3A_649 = arith.select %eq3A_646, %mul3A_515, %broadcast_in_dim3A_648 : vector<16xi1>, vector<16xi32>
    %reduce_sum3A_650 = arith.constant true
    %reduce_sum3A_651 = vector.broadcast %reduce_sum3A_650 : i1 to vector<16xi1>
    %reduce_sum3A_652 = tpu.scan <sum>, %select_n3A_649 masked %reduce_sum3A_651 : vector<16xi32>, vector<16xi1> -> vector<16xi32>
    %reduce_sum3A_653 = vector.extract %reduce_sum3A_652[15] : i32 from vector<16xi32>
    %multiple_of3A_654 = tpu.assume_multiple %reduce_sum3A_653, 128 : i32
    %jit3A_655 = arith.constant 0 : i32
    %broadcast_in_dim3A_656 = vector.broadcast %jit3A_655 : i32 to vector<16xi32>
    %select_n3A_657 = arith.select %eq3A_646, %mul3A_549, %broadcast_in_dim3A_656 : vector<16xi1>, vector<16xi32>
    %reduce_sum3A_658 = arith.constant true
    %reduce_sum3A_659 = vector.broadcast %reduce_sum3A_658 : i1 to vector<16xi1>
    %reduce_sum3A_660 = tpu.scan <sum>, %select_n3A_657 masked %reduce_sum3A_659 : vector<16xi32>, vector<16xi1> -> vector<16xi32>
    %reduce_sum3A_661 = vector.extract %reduce_sum3A_660[15] : i32 from vector<16xi32>
    %multiple_of3A_662 = tpu.assume_multiple %reduce_sum3A_661, 128 : i32
    %dma_start3A_663 = arith.constant 1 : i32
    %dma_start3A_664 = arith.constant 2 : i32
    %dma_start3A_665 = arith.constant 0 : i32
    %dma_start3A_666 = arith.constant 0 : i32
    %dma_start3A_667 = tpu.memref_slice %arg9[%dma_start3A_663, %dma_start3A_664, %dma_start3A_665, %dma_start3A_666] : memref<2x8x16x128xf32, #tpu.memory_space<vmem>> -> memref<1x1x16x128xf32, #tpu.memory_space<vmem>>
    %dma_start3A_668 = tpu.memref_squeeze %dma_start3A_667 : memref<1x1x16x128xf32, #tpu.memory_space<vmem>> -> memref<16x128xf32, #tpu.memory_space<vmem>>
    %dma_start3A_669 = arith.constant 0 : i32
    %dma_start3A_670 = tpu.memref_slice %arg4[%dma_start3A_669, %multiple_of3A_654] : memref<16x1000000xf32, #tpu.memory_space<hbm>> -> memref<16x128xf32, #tpu.memory_space<hbm>>
    %dma_start3A_671 = arith.constant 0 : i32
    %dma_start3A_672 = arith.constant 0 : i32
    %dma_start3A_673 = tpu.memref_slice %arg9[%dma_start3A_663, %dma_start3A_664, %dma_start3A_671, %dma_start3A_672] : memref<2x8x16x128xf32, #tpu.memory_space<vmem>> -> memref<1x1x16x128xf32, #tpu.memory_space<vmem>>
    %dma_start3A_674 = tpu.memref_squeeze %dma_start3A_673 : memref<1x1x16x128xf32, #tpu.memory_space<vmem>> -> memref<16x128xf32, #tpu.memory_space<vmem>>
    %dma_start3A_675 = arith.constant 0 : i32
    %dma_start3A_676 = tpu.memref_slice %arg4[%dma_start3A_675, %multiple_of3A_654] : memref<16x1000000xf32, #tpu.memory_space<hbm>> -> memref<16x128xf32, #tpu.memory_space<hbm>>
    tpu.enqueue_dma source(%dma_start3A_676 : memref<16x128xf32, #tpu.memory_space<hbm>>) target(%dma_start3A_674 : memref<16x128xf32, #tpu.memory_space<vmem>>) target_semaphore(%arg13 : memref<!tpu.dma_semaphore, #tpu.memory_space<semaphore_mem>>)
    %dma_start3A_677 = arith.constant 1 : i32
    %dma_start3A_678 = arith.constant 2 : i32
    %dma_start3A_679 = arith.constant 0 : i32
    %dma_start3A_680 = arith.constant 0 : i32
    %dma_start3A_681 = tpu.memref_slice %arg10[%dma_start3A_677, %dma_start3A_678, %dma_start3A_679, %dma_start3A_680] : memref<2x8x16x128xf32, #tpu.memory_space<vmem>> -> memref<1x1x16x128xf32, #tpu.memory_space<vmem>>
    %dma_start3A_682 = tpu.memref_squeeze %dma_start3A_681 : memref<1x1x16x128xf32, #tpu.memory_space<vmem>> -> memref<16x128xf32, #tpu.memory_space<vmem>>
    %dma_start3A_683 = arith.constant 0 : i32
    %dma_start3A_684 = tpu.memref_slice %arg5[%dma_start3A_683, %multiple_of3A_662] : memref<16x1000000xf32, #tpu.memory_space<hbm>> -> memref<16x128xf32, #tpu.memory_space<hbm>>
    %dma_start3A_685 = arith.constant 0 : i32
    %dma_start3A_686 = arith.constant 0 : i32
    %dma_start3A_687 = tpu.memref_slice %arg10[%dma_start3A_677, %dma_start3A_678, %dma_start3A_685, %dma_start3A_686] : memref<2x8x16x128xf32, #tpu.memory_space<vmem>> -> memref<1x1x16x128xf32, #tpu.memory_space<vmem>>
    %dma_start3A_688 = tpu.memref_squeeze %dma_start3A_687 : memref<1x1x16x128xf32, #tpu.memory_space<vmem>> -> memref<16x128xf32, #tpu.memory_space<vmem>>
    %dma_start3A_689 = arith.constant 0 : i32
    %dma_start3A_690 = tpu.memref_slice %arg5[%dma_start3A_689, %multiple_of3A_662] : memref<16x1000000xf32, #tpu.memory_space<hbm>> -> memref<16x128xf32, #tpu.memory_space<hbm>>
    tpu.enqueue_dma source(%dma_start3A_690 : memref<16x128xf32, #tpu.memory_space<hbm>>) target(%dma_start3A_688 : memref<16x128xf32, #tpu.memory_space<vmem>>) target_semaphore(%arg13 : memref<!tpu.dma_semaphore, #tpu.memory_space<semaphore_mem>>)
    %eq3A_691 = arith.constant 11 : i32
    %eq3A_692 = vector.broadcast %eq3A_691 : i32 to vector<16xi32>
    %eq3A_693 = arith.cmpi eq, %iota3A, %eq3A_692 : vector<16xi32>
    %jit3A_694 = arith.constant 0 : i32
    %broadcast_in_dim3A_695 = vector.broadcast %jit3A_694 : i32 to vector<16xi32>
    %select_n3A_696 = arith.select %eq3A_693, %mul3A_515, %broadcast_in_dim3A_695 : vector<16xi1>, vector<16xi32>
    %reduce_sum3A_697 = arith.constant true
    %reduce_sum3A_698 = vector.broadcast %reduce_sum3A_697 : i1 to vector<16xi1>
    %reduce_sum3A_699 = tpu.scan <sum>, %select_n3A_696 masked %reduce_sum3A_698 : vector<16xi32>, vector<16xi1> -> vector<16xi32>
    %reduce_sum3A_700 = vector.extract %reduce_sum3A_699[15] : i32 from vector<16xi32>
    %multiple_of3A_701 = tpu.assume_multiple %reduce_sum3A_700, 128 : i32
    %jit3A_702 = arith.constant 0 : i32
    %broadcast_in_dim3A_703 = vector.broadcast %jit3A_702 : i32 to vector<16xi32>
    %select_n3A_704 = arith.select %eq3A_693, %mul3A_549, %broadcast_in_dim3A_703 : vector<16xi1>, vector<16xi32>
    %reduce_sum3A_705 = arith.constant true
    %reduce_sum3A_706 = vector.broadcast %reduce_sum3A_705 : i1 to vector<16xi1>
    %reduce_sum3A_707 = tpu.scan <sum>, %select_n3A_704 masked %reduce_sum3A_706 : vector<16xi32>, vector<16xi1> -> vector<16xi32>
    %reduce_sum3A_708 = vector.extract %reduce_sum3A_707[15] : i32 from vector<16xi32>
    %multiple_of3A_709 = tpu.assume_multiple %reduce_sum3A_708, 128 : i32
    %dma_start3A_710 = arith.constant 1 : i32
    %dma_start3A_711 = arith.constant 3 : i32
    %dma_start3A_712 = arith.constant 0 : i32
    %dma_start3A_713 = arith.constant 0 : i32
    %dma_start3A_714 = tpu.memref_slice %arg9[%dma_start3A_710, %dma_start3A_711, %dma_start3A_712, %dma_start3A_713] : memref<2x8x16x128xf32, #tpu.memory_space<vmem>> -> memref<1x1x16x128xf32, #tpu.memory_space<vmem>>
    %dma_start3A_715 = tpu.memref_squeeze %dma_start3A_714 : memref<1x1x16x128xf32, #tpu.memory_space<vmem>> -> memref<16x128xf32, #tpu.memory_space<vmem>>
    %dma_start3A_716 = arith.constant 0 : i32
    %dma_start3A_717 = tpu.memref_slice %arg4[%dma_start3A_716, %multiple_of3A_701] : memref<16x1000000xf32, #tpu.memory_space<hbm>> -> memref<16x128xf32, #tpu.memory_space<hbm>>
    %dma_start3A_718 = arith.constant 0 : i32
    %dma_start3A_719 = arith.constant 0 : i32
    %dma_start3A_720 = tpu.memref_slice %arg9[%dma_start3A_710, %dma_start3A_711, %dma_start3A_718, %dma_start3A_719] : memref<2x8x16x128xf32, #tpu.memory_space<vmem>> -> memref<1x1x16x128xf32, #tpu.memory_space<vmem>>
    %dma_start3A_721 = tpu.memref_squeeze %dma_start3A_720 : memref<1x1x16x128xf32, #tpu.memory_space<vmem>> -> memref<16x128xf32, #tpu.memory_space<vmem>>
    %dma_start3A_722 = arith.constant 0 : i32
    %dma_start3A_723 = tpu.memref_slice %arg4[%dma_start3A_722, %multiple_of3A_701] : memref<16x1000000xf32, #tpu.memory_space<hbm>> -> memref<16x128xf32, #tpu.memory_space<hbm>>
    tpu.enqueue_dma source(%dma_start3A_723 : memref<16x128xf32, #tpu.memory_space<hbm>>) target(%dma_start3A_721 : memref<16x128xf32, #tpu.memory_space<vmem>>) target_semaphore(%arg13 : memref<!tpu.dma_semaphore, #tpu.memory_space<semaphore_mem>>)
    %dma_start3A_724 = arith.constant 1 : i32
    %dma_start3A_725 = arith.constant 3 : i32
    %dma_start3A_726 = arith.constant 0 : i32
    %dma_start3A_727 = arith.constant 0 : i32
    %dma_start3A_728 = tpu.memref_slice %arg10[%dma_start3A_724, %dma_start3A_725, %dma_start3A_726, %dma_start3A_727] : memref<2x8x16x128xf32, #tpu.memory_space<vmem>> -> memref<1x1x16x128xf32, #tpu.memory_space<vmem>>
    %dma_start3A_729 = tpu.memref_squeeze %dma_start3A_728 : memref<1x1x16x128xf32, #tpu.memory_space<vmem>> -> memref<16x128xf32, #tpu.memory_space<vmem>>
    %dma_start3A_730 = arith.constant 0 : i32
    %dma_start3A_731 = tpu.memref_slice %arg5[%dma_start3A_730, %multiple_of3A_709] : memref<16x1000000xf32, #tpu.memory_space<hbm>> -> memref<16x128xf32, #tpu.memory_space<hbm>>
    %dma_start3A_732 = arith.constant 0 : i32
    %dma_start3A_733 = arith.constant 0 : i32
    %dma_start3A_734 = tpu.memref_slice %arg10[%dma_start3A_724, %dma_start3A_725, %dma_start3A_732, %dma_start3A_733] : memref<2x8x16x128xf32, #tpu.memory_space<vmem>> -> memref<1x1x16x128xf32, #tpu.memory_space<vmem>>
    %dma_start3A_735 = tpu.memref_squeeze %dma_start3A_734 : memref<1x1x16x128xf32, #tpu.memory_space<vmem>> -> memref<16x128xf32, #tpu.memory_space<vmem>>
    %dma_start3A_736 = arith.constant 0 : i32
    %dma_start3A_737 = tpu.memref_slice %arg5[%dma_start3A_736, %multiple_of3A_709] : memref<16x1000000xf32, #tpu.memory_space<hbm>> -> memref<16x128xf32, #tpu.memory_space<hbm>>
    tpu.enqueue_dma source(%dma_start3A_737 : memref<16x128xf32, #tpu.memory_space<hbm>>) target(%dma_start3A_735 : memref<16x128xf32, #tpu.memory_space<vmem>>) target_semaphore(%arg13 : memref<!tpu.dma_semaphore, #tpu.memory_space<semaphore_mem>>)
    %eq3A_738 = arith.constant 12 : i32
    %eq3A_739 = vector.broadcast %eq3A_738 : i32 to vector<16xi32>
    %eq3A_740 = arith.cmpi eq, %iota3A, %eq3A_739 : vector<16xi32>
    %jit3A_741 = arith.constant 0 : i32
    %broadcast_in_dim3A_742 = vector.broadcast %jit3A_741 : i32 to vector<16xi32>
    %select_n3A_743 = arith.select %eq3A_740, %mul3A_515, %broadcast_in_dim3A_742 : vector<16xi1>, vector<16xi32>
    %reduce_sum3A_744 = arith.constant true
    %reduce_sum3A_745 = vector.broadcast %reduce_sum3A_744 : i1 to vector<16xi1>
    %reduce_sum3A_746 = tpu.scan <sum>, %select_n3A_743 masked %reduce_sum3A_745 : vector<16xi32>, vector<16xi1> -> vector<16xi32>
    %reduce_sum3A_747 = vector.extract %reduce_sum3A_746[15] : i32 from vector<16xi32>
    %multiple_of3A_748 = tpu.assume_multiple %reduce_sum3A_747, 128 : i32
    %jit3A_749 = arith.constant 0 : i32
    %broadcast_in_dim3A_750 = vector.broadcast %jit3A_749 : i32 to vector<16xi32>
    %select_n3A_751 = arith.select %eq3A_740, %mul3A_549, %broadcast_in_dim3A_750 : vector<16xi1>, vector<16xi32>
    %reduce_sum3A_752 = arith.constant true
    %reduce_sum3A_753 = vector.broadcast %reduce_sum3A_752 : i1 to vector<16xi1>
    %reduce_sum3A_754 = tpu.scan <sum>, %select_n3A_751 masked %reduce_sum3A_753 : vector<16xi32>, vector<16xi1> -> vector<16xi32>
    %reduce_sum3A_755 = vector.extract %reduce_sum3A_754[15] : i32 from vector<16xi32>
    %multiple_of3A_756 = tpu.assume_multiple %reduce_sum3A_755, 128 : i32
    %dma_start3A_757 = arith.constant 1 : i32
    %dma_start3A_758 = arith.constant 4 : i32
    %dma_start3A_759 = arith.constant 0 : i32
    %dma_start3A_760 = arith.constant 0 : i32
    %dma_start3A_761 = tpu.memref_slice %arg9[%dma_start3A_757, %dma_start3A_758, %dma_start3A_759, %dma_start3A_760] : memref<2x8x16x128xf32, #tpu.memory_space<vmem>> -> memref<1x1x16x128xf32, #tpu.memory_space<vmem>>
    %dma_start3A_762 = tpu.memref_squeeze %dma_start3A_761 : memref<1x1x16x128xf32, #tpu.memory_space<vmem>> -> memref<16x128xf32, #tpu.memory_space<vmem>>
    %dma_start3A_763 = arith.constant 0 : i32
    %dma_start3A_764 = tpu.memref_slice %arg4[%dma_start3A_763, %multiple_of3A_748] : memref<16x1000000xf32, #tpu.memory_space<hbm>> -> memref<16x128xf32, #tpu.memory_space<hbm>>
    %dma_start3A_765 = arith.constant 0 : i32
    %dma_start3A_766 = arith.constant 0 : i32
    %dma_start3A_767 = tpu.memref_slice %arg9[%dma_start3A_757, %dma_start3A_758, %dma_start3A_765, %dma_start3A_766] : memref<2x8x16x128xf32, #tpu.memory_space<vmem>> -> memref<1x1x16x128xf32, #tpu.memory_space<vmem>>
    %dma_start3A_768 = tpu.memref_squeeze %dma_start3A_767 : memref<1x1x16x128xf32, #tpu.memory_space<vmem>> -> memref<16x128xf32, #tpu.memory_space<vmem>>
    %dma_start3A_769 = arith.constant 0 : i32
    %dma_start3A_770 = tpu.memref_slice %arg4[%dma_start3A_769, %multiple_of3A_748] : memref<16x1000000xf32, #tpu.memory_space<hbm>> -> memref<16x128xf32, #tpu.memory_space<hbm>>
    tpu.enqueue_dma source(%dma_start3A_770 : memref<16x128xf32, #tpu.memory_space<hbm>>) target(%dma_start3A_768 : memref<16x128xf32, #tpu.memory_space<vmem>>) target_semaphore(%arg13 : memref<!tpu.dma_semaphore, #tpu.memory_space<semaphore_mem>>)
    %dma_start3A_771 = arith.constant 1 : i32
    %dma_start3A_772 = arith.constant 4 : i32
    %dma_start3A_773 = arith.constant 0 : i32
    %dma_start3A_774 = arith.constant 0 : i32
    %dma_start3A_775 = tpu.memref_slice %arg10[%dma_start3A_771, %dma_start3A_772, %dma_start3A_773, %dma_start3A_774] : memref<2x8x16x128xf32, #tpu.memory_space<vmem>> -> memref<1x1x16x128xf32, #tpu.memory_space<vmem>>
    %dma_start3A_776 = tpu.memref_squeeze %dma_start3A_775 : memref<1x1x16x128xf32, #tpu.memory_space<vmem>> -> memref<16x128xf32, #tpu.memory_space<vmem>>
    %dma_start3A_777 = arith.constant 0 : i32
    %dma_start3A_778 = tpu.memref_slice %arg5[%dma_start3A_777, %multiple_of3A_756] : memref<16x1000000xf32, #tpu.memory_space<hbm>> -> memref<16x128xf32, #tpu.memory_space<hbm>>
    %dma_start3A_779 = arith.constant 0 : i32
    %dma_start3A_780 = arith.constant 0 : i32
    %dma_start3A_781 = tpu.memref_slice %arg10[%dma_start3A_771, %dma_start3A_772, %dma_start3A_779, %dma_start3A_780] : memref<2x8x16x128xf32, #tpu.memory_space<vmem>> -> memref<1x1x16x128xf32, #tpu.memory_space<vmem>>
    %dma_start3A_782 = tpu.memref_squeeze %dma_start3A_781 : memref<1x1x16x128xf32, #tpu.memory_space<vmem>> -> memref<16x128xf32, #tpu.memory_space<vmem>>
    %dma_start3A_783 = arith.constant 0 : i32
    %dma_start3A_784 = tpu.memref_slice %arg5[%dma_start3A_783, %multiple_of3A_756] : memref<16x1000000xf32, #tpu.memory_space<hbm>> -> memref<16x128xf32, #tpu.memory_space<hbm>>
    tpu.enqueue_dma source(%dma_start3A_784 : memref<16x128xf32, #tpu.memory_space<hbm>>) target(%dma_start3A_782 : memref<16x128xf32, #tpu.memory_space<vmem>>) target_semaphore(%arg13 : memref<!tpu.dma_semaphore, #tpu.memory_space<semaphore_mem>>)
    %eq3A_785 = arith.constant 13 : i32
    %eq3A_786 = vector.broadcast %eq3A_785 : i32 to vector<16xi32>
    %eq3A_787 = arith.cmpi eq, %iota3A, %eq3A_786 : vector<16xi32>
    %jit3A_788 = arith.constant 0 : i32
    %broadcast_in_dim3A_789 = vector.broadcast %jit3A_788 : i32 to vector<16xi32>
    %select_n3A_790 = arith.select %eq3A_787, %mul3A_515, %broadcast_in_dim3A_789 : vector<16xi1>, vector<16xi32>
    %reduce_sum3A_791 = arith.constant true
    %reduce_sum3A_792 = vector.broadcast %reduce_sum3A_791 : i1 to vector<16xi1>
    %reduce_sum3A_793 = tpu.scan <sum>, %select_n3A_790 masked %reduce_sum3A_792 : vector<16xi32>, vector<16xi1> -> vector<16xi32>
    %reduce_sum3A_794 = vector.extract %reduce_sum3A_793[15] : i32 from vector<16xi32>
    %multiple_of3A_795 = tpu.assume_multiple %reduce_sum3A_794, 128 : i32
    %jit3A_796 = arith.constant 0 : i32
    %broadcast_in_dim3A_797 = vector.broadcast %jit3A_796 : i32 to vector<16xi32>
    %select_n3A_798 = arith.select %eq3A_787, %mul3A_549, %broadcast_in_dim3A_797 : vector<16xi1>, vector<16xi32>
    %reduce_sum3A_799 = arith.constant true
    %reduce_sum3A_800 = vector.broadcast %reduce_sum3A_799 : i1 to vector<16xi1>
    %reduce_sum3A_801 = tpu.scan <sum>, %select_n3A_798 masked %reduce_sum3A_800 : vector<16xi32>, vector<16xi1> -> vector<16xi32>
    %reduce_sum3A_802 = vector.extract %reduce_sum3A_801[15] : i32 from vector<16xi32>
    %multiple_of3A_803 = tpu.assume_multiple %reduce_sum3A_802, 128 : i32
    %dma_start3A_804 = arith.constant 1 : i32
    %dma_start3A_805 = arith.constant 5 : i32
    %dma_start3A_806 = arith.constant 0 : i32
    %dma_start3A_807 = arith.constant 0 : i32
    %dma_start3A_808 = tpu.memref_slice %arg9[%dma_start3A_804, %dma_start3A_805, %dma_start3A_806, %dma_start3A_807] : memref<2x8x16x128xf32, #tpu.memory_space<vmem>> -> memref<1x1x16x128xf32, #tpu.memory_space<vmem>>
    %dma_start3A_809 = tpu.memref_squeeze %dma_start3A_808 : memref<1x1x16x128xf32, #tpu.memory_space<vmem>> -> memref<16x128xf32, #tpu.memory_space<vmem>>
    %dma_start3A_810 = arith.constant 0 : i32
    %dma_start3A_811 = tpu.memref_slice %arg4[%dma_start3A_810, %multiple_of3A_795] : memref<16x1000000xf32, #tpu.memory_space<hbm>> -> memref<16x128xf32, #tpu.memory_space<hbm>>
    %dma_start3A_812 = arith.constant 0 : i32
    %dma_start3A_813 = arith.constant 0 : i32
    %dma_start3A_814 = tpu.memref_slice %arg9[%dma_start3A_804, %dma_start3A_805, %dma_start3A_812, %dma_start3A_813] : memref<2x8x16x128xf32, #tpu.memory_space<vmem>> -> memref<1x1x16x128xf32, #tpu.memory_space<vmem>>
    %dma_start3A_815 = tpu.memref_squeeze %dma_start3A_814 : memref<1x1x16x128xf32, #tpu.memory_space<vmem>> -> memref<16x128xf32, #tpu.memory_space<vmem>>
    %dma_start3A_816 = arith.constant 0 : i32
    %dma_start3A_817 = tpu.memref_slice %arg4[%dma_start3A_816, %multiple_of3A_795] : memref<16x1000000xf32, #tpu.memory_space<hbm>> -> memref<16x128xf32, #tpu.memory_space<hbm>>
    tpu.enqueue_dma source(%dma_start3A_817 : memref<16x128xf32, #tpu.memory_space<hbm>>) target(%dma_start3A_815 : memref<16x128xf32, #tpu.memory_space<vmem>>) target_semaphore(%arg13 : memref<!tpu.dma_semaphore, #tpu.memory_space<semaphore_mem>>)
    %dma_start3A_818 = arith.constant 1 : i32
    %dma_start3A_819 = arith.constant 5 : i32
    %dma_start3A_820 = arith.constant 0 : i32
    %dma_start3A_821 = arith.constant 0 : i32
    %dma_start3A_822 = tpu.memref_slice %arg10[%dma_start3A_818, %dma_start3A_819, %dma_start3A_820, %dma_start3A_821] : memref<2x8x16x128xf32, #tpu.memory_space<vmem>> -> memref<1x1x16x128xf32, #tpu.memory_space<vmem>>
    %dma_start3A_823 = tpu.memref_squeeze %dma_start3A_822 : memref<1x1x16x128xf32, #tpu.memory_space<vmem>> -> memref<16x128xf32, #tpu.memory_space<vmem>>
    %dma_start3A_824 = arith.constant 0 : i32
    %dma_start3A_825 = tpu.memref_slice %arg5[%dma_start3A_824, %multiple_of3A_803] : memref<16x1000000xf32, #tpu.memory_space<hbm>> -> memref<16x128xf32, #tpu.memory_space<hbm>>
    %dma_start3A_826 = arith.constant 0 : i32
    %dma_start3A_827 = arith.constant 0 : i32
    %dma_start3A_828 = tpu.memref_slice %arg10[%dma_start3A_818, %dma_start3A_819, %dma_start3A_826, %dma_start3A_827] : memref<2x8x16x128xf32, #tpu.memory_space<vmem>> -> memref<1x1x16x128xf32, #tpu.memory_space<vmem>>
    %dma_start3A_829 = tpu.memref_squeeze %dma_start3A_828 : memref<1x1x16x128xf32, #tpu.memory_space<vmem>> -> memref<16x128xf32, #tpu.memory_space<vmem>>
    %dma_start3A_830 = arith.constant 0 : i32
    %dma_start3A_831 = tpu.memref_slice %arg5[%dma_start3A_830, %multiple_of3A_803] : memref<16x1000000xf32, #tpu.memory_space<hbm>> -> memref<16x128xf32, #tpu.memory_space<hbm>>
    tpu.enqueue_dma source(%dma_start3A_831 : memref<16x128xf32, #tpu.memory_space<hbm>>) target(%dma_start3A_829 : memref<16x128xf32, #tpu.memory_space<vmem>>) target_semaphore(%arg13 : memref<!tpu.dma_semaphore, #tpu.memory_space<semaphore_mem>>)
    %eq3A_832 = arith.constant 14 : i32
    %eq3A_833 = vector.broadcast %eq3A_832 : i32 to vector<16xi32>
    %eq3A_834 = arith.cmpi eq, %iota3A, %eq3A_833 : vector<16xi32>
    %jit3A_835 = arith.constant 0 : i32
    %broadcast_in_dim3A_836 = vector.broadcast %jit3A_835 : i32 to vector<16xi32>
    %select_n3A_837 = arith.select %eq3A_834, %mul3A_515, %broadcast_in_dim3A_836 : vector<16xi1>, vector<16xi32>
    %reduce_sum3A_838 = arith.constant true
    %reduce_sum3A_839 = vector.broadcast %reduce_sum3A_838 : i1 to vector<16xi1>
    %reduce_sum3A_840 = tpu.scan <sum>, %select_n3A_837 masked %reduce_sum3A_839 : vector<16xi32>, vector<16xi1> -> vector<16xi32>
    %reduce_sum3A_841 = vector.extract %reduce_sum3A_840[15] : i32 from vector<16xi32>
    %multiple_of3A_842 = tpu.assume_multiple %reduce_sum3A_841, 128 : i32
    %jit3A_843 = arith.constant 0 : i32
    %broadcast_in_dim3A_844 = vector.broadcast %jit3A_843 : i32 to vector<16xi32>
    %select_n3A_845 = arith.select %eq3A_834, %mul3A_549, %broadcast_in_dim3A_844 : vector<16xi1>, vector<16xi32>
    %reduce_sum3A_846 = arith.constant true
    %reduce_sum3A_847 = vector.broadcast %reduce_sum3A_846 : i1 to vector<16xi1>
    %reduce_sum3A_848 = tpu.scan <sum>, %select_n3A_845 masked %reduce_sum3A_847 : vector<16xi32>, vector<16xi1> -> vector<16xi32>
    %reduce_sum3A_849 = vector.extract %reduce_sum3A_848[15] : i32 from vector<16xi32>
    %multiple_of3A_850 = tpu.assume_multiple %reduce_sum3A_849, 128 : i32
    %dma_start3A_851 = arith.constant 1 : i32
    %dma_start3A_852 = arith.constant 6 : i32
    %dma_start3A_853 = arith.constant 0 : i32
    %dma_start3A_854 = arith.constant 0 : i32
    %dma_start3A_855 = tpu.memref_slice %arg9[%dma_start3A_851, %dma_start3A_852, %dma_start3A_853, %dma_start3A_854] : memref<2x8x16x128xf32, #tpu.memory_space<vmem>> -> memref<1x1x16x128xf32, #tpu.memory_space<vmem>>
    %dma_start3A_856 = tpu.memref_squeeze %dma_start3A_855 : memref<1x1x16x128xf32, #tpu.memory_space<vmem>> -> memref<16x128xf32, #tpu.memory_space<vmem>>
    %dma_start3A_857 = arith.constant 0 : i32
    %dma_start3A_858 = tpu.memref_slice %arg4[%dma_start3A_857, %multiple_of3A_842] : memref<16x1000000xf32, #tpu.memory_space<hbm>> -> memref<16x128xf32, #tpu.memory_space<hbm>>
    %dma_start3A_859 = arith.constant 0 : i32
    %dma_start3A_860 = arith.constant 0 : i32
    %dma_start3A_861 = tpu.memref_slice %arg9[%dma_start3A_851, %dma_start3A_852, %dma_start3A_859, %dma_start3A_860] : memref<2x8x16x128xf32, #tpu.memory_space<vmem>> -> memref<1x1x16x128xf32, #tpu.memory_space<vmem>>
    %dma_start3A_862 = tpu.memref_squeeze %dma_start3A_861 : memref<1x1x16x128xf32, #tpu.memory_space<vmem>> -> memref<16x128xf32, #tpu.memory_space<vmem>>
    %dma_start3A_863 = arith.constant 0 : i32
    %dma_start3A_864 = tpu.memref_slice %arg4[%dma_start3A_863, %multiple_of3A_842] : memref<16x1000000xf32, #tpu.memory_space<hbm>> -> memref<16x128xf32, #tpu.memory_space<hbm>>
    tpu.enqueue_dma source(%dma_start3A_864 : memref<16x128xf32, #tpu.memory_space<hbm>>) target(%dma_start3A_862 : memref<16x128xf32, #tpu.memory_space<vmem>>) target_semaphore(%arg13 : memref<!tpu.dma_semaphore, #tpu.memory_space<semaphore_mem>>)
    %dma_start3A_865 = arith.constant 1 : i32
    %dma_start3A_866 = arith.constant 6 : i32
    %dma_start3A_867 = arith.constant 0 : i32
    %dma_start3A_868 = arith.constant 0 : i32
    %dma_start3A_869 = tpu.memref_slice %arg10[%dma_start3A_865, %dma_start3A_866, %dma_start3A_867, %dma_start3A_868] : memref<2x8x16x128xf32, #tpu.memory_space<vmem>> -> memref<1x1x16x128xf32, #tpu.memory_space<vmem>>
    %dma_start3A_870 = tpu.memref_squeeze %dma_start3A_869 : memref<1x1x16x128xf32, #tpu.memory_space<vmem>> -> memref<16x128xf32, #tpu.memory_space<vmem>>
    %dma_start3A_871 = arith.constant 0 : i32
    %dma_start3A_872 = tpu.memref_slice %arg5[%dma_start3A_871, %multiple_of3A_850] : memref<16x1000000xf32, #tpu.memory_space<hbm>> -> memref<16x128xf32, #tpu.memory_space<hbm>>
    %dma_start3A_873 = arith.constant 0 : i32
    %dma_start3A_874 = arith.constant 0 : i32
    %dma_start3A_875 = tpu.memref_slice %arg10[%dma_start3A_865, %dma_start3A_866, %dma_start3A_873, %dma_start3A_874] : memref<2x8x16x128xf32, #tpu.memory_space<vmem>> -> memref<1x1x16x128xf32, #tpu.memory_space<vmem>>
    %dma_start3A_876 = tpu.memref_squeeze %dma_start3A_875 : memref<1x1x16x128xf32, #tpu.memory_space<vmem>> -> memref<16x128xf32, #tpu.memory_space<vmem>>
    %dma_start3A_877 = arith.constant 0 : i32
    %dma_start3A_878 = tpu.memref_slice %arg5[%dma_start3A_877, %multiple_of3A_850] : memref<16x1000000xf32, #tpu.memory_space<hbm>> -> memref<16x128xf32, #tpu.memory_space<hbm>>
    tpu.enqueue_dma source(%dma_start3A_878 : memref<16x128xf32, #tpu.memory_space<hbm>>) target(%dma_start3A_876 : memref<16x128xf32, #tpu.memory_space<vmem>>) target_semaphore(%arg13 : memref<!tpu.dma_semaphore, #tpu.memory_space<semaphore_mem>>)
    %eq3A_879 = arith.constant 15 : i32
    %eq3A_880 = vector.broadcast %eq3A_879 : i32 to vector<16xi32>
    %eq3A_881 = arith.cmpi eq, %iota3A, %eq3A_880 : vector<16xi32>
    %jit3A_882 = arith.constant 0 : i32
    %broadcast_in_dim3A_883 = vector.broadcast %jit3A_882 : i32 to vector<16xi32>
    %select_n3A_884 = arith.select %eq3A_881, %mul3A_515, %broadcast_in_dim3A_883 : vector<16xi1>, vector<16xi32>
    %reduce_sum3A_885 = arith.constant true
    %reduce_sum3A_886 = vector.broadcast %reduce_sum3A_885 : i1 to vector<16xi1>
    %reduce_sum3A_887 = tpu.scan <sum>, %select_n3A_884 masked %reduce_sum3A_886 : vector<16xi32>, vector<16xi1> -> vector<16xi32>
    %reduce_sum3A_888 = vector.extract %reduce_sum3A_887[15] : i32 from vector<16xi32>
    %multiple_of3A_889 = tpu.assume_multiple %reduce_sum3A_888, 128 : i32
    %jit3A_890 = arith.constant 0 : i32
    %broadcast_in_dim3A_891 = vector.broadcast %jit3A_890 : i32 to vector<16xi32>
    %select_n3A_892 = arith.select %eq3A_881, %mul3A_549, %broadcast_in_dim3A_891 : vector<16xi1>, vector<16xi32>
    %reduce_sum3A_893 = arith.constant true
    %reduce_sum3A_894 = vector.broadcast %reduce_sum3A_893 : i1 to vector<16xi1>
    %reduce_sum3A_895 = tpu.scan <sum>, %select_n3A_892 masked %reduce_sum3A_894 : vector<16xi32>, vector<16xi1> -> vector<16xi32>
    %reduce_sum3A_896 = vector.extract %reduce_sum3A_895[15] : i32 from vector<16xi32>
    %multiple_of3A_897 = tpu.assume_multiple %reduce_sum3A_896, 128 : i32
    %dma_start3A_898 = arith.constant 1 : i32
    %dma_start3A_899 = arith.constant 7 : i32
    %dma_start3A_900 = arith.constant 0 : i32
    %dma_start3A_901 = arith.constant 0 : i32
    %dma_start3A_902 = tpu.memref_slice %arg9[%dma_start3A_898, %dma_start3A_899, %dma_start3A_900, %dma_start3A_901] : memref<2x8x16x128xf32, #tpu.memory_space<vmem>> -> memref<1x1x16x128xf32, #tpu.memory_space<vmem>>
    %dma_start3A_903 = tpu.memref_squeeze %dma_start3A_902 : memref<1x1x16x128xf32, #tpu.memory_space<vmem>> -> memref<16x128xf32, #tpu.memory_space<vmem>>
    %dma_start3A_904 = arith.constant 0 : i32
    %dma_start3A_905 = tpu.memref_slice %arg4[%dma_start3A_904, %multiple_of3A_889] : memref<16x1000000xf32, #tpu.memory_space<hbm>> -> memref<16x128xf32, #tpu.memory_space<hbm>>
    %dma_start3A_906 = arith.constant 0 : i32
    %dma_start3A_907 = arith.constant 0 : i32
    %dma_start3A_908 = tpu.memref_slice %arg9[%dma_start3A_898, %dma_start3A_899, %dma_start3A_906, %dma_start3A_907] : memref<2x8x16x128xf32, #tpu.memory_space<vmem>> -> memref<1x1x16x128xf32, #tpu.memory_space<vmem>>
    %dma_start3A_909 = tpu.memref_squeeze %dma_start3A_908 : memref<1x1x16x128xf32, #tpu.memory_space<vmem>> -> memref<16x128xf32, #tpu.memory_space<vmem>>
    %dma_start3A_910 = arith.constant 0 : i32
    %dma_start3A_911 = tpu.memref_slice %arg4[%dma_start3A_910, %multiple_of3A_889] : memref<16x1000000xf32, #tpu.memory_space<hbm>> -> memref<16x128xf32, #tpu.memory_space<hbm>>
    tpu.enqueue_dma source(%dma_start3A_911 : memref<16x128xf32, #tpu.memory_space<hbm>>) target(%dma_start3A_909 : memref<16x128xf32, #tpu.memory_space<vmem>>) target_semaphore(%arg13 : memref<!tpu.dma_semaphore, #tpu.memory_space<semaphore_mem>>)
    %dma_start3A_912 = arith.constant 1 : i32
    %dma_start3A_913 = arith.constant 7 : i32
    %dma_start3A_914 = arith.constant 0 : i32
    %dma_start3A_915 = arith.constant 0 : i32
    %dma_start3A_916 = tpu.memref_slice %arg10[%dma_start3A_912, %dma_start3A_913, %dma_start3A_914, %dma_start3A_915] : memref<2x8x16x128xf32, #tpu.memory_space<vmem>> -> memref<1x1x16x128xf32, #tpu.memory_space<vmem>>
    %dma_start3A_917 = tpu.memref_squeeze %dma_start3A_916 : memref<1x1x16x128xf32, #tpu.memory_space<vmem>> -> memref<16x128xf32, #tpu.memory_space<vmem>>
    %dma_start3A_918 = arith.constant 0 : i32
    %dma_start3A_919 = tpu.memref_slice %arg5[%dma_start3A_918, %multiple_of3A_897] : memref<16x1000000xf32, #tpu.memory_space<hbm>> -> memref<16x128xf32, #tpu.memory_space<hbm>>
    %dma_start3A_920 = arith.constant 0 : i32
    %dma_start3A_921 = arith.constant 0 : i32
    %dma_start3A_922 = tpu.memref_slice %arg10[%dma_start3A_912, %dma_start3A_913, %dma_start3A_920, %dma_start3A_921] : memref<2x8x16x128xf32, #tpu.memory_space<vmem>> -> memref<1x1x16x128xf32, #tpu.memory_space<vmem>>
    %dma_start3A_923 = tpu.memref_squeeze %dma_start3A_922 : memref<1x1x16x128xf32, #tpu.memory_space<vmem>> -> memref<16x128xf32, #tpu.memory_space<vmem>>
    %dma_start3A_924 = arith.constant 0 : i32
    %dma_start3A_925 = tpu.memref_slice %arg5[%dma_start3A_924, %multiple_of3A_897] : memref<16x1000000xf32, #tpu.memory_space<hbm>> -> memref<16x128xf32, #tpu.memory_space<hbm>>
    tpu.enqueue_dma source(%dma_start3A_925 : memref<16x128xf32, #tpu.memory_space<hbm>>) target(%dma_start3A_923 : memref<16x128xf32, #tpu.memory_space<vmem>>) target_semaphore(%arg13 : memref<!tpu.dma_semaphore, #tpu.memory_space<semaphore_mem>>)
    %jit3A_926 = arith.constant 128 : i32
    %eq3A_927 = arith.constant 0 : i32
    %eq3A_928 = arith.cmpi eq, %jit3A_926, %eq3A_927 : i32
    %jit3A_929 = arith.constant 1 : i32
    %select_n3A_930 = arith.select %eq3A_928, %jit3A_929, %jit3A_926 : i32
    %rem3A_931 = vector.broadcast %select_n3A_930 : i32 to vector<16xi32>
    %rem3A_932 = arith.remsi %get3A_479, %rem3A_931 : vector<16xi32>
    %ne3A_933 = arith.constant 0 : i32
    %ne3A_934 = vector.broadcast %ne3A_933 : i32 to vector<16xi32>
    %ne3A_935 = arith.cmpi ne, %rem3A_932, %ne3A_934 : vector<16xi32>
    %lt3A_936 = arith.constant 0 : i32
    %lt3A_937 = vector.broadcast %lt3A_936 : i32 to vector<16xi32>
    %lt3A_938 = arith.cmpi slt, %rem3A_932, %lt3A_937 : vector<16xi32>
    %lt3A_939 = arith.constant 0 : i32
    %lt3A_940 = arith.cmpi slt, %select_n3A_930, %lt3A_939 : i32
    %ne3A_941 = vector.broadcast %lt3A_940 : i1 to vector<16xi1>
    %ne3A_942 = vector.broadcast %ne3A_941 : vector<16xi1> to vector<16xi1>
    %ne3A_943 = arith.xori %lt3A_938, %ne3A_942 : vector<16xi1>
    %and3A_944 = arith.andi %ne3A_943, %ne3A_935 : vector<16xi1>
    %add3A_945 = vector.broadcast %select_n3A_930 : i32 to vector<16xi32>
    %add3A_946 = arith.addi %rem3A_932, %add3A_945 : vector<16xi32>
    %select_n3A_947 = arith.select %and3A_944, %add3A_946, %rem3A_932 : vector<16xi1>, vector<16xi32>
    %jit3A_948 = arith.constant 128 : i32
    %eq3A_949 = arith.constant 0 : i32
    %eq3A_950 = arith.cmpi eq, %jit3A_948, %eq3A_949 : i32
    %jit3A_951 = arith.constant 1 : i32
    %select_n3A_952 = arith.select %eq3A_950, %jit3A_951, %jit3A_948 : i32
    %rem3A_953 = vector.broadcast %select_n3A_952 : i32 to vector<16xi32>
    %rem3A_954 = arith.remsi %get3A_481, %rem3A_953 : vector<16xi32>
    %ne3A_955 = arith.constant 0 : i32
    %ne3A_956 = vector.broadcast %ne3A_955 : i32 to vector<16xi32>
    %ne3A_957 = arith.cmpi ne, %rem3A_954, %ne3A_956 : vector<16xi32>
    %lt3A_958 = arith.constant 0 : i32
    %lt3A_959 = vector.broadcast %lt3A_958 : i32 to vector<16xi32>
    %lt3A_960 = arith.cmpi slt, %rem3A_954, %lt3A_959 : vector<16xi32>
    %lt3A_961 = arith.constant 0 : i32
    %lt3A_962 = arith.cmpi slt, %select_n3A_952, %lt3A_961 : i32
    %ne3A_963 = vector.broadcast %lt3A_962 : i1 to vector<16xi1>
    %ne3A_964 = vector.broadcast %ne3A_963 : vector<16xi1> to vector<16xi1>
    %ne3A_965 = arith.xori %lt3A_960, %ne3A_964 : vector<16xi1>
    %and3A_966 = arith.andi %ne3A_965, %ne3A_957 : vector<16xi1>
    %add3A_967 = vector.broadcast %select_n3A_952 : i32 to vector<16xi32>
    %add3A_968 = arith.addi %rem3A_954, %add3A_967 : vector<16xi32>
    %select_n3A_969 = arith.select %and3A_966, %add3A_968, %rem3A_954 : vector<16xi1>, vector<16xi32>
    %scan3A = arith.constant 0 : i32
    %scan3A_970 = arith.constant 32 : i32
    %scan3A_971 = arith.addi %scan3A, %scan3A_970 : i32
    %scan3A_972 = arith.constant 1 : i32
    %scan3A_973:4 = scf.for %scan3A_975 = %scan3A to %scan3A_971 step %scan3A_972 iter_args(%scan3A_976 = %select_n3A_455, %scan3A_977 = %select_n3A_477, %scan3A_978 = %select_n3A_947, %scan3A_979 = %select_n3A_969) -> (vector<16xi32>, vector<16xi32>, vector<16xi32>, vector<16xi32>)  : i32 {
      %broadcast_in_dim3A_980 = arith.constant 0.000000e+00 : f32
      %broadcast_in_dim3A_981 = vector.broadcast %broadcast_in_dim3A_980 : f32 to vector<16xf32>
      %dma_wait3A = arith.constant 0 : i32
      %dma_wait3A_982 = arith.constant 0 : i32
      %dma_wait3A_983 = arith.constant 0 : i32
      %dma_wait3A_984 = arith.constant 0 : i32
      %dma_wait3A_985 = tpu.memref_slice %arg9[%dma_wait3A, %dma_wait3A_982, %dma_wait3A_983, %dma_wait3A_984] : memref<2x8x16x128xf32, #tpu.memory_space<vmem>> -> memref<1x1x16x128xf32, #tpu.memory_space<vmem>>
      %dma_wait3A_986 = tpu.memref_squeeze %dma_wait3A_985 : memref<1x1x16x128xf32, #tpu.memory_space<vmem>> -> memref<16x128xf32, #tpu.memory_space<vmem>>
      %dma_wait3A_987 = arith.constant 0 : i32
      %dma_wait3A_988 = arith.constant 0 : i32
      %dma_wait3A_989 = tpu.memref_slice %arg4[%dma_wait3A_987, %dma_wait3A_988] : memref<16x1000000xf32, #tpu.memory_space<hbm>> -> memref<16x128xf32, #tpu.memory_space<hbm>>
      %dma_wait3A_990 = arith.constant 0 : i32
      %dma_wait3A_991 = arith.constant 0 : i32
      %dma_wait3A_992 = tpu.memref_slice %arg9[%dma_wait3A, %dma_wait3A_982, %dma_wait3A_990, %dma_wait3A_991] : memref<2x8x16x128xf32, #tpu.memory_space<vmem>> -> memref<1x1x16x128xf32, #tpu.memory_space<vmem>>
      %dma_wait3A_993 = tpu.memref_squeeze %dma_wait3A_992 : memref<1x1x16x128xf32, #tpu.memory_space<vmem>> -> memref<16x128xf32, #tpu.memory_space<vmem>>
      %dma_wait3A_994 = arith.constant 0 : i32
      %dma_wait3A_995 = arith.constant 0 : i32
      %dma_wait3A_996 = tpu.memref_slice %arg4[%dma_wait3A_994, %dma_wait3A_995] : memref<16x1000000xf32, #tpu.memory_space<hbm>> -> memref<16x128xf32, #tpu.memory_space<hbm>>
      tpu.wait_dma2 semaphore(%arg12 : memref<!tpu.dma_semaphore, #tpu.memory_space<semaphore_mem>>) src(%dma_wait3A_996 : memref<16x128xf32, #tpu.memory_space<hbm>>) dst(%dma_wait3A_993 : memref<16x128xf32, #tpu.memory_space<vmem>>)
      %dma_wait3A_997 = arith.constant 0 : i32
      %dma_wait3A_998 = arith.constant 0 : i32
      %dma_wait3A_999 = arith.constant 0 : i32
      %dma_wait3A_1000 = arith.constant 0 : i32
      %dma_wait3A_1001 = tpu.memref_slice %arg10[%dma_wait3A_997, %dma_wait3A_998, %dma_wait3A_999, %dma_wait3A_1000] : memref<2x8x16x128xf32, #tpu.memory_space<vmem>> -> memref<1x1x16x128xf32, #tpu.memory_space<vmem>>
      %dma_wait3A_1002 = tpu.memref_squeeze %dma_wait3A_1001 : memref<1x1x16x128xf32, #tpu.memory_space<vmem>> -> memref<16x128xf32, #tpu.memory_space<vmem>>
      %dma_wait3A_1003 = arith.constant 0 : i32
      %dma_wait3A_1004 = arith.constant 0 : i32
      %dma_wait3A_1005 = tpu.memref_slice %arg5[%dma_wait3A_1003, %dma_wait3A_1004] : memref<16x1000000xf32, #tpu.memory_space<hbm>> -> memref<16x128xf32, #tpu.memory_space<hbm>>
      %dma_wait3A_1006 = arith.constant 0 : i32
      %dma_wait3A_1007 = arith.constant 0 : i32
      %dma_wait3A_1008 = tpu.memref_slice %arg10[%dma_wait3A_997, %dma_wait3A_998, %dma_wait3A_1006, %dma_wait3A_1007] : memref<2x8x16x128xf32, #tpu.memory_space<vmem>> -> memref<1x1x16x128xf32, #tpu.memory_space<vmem>>
      %dma_wait3A_1009 = tpu.memref_squeeze %dma_wait3A_1008 : memref<1x1x16x128xf32, #tpu.memory_space<vmem>> -> memref<16x128xf32, #tpu.memory_space<vmem>>
      %dma_wait3A_1010 = arith.constant 0 : i32
      %dma_wait3A_1011 = arith.constant 0 : i32
      %dma_wait3A_1012 = tpu.memref_slice %arg5[%dma_wait3A_1010, %dma_wait3A_1011] : memref<16x1000000xf32, #tpu.memory_space<hbm>> -> memref<16x128xf32, #tpu.memory_space<hbm>>
      tpu.wait_dma2 semaphore(%arg12 : memref<!tpu.dma_semaphore, #tpu.memory_space<semaphore_mem>>) src(%dma_wait3A_1012 : memref<16x128xf32, #tpu.memory_space<hbm>>) dst(%dma_wait3A_1009 : memref<16x128xf32, #tpu.memory_space<vmem>>)
      %dma_wait3A_1013 = arith.constant 0 : i32
      %dma_wait3A_1014 = arith.constant 0 : i32
      %dma_wait3A_1015 = arith.constant 0 : i32
      %dma_wait3A_1016 = arith.constant 0 : i32
      %dma_wait3A_1017 = tpu.memref_slice %arg9[%dma_wait3A_1013, %dma_wait3A_1014, %dma_wait3A_1015, %dma_wait3A_1016] : memref<2x8x16x128xf32, #tpu.memory_space<vmem>> -> memref<1x1x16x128xf32, #tpu.memory_space<vmem>>
      %dma_wait3A_1018 = tpu.memref_squeeze %dma_wait3A_1017 : memref<1x1x16x128xf32, #tpu.memory_space<vmem>> -> memref<16x128xf32, #tpu.memory_space<vmem>>
      %dma_wait3A_1019 = arith.constant 0 : i32
      %dma_wait3A_1020 = arith.constant 0 : i32
      %dma_wait3A_1021 = tpu.memref_slice %arg4[%dma_wait3A_1019, %dma_wait3A_1020] : memref<16x1000000xf32, #tpu.memory_space<hbm>> -> memref<16x128xf32, #tpu.memory_space<hbm>>
      %dma_wait3A_1022 = arith.constant 0 : i32
      %dma_wait3A_1023 = arith.constant 0 : i32
      %dma_wait3A_1024 = tpu.memref_slice %arg9[%dma_wait3A_1013, %dma_wait3A_1014, %dma_wait3A_1022, %dma_wait3A_1023] : memref<2x8x16x128xf32, #tpu.memory_space<vmem>> -> memref<1x1x16x128xf32, #tpu.memory_space<vmem>>
      %dma_wait3A_1025 = tpu.memref_squeeze %dma_wait3A_1024 : memref<1x1x16x128xf32, #tpu.memory_space<vmem>> -> memref<16x128xf32, #tpu.memory_space<vmem>>
      %dma_wait3A_1026 = arith.constant 0 : i32
      %dma_wait3A_1027 = arith.constant 0 : i32
      %dma_wait3A_1028 = tpu.memref_slice %arg4[%dma_wait3A_1026, %dma_wait3A_1027] : memref<16x1000000xf32, #tpu.memory_space<hbm>> -> memref<16x128xf32, #tpu.memory_space<hbm>>
      tpu.wait_dma2 semaphore(%arg12 : memref<!tpu.dma_semaphore, #tpu.memory_space<semaphore_mem>>) src(%dma_wait3A_1028 : memref<16x128xf32, #tpu.memory_space<hbm>>) dst(%dma_wait3A_1025 : memref<16x128xf32, #tpu.memory_space<vmem>>)
      %dma_wait3A_1029 = arith.constant 0 : i32
      %dma_wait3A_1030 = arith.constant 0 : i32
      %dma_wait3A_1031 = arith.constant 0 : i32
      %dma_wait3A_1032 = arith.constant 0 : i32
      %dma_wait3A_1033 = tpu.memref_slice %arg10[%dma_wait3A_1029, %dma_wait3A_1030, %dma_wait3A_1031, %dma_wait3A_1032] : memref<2x8x16x128xf32, #tpu.memory_space<vmem>> -> memref<1x1x16x128xf32, #tpu.memory_space<vmem>>
      %dma_wait3A_1034 = tpu.memref_squeeze %dma_wait3A_1033 : memref<1x1x16x128xf32, #tpu.memory_space<vmem>> -> memref<16x128xf32, #tpu.memory_space<vmem>>
      %dma_wait3A_1035 = arith.constant 0 : i32
      %dma_wait3A_1036 = arith.constant 0 : i32
      %dma_wait3A_1037 = tpu.memref_slice %arg5[%dma_wait3A_1035, %dma_wait3A_1036] : memref<16x1000000xf32, #tpu.memory_space<hbm>> -> memref<16x128xf32, #tpu.memory_space<hbm>>
      %dma_wait3A_1038 = arith.constant 0 : i32
      %dma_wait3A_1039 = arith.constant 0 : i32
      %dma_wait3A_1040 = tpu.memref_slice %arg10[%dma_wait3A_1029, %dma_wait3A_1030, %dma_wait3A_1038, %dma_wait3A_1039] : memref<2x8x16x128xf32, #tpu.memory_space<vmem>> -> memref<1x1x16x128xf32, #tpu.memory_space<vmem>>
      %dma_wait3A_1041 = tpu.memref_squeeze %dma_wait3A_1040 : memref<1x1x16x128xf32, #tpu.memory_space<vmem>> -> memref<16x128xf32, #tpu.memory_space<vmem>>
      %dma_wait3A_1042 = arith.constant 0 : i32
      %dma_wait3A_1043 = arith.constant 0 : i32
      %dma_wait3A_1044 = tpu.memref_slice %arg5[%dma_wait3A_1042, %dma_wait3A_1043] : memref<16x1000000xf32, #tpu.memory_space<hbm>> -> memref<16x128xf32, #tpu.memory_space<hbm>>
      tpu.wait_dma2 semaphore(%arg12 : memref<!tpu.dma_semaphore, #tpu.memory_space<semaphore_mem>>) src(%dma_wait3A_1044 : memref<16x128xf32, #tpu.memory_space<hbm>>) dst(%dma_wait3A_1041 : memref<16x128xf32, #tpu.memory_space<vmem>>)
      %dma_wait3A_1045 = arith.constant 0 : i32
      %dma_wait3A_1046 = arith.constant 0 : i32
      %dma_wait3A_1047 = arith.constant 0 : i32
      %dma_wait3A_1048 = arith.constant 0 : i32
      %dma_wait3A_1049 = tpu.memref_slice %arg9[%dma_wait3A_1045, %dma_wait3A_1046, %dma_wait3A_1047, %dma_wait3A_1048] : memref<2x8x16x128xf32, #tpu.memory_space<vmem>> -> memref<1x1x16x128xf32, #tpu.memory_space<vmem>>
      %dma_wait3A_1050 = tpu.memref_squeeze %dma_wait3A_1049 : memref<1x1x16x128xf32, #tpu.memory_space<vmem>> -> memref<16x128xf32, #tpu.memory_space<vmem>>
      %dma_wait3A_1051 = arith.constant 0 : i32
      %dma_wait3A_1052 = arith.constant 0 : i32
      %dma_wait3A_1053 = tpu.memref_slice %arg4[%dma_wait3A_1051, %dma_wait3A_1052] : memref<16x1000000xf32, #tpu.memory_space<hbm>> -> memref<16x128xf32, #tpu.memory_space<hbm>>
      %dma_wait3A_1054 = arith.constant 0 : i32
      %dma_wait3A_1055 = arith.constant 0 : i32
      %dma_wait3A_1056 = tpu.memref_slice %arg9[%dma_wait3A_1045, %dma_wait3A_1046, %dma_wait3A_1054, %dma_wait3A_1055] : memref<2x8x16x128xf32, #tpu.memory_space<vmem>> -> memref<1x1x16x128xf32, #tpu.memory_space<vmem>>
      %dma_wait3A_1057 = tpu.memref_squeeze %dma_wait3A_1056 : memref<1x1x16x128xf32, #tpu.memory_space<vmem>> -> memref<16x128xf32, #tpu.memory_space<vmem>>
      %dma_wait3A_1058 = arith.constant 0 : i32
      %dma_wait3A_1059 = arith.constant 0 : i32
      %dma_wait3A_1060 = tpu.memref_slice %arg4[%dma_wait3A_1058, %dma_wait3A_1059] : memref<16x1000000xf32, #tpu.memory_space<hbm>> -> memref<16x128xf32, #tpu.memory_space<hbm>>
      tpu.wait_dma2 semaphore(%arg12 : memref<!tpu.dma_semaphore, #tpu.memory_space<semaphore_mem>>) src(%dma_wait3A_1060 : memref<16x128xf32, #tpu.memory_space<hbm>>) dst(%dma_wait3A_1057 : memref<16x128xf32, #tpu.memory_space<vmem>>)
      %dma_wait3A_1061 = arith.constant 0 : i32
      %dma_wait3A_1062 = arith.constant 0 : i32
      %dma_wait3A_1063 = arith.constant 0 : i32
      %dma_wait3A_1064 = arith.constant 0 : i32
      %dma_wait3A_1065 = tpu.memref_slice %arg10[%dma_wait3A_1061, %dma_wait3A_1062, %dma_wait3A_1063, %dma_wait3A_1064] : memref<2x8x16x128xf32, #tpu.memory_space<vmem>> -> memref<1x1x16x128xf32, #tpu.memory_space<vmem>>
      %dma_wait3A_1066 = tpu.memref_squeeze %dma_wait3A_1065 : memref<1x1x16x128xf32, #tpu.memory_space<vmem>> -> memref<16x128xf32, #tpu.memory_space<vmem>>
      %dma_wait3A_1067 = arith.constant 0 : i32
      %dma_wait3A_1068 = arith.constant 0 : i32
      %dma_wait3A_1069 = tpu.memref_slice %arg5[%dma_wait3A_1067, %dma_wait3A_1068] : memref<16x1000000xf32, #tpu.memory_space<hbm>> -> memref<16x128xf32, #tpu.memory_space<hbm>>
      %dma_wait3A_1070 = arith.constant 0 : i32
      %dma_wait3A_1071 = arith.constant 0 : i32
      %dma_wait3A_1072 = tpu.memref_slice %arg10[%dma_wait3A_1061, %dma_wait3A_1062, %dma_wait3A_1070, %dma_wait3A_1071] : memref<2x8x16x128xf32, #tpu.memory_space<vmem>> -> memref<1x1x16x128xf32, #tpu.memory_space<vmem>>
      %dma_wait3A_1073 = tpu.memref_squeeze %dma_wait3A_1072 : memref<1x1x16x128xf32, #tpu.memory_space<vmem>> -> memref<16x128xf32, #tpu.memory_space<vmem>>
      %dma_wait3A_1074 = arith.constant 0 : i32
      %dma_wait3A_1075 = arith.constant 0 : i32
      %dma_wait3A_1076 = tpu.memref_slice %arg5[%dma_wait3A_1074, %dma_wait3A_1075] : memref<16x1000000xf32, #tpu.memory_space<hbm>> -> memref<16x128xf32, #tpu.memory_space<hbm>>
      tpu.wait_dma2 semaphore(%arg12 : memref<!tpu.dma_semaphore, #tpu.memory_space<semaphore_mem>>) src(%dma_wait3A_1076 : memref<16x128xf32, #tpu.memory_space<hbm>>) dst(%dma_wait3A_1073 : memref<16x128xf32, #tpu.memory_space<vmem>>)
      %dma_wait3A_1077 = arith.constant 0 : i32
      %dma_wait3A_1078 = arith.constant 0 : i32
      %dma_wait3A_1079 = arith.constant 0 : i32
      %dma_wait3A_1080 = arith.constant 0 : i32
      %dma_wait3A_1081 = tpu.memref_slice %arg9[%dma_wait3A_1077, %dma_wait3A_1078, %dma_wait3A_1079, %dma_wait3A_1080] : memref<2x8x16x128xf32, #tpu.memory_space<vmem>> -> memref<1x1x16x128xf32, #tpu.memory_space<vmem>>
      %dma_wait3A_1082 = tpu.memref_squeeze %dma_wait3A_1081 : memref<1x1x16x128xf32, #tpu.memory_space<vmem>> -> memref<16x128xf32, #tpu.memory_space<vmem>>
      %dma_wait3A_1083 = arith.constant 0 : i32
      %dma_wait3A_1084 = arith.constant 0 : i32
      %dma_wait3A_1085 = tpu.memref_slice %arg4[%dma_wait3A_1083, %dma_wait3A_1084] : memref<16x1000000xf32, #tpu.memory_space<hbm>> -> memref<16x128xf32, #tpu.memory_space<hbm>>
      %dma_wait3A_1086 = arith.constant 0 : i32
      %dma_wait3A_1087 = arith.constant 0 : i32
      %dma_wait3A_1088 = tpu.memref_slice %arg9[%dma_wait3A_1077, %dma_wait3A_1078, %dma_wait3A_1086, %dma_wait3A_1087] : memref<2x8x16x128xf32, #tpu.memory_space<vmem>> -> memref<1x1x16x128xf32, #tpu.memory_space<vmem>>
      %dma_wait3A_1089 = tpu.memref_squeeze %dma_wait3A_1088 : memref<1x1x16x128xf32, #tpu.memory_space<vmem>> -> memref<16x128xf32, #tpu.memory_space<vmem>>
      %dma_wait3A_1090 = arith.constant 0 : i32
      %dma_wait3A_1091 = arith.constant 0 : i32
      %dma_wait3A_1092 = tpu.memref_slice %arg4[%dma_wait3A_1090, %dma_wait3A_1091] : memref<16x1000000xf32, #tpu.memory_space<hbm>> -> memref<16x128xf32, #tpu.memory_space<hbm>>
      tpu.wait_dma2 semaphore(%arg12 : memref<!tpu.dma_semaphore, #tpu.memory_space<semaphore_mem>>) src(%dma_wait3A_1092 : memref<16x128xf32, #tpu.memory_space<hbm>>) dst(%dma_wait3A_1089 : memref<16x128xf32, #tpu.memory_space<vmem>>)
      %dma_wait3A_1093 = arith.constant 0 : i32
      %dma_wait3A_1094 = arith.constant 0 : i32
      %dma_wait3A_1095 = arith.constant 0 : i32
      %dma_wait3A_1096 = arith.constant 0 : i32
      %dma_wait3A_1097 = tpu.memref_slice %arg10[%dma_wait3A_1093, %dma_wait3A_1094, %dma_wait3A_1095, %dma_wait3A_1096] : memref<2x8x16x128xf32, #tpu.memory_space<vmem>> -> memref<1x1x16x128xf32, #tpu.memory_space<vmem>>
      %dma_wait3A_1098 = tpu.memref_squeeze %dma_wait3A_1097 : memref<1x1x16x128xf32, #tpu.memory_space<vmem>> -> memref<16x128xf32, #tpu.memory_space<vmem>>
      %dma_wait3A_1099 = arith.constant 0 : i32
      %dma_wait3A_1100 = arith.constant 0 : i32
      %dma_wait3A_1101 = tpu.memref_slice %arg5[%dma_wait3A_1099, %dma_wait3A_1100] : memref<16x1000000xf32, #tpu.memory_space<hbm>> -> memref<16x128xf32, #tpu.memory_space<hbm>>
      %dma_wait3A_1102 = arith.constant 0 : i32
      %dma_wait3A_1103 = arith.constant 0 : i32
      %dma_wait3A_1104 = tpu.memref_slice %arg10[%dma_wait3A_1093, %dma_wait3A_1094, %dma_wait3A_1102, %dma_wait3A_1103] : memref<2x8x16x128xf32, #tpu.memory_space<vmem>> -> memref<1x1x16x128xf32, #tpu.memory_space<vmem>>
      %dma_wait3A_1105 = tpu.memref_squeeze %dma_wait3A_1104 : memref<1x1x16x128xf32, #tpu.memory_space<vmem>> -> memref<16x128xf32, #tpu.memory_space<vmem>>
      %dma_wait3A_1106 = arith.constant 0 : i32
      %dma_wait3A_1107 = arith.constant 0 : i32
      %dma_wait3A_1108 = tpu.memref_slice %arg5[%dma_wait3A_1106, %dma_wait3A_1107] : memref<16x1000000xf32, #tpu.memory_space<hbm>> -> memref<16x128xf32, #tpu.memory_space<hbm>>
      tpu.wait_dma2 semaphore(%arg12 : memref<!tpu.dma_semaphore, #tpu.memory_space<semaphore_mem>>) src(%dma_wait3A_1108 : memref<16x128xf32, #tpu.memory_space<hbm>>) dst(%dma_wait3A_1105 : memref<16x128xf32, #tpu.memory_space<vmem>>)
      %dma_wait3A_1109 = arith.constant 0 : i32
      %dma_wait3A_1110 = arith.constant 0 : i32
      %dma_wait3A_1111 = arith.constant 0 : i32
      %dma_wait3A_1112 = arith.constant 0 : i32
      %dma_wait3A_1113 = tpu.memref_slice %arg9[%dma_wait3A_1109, %dma_wait3A_1110, %dma_wait3A_1111, %dma_wait3A_1112] : memref<2x8x16x128xf32, #tpu.memory_space<vmem>> -> memref<1x1x16x128xf32, #tpu.memory_space<vmem>>
      %dma_wait3A_1114 = tpu.memref_squeeze %dma_wait3A_1113 : memref<1x1x16x128xf32, #tpu.memory_space<vmem>> -> memref<16x128xf32, #tpu.memory_space<vmem>>
      %dma_wait3A_1115 = arith.constant 0 : i32
      %dma_wait3A_1116 = arith.constant 0 : i32
      %dma_wait3A_1117 = tpu.memref_slice %arg4[%dma_wait3A_1115, %dma_wait3A_1116] : memref<16x1000000xf32, #tpu.memory_space<hbm>> -> memref<16x128xf32, #tpu.memory_space<hbm>>
      %dma_wait3A_1118 = arith.constant 0 : i32
      %dma_wait3A_1119 = arith.constant 0 : i32
      %dma_wait3A_1120 = tpu.memref_slice %arg9[%dma_wait3A_1109, %dma_wait3A_1110, %dma_wait3A_1118, %dma_wait3A_1119] : memref<2x8x16x128xf32, #tpu.memory_space<vmem>> -> memref<1x1x16x128xf32, #tpu.memory_space<vmem>>
      %dma_wait3A_1121 = tpu.memref_squeeze %dma_wait3A_1120 : memref<1x1x16x128xf32, #tpu.memory_space<vmem>> -> memref<16x128xf32, #tpu.memory_space<vmem>>
      %dma_wait3A_1122 = arith.constant 0 : i32
      %dma_wait3A_1123 = arith.constant 0 : i32
      %dma_wait3A_1124 = tpu.memref_slice %arg4[%dma_wait3A_1122, %dma_wait3A_1123] : memref<16x1000000xf32, #tpu.memory_space<hbm>> -> memref<16x128xf32, #tpu.memory_space<hbm>>
      tpu.wait_dma2 semaphore(%arg12 : memref<!tpu.dma_semaphore, #tpu.memory_space<semaphore_mem>>) src(%dma_wait3A_1124 : memref<16x128xf32, #tpu.memory_space<hbm>>) dst(%dma_wait3A_1121 : memref<16x128xf32, #tpu.memory_space<vmem>>)
      %dma_wait3A_1125 = arith.constant 0 : i32
      %dma_wait3A_1126 = arith.constant 0 : i32
      %dma_wait3A_1127 = arith.constant 0 : i32
      %dma_wait3A_1128 = arith.constant 0 : i32
      %dma_wait3A_1129 = tpu.memref_slice %arg10[%dma_wait3A_1125, %dma_wait3A_1126, %dma_wait3A_1127, %dma_wait3A_1128] : memref<2x8x16x128xf32, #tpu.memory_space<vmem>> -> memref<1x1x16x128xf32, #tpu.memory_space<vmem>>
      %dma_wait3A_1130 = tpu.memref_squeeze %dma_wait3A_1129 : memref<1x1x16x128xf32, #tpu.memory_space<vmem>> -> memref<16x128xf32, #tpu.memory_space<vmem>>
      %dma_wait3A_1131 = arith.constant 0 : i32
      %dma_wait3A_1132 = arith.constant 0 : i32
      %dma_wait3A_1133 = tpu.memref_slice %arg5[%dma_wait3A_1131, %dma_wait3A_1132] : memref<16x1000000xf32, #tpu.memory_space<hbm>> -> memref<16x128xf32, #tpu.memory_space<hbm>>
      %dma_wait3A_1134 = arith.constant 0 : i32
      %dma_wait3A_1135 = arith.constant 0 : i32
      %dma_wait3A_1136 = tpu.memref_slice %arg10[%dma_wait3A_1125, %dma_wait3A_1126, %dma_wait3A_1134, %dma_wait3A_1135] : memref<2x8x16x128xf32, #tpu.memory_space<vmem>> -> memref<1x1x16x128xf32, #tpu.memory_space<vmem>>
      %dma_wait3A_1137 = tpu.memref_squeeze %dma_wait3A_1136 : memref<1x1x16x128xf32, #tpu.memory_space<vmem>> -> memref<16x128xf32, #tpu.memory_space<vmem>>
      %dma_wait3A_1138 = arith.constant 0 : i32
      %dma_wait3A_1139 = arith.constant 0 : i32
      %dma_wait3A_1140 = tpu.memref_slice %arg5[%dma_wait3A_1138, %dma_wait3A_1139] : memref<16x1000000xf32, #tpu.memory_space<hbm>> -> memref<16x128xf32, #tpu.memory_space<hbm>>
      tpu.wait_dma2 semaphore(%arg12 : memref<!tpu.dma_semaphore, #tpu.memory_space<semaphore_mem>>) src(%dma_wait3A_1140 : memref<16x128xf32, #tpu.memory_space<hbm>>) dst(%dma_wait3A_1137 : memref<16x128xf32, #tpu.memory_space<vmem>>)
      %dma_wait3A_1141 = arith.constant 0 : i32
      %dma_wait3A_1142 = arith.constant 0 : i32
      %dma_wait3A_1143 = arith.constant 0 : i32
      %dma_wait3A_1144 = arith.constant 0 : i32
      %dma_wait3A_1145 = tpu.memref_slice %arg9[%dma_wait3A_1141, %dma_wait3A_1142, %dma_wait3A_1143, %dma_wait3A_1144] : memref<2x8x16x128xf32, #tpu.memory_space<vmem>> -> memref<1x1x16x128xf32, #tpu.memory_space<vmem>>
      %dma_wait3A_1146 = tpu.memref_squeeze %dma_wait3A_1145 : memref<1x1x16x128xf32, #tpu.memory_space<vmem>> -> memref<16x128xf32, #tpu.memory_space<vmem>>
      %dma_wait3A_1147 = arith.constant 0 : i32
      %dma_wait3A_1148 = arith.constant 0 : i32
      %dma_wait3A_1149 = tpu.memref_slice %arg4[%dma_wait3A_1147, %dma_wait3A_1148] : memref<16x1000000xf32, #tpu.memory_space<hbm>> -> memref<16x128xf32, #tpu.memory_space<hbm>>
      %dma_wait3A_1150 = arith.constant 0 : i32
      %dma_wait3A_1151 = arith.constant 0 : i32
      %dma_wait3A_1152 = tpu.memref_slice %arg9[%dma_wait3A_1141, %dma_wait3A_1142, %dma_wait3A_1150, %dma_wait3A_1151] : memref<2x8x16x128xf32, #tpu.memory_space<vmem>> -> memref<1x1x16x128xf32, #tpu.memory_space<vmem>>
      %dma_wait3A_1153 = tpu.memref_squeeze %dma_wait3A_1152 : memref<1x1x16x128xf32, #tpu.memory_space<vmem>> -> memref<16x128xf32, #tpu.memory_space<vmem>>
      %dma_wait3A_1154 = arith.constant 0 : i32
      %dma_wait3A_1155 = arith.constant 0 : i32
      %dma_wait3A_1156 = tpu.memref_slice %arg4[%dma_wait3A_1154, %dma_wait3A_1155] : memref<16x1000000xf32, #tpu.memory_space<hbm>> -> memref<16x128xf32, #tpu.memory_space<hbm>>
      tpu.wait_dma2 semaphore(%arg12 : memref<!tpu.dma_semaphore, #tpu.memory_space<semaphore_mem>>) src(%dma_wait3A_1156 : memref<16x128xf32, #tpu.memory_space<hbm>>) dst(%dma_wait3A_1153 : memref<16x128xf32, #tpu.memory_space<vmem>>)
      %dma_wait3A_1157 = arith.constant 0 : i32
      %dma_wait3A_1158 = arith.constant 0 : i32
      %dma_wait3A_1159 = arith.constant 0 : i32
      %dma_wait3A_1160 = arith.constant 0 : i32
      %dma_wait3A_1161 = tpu.memref_slice %arg10[%dma_wait3A_1157, %dma_wait3A_1158, %dma_wait3A_1159, %dma_wait3A_1160] : memref<2x8x16x128xf32, #tpu.memory_space<vmem>> -> memref<1x1x16x128xf32, #tpu.memory_space<vmem>>
      %dma_wait3A_1162 = tpu.memref_squeeze %dma_wait3A_1161 : memref<1x1x16x128xf32, #tpu.memory_space<vmem>> -> memref<16x128xf32, #tpu.memory_space<vmem>>
      %dma_wait3A_1163 = arith.constant 0 : i32
      %dma_wait3A_1164 = arith.constant 0 : i32
      %dma_wait3A_1165 = tpu.memref_slice %arg5[%dma_wait3A_1163, %dma_wait3A_1164] : memref<16x1000000xf32, #tpu.memory_space<hbm>> -> memref<16x128xf32, #tpu.memory_space<hbm>>
      %dma_wait3A_1166 = arith.constant 0 : i32
      %dma_wait3A_1167 = arith.constant 0 : i32
      %dma_wait3A_1168 = tpu.memref_slice %arg10[%dma_wait3A_1157, %dma_wait3A_1158, %dma_wait3A_1166, %dma_wait3A_1167] : memref<2x8x16x128xf32, #tpu.memory_space<vmem>> -> memref<1x1x16x128xf32, #tpu.memory_space<vmem>>
      %dma_wait3A_1169 = tpu.memref_squeeze %dma_wait3A_1168 : memref<1x1x16x128xf32, #tpu.memory_space<vmem>> -> memref<16x128xf32, #tpu.memory_space<vmem>>
      %dma_wait3A_1170 = arith.constant 0 : i32
      %dma_wait3A_1171 = arith.constant 0 : i32
      %dma_wait3A_1172 = tpu.memref_slice %arg5[%dma_wait3A_1170, %dma_wait3A_1171] : memref<16x1000000xf32, #tpu.memory_space<hbm>> -> memref<16x128xf32, #tpu.memory_space<hbm>>
      tpu.wait_dma2 semaphore(%arg12 : memref<!tpu.dma_semaphore, #tpu.memory_space<semaphore_mem>>) src(%dma_wait3A_1172 : memref<16x128xf32, #tpu.memory_space<hbm>>) dst(%dma_wait3A_1169 : memref<16x128xf32, #tpu.memory_space<vmem>>)
      %dma_wait3A_1173 = arith.constant 0 : i32
      %dma_wait3A_1174 = arith.constant 0 : i32
      %dma_wait3A_1175 = arith.constant 0 : i32
      %dma_wait3A_1176 = arith.constant 0 : i32
      %dma_wait3A_1177 = tpu.memref_slice %arg9[%dma_wait3A_1173, %dma_wait3A_1174, %dma_wait3A_1175, %dma_wait3A_1176] : memref<2x8x16x128xf32, #tpu.memory_space<vmem>> -> memref<1x1x16x128xf32, #tpu.memory_space<vmem>>
      %dma_wait3A_1178 = tpu.memref_squeeze %dma_wait3A_1177 : memref<1x1x16x128xf32, #tpu.memory_space<vmem>> -> memref<16x128xf32, #tpu.memory_space<vmem>>
      %dma_wait3A_1179 = arith.constant 0 : i32
      %dma_wait3A_1180 = arith.constant 0 : i32
      %dma_wait3A_1181 = tpu.memref_slice %arg4[%dma_wait3A_1179, %dma_wait3A_1180] : memref<16x1000000xf32, #tpu.memory_space<hbm>> -> memref<16x128xf32, #tpu.memory_space<hbm>>
      %dma_wait3A_1182 = arith.constant 0 : i32
      %dma_wait3A_1183 = arith.constant 0 : i32
      %dma_wait3A_1184 = tpu.memref_slice %arg9[%dma_wait3A_1173, %dma_wait3A_1174, %dma_wait3A_1182, %dma_wait3A_1183] : memref<2x8x16x128xf32, #tpu.memory_space<vmem>> -> memref<1x1x16x128xf32, #tpu.memory_space<vmem>>
      %dma_wait3A_1185 = tpu.memref_squeeze %dma_wait3A_1184 : memref<1x1x16x128xf32, #tpu.memory_space<vmem>> -> memref<16x128xf32, #tpu.memory_space<vmem>>
      %dma_wait3A_1186 = arith.constant 0 : i32
      %dma_wait3A_1187 = arith.constant 0 : i32
      %dma_wait3A_1188 = tpu.memref_slice %arg4[%dma_wait3A_1186, %dma_wait3A_1187] : memref<16x1000000xf32, #tpu.memory_space<hbm>> -> memref<16x128xf32, #tpu.memory_space<hbm>>
      tpu.wait_dma2 semaphore(%arg12 : memref<!tpu.dma_semaphore, #tpu.memory_space<semaphore_mem>>) src(%dma_wait3A_1188 : memref<16x128xf32, #tpu.memory_space<hbm>>) dst(%dma_wait3A_1185 : memref<16x128xf32, #tpu.memory_space<vmem>>)
      %dma_wait3A_1189 = arith.constant 0 : i32
      %dma_wait3A_1190 = arith.constant 0 : i32
      %dma_wait3A_1191 = arith.constant 0 : i32
      %dma_wait3A_1192 = arith.constant 0 : i32
      %dma_wait3A_1193 = tpu.memref_slice %arg10[%dma_wait3A_1189, %dma_wait3A_1190, %dma_wait3A_1191, %dma_wait3A_1192] : memref<2x8x16x128xf32, #tpu.memory_space<vmem>> -> memref<1x1x16x128xf32, #tpu.memory_space<vmem>>
      %dma_wait3A_1194 = tpu.memref_squeeze %dma_wait3A_1193 : memref<1x1x16x128xf32, #tpu.memory_space<vmem>> -> memref<16x128xf32, #tpu.memory_space<vmem>>
      %dma_wait3A_1195 = arith.constant 0 : i32
      %dma_wait3A_1196 = arith.constant 0 : i32
      %dma_wait3A_1197 = tpu.memref_slice %arg5[%dma_wait3A_1195, %dma_wait3A_1196] : memref<16x1000000xf32, #tpu.memory_space<hbm>> -> memref<16x128xf32, #tpu.memory_space<hbm>>
      %dma_wait3A_1198 = arith.constant 0 : i32
      %dma_wait3A_1199 = arith.constant 0 : i32
      %dma_wait3A_1200 = tpu.memref_slice %arg10[%dma_wait3A_1189, %dma_wait3A_1190, %dma_wait3A_1198, %dma_wait3A_1199] : memref<2x8x16x128xf32, #tpu.memory_space<vmem>> -> memref<1x1x16x128xf32, #tpu.memory_space<vmem>>
      %dma_wait3A_1201 = tpu.memref_squeeze %dma_wait3A_1200 : memref<1x1x16x128xf32, #tpu.memory_space<vmem>> -> memref<16x128xf32, #tpu.memory_space<vmem>>
      %dma_wait3A_1202 = arith.constant 0 : i32
      %dma_wait3A_1203 = arith.constant 0 : i32
      %dma_wait3A_1204 = tpu.memref_slice %arg5[%dma_wait3A_1202, %dma_wait3A_1203] : memref<16x1000000xf32, #tpu.memory_space<hbm>> -> memref<16x128xf32, #tpu.memory_space<hbm>>
      tpu.wait_dma2 semaphore(%arg12 : memref<!tpu.dma_semaphore, #tpu.memory_space<semaphore_mem>>) src(%dma_wait3A_1204 : memref<16x128xf32, #tpu.memory_space<hbm>>) dst(%dma_wait3A_1201 : memref<16x128xf32, #tpu.memory_space<vmem>>)
      %dma_wait3A_1205 = arith.constant 0 : i32
      %dma_wait3A_1206 = arith.constant 0 : i32
      %dma_wait3A_1207 = arith.constant 0 : i32
      %dma_wait3A_1208 = arith.constant 0 : i32
      %dma_wait3A_1209 = tpu.memref_slice %arg9[%dma_wait3A_1205, %dma_wait3A_1206, %dma_wait3A_1207, %dma_wait3A_1208] : memref<2x8x16x128xf32, #tpu.memory_space<vmem>> -> memref<1x1x16x128xf32, #tpu.memory_space<vmem>>
      %dma_wait3A_1210 = tpu.memref_squeeze %dma_wait3A_1209 : memref<1x1x16x128xf32, #tpu.memory_space<vmem>> -> memref<16x128xf32, #tpu.memory_space<vmem>>
      %dma_wait3A_1211 = arith.constant 0 : i32
      %dma_wait3A_1212 = arith.constant 0 : i32
      %dma_wait3A_1213 = tpu.memref_slice %arg4[%dma_wait3A_1211, %dma_wait3A_1212] : memref<16x1000000xf32, #tpu.memory_space<hbm>> -> memref<16x128xf32, #tpu.memory_space<hbm>>
      %dma_wait3A_1214 = arith.constant 0 : i32
      %dma_wait3A_1215 = arith.constant 0 : i32
      %dma_wait3A_1216 = tpu.memref_slice %arg9[%dma_wait3A_1205, %dma_wait3A_1206, %dma_wait3A_1214, %dma_wait3A_1215] : memref<2x8x16x128xf32, #tpu.memory_space<vmem>> -> memref<1x1x16x128xf32, #tpu.memory_space<vmem>>
      %dma_wait3A_1217 = tpu.memref_squeeze %dma_wait3A_1216 : memref<1x1x16x128xf32, #tpu.memory_space<vmem>> -> memref<16x128xf32, #tpu.memory_space<vmem>>
      %dma_wait3A_1218 = arith.constant 0 : i32
      %dma_wait3A_1219 = arith.constant 0 : i32
      %dma_wait3A_1220 = tpu.memref_slice %arg4[%dma_wait3A_1218, %dma_wait3A_1219] : memref<16x1000000xf32, #tpu.memory_space<hbm>> -> memref<16x128xf32, #tpu.memory_space<hbm>>
      tpu.wait_dma2 semaphore(%arg12 : memref<!tpu.dma_semaphore, #tpu.memory_space<semaphore_mem>>) src(%dma_wait3A_1220 : memref<16x128xf32, #tpu.memory_space<hbm>>) dst(%dma_wait3A_1217 : memref<16x128xf32, #tpu.memory_space<vmem>>)
      %dma_wait3A_1221 = arith.constant 0 : i32
      %dma_wait3A_1222 = arith.constant 0 : i32
      %dma_wait3A_1223 = arith.constant 0 : i32
      %dma_wait3A_1224 = arith.constant 0 : i32
      %dma_wait3A_1225 = tpu.memref_slice %arg10[%dma_wait3A_1221, %dma_wait3A_1222, %dma_wait3A_1223, %dma_wait3A_1224] : memref<2x8x16x128xf32, #tpu.memory_space<vmem>> -> memref<1x1x16x128xf32, #tpu.memory_space<vmem>>
      %dma_wait3A_1226 = tpu.memref_squeeze %dma_wait3A_1225 : memref<1x1x16x128xf32, #tpu.memory_space<vmem>> -> memref<16x128xf32, #tpu.memory_space<vmem>>
      %dma_wait3A_1227 = arith.constant 0 : i32
      %dma_wait3A_1228 = arith.constant 0 : i32
      %dma_wait3A_1229 = tpu.memref_slice %arg5[%dma_wait3A_1227, %dma_wait3A_1228] : memref<16x1000000xf32, #tpu.memory_space<hbm>> -> memref<16x128xf32, #tpu.memory_space<hbm>>
      %dma_wait3A_1230 = arith.constant 0 : i32
      %dma_wait3A_1231 = arith.constant 0 : i32
      %dma_wait3A_1232 = tpu.memref_slice %arg10[%dma_wait3A_1221, %dma_wait3A_1222, %dma_wait3A_1230, %dma_wait3A_1231] : memref<2x8x16x128xf32, #tpu.memory_space<vmem>> -> memref<1x1x16x128xf32, #tpu.memory_space<vmem>>
      %dma_wait3A_1233 = tpu.memref_squeeze %dma_wait3A_1232 : memref<1x1x16x128xf32, #tpu.memory_space<vmem>> -> memref<16x128xf32, #tpu.memory_space<vmem>>
      %dma_wait3A_1234 = arith.constant 0 : i32
      %dma_wait3A_1235 = arith.constant 0 : i32
      %dma_wait3A_1236 = tpu.memref_slice %arg5[%dma_wait3A_1234, %dma_wait3A_1235] : memref<16x1000000xf32, #tpu.memory_space<hbm>> -> memref<16x128xf32, #tpu.memory_space<hbm>>
      tpu.wait_dma2 semaphore(%arg12 : memref<!tpu.dma_semaphore, #tpu.memory_space<semaphore_mem>>) src(%dma_wait3A_1236 : memref<16x128xf32, #tpu.memory_space<hbm>>) dst(%dma_wait3A_1233 : memref<16x128xf32, #tpu.memory_space<vmem>>)
      %broadcast_in_dim3A_1237 = arith.constant 0 : i32
      %broadcast_in_dim3A_1238 = vector.broadcast %broadcast_in_dim3A_1237 : i32 to vector<16xi32>
      %broadcast_in_dim3A_1239 = vector.shape_cast %broadcast_in_dim3A_1238 : vector<16xi32> to vector<16x1xi32>
      %gather3A = vector.shape_cast %broadcast_in_dim3A_1239 : vector<16x1xi32> to vector<16xi32>
      %gather3A_1240 = tpu.dynamic_gather %scan3A_976[%gather3A] in [0] : vector<16xi32>, vector<16xi32> -> vector<16xi32>
      %broadcast_in_dim3A_1241 = vector.shape_cast %broadcast_in_dim3A_1238 : vector<16xi32> to vector<16x1xi32>
      %gather3A_1242 = vector.shape_cast %broadcast_in_dim3A_1241 : vector<16x1xi32> to vector<16xi32>
      %gather3A_1243 = tpu.dynamic_gather %scan3A_977[%gather3A_1242] in [0] : vector<16xi32>, vector<16xi32> -> vector<16xi32>
      %gather3A_1244 = arith.constant 0 : i32
      %gather3A_1245 = arith.constant 0 : i32
      %gather3A_1246 = arith.constant 0 : i32
      %gather3A_1247 = arith.constant 0 : i32
      %gather3A_1248 = tpu.memref_slice %arg9[%gather3A_1244, %gather3A_1245, %gather3A_1246, %gather3A_1247] : memref<2x8x16x128xf32, #tpu.memory_space<vmem>> -> memref<1x1x16x128xf32, #tpu.memory_space<vmem>>
      %gather3A_1249 = tpu.memref_squeeze %gather3A_1248 : memref<1x1x16x128xf32, #tpu.memory_space<vmem>> -> memref<16x128xf32, #tpu.memory_space<vmem>>
      %gather3A_1250 = tpu.vector_load_idx %gather3A_1249[%iota3A, %gather3A_1240] : memref<16x128xf32, #tpu.memory_space<vmem>>[vector<16xi32>, vector<16xi32>], vector<16xf32>,
      %gather3A_1251 = arith.constant 0 : i32
      %gather3A_1252 = arith.constant 0 : i32
      %gather3A_1253 = arith.constant 0 : i32
      %gather3A_1254 = arith.constant 0 : i32
      %gather3A_1255 = tpu.memref_slice %arg10[%gather3A_1251, %gather3A_1252, %gather3A_1253, %gather3A_1254] : memref<2x8x16x128xf32, #tpu.memory_space<vmem>> -> memref<1x1x16x128xf32, #tpu.memory_space<vmem>>
      %gather3A_1256 = tpu.memref_squeeze %gather3A_1255 : memref<1x1x16x128xf32, #tpu.memory_space<vmem>> -> memref<16x128xf32, #tpu.memory_space<vmem>>
      %gather3A_1257 = tpu.vector_load_idx %gather3A_1256[%iota3A, %gather3A_1243] : memref<16x128xf32, #tpu.memory_space<vmem>>[vector<16xi32>, vector<16xi32>], vector<16xf32>,
      %mul3A_1258 = arith.mulf %gather3A_1250, %gather3A_1257 : vector<16xf32>
      %reduce_sum3A_1259 = arith.constant true
      %reduce_sum3A_1260 = vector.broadcast %reduce_sum3A_1259 : i1 to vector<16xi1>
      %reduce_sum3A_1261 = tpu.scan <sum>, %mul3A_1258 masked %reduce_sum3A_1260 : vector<16xf32>, vector<16xi1> -> vector<16xf32>
      %reduce_sum3A_1262 = vector.extract %reduce_sum3A_1261[15] : f32 from vector<16xf32>
      %eq3A_1263 = arith.constant 0 : i32
      %eq3A_1264 = vector.broadcast %eq3A_1263 : i32 to vector<16xi32>
      %eq3A_1265 = arith.cmpi eq, %iota3A, %eq3A_1264 : vector<16xi32>
      %broadcast_in_dim3A_1266 = vector.broadcast %reduce_sum3A_1262 : f32 to vector<16xf32>
      %select_n3A_1267 = arith.select %eq3A_1265, %broadcast_in_dim3A_1266, %broadcast_in_dim3A_981 : vector<16xi1>, vector<16xf32>
      %broadcast_in_dim3A_1268 = arith.constant 1 : i32
      %broadcast_in_dim3A_1269 = vector.broadcast %broadcast_in_dim3A_1268 : i32 to vector<16xi32>
      %broadcast_in_dim3A_1270 = vector.shape_cast %broadcast_in_dim3A_1269 : vector<16xi32> to vector<16x1xi32>
      %gather3A_1271 = vector.shape_cast %broadcast_in_dim3A_1270 : vector<16x1xi32> to vector<16xi32>
      %gather3A_1272 = tpu.dynamic_gather %scan3A_976[%gather3A_1271] in [0] : vector<16xi32>, vector<16xi32> -> vector<16xi32>
      %broadcast_in_dim3A_1273 = vector.shape_cast %broadcast_in_dim3A_1269 : vector<16xi32> to vector<16x1xi32>
      %gather3A_1274 = vector.shape_cast %broadcast_in_dim3A_1273 : vector<16x1xi32> to vector<16xi32>
      %gather3A_1275 = tpu.dynamic_gather %scan3A_977[%gather3A_1274] in [0] : vector<16xi32>, vector<16xi32> -> vector<16xi32>
      %gather3A_1276 = arith.constant 0 : i32
      %gather3A_1277 = arith.constant 1 : i32
      %gather3A_1278 = arith.constant 0 : i32
      %gather3A_1279 = arith.constant 0 : i32
      %gather3A_1280 = tpu.memref_slice %arg9[%gather3A_1276, %gather3A_1277, %gather3A_1278, %gather3A_1279] : memref<2x8x16x128xf32, #tpu.memory_space<vmem>> -> memref<1x1x16x128xf32, #tpu.memory_space<vmem>>
      %gather3A_1281 = tpu.memref_squeeze %gather3A_1280 : memref<1x1x16x128xf32, #tpu.memory_space<vmem>> -> memref<16x128xf32, #tpu.memory_space<vmem>>
      %gather3A_1282 = tpu.vector_load_idx %gather3A_1281[%iota3A, %gather3A_1272] : memref<16x128xf32, #tpu.memory_space<vmem>>[vector<16xi32>, vector<16xi32>], vector<16xf32>,
      %gather3A_1283 = arith.constant 0 : i32
      %gather3A_1284 = arith.constant 1 : i32
      %gather3A_1285 = arith.constant 0 : i32
      %gather3A_1286 = arith.constant 0 : i32
      %gather3A_1287 = tpu.memref_slice %arg10[%gather3A_1283, %gather3A_1284, %gather3A_1285, %gather3A_1286] : memref<2x8x16x128xf32, #tpu.memory_space<vmem>> -> memref<1x1x16x128xf32, #tpu.memory_space<vmem>>
      %gather3A_1288 = tpu.memref_squeeze %gather3A_1287 : memref<1x1x16x128xf32, #tpu.memory_space<vmem>> -> memref<16x128xf32, #tpu.memory_space<vmem>>
      %gather3A_1289 = tpu.vector_load_idx %gather3A_1288[%iota3A, %gather3A_1275] : memref<16x128xf32, #tpu.memory_space<vmem>>[vector<16xi32>, vector<16xi32>], vector<16xf32>,
      %mul3A_1290 = arith.mulf %gather3A_1282, %gather3A_1289 : vector<16xf32>
      %reduce_sum3A_1291 = arith.constant true
      %reduce_sum3A_1292 = vector.broadcast %reduce_sum3A_1291 : i1 to vector<16xi1>
      %reduce_sum3A_1293 = tpu.scan <sum>, %mul3A_1290 masked %reduce_sum3A_1292 : vector<16xf32>, vector<16xi1> -> vector<16xf32>
      %reduce_sum3A_1294 = vector.extract %reduce_sum3A_1293[15] : f32 from vector<16xf32>
      %eq3A_1295 = arith.constant 1 : i32
      %eq3A_1296 = vector.broadcast %eq3A_1295 : i32 to vector<16xi32>
      %eq3A_1297 = arith.cmpi eq, %iota3A, %eq3A_1296 : vector<16xi32>
      %broadcast_in_dim3A_1298 = vector.broadcast %reduce_sum3A_1294 : f32 to vector<16xf32>
      %select_n3A_1299 = arith.select %eq3A_1297, %broadcast_in_dim3A_1298, %select_n3A_1267 : vector<16xi1>, vector<16xf32>
      %broadcast_in_dim3A_1300 = arith.constant 2 : i32
      %broadcast_in_dim3A_1301 = vector.broadcast %broadcast_in_dim3A_1300 : i32 to vector<16xi32>
      %broadcast_in_dim3A_1302 = vector.shape_cast %broadcast_in_dim3A_1301 : vector<16xi32> to vector<16x1xi32>
      %gather3A_1303 = vector.shape_cast %broadcast_in_dim3A_1302 : vector<16x1xi32> to vector<16xi32>
      %gather3A_1304 = tpu.dynamic_gather %scan3A_976[%gather3A_1303] in [0] : vector<16xi32>, vector<16xi32> -> vector<16xi32>
      %broadcast_in_dim3A_1305 = vector.shape_cast %broadcast_in_dim3A_1301 : vector<16xi32> to vector<16x1xi32>
      %gather3A_1306 = vector.shape_cast %broadcast_in_dim3A_1305 : vector<16x1xi32> to vector<16xi32>
      %gather3A_1307 = tpu.dynamic_gather %scan3A_977[%gather3A_1306] in [0] : vector<16xi32>, vector<16xi32> -> vector<16xi32>
      %gather3A_1308 = arith.constant 0 : i32
      %gather3A_1309 = arith.constant 2 : i32
      %gather3A_1310 = arith.constant 0 : i32
      %gather3A_1311 = arith.constant 0 : i32
      %gather3A_1312 = tpu.memref_slice %arg9[%gather3A_1308, %gather3A_1309, %gather3A_1310, %gather3A_1311] : memref<2x8x16x128xf32, #tpu.memory_space<vmem>> -> memref<1x1x16x128xf32, #tpu.memory_space<vmem>>
      %gather3A_1313 = tpu.memref_squeeze %gather3A_1312 : memref<1x1x16x128xf32, #tpu.memory_space<vmem>> -> memref<16x128xf32, #tpu.memory_space<vmem>>
      %gather3A_1314 = tpu.vector_load_idx %gather3A_1313[%iota3A, %gather3A_1304] : memref<16x128xf32, #tpu.memory_space<vmem>>[vector<16xi32>, vector<16xi32>], vector<16xf32>,
      %gather3A_1315 = arith.constant 0 : i32
      %gather3A_1316 = arith.constant 2 : i32
      %gather3A_1317 = arith.constant 0 : i32
      %gather3A_1318 = arith.constant 0 : i32
      %gather3A_1319 = tpu.memref_slice %arg10[%gather3A_1315, %gather3A_1316, %gather3A_1317, %gather3A_1318] : memref<2x8x16x128xf32, #tpu.memory_space<vmem>> -> memref<1x1x16x128xf32, #tpu.memory_space<vmem>>
      %gather3A_1320 = tpu.memref_squeeze %gather3A_1319 : memref<1x1x16x128xf32, #tpu.memory_space<vmem>> -> memref<16x128xf32, #tpu.memory_space<vmem>>
      %gather3A_1321 = tpu.vector_load_idx %gather3A_1320[%iota3A, %gather3A_1307] : memref<16x128xf32, #tpu.memory_space<vmem>>[vector<16xi32>, vector<16xi32>], vector<16xf32>,
      %mul3A_1322 = arith.mulf %gather3A_1314, %gather3A_1321 : vector<16xf32>
      %reduce_sum3A_1323 = arith.constant true
      %reduce_sum3A_1324 = vector.broadcast %reduce_sum3A_1323 : i1 to vector<16xi1>
      %reduce_sum3A_1325 = tpu.scan <sum>, %mul3A_1322 masked %reduce_sum3A_1324 : vector<16xf32>, vector<16xi1> -> vector<16xf32>
      %reduce_sum3A_1326 = vector.extract %reduce_sum3A_1325[15] : f32 from vector<16xf32>
      %eq3A_1327 = arith.constant 2 : i32
      %eq3A_1328 = vector.broadcast %eq3A_1327 : i32 to vector<16xi32>
      %eq3A_1329 = arith.cmpi eq, %iota3A, %eq3A_1328 : vector<16xi32>
      %broadcast_in_dim3A_1330 = vector.broadcast %reduce_sum3A_1326 : f32 to vector<16xf32>
      %select_n3A_1331 = arith.select %eq3A_1329, %broadcast_in_dim3A_1330, %select_n3A_1299 : vector<16xi1>, vector<16xf32>
      %broadcast_in_dim3A_1332 = arith.constant 3 : i32
      %broadcast_in_dim3A_1333 = vector.broadcast %broadcast_in_dim3A_1332 : i32 to vector<16xi32>
      %broadcast_in_dim3A_1334 = vector.shape_cast %broadcast_in_dim3A_1333 : vector<16xi32> to vector<16x1xi32>
      %gather3A_1335 = vector.shape_cast %broadcast_in_dim3A_1334 : vector<16x1xi32> to vector<16xi32>
      %gather3A_1336 = tpu.dynamic_gather %scan3A_976[%gather3A_1335] in [0] : vector<16xi32>, vector<16xi32> -> vector<16xi32>
      %broadcast_in_dim3A_1337 = vector.shape_cast %broadcast_in_dim3A_1333 : vector<16xi32> to vector<16x1xi32>
      %gather3A_1338 = vector.shape_cast %broadcast_in_dim3A_1337 : vector<16x1xi32> to vector<16xi32>
      %gather3A_1339 = tpu.dynamic_gather %scan3A_977[%gather3A_1338] in [0] : vector<16xi32>, vector<16xi32> -> vector<16xi32>
      %gather3A_1340 = arith.constant 0 : i32
      %gather3A_1341 = arith.constant 3 : i32
      %gather3A_1342 = arith.constant 0 : i32
      %gather3A_1343 = arith.constant 0 : i32
      %gather3A_1344 = tpu.memref_slice %arg9[%gather3A_1340, %gather3A_1341, %gather3A_1342, %gather3A_1343] : memref<2x8x16x128xf32, #tpu.memory_space<vmem>> -> memref<1x1x16x128xf32, #tpu.memory_space<vmem>>
      %gather3A_1345 = tpu.memref_squeeze %gather3A_1344 : memref<1x1x16x128xf32, #tpu.memory_space<vmem>> -> memref<16x128xf32, #tpu.memory_space<vmem>>
      %gather3A_1346 = tpu.vector_load_idx %gather3A_1345[%iota3A, %gather3A_1336] : memref<16x128xf32, #tpu.memory_space<vmem>>[vector<16xi32>, vector<16xi32>], vector<16xf32>,
      %gather3A_1347 = arith.constant 0 : i32
      %gather3A_1348 = arith.constant 3 : i32
      %gather3A_1349 = arith.constant 0 : i32
      %gather3A_1350 = arith.constant 0 : i32
      %gather3A_1351 = tpu.memref_slice %arg10[%gather3A_1347, %gather3A_1348, %gather3A_1349, %gather3A_1350] : memref<2x8x16x128xf32, #tpu.memory_space<vmem>> -> memref<1x1x16x128xf32, #tpu.memory_space<vmem>>
      %gather3A_1352 = tpu.memref_squeeze %gather3A_1351 : memref<1x1x16x128xf32, #tpu.memory_space<vmem>> -> memref<16x128xf32, #tpu.memory_space<vmem>>
      %gather3A_1353 = tpu.vector_load_idx %gather3A_1352[%iota3A, %gather3A_1339] : memref<16x128xf32, #tpu.memory_space<vmem>>[vector<16xi32>, vector<16xi32>], vector<16xf32>,
      %mul3A_1354 = arith.mulf %gather3A_1346, %gather3A_1353 : vector<16xf32>
      %reduce_sum3A_1355 = arith.constant true
      %reduce_sum3A_1356 = vector.broadcast %reduce_sum3A_1355 : i1 to vector<16xi1>
      %reduce_sum3A_1357 = tpu.scan <sum>, %mul3A_1354 masked %reduce_sum3A_1356 : vector<16xf32>, vector<16xi1> -> vector<16xf32>
      %reduce_sum3A_1358 = vector.extract %reduce_sum3A_1357[15] : f32 from vector<16xf32>
      %eq3A_1359 = arith.constant 3 : i32
      %eq3A_1360 = vector.broadcast %eq3A_1359 : i32 to vector<16xi32>
      %eq3A_1361 = arith.cmpi eq, %iota3A, %eq3A_1360 : vector<16xi32>
      %broadcast_in_dim3A_1362 = vector.broadcast %reduce_sum3A_1358 : f32 to vector<16xf32>
      %select_n3A_1363 = arith.select %eq3A_1361, %broadcast_in_dim3A_1362, %select_n3A_1331 : vector<16xi1>, vector<16xf32>
      %broadcast_in_dim3A_1364 = arith.constant 4 : i32
      %broadcast_in_dim3A_1365 = vector.broadcast %broadcast_in_dim3A_1364 : i32 to vector<16xi32>
      %broadcast_in_dim3A_1366 = vector.shape_cast %broadcast_in_dim3A_1365 : vector<16xi32> to vector<16x1xi32>
      %gather3A_1367 = vector.shape_cast %broadcast_in_dim3A_1366 : vector<16x1xi32> to vector<16xi32>
      %gather3A_1368 = tpu.dynamic_gather %scan3A_976[%gather3A_1367] in [0] : vector<16xi32>, vector<16xi32> -> vector<16xi32>
      %broadcast_in_dim3A_1369 = vector.shape_cast %broadcast_in_dim3A_1365 : vector<16xi32> to vector<16x1xi32>
      %gather3A_1370 = vector.shape_cast %broadcast_in_dim3A_1369 : vector<16x1xi32> to vector<16xi32>
      %gather3A_1371 = tpu.dynamic_gather %scan3A_977[%gather3A_1370] in [0] : vector<16xi32>, vector<16xi32> -> vector<16xi32>
      %gather3A_1372 = arith.constant 0 : i32
      %gather3A_1373 = arith.constant 4 : i32
      %gather3A_1374 = arith.constant 0 : i32
      %gather3A_1375 = arith.constant 0 : i32
      %gather3A_1376 = tpu.memref_slice %arg9[%gather3A_1372, %gather3A_1373, %gather3A_1374, %gather3A_1375] : memref<2x8x16x128xf32, #tpu.memory_space<vmem>> -> memref<1x1x16x128xf32, #tpu.memory_space<vmem>>
      %gather3A_1377 = tpu.memref_squeeze %gather3A_1376 : memref<1x1x16x128xf32, #tpu.memory_space<vmem>> -> memref<16x128xf32, #tpu.memory_space<vmem>>
      %gather3A_1378 = tpu.vector_load_idx %gather3A_1377[%iota3A, %gather3A_1368] : memref<16x128xf32, #tpu.memory_space<vmem>>[vector<16xi32>, vector<16xi32>], vector<16xf32>,
      %gather3A_1379 = arith.constant 0 : i32
      %gather3A_1380 = arith.constant 4 : i32
      %gather3A_1381 = arith.constant 0 : i32
      %gather3A_1382 = arith.constant 0 : i32
      %gather3A_1383 = tpu.memref_slice %arg10[%gather3A_1379, %gather3A_1380, %gather3A_1381, %gather3A_1382] : memref<2x8x16x128xf32, #tpu.memory_space<vmem>> -> memref<1x1x16x128xf32, #tpu.memory_space<vmem>>
      %gather3A_1384 = tpu.memref_squeeze %gather3A_1383 : memref<1x1x16x128xf32, #tpu.memory_space<vmem>> -> memref<16x128xf32, #tpu.memory_space<vmem>>
      %gather3A_1385 = tpu.vector_load_idx %gather3A_1384[%iota3A, %gather3A_1371] : memref<16x128xf32, #tpu.memory_space<vmem>>[vector<16xi32>, vector<16xi32>], vector<16xf32>,
      %mul3A_1386 = arith.mulf %gather3A_1378, %gather3A_1385 : vector<16xf32>
      %reduce_sum3A_1387 = arith.constant true
      %reduce_sum3A_1388 = vector.broadcast %reduce_sum3A_1387 : i1 to vector<16xi1>
      %reduce_sum3A_1389 = tpu.scan <sum>, %mul3A_1386 masked %reduce_sum3A_1388 : vector<16xf32>, vector<16xi1> -> vector<16xf32>
      %reduce_sum3A_1390 = vector.extract %reduce_sum3A_1389[15] : f32 from vector<16xf32>
      %eq3A_1391 = arith.constant 4 : i32
      %eq3A_1392 = vector.broadcast %eq3A_1391 : i32 to vector<16xi32>
      %eq3A_1393 = arith.cmpi eq, %iota3A, %eq3A_1392 : vector<16xi32>
      %broadcast_in_dim3A_1394 = vector.broadcast %reduce_sum3A_1390 : f32 to vector<16xf32>
      %select_n3A_1395 = arith.select %eq3A_1393, %broadcast_in_dim3A_1394, %select_n3A_1363 : vector<16xi1>, vector<16xf32>
      %broadcast_in_dim3A_1396 = arith.constant 5 : i32
      %broadcast_in_dim3A_1397 = vector.broadcast %broadcast_in_dim3A_1396 : i32 to vector<16xi32>
      %broadcast_in_dim3A_1398 = vector.shape_cast %broadcast_in_dim3A_1397 : vector<16xi32> to vector<16x1xi32>
      %gather3A_1399 = vector.shape_cast %broadcast_in_dim3A_1398 : vector<16x1xi32> to vector<16xi32>
      %gather3A_1400 = tpu.dynamic_gather %scan3A_976[%gather3A_1399] in [0] : vector<16xi32>, vector<16xi32> -> vector<16xi32>
      %broadcast_in_dim3A_1401 = vector.shape_cast %broadcast_in_dim3A_1397 : vector<16xi32> to vector<16x1xi32>
      %gather3A_1402 = vector.shape_cast %broadcast_in_dim3A_1401 : vector<16x1xi32> to vector<16xi32>
      %gather3A_1403 = tpu.dynamic_gather %scan3A_977[%gather3A_1402] in [0] : vector<16xi32>, vector<16xi32> -> vector<16xi32>
      %gather3A_1404 = arith.constant 0 : i32
      %gather3A_1405 = arith.constant 5 : i32
      %gather3A_1406 = arith.constant 0 : i32
      %gather3A_1407 = arith.constant 0 : i32
      %gather3A_1408 = tpu.memref_slice %arg9[%gather3A_1404, %gather3A_1405, %gather3A_1406, %gather3A_1407] : memref<2x8x16x128xf32, #tpu.memory_space<vmem>> -> memref<1x1x16x128xf32, #tpu.memory_space<vmem>>
      %gather3A_1409 = tpu.memref_squeeze %gather3A_1408 : memref<1x1x16x128xf32, #tpu.memory_space<vmem>> -> memref<16x128xf32, #tpu.memory_space<vmem>>
      %gather3A_1410 = tpu.vector_load_idx %gather3A_1409[%iota3A, %gather3A_1400] : memref<16x128xf32, #tpu.memory_space<vmem>>[vector<16xi32>, vector<16xi32>], vector<16xf32>,
      %gather3A_1411 = arith.constant 0 : i32
      %gather3A_1412 = arith.constant 5 : i32
      %gather3A_1413 = arith.constant 0 : i32
      %gather3A_1414 = arith.constant 0 : i32
      %gather3A_1415 = tpu.memref_slice %arg10[%gather3A_1411, %gather3A_1412, %gather3A_1413, %gather3A_1414] : memref<2x8x16x128xf32, #tpu.memory_space<vmem>> -> memref<1x1x16x128xf32, #tpu.memory_space<vmem>>
      %gather3A_1416 = tpu.memref_squeeze %gather3A_1415 : memref<1x1x16x128xf32, #tpu.memory_space<vmem>> -> memref<16x128xf32, #tpu.memory_space<vmem>>
      %gather3A_1417 = tpu.vector_load_idx %gather3A_1416[%iota3A, %gather3A_1403] : memref<16x128xf32, #tpu.memory_space<vmem>>[vector<16xi32>, vector<16xi32>], vector<16xf32>,
      %mul3A_1418 = arith.mulf %gather3A_1410, %gather3A_1417 : vector<16xf32>
      %reduce_sum3A_1419 = arith.constant true
      %reduce_sum3A_1420 = vector.broadcast %reduce_sum3A_1419 : i1 to vector<16xi1>
      %reduce_sum3A_1421 = tpu.scan <sum>, %mul3A_1418 masked %reduce_sum3A_1420 : vector<16xf32>, vector<16xi1> -> vector<16xf32>
      %reduce_sum3A_1422 = vector.extract %reduce_sum3A_1421[15] : f32 from vector<16xf32>
      %eq3A_1423 = arith.constant 5 : i32
      %eq3A_1424 = vector.broadcast %eq3A_1423 : i32 to vector<16xi32>
      %eq3A_1425 = arith.cmpi eq, %iota3A, %eq3A_1424 : vector<16xi32>
      %broadcast_in_dim3A_1426 = vector.broadcast %reduce_sum3A_1422 : f32 to vector<16xf32>
      %select_n3A_1427 = arith.select %eq3A_1425, %broadcast_in_dim3A_1426, %select_n3A_1395 : vector<16xi1>, vector<16xf32>
      %broadcast_in_dim3A_1428 = arith.constant 6 : i32
      %broadcast_in_dim3A_1429 = vector.broadcast %broadcast_in_dim3A_1428 : i32 to vector<16xi32>
      %broadcast_in_dim3A_1430 = vector.shape_cast %broadcast_in_dim3A_1429 : vector<16xi32> to vector<16x1xi32>
      %gather3A_1431 = vector.shape_cast %broadcast_in_dim3A_1430 : vector<16x1xi32> to vector<16xi32>
      %gather3A_1432 = tpu.dynamic_gather %scan3A_976[%gather3A_1431] in [0] : vector<16xi32>, vector<16xi32> -> vector<16xi32>
      %broadcast_in_dim3A_1433 = vector.shape_cast %broadcast_in_dim3A_1429 : vector<16xi32> to vector<16x1xi32>
      %gather3A_1434 = vector.shape_cast %broadcast_in_dim3A_1433 : vector<16x1xi32> to vector<16xi32>
      %gather3A_1435 = tpu.dynamic_gather %scan3A_977[%gather3A_1434] in [0] : vector<16xi32>, vector<16xi32> -> vector<16xi32>
      %gather3A_1436 = arith.constant 0 : i32
      %gather3A_1437 = arith.constant 6 : i32
      %gather3A_1438 = arith.constant 0 : i32
      %gather3A_1439 = arith.constant 0 : i32
      %gather3A_1440 = tpu.memref_slice %arg9[%gather3A_1436, %gather3A_1437, %gather3A_1438, %gather3A_1439] : memref<2x8x16x128xf32, #tpu.memory_space<vmem>> -> memref<1x1x16x128xf32, #tpu.memory_space<vmem>>
      %gather3A_1441 = tpu.memref_squeeze %gather3A_1440 : memref<1x1x16x128xf32, #tpu.memory_space<vmem>> -> memref<16x128xf32, #tpu.memory_space<vmem>>
      %gather3A_1442 = tpu.vector_load_idx %gather3A_1441[%iota3A, %gather3A_1432] : memref<16x128xf32, #tpu.memory_space<vmem>>[vector<16xi32>, vector<16xi32>], vector<16xf32>,
      %gather3A_1443 = arith.constant 0 : i32
      %gather3A_1444 = arith.constant 6 : i32
      %gather3A_1445 = arith.constant 0 : i32
      %gather3A_1446 = arith.constant 0 : i32
      %gather3A_1447 = tpu.memref_slice %arg10[%gather3A_1443, %gather3A_1444, %gather3A_1445, %gather3A_1446] : memref<2x8x16x128xf32, #tpu.memory_space<vmem>> -> memref<1x1x16x128xf32, #tpu.memory_space<vmem>>
      %gather3A_1448 = tpu.memref_squeeze %gather3A_1447 : memref<1x1x16x128xf32, #tpu.memory_space<vmem>> -> memref<16x128xf32, #tpu.memory_space<vmem>>
      %gather3A_1449 = tpu.vector_load_idx %gather3A_1448[%iota3A, %gather3A_1435] : memref<16x128xf32, #tpu.memory_space<vmem>>[vector<16xi32>, vector<16xi32>], vector<16xf32>,
      %mul3A_1450 = arith.mulf %gather3A_1442, %gather3A_1449 : vector<16xf32>
      %reduce_sum3A_1451 = arith.constant true
      %reduce_sum3A_1452 = vector.broadcast %reduce_sum3A_1451 : i1 to vector<16xi1>
      %reduce_sum3A_1453 = tpu.scan <sum>, %mul3A_1450 masked %reduce_sum3A_1452 : vector<16xf32>, vector<16xi1> -> vector<16xf32>
      %reduce_sum3A_1454 = vector.extract %reduce_sum3A_1453[15] : f32 from vector<16xf32>
      %eq3A_1455 = arith.constant 6 : i32
      %eq3A_1456 = vector.broadcast %eq3A_1455 : i32 to vector<16xi32>
      %eq3A_1457 = arith.cmpi eq, %iota3A, %eq3A_1456 : vector<16xi32>
      %broadcast_in_dim3A_1458 = vector.broadcast %reduce_sum3A_1454 : f32 to vector<16xf32>
      %select_n3A_1459 = arith.select %eq3A_1457, %broadcast_in_dim3A_1458, %select_n3A_1427 : vector<16xi1>, vector<16xf32>
      %broadcast_in_dim3A_1460 = arith.constant 7 : i32
      %broadcast_in_dim3A_1461 = vector.broadcast %broadcast_in_dim3A_1460 : i32 to vector<16xi32>
      %broadcast_in_dim3A_1462 = vector.shape_cast %broadcast_in_dim3A_1461 : vector<16xi32> to vector<16x1xi32>
      %gather3A_1463 = vector.shape_cast %broadcast_in_dim3A_1462 : vector<16x1xi32> to vector<16xi32>
      %gather3A_1464 = tpu.dynamic_gather %scan3A_976[%gather3A_1463] in [0] : vector<16xi32>, vector<16xi32> -> vector<16xi32>
      %broadcast_in_dim3A_1465 = vector.shape_cast %broadcast_in_dim3A_1461 : vector<16xi32> to vector<16x1xi32>
      %gather3A_1466 = vector.shape_cast %broadcast_in_dim3A_1465 : vector<16x1xi32> to vector<16xi32>
      %gather3A_1467 = tpu.dynamic_gather %scan3A_977[%gather3A_1466] in [0] : vector<16xi32>, vector<16xi32> -> vector<16xi32>
      %gather3A_1468 = arith.constant 0 : i32
      %gather3A_1469 = arith.constant 7 : i32
      %gather3A_1470 = arith.constant 0 : i32
      %gather3A_1471 = arith.constant 0 : i32
      %gather3A_1472 = tpu.memref_slice %arg9[%gather3A_1468, %gather3A_1469, %gather3A_1470, %gather3A_1471] : memref<2x8x16x128xf32, #tpu.memory_space<vmem>> -> memref<1x1x16x128xf32, #tpu.memory_space<vmem>>
      %gather3A_1473 = tpu.memref_squeeze %gather3A_1472 : memref<1x1x16x128xf32, #tpu.memory_space<vmem>> -> memref<16x128xf32, #tpu.memory_space<vmem>>
      %gather3A_1474 = tpu.vector_load_idx %gather3A_1473[%iota3A, %gather3A_1464] : memref<16x128xf32, #tpu.memory_space<vmem>>[vector<16xi32>, vector<16xi32>], vector<16xf32>,
      %gather3A_1475 = arith.constant 0 : i32
      %gather3A_1476 = arith.constant 7 : i32
      %gather3A_1477 = arith.constant 0 : i32
      %gather3A_1478 = arith.constant 0 : i32
      %gather3A_1479 = tpu.memref_slice %arg10[%gather3A_1475, %gather3A_1476, %gather3A_1477, %gather3A_1478] : memref<2x8x16x128xf32, #tpu.memory_space<vmem>> -> memref<1x1x16x128xf32, #tpu.memory_space<vmem>>
      %gather3A_1480 = tpu.memref_squeeze %gather3A_1479 : memref<1x1x16x128xf32, #tpu.memory_space<vmem>> -> memref<16x128xf32, #tpu.memory_space<vmem>>
      %gather3A_1481 = tpu.vector_load_idx %gather3A_1480[%iota3A, %gather3A_1467] : memref<16x128xf32, #tpu.memory_space<vmem>>[vector<16xi32>, vector<16xi32>], vector<16xf32>,
      %mul3A_1482 = arith.mulf %gather3A_1474, %gather3A_1481 : vector<16xf32>
      %reduce_sum3A_1483 = arith.constant true
      %reduce_sum3A_1484 = vector.broadcast %reduce_sum3A_1483 : i1 to vector<16xi1>
      %reduce_sum3A_1485 = tpu.scan <sum>, %mul3A_1482 masked %reduce_sum3A_1484 : vector<16xf32>, vector<16xi1> -> vector<16xf32>
      %reduce_sum3A_1486 = vector.extract %reduce_sum3A_1485[15] : f32 from vector<16xf32>
      %eq3A_1487 = arith.constant 7 : i32
      %eq3A_1488 = vector.broadcast %eq3A_1487 : i32 to vector<16xi32>
      %eq3A_1489 = arith.cmpi eq, %iota3A, %eq3A_1488 : vector<16xi32>
      %broadcast_in_dim3A_1490 = vector.broadcast %reduce_sum3A_1486 : f32 to vector<16xf32>
      %select_n3A_1491 = arith.select %eq3A_1489, %broadcast_in_dim3A_1490, %select_n3A_1459 : vector<16xi1>, vector<16xf32>
      %add3A_1492 = arith.constant 1 : i32
      %add3A_1493 = arith.addi %scan3A_975, %add3A_1492 : i32
      %lt3A_1494 = arith.constant 32 : i32
      %lt3A_1495 = arith.cmpi slt, %add3A_1493, %lt3A_1494 : i32
      %convert_element_type3A = arith.extui %lt3A_1495 : i1 to i32
      %cond3A = arith.constant 0 : i32
      %cond3A_1496 = arith.cmpi ne, %convert_element_type3A, %cond3A : i32
      %cond3A_1497:2 = scf.if %cond3A_1496 -> (vector<16xi32>, vector<16xi32>) {
        %add3A_2032 = arith.constant 1 : i32
        %add3A_2033 = arith.addi %scan3A_975, %add3A_2032 : i32
        %mul3A_2034 = arith.constant 16 : i32
        %mul3A_2035 = arith.muli %add3A_2033, %mul3A_2034 : i32
        %get3A_2036 = arith.index_cast %mul3A_2035 : i32 to index
        %get3A_2037 = tpu.vector_load %arg7[%get3A_2036] {strides = array<i32>} : memref<512xi32, #tpu.memory_space<vmem>>, vector<16xi32>,
        %mul3A_2038 = arith.constant 16 : i32
        %mul3A_2039 = arith.muli %add3A_2033, %mul3A_2038 : i32
        %get3A_2040 = arith.index_cast %mul3A_2039 : i32 to index
        %get3A_2041 = tpu.vector_load %arg8[%get3A_2040] {strides = array<i32>} : memref<512xi32, #tpu.memory_space<vmem>>, vector<16xi32>,
        %jit3A_2042 = arith.constant 128 : i32
        %div3A_2043 = vector.broadcast %jit3A_2042 : i32 to vector<16xi32>
        %div3A_2044 = arith.divsi %get3A_2037, %div3A_2043 : vector<16xi32>
        %sign3A_2045 = arith.constant 0 : i32
        %sign3A_2046 = vector.broadcast %sign3A_2045 : i32 to vector<16xi32>
        %sign3A_2047 = arith.cmpi sgt, %get3A_2037, %sign3A_2046 : vector<16xi32>
        %sign3A_2048 = arith.extui %sign3A_2047 : vector<16xi1> to vector<16xi32>
        %sign3A_2049 = arith.constant 0 : i32
        %sign3A_2050 = vector.broadcast %sign3A_2049 : i32 to vector<16xi32>
        %sign3A_2051 = arith.cmpi slt, %get3A_2037, %sign3A_2050 : vector<16xi32>
        %sign3A_2052 = arith.extui %sign3A_2051 : vector<16xi1> to vector<16xi32>
        %sign3A_2053 = arith.subi %sign3A_2048, %sign3A_2052 : vector<16xi32>
        %sign3A_2054 = arith.constant 0 : i32
        %sign3A_2055 = arith.cmpi sgt, %jit3A_2042, %sign3A_2054 : i32
        %sign3A_2056 = arith.extui %sign3A_2055 : i1 to i32
        %sign3A_2057 = arith.constant 0 : i32
        %sign3A_2058 = arith.cmpi slt, %jit3A_2042, %sign3A_2057 : i32
        %sign3A_2059 = arith.extui %sign3A_2058 : i1 to i32
        %sign3A_2060 = arith.subi %sign3A_2056, %sign3A_2059 : i32
        %ne3A_2061 = vector.broadcast %sign3A_2060 : i32 to vector<16xi32>
        %ne3A_2062 = arith.cmpi ne, %sign3A_2053, %ne3A_2061 : vector<16xi32>
        %rem3A_2063 = vector.broadcast %jit3A_2042 : i32 to vector<16xi32>
        %rem3A_2064 = arith.remsi %get3A_2037, %rem3A_2063 : vector<16xi32>
        %ne3A_2065 = arith.constant 0 : i32
        %ne3A_2066 = vector.broadcast %ne3A_2065 : i32 to vector<16xi32>
        %ne3A_2067 = arith.cmpi ne, %rem3A_2064, %ne3A_2066 : vector<16xi32>
        %and3A_2068 = arith.andi %ne3A_2062, %ne3A_2067 : vector<16xi1>
        %sub3A_2069 = arith.constant 1 : i32
        %sub3A_2070 = vector.broadcast %sub3A_2069 : i32 to vector<16xi32>
        %sub3A_2071 = arith.subi %div3A_2044, %sub3A_2070 : vector<16xi32>
        %select_n3A_2072 = arith.select %and3A_2068, %sub3A_2071, %div3A_2044 : vector<16xi1>, vector<16xi32>
        %mul3A_2073 = arith.constant 128 : i32
        %mul3A_2074 = vector.broadcast %mul3A_2073 : i32 to vector<16xi32>
        %mul3A_2075 = arith.muli %select_n3A_2072, %mul3A_2074 : vector<16xi32>
        %jit3A_2076 = arith.constant 128 : i32
        %div3A_2077 = vector.broadcast %jit3A_2076 : i32 to vector<16xi32>
        %div3A_2078 = arith.divsi %get3A_2041, %div3A_2077 : vector<16xi32>
        %sign3A_2079 = arith.constant 0 : i32
        %sign3A_2080 = vector.broadcast %sign3A_2079 : i32 to vector<16xi32>
        %sign3A_2081 = arith.cmpi sgt, %get3A_2041, %sign3A_2080 : vector<16xi32>
        %sign3A_2082 = arith.extui %sign3A_2081 : vector<16xi1> to vector<16xi32>
        %sign3A_2083 = arith.constant 0 : i32
        %sign3A_2084 = vector.broadcast %sign3A_2083 : i32 to vector<16xi32>
        %sign3A_2085 = arith.cmpi slt, %get3A_2041, %sign3A_2084 : vector<16xi32>
        %sign3A_2086 = arith.extui %sign3A_2085 : vector<16xi1> to vector<16xi32>
        %sign3A_2087 = arith.subi %sign3A_2082, %sign3A_2086 : vector<16xi32>
        %sign3A_2088 = arith.constant 0 : i32
        %sign3A_2089 = arith.cmpi sgt, %jit3A_2076, %sign3A_2088 : i32
        %sign3A_2090 = arith.extui %sign3A_2089 : i1 to i32
        %sign3A_2091 = arith.constant 0 : i32
        %sign3A_2092 = arith.cmpi slt, %jit3A_2076, %sign3A_2091 : i32
        %sign3A_2093 = arith.extui %sign3A_2092 : i1 to i32
        %sign3A_2094 = arith.subi %sign3A_2090, %sign3A_2093 : i32
        %ne3A_2095 = vector.broadcast %sign3A_2094 : i32 to vector<16xi32>
        %ne3A_2096 = arith.cmpi ne, %sign3A_2087, %ne3A_2095 : vector<16xi32>
        %rem3A_2097 = vector.broadcast %jit3A_2076 : i32 to vector<16xi32>
        %rem3A_2098 = arith.remsi %get3A_2041, %rem3A_2097 : vector<16xi32>
        %ne3A_2099 = arith.constant 0 : i32
        %ne3A_2100 = vector.broadcast %ne3A_2099 : i32 to vector<16xi32>
        %ne3A_2101 = arith.cmpi ne, %rem3A_2098, %ne3A_2100 : vector<16xi32>
        %and3A_2102 = arith.andi %ne3A_2096, %ne3A_2101 : vector<16xi1>
        %sub3A_2103 = arith.constant 1 : i32
        %sub3A_2104 = vector.broadcast %sub3A_2103 : i32 to vector<16xi32>
        %sub3A_2105 = arith.subi %div3A_2078, %sub3A_2104 : vector<16xi32>
        %select_n3A_2106 = arith.select %and3A_2102, %sub3A_2105, %div3A_2078 : vector<16xi1>, vector<16xi32>
        %mul3A_2107 = arith.constant 128 : i32
        %mul3A_2108 = vector.broadcast %mul3A_2107 : i32 to vector<16xi32>
        %mul3A_2109 = arith.muli %select_n3A_2106, %mul3A_2108 : vector<16xi32>
        %eq3A_2110 = arith.constant 0 : i32
        %eq3A_2111 = vector.broadcast %eq3A_2110 : i32 to vector<16xi32>
        %eq3A_2112 = arith.cmpi eq, %iota3A, %eq3A_2111 : vector<16xi32>
        %jit3A_2113 = arith.constant 0 : i32
        %broadcast_in_dim3A_2114 = vector.broadcast %jit3A_2113 : i32 to vector<16xi32>
        %select_n3A_2115 = arith.select %eq3A_2112, %mul3A_2075, %broadcast_in_dim3A_2114 : vector<16xi1>, vector<16xi32>
        %reduce_sum3A_2116 = arith.constant true
        %reduce_sum3A_2117 = vector.broadcast %reduce_sum3A_2116 : i1 to vector<16xi1>
        %reduce_sum3A_2118 = tpu.scan <sum>, %select_n3A_2115 masked %reduce_sum3A_2117 : vector<16xi32>, vector<16xi1> -> vector<16xi32>
        %reduce_sum3A_2119 = vector.extract %reduce_sum3A_2118[15] : i32 from vector<16xi32>
        %multiple_of3A_2120 = tpu.assume_multiple %reduce_sum3A_2119, 128 : i32
        %jit3A_2121 = arith.constant 0 : i32
        %broadcast_in_dim3A_2122 = vector.broadcast %jit3A_2121 : i32 to vector<16xi32>
        %select_n3A_2123 = arith.select %eq3A_2112, %mul3A_2109, %broadcast_in_dim3A_2122 : vector<16xi1>, vector<16xi32>
        %reduce_sum3A_2124 = arith.constant true
        %reduce_sum3A_2125 = vector.broadcast %reduce_sum3A_2124 : i1 to vector<16xi1>
        %reduce_sum3A_2126 = tpu.scan <sum>, %select_n3A_2123 masked %reduce_sum3A_2125 : vector<16xi32>, vector<16xi1> -> vector<16xi32>
        %reduce_sum3A_2127 = vector.extract %reduce_sum3A_2126[15] : i32 from vector<16xi32>
        %multiple_of3A_2128 = tpu.assume_multiple %reduce_sum3A_2127, 128 : i32
        %dma_start3A_2129 = arith.constant 0 : i32
        %dma_start3A_2130 = arith.constant 0 : i32
        %dma_start3A_2131 = arith.constant 0 : i32
        %dma_start3A_2132 = arith.constant 0 : i32
        %dma_start3A_2133 = tpu.memref_slice %arg9[%dma_start3A_2129, %dma_start3A_2130, %dma_start3A_2131, %dma_start3A_2132] : memref<2x8x16x128xf32, #tpu.memory_space<vmem>> -> memref<1x1x16x128xf32, #tpu.memory_space<vmem>>
        %dma_start3A_2134 = tpu.memref_squeeze %dma_start3A_2133 : memref<1x1x16x128xf32, #tpu.memory_space<vmem>> -> memref<16x128xf32, #tpu.memory_space<vmem>>
        %dma_start3A_2135 = arith.constant 0 : i32
        %dma_start3A_2136 = tpu.memref_slice %arg4[%dma_start3A_2135, %multiple_of3A_2120] : memref<16x1000000xf32, #tpu.memory_space<hbm>> -> memref<16x128xf32, #tpu.memory_space<hbm>>
        %dma_start3A_2137 = arith.constant 0 : i32
        %dma_start3A_2138 = arith.constant 0 : i32
        %dma_start3A_2139 = tpu.memref_slice %arg9[%dma_start3A_2129, %dma_start3A_2130, %dma_start3A_2137, %dma_start3A_2138] : memref<2x8x16x128xf32, #tpu.memory_space<vmem>> -> memref<1x1x16x128xf32, #tpu.memory_space<vmem>>
        %dma_start3A_2140 = tpu.memref_squeeze %dma_start3A_2139 : memref<1x1x16x128xf32, #tpu.memory_space<vmem>> -> memref<16x128xf32, #tpu.memory_space<vmem>>
        %dma_start3A_2141 = arith.constant 0 : i32
        %dma_start3A_2142 = tpu.memref_slice %arg4[%dma_start3A_2141, %multiple_of3A_2120] : memref<16x1000000xf32, #tpu.memory_space<hbm>> -> memref<16x128xf32, #tpu.memory_space<hbm>>
        tpu.enqueue_dma source(%dma_start3A_2142 : memref<16x128xf32, #tpu.memory_space<hbm>>) target(%dma_start3A_2140 : memref<16x128xf32, #tpu.memory_space<vmem>>) target_semaphore(%arg12 : memref<!tpu.dma_semaphore, #tpu.memory_space<semaphore_mem>>)
        %dma_start3A_2143 = arith.constant 0 : i32
        %dma_start3A_2144 = arith.constant 0 : i32
        %dma_start3A_2145 = arith.constant 0 : i32
        %dma_start3A_2146 = arith.constant 0 : i32
        %dma_start3A_2147 = tpu.memref_slice %arg10[%dma_start3A_2143, %dma_start3A_2144, %dma_start3A_2145, %dma_start3A_2146] : memref<2x8x16x128xf32, #tpu.memory_space<vmem>> -> memref<1x1x16x128xf32, #tpu.memory_space<vmem>>
        %dma_start3A_2148 = tpu.memref_squeeze %dma_start3A_2147 : memref<1x1x16x128xf32, #tpu.memory_space<vmem>> -> memref<16x128xf32, #tpu.memory_space<vmem>>
        %dma_start3A_2149 = arith.constant 0 : i32
        %dma_start3A_2150 = tpu.memref_slice %arg5[%dma_start3A_2149, %multiple_of3A_2128] : memref<16x1000000xf32, #tpu.memory_space<hbm>> -> memref<16x128xf32, #tpu.memory_space<hbm>>
        %dma_start3A_2151 = arith.constant 0 : i32
        %dma_start3A_2152 = arith.constant 0 : i32
        %dma_start3A_2153 = tpu.memref_slice %arg10[%dma_start3A_2143, %dma_start3A_2144, %dma_start3A_2151, %dma_start3A_2152] : memref<2x8x16x128xf32, #tpu.memory_space<vmem>> -> memref<1x1x16x128xf32, #tpu.memory_space<vmem>>
        %dma_start3A_2154 = tpu.memref_squeeze %dma_start3A_2153 : memref<1x1x16x128xf32, #tpu.memory_space<vmem>> -> memref<16x128xf32, #tpu.memory_space<vmem>>
        %dma_start3A_2155 = arith.constant 0 : i32
        %dma_start3A_2156 = tpu.memref_slice %arg5[%dma_start3A_2155, %multiple_of3A_2128] : memref<16x1000000xf32, #tpu.memory_space<hbm>> -> memref<16x128xf32, #tpu.memory_space<hbm>>
        tpu.enqueue_dma source(%dma_start3A_2156 : memref<16x128xf32, #tpu.memory_space<hbm>>) target(%dma_start3A_2154 : memref<16x128xf32, #tpu.memory_space<vmem>>) target_semaphore(%arg12 : memref<!tpu.dma_semaphore, #tpu.memory_space<semaphore_mem>>)
        %eq3A_2157 = arith.constant 1 : i32
        %eq3A_2158 = vector.broadcast %eq3A_2157 : i32 to vector<16xi32>
        %eq3A_2159 = arith.cmpi eq, %iota3A, %eq3A_2158 : vector<16xi32>
        %jit3A_2160 = arith.constant 0 : i32
        %broadcast_in_dim3A_2161 = vector.broadcast %jit3A_2160 : i32 to vector<16xi32>
        %select_n3A_2162 = arith.select %eq3A_2159, %mul3A_2075, %broadcast_in_dim3A_2161 : vector<16xi1>, vector<16xi32>
        %reduce_sum3A_2163 = arith.constant true
        %reduce_sum3A_2164 = vector.broadcast %reduce_sum3A_2163 : i1 to vector<16xi1>
        %reduce_sum3A_2165 = tpu.scan <sum>, %select_n3A_2162 masked %reduce_sum3A_2164 : vector<16xi32>, vector<16xi1> -> vector<16xi32>
        %reduce_sum3A_2166 = vector.extract %reduce_sum3A_2165[15] : i32 from vector<16xi32>
        %multiple_of3A_2167 = tpu.assume_multiple %reduce_sum3A_2166, 128 : i32
        %jit3A_2168 = arith.constant 0 : i32
        %broadcast_in_dim3A_2169 = vector.broadcast %jit3A_2168 : i32 to vector<16xi32>
        %select_n3A_2170 = arith.select %eq3A_2159, %mul3A_2109, %broadcast_in_dim3A_2169 : vector<16xi1>, vector<16xi32>
        %reduce_sum3A_2171 = arith.constant true
        %reduce_sum3A_2172 = vector.broadcast %reduce_sum3A_2171 : i1 to vector<16xi1>
        %reduce_sum3A_2173 = tpu.scan <sum>, %select_n3A_2170 masked %reduce_sum3A_2172 : vector<16xi32>, vector<16xi1> -> vector<16xi32>
        %reduce_sum3A_2174 = vector.extract %reduce_sum3A_2173[15] : i32 from vector<16xi32>
        %multiple_of3A_2175 = tpu.assume_multiple %reduce_sum3A_2174, 128 : i32
        %dma_start3A_2176 = arith.constant 0 : i32
        %dma_start3A_2177 = arith.constant 1 : i32
        %dma_start3A_2178 = arith.constant 0 : i32
        %dma_start3A_2179 = arith.constant 0 : i32
        %dma_start3A_2180 = tpu.memref_slice %arg9[%dma_start3A_2176, %dma_start3A_2177, %dma_start3A_2178, %dma_start3A_2179] : memref<2x8x16x128xf32, #tpu.memory_space<vmem>> -> memref<1x1x16x128xf32, #tpu.memory_space<vmem>>
        %dma_start3A_2181 = tpu.memref_squeeze %dma_start3A_2180 : memref<1x1x16x128xf32, #tpu.memory_space<vmem>> -> memref<16x128xf32, #tpu.memory_space<vmem>>
        %dma_start3A_2182 = arith.constant 0 : i32
        %dma_start3A_2183 = tpu.memref_slice %arg4[%dma_start3A_2182, %multiple_of3A_2167] : memref<16x1000000xf32, #tpu.memory_space<hbm>> -> memref<16x128xf32, #tpu.memory_space<hbm>>
        %dma_start3A_2184 = arith.constant 0 : i32
        %dma_start3A_2185 = arith.constant 0 : i32
        %dma_start3A_2186 = tpu.memref_slice %arg9[%dma_start3A_2176, %dma_start3A_2177, %dma_start3A_2184, %dma_start3A_2185] : memref<2x8x16x128xf32, #tpu.memory_space<vmem>> -> memref<1x1x16x128xf32, #tpu.memory_space<vmem>>
        %dma_start3A_2187 = tpu.memref_squeeze %dma_start3A_2186 : memref<1x1x16x128xf32, #tpu.memory_space<vmem>> -> memref<16x128xf32, #tpu.memory_space<vmem>>
        %dma_start3A_2188 = arith.constant 0 : i32
        %dma_start3A_2189 = tpu.memref_slice %arg4[%dma_start3A_2188, %multiple_of3A_2167] : memref<16x1000000xf32, #tpu.memory_space<hbm>> -> memref<16x128xf32, #tpu.memory_space<hbm>>
        tpu.enqueue_dma source(%dma_start3A_2189 : memref<16x128xf32, #tpu.memory_space<hbm>>) target(%dma_start3A_2187 : memref<16x128xf32, #tpu.memory_space<vmem>>) target_semaphore(%arg12 : memref<!tpu.dma_semaphore, #tpu.memory_space<semaphore_mem>>)
        %dma_start3A_2190 = arith.constant 0 : i32
        %dma_start3A_2191 = arith.constant 1 : i32
        %dma_start3A_2192 = arith.constant 0 : i32
        %dma_start3A_2193 = arith.constant 0 : i32
        %dma_start3A_2194 = tpu.memref_slice %arg10[%dma_start3A_2190, %dma_start3A_2191, %dma_start3A_2192, %dma_start3A_2193] : memref<2x8x16x128xf32, #tpu.memory_space<vmem>> -> memref<1x1x16x128xf32, #tpu.memory_space<vmem>>
        %dma_start3A_2195 = tpu.memref_squeeze %dma_start3A_2194 : memref<1x1x16x128xf32, #tpu.memory_space<vmem>> -> memref<16x128xf32, #tpu.memory_space<vmem>>
        %dma_start3A_2196 = arith.constant 0 : i32
        %dma_start3A_2197 = tpu.memref_slice %arg5[%dma_start3A_2196, %multiple_of3A_2175] : memref<16x1000000xf32, #tpu.memory_space<hbm>> -> memref<16x128xf32, #tpu.memory_space<hbm>>
        %dma_start3A_2198 = arith.constant 0 : i32
        %dma_start3A_2199 = arith.constant 0 : i32
        %dma_start3A_2200 = tpu.memref_slice %arg10[%dma_start3A_2190, %dma_start3A_2191, %dma_start3A_2198, %dma_start3A_2199] : memref<2x8x16x128xf32, #tpu.memory_space<vmem>> -> memref<1x1x16x128xf32, #tpu.memory_space<vmem>>
        %dma_start3A_2201 = tpu.memref_squeeze %dma_start3A_2200 : memref<1x1x16x128xf32, #tpu.memory_space<vmem>> -> memref<16x128xf32, #tpu.memory_space<vmem>>
        %dma_start3A_2202 = arith.constant 0 : i32
        %dma_start3A_2203 = tpu.memref_slice %arg5[%dma_start3A_2202, %multiple_of3A_2175] : memref<16x1000000xf32, #tpu.memory_space<hbm>> -> memref<16x128xf32, #tpu.memory_space<hbm>>
        tpu.enqueue_dma source(%dma_start3A_2203 : memref<16x128xf32, #tpu.memory_space<hbm>>) target(%dma_start3A_2201 : memref<16x128xf32, #tpu.memory_space<vmem>>) target_semaphore(%arg12 : memref<!tpu.dma_semaphore, #tpu.memory_space<semaphore_mem>>)
        %eq3A_2204 = arith.constant 2 : i32
        %eq3A_2205 = vector.broadcast %eq3A_2204 : i32 to vector<16xi32>
        %eq3A_2206 = arith.cmpi eq, %iota3A, %eq3A_2205 : vector<16xi32>
        %jit3A_2207 = arith.constant 0 : i32
        %broadcast_in_dim3A_2208 = vector.broadcast %jit3A_2207 : i32 to vector<16xi32>
        %select_n3A_2209 = arith.select %eq3A_2206, %mul3A_2075, %broadcast_in_dim3A_2208 : vector<16xi1>, vector<16xi32>
        %reduce_sum3A_2210 = arith.constant true
        %reduce_sum3A_2211 = vector.broadcast %reduce_sum3A_2210 : i1 to vector<16xi1>
        %reduce_sum3A_2212 = tpu.scan <sum>, %select_n3A_2209 masked %reduce_sum3A_2211 : vector<16xi32>, vector<16xi1> -> vector<16xi32>
        %reduce_sum3A_2213 = vector.extract %reduce_sum3A_2212[15] : i32 from vector<16xi32>
        %multiple_of3A_2214 = tpu.assume_multiple %reduce_sum3A_2213, 128 : i32
        %jit3A_2215 = arith.constant 0 : i32
        %broadcast_in_dim3A_2216 = vector.broadcast %jit3A_2215 : i32 to vector<16xi32>
        %select_n3A_2217 = arith.select %eq3A_2206, %mul3A_2109, %broadcast_in_dim3A_2216 : vector<16xi1>, vector<16xi32>
        %reduce_sum3A_2218 = arith.constant true
        %reduce_sum3A_2219 = vector.broadcast %reduce_sum3A_2218 : i1 to vector<16xi1>
        %reduce_sum3A_2220 = tpu.scan <sum>, %select_n3A_2217 masked %reduce_sum3A_2219 : vector<16xi32>, vector<16xi1> -> vector<16xi32>
        %reduce_sum3A_2221 = vector.extract %reduce_sum3A_2220[15] : i32 from vector<16xi32>
        %multiple_of3A_2222 = tpu.assume_multiple %reduce_sum3A_2221, 128 : i32
        %dma_start3A_2223 = arith.constant 0 : i32
        %dma_start3A_2224 = arith.constant 2 : i32
        %dma_start3A_2225 = arith.constant 0 : i32
        %dma_start3A_2226 = arith.constant 0 : i32
        %dma_start3A_2227 = tpu.memref_slice %arg9[%dma_start3A_2223, %dma_start3A_2224, %dma_start3A_2225, %dma_start3A_2226] : memref<2x8x16x128xf32, #tpu.memory_space<vmem>> -> memref<1x1x16x128xf32, #tpu.memory_space<vmem>>
        %dma_start3A_2228 = tpu.memref_squeeze %dma_start3A_2227 : memref<1x1x16x128xf32, #tpu.memory_space<vmem>> -> memref<16x128xf32, #tpu.memory_space<vmem>>
        %dma_start3A_2229 = arith.constant 0 : i32
        %dma_start3A_2230 = tpu.memref_slice %arg4[%dma_start3A_2229, %multiple_of3A_2214] : memref<16x1000000xf32, #tpu.memory_space<hbm>> -> memref<16x128xf32, #tpu.memory_space<hbm>>
        %dma_start3A_2231 = arith.constant 0 : i32
        %dma_start3A_2232 = arith.constant 0 : i32
        %dma_start3A_2233 = tpu.memref_slice %arg9[%dma_start3A_2223, %dma_start3A_2224, %dma_start3A_2231, %dma_start3A_2232] : memref<2x8x16x128xf32, #tpu.memory_space<vmem>> -> memref<1x1x16x128xf32, #tpu.memory_space<vmem>>
        %dma_start3A_2234 = tpu.memref_squeeze %dma_start3A_2233 : memref<1x1x16x128xf32, #tpu.memory_space<vmem>> -> memref<16x128xf32, #tpu.memory_space<vmem>>
        %dma_start3A_2235 = arith.constant 0 : i32
        %dma_start3A_2236 = tpu.memref_slice %arg4[%dma_start3A_2235, %multiple_of3A_2214] : memref<16x1000000xf32, #tpu.memory_space<hbm>> -> memref<16x128xf32, #tpu.memory_space<hbm>>
        tpu.enqueue_dma source(%dma_start3A_2236 : memref<16x128xf32, #tpu.memory_space<hbm>>) target(%dma_start3A_2234 : memref<16x128xf32, #tpu.memory_space<vmem>>) target_semaphore(%arg12 : memref<!tpu.dma_semaphore, #tpu.memory_space<semaphore_mem>>)
        %dma_start3A_2237 = arith.constant 0 : i32
        %dma_start3A_2238 = arith.constant 2 : i32
        %dma_start3A_2239 = arith.constant 0 : i32
        %dma_start3A_2240 = arith.constant 0 : i32
        %dma_start3A_2241 = tpu.memref_slice %arg10[%dma_start3A_2237, %dma_start3A_2238, %dma_start3A_2239, %dma_start3A_2240] : memref<2x8x16x128xf32, #tpu.memory_space<vmem>> -> memref<1x1x16x128xf32, #tpu.memory_space<vmem>>
        %dma_start3A_2242 = tpu.memref_squeeze %dma_start3A_2241 : memref<1x1x16x128xf32, #tpu.memory_space<vmem>> -> memref<16x128xf32, #tpu.memory_space<vmem>>
        %dma_start3A_2243 = arith.constant 0 : i32
        %dma_start3A_2244 = tpu.memref_slice %arg5[%dma_start3A_2243, %multiple_of3A_2222] : memref<16x1000000xf32, #tpu.memory_space<hbm>> -> memref<16x128xf32, #tpu.memory_space<hbm>>
        %dma_start3A_2245 = arith.constant 0 : i32
        %dma_start3A_2246 = arith.constant 0 : i32
        %dma_start3A_2247 = tpu.memref_slice %arg10[%dma_start3A_2237, %dma_start3A_2238, %dma_start3A_2245, %dma_start3A_2246] : memref<2x8x16x128xf32, #tpu.memory_space<vmem>> -> memref<1x1x16x128xf32, #tpu.memory_space<vmem>>
        %dma_start3A_2248 = tpu.memref_squeeze %dma_start3A_2247 : memref<1x1x16x128xf32, #tpu.memory_space<vmem>> -> memref<16x128xf32, #tpu.memory_space<vmem>>
        %dma_start3A_2249 = arith.constant 0 : i32
        %dma_start3A_2250 = tpu.memref_slice %arg5[%dma_start3A_2249, %multiple_of3A_2222] : memref<16x1000000xf32, #tpu.memory_space<hbm>> -> memref<16x128xf32, #tpu.memory_space<hbm>>
        tpu.enqueue_dma source(%dma_start3A_2250 : memref<16x128xf32, #tpu.memory_space<hbm>>) target(%dma_start3A_2248 : memref<16x128xf32, #tpu.memory_space<vmem>>) target_semaphore(%arg12 : memref<!tpu.dma_semaphore, #tpu.memory_space<semaphore_mem>>)
        %eq3A_2251 = arith.constant 3 : i32
        %eq3A_2252 = vector.broadcast %eq3A_2251 : i32 to vector<16xi32>
        %eq3A_2253 = arith.cmpi eq, %iota3A, %eq3A_2252 : vector<16xi32>
        %jit3A_2254 = arith.constant 0 : i32
        %broadcast_in_dim3A_2255 = vector.broadcast %jit3A_2254 : i32 to vector<16xi32>
        %select_n3A_2256 = arith.select %eq3A_2253, %mul3A_2075, %broadcast_in_dim3A_2255 : vector<16xi1>, vector<16xi32>
        %reduce_sum3A_2257 = arith.constant true
        %reduce_sum3A_2258 = vector.broadcast %reduce_sum3A_2257 : i1 to vector<16xi1>
        %reduce_sum3A_2259 = tpu.scan <sum>, %select_n3A_2256 masked %reduce_sum3A_2258 : vector<16xi32>, vector<16xi1> -> vector<16xi32>
        %reduce_sum3A_2260 = vector.extract %reduce_sum3A_2259[15] : i32 from vector<16xi32>
        %multiple_of3A_2261 = tpu.assume_multiple %reduce_sum3A_2260, 128 : i32
        %jit3A_2262 = arith.constant 0 : i32
        %broadcast_in_dim3A_2263 = vector.broadcast %jit3A_2262 : i32 to vector<16xi32>
        %select_n3A_2264 = arith.select %eq3A_2253, %mul3A_2109, %broadcast_in_dim3A_2263 : vector<16xi1>, vector<16xi32>
        %reduce_sum3A_2265 = arith.constant true
        %reduce_sum3A_2266 = vector.broadcast %reduce_sum3A_2265 : i1 to vector<16xi1>
        %reduce_sum3A_2267 = tpu.scan <sum>, %select_n3A_2264 masked %reduce_sum3A_2266 : vector<16xi32>, vector<16xi1> -> vector<16xi32>
        %reduce_sum3A_2268 = vector.extract %reduce_sum3A_2267[15] : i32 from vector<16xi32>
        %multiple_of3A_2269 = tpu.assume_multiple %reduce_sum3A_2268, 128 : i32
        %dma_start3A_2270 = arith.constant 0 : i32
        %dma_start3A_2271 = arith.constant 3 : i32
        %dma_start3A_2272 = arith.constant 0 : i32
        %dma_start3A_2273 = arith.constant 0 : i32
        %dma_start3A_2274 = tpu.memref_slice %arg9[%dma_start3A_2270, %dma_start3A_2271, %dma_start3A_2272, %dma_start3A_2273] : memref<2x8x16x128xf32, #tpu.memory_space<vmem>> -> memref<1x1x16x128xf32, #tpu.memory_space<vmem>>
        %dma_start3A_2275 = tpu.memref_squeeze %dma_start3A_2274 : memref<1x1x16x128xf32, #tpu.memory_space<vmem>> -> memref<16x128xf32, #tpu.memory_space<vmem>>
        %dma_start3A_2276 = arith.constant 0 : i32
        %dma_start3A_2277 = tpu.memref_slice %arg4[%dma_start3A_2276, %multiple_of3A_2261] : memref<16x1000000xf32, #tpu.memory_space<hbm>> -> memref<16x128xf32, #tpu.memory_space<hbm>>
        %dma_start3A_2278 = arith.constant 0 : i32
        %dma_start3A_2279 = arith.constant 0 : i32
        %dma_start3A_2280 = tpu.memref_slice %arg9[%dma_start3A_2270, %dma_start3A_2271, %dma_start3A_2278, %dma_start3A_2279] : memref<2x8x16x128xf32, #tpu.memory_space<vmem>> -> memref<1x1x16x128xf32, #tpu.memory_space<vmem>>
        %dma_start3A_2281 = tpu.memref_squeeze %dma_start3A_2280 : memref<1x1x16x128xf32, #tpu.memory_space<vmem>> -> memref<16x128xf32, #tpu.memory_space<vmem>>
        %dma_start3A_2282 = arith.constant 0 : i32
        %dma_start3A_2283 = tpu.memref_slice %arg4[%dma_start3A_2282, %multiple_of3A_2261] : memref<16x1000000xf32, #tpu.memory_space<hbm>> -> memref<16x128xf32, #tpu.memory_space<hbm>>
        tpu.enqueue_dma source(%dma_start3A_2283 : memref<16x128xf32, #tpu.memory_space<hbm>>) target(%dma_start3A_2281 : memref<16x128xf32, #tpu.memory_space<vmem>>) target_semaphore(%arg12 : memref<!tpu.dma_semaphore, #tpu.memory_space<semaphore_mem>>)
        %dma_start3A_2284 = arith.constant 0 : i32
        %dma_start3A_2285 = arith.constant 3 : i32
        %dma_start3A_2286 = arith.constant 0 : i32
        %dma_start3A_2287 = arith.constant 0 : i32
        %dma_start3A_2288 = tpu.memref_slice %arg10[%dma_start3A_2284, %dma_start3A_2285, %dma_start3A_2286, %dma_start3A_2287] : memref<2x8x16x128xf32, #tpu.memory_space<vmem>> -> memref<1x1x16x128xf32, #tpu.memory_space<vmem>>
        %dma_start3A_2289 = tpu.memref_squeeze %dma_start3A_2288 : memref<1x1x16x128xf32, #tpu.memory_space<vmem>> -> memref<16x128xf32, #tpu.memory_space<vmem>>
        %dma_start3A_2290 = arith.constant 0 : i32
        %dma_start3A_2291 = tpu.memref_slice %arg5[%dma_start3A_2290, %multiple_of3A_2269] : memref<16x1000000xf32, #tpu.memory_space<hbm>> -> memref<16x128xf32, #tpu.memory_space<hbm>>
        %dma_start3A_2292 = arith.constant 0 : i32
        %dma_start3A_2293 = arith.constant 0 : i32
        %dma_start3A_2294 = tpu.memref_slice %arg10[%dma_start3A_2284, %dma_start3A_2285, %dma_start3A_2292, %dma_start3A_2293] : memref<2x8x16x128xf32, #tpu.memory_space<vmem>> -> memref<1x1x16x128xf32, #tpu.memory_space<vmem>>
        %dma_start3A_2295 = tpu.memref_squeeze %dma_start3A_2294 : memref<1x1x16x128xf32, #tpu.memory_space<vmem>> -> memref<16x128xf32, #tpu.memory_space<vmem>>
        %dma_start3A_2296 = arith.constant 0 : i32
        %dma_start3A_2297 = tpu.memref_slice %arg5[%dma_start3A_2296, %multiple_of3A_2269] : memref<16x1000000xf32, #tpu.memory_space<hbm>> -> memref<16x128xf32, #tpu.memory_space<hbm>>
        tpu.enqueue_dma source(%dma_start3A_2297 : memref<16x128xf32, #tpu.memory_space<hbm>>) target(%dma_start3A_2295 : memref<16x128xf32, #tpu.memory_space<vmem>>) target_semaphore(%arg12 : memref<!tpu.dma_semaphore, #tpu.memory_space<semaphore_mem>>)
        %eq3A_2298 = arith.constant 4 : i32
        %eq3A_2299 = vector.broadcast %eq3A_2298 : i32 to vector<16xi32>
        %eq3A_2300 = arith.cmpi eq, %iota3A, %eq3A_2299 : vector<16xi32>
        %jit3A_2301 = arith.constant 0 : i32
        %broadcast_in_dim3A_2302 = vector.broadcast %jit3A_2301 : i32 to vector<16xi32>
        %select_n3A_2303 = arith.select %eq3A_2300, %mul3A_2075, %broadcast_in_dim3A_2302 : vector<16xi1>, vector<16xi32>
        %reduce_sum3A_2304 = arith.constant true
        %reduce_sum3A_2305 = vector.broadcast %reduce_sum3A_2304 : i1 to vector<16xi1>
        %reduce_sum3A_2306 = tpu.scan <sum>, %select_n3A_2303 masked %reduce_sum3A_2305 : vector<16xi32>, vector<16xi1> -> vector<16xi32>
        %reduce_sum3A_2307 = vector.extract %reduce_sum3A_2306[15] : i32 from vector<16xi32>
        %multiple_of3A_2308 = tpu.assume_multiple %reduce_sum3A_2307, 128 : i32
        %jit3A_2309 = arith.constant 0 : i32
        %broadcast_in_dim3A_2310 = vector.broadcast %jit3A_2309 : i32 to vector<16xi32>
        %select_n3A_2311 = arith.select %eq3A_2300, %mul3A_2109, %broadcast_in_dim3A_2310 : vector<16xi1>, vector<16xi32>
        %reduce_sum3A_2312 = arith.constant true
        %reduce_sum3A_2313 = vector.broadcast %reduce_sum3A_2312 : i1 to vector<16xi1>
        %reduce_sum3A_2314 = tpu.scan <sum>, %select_n3A_2311 masked %reduce_sum3A_2313 : vector<16xi32>, vector<16xi1> -> vector<16xi32>
        %reduce_sum3A_2315 = vector.extract %reduce_sum3A_2314[15] : i32 from vector<16xi32>
        %multiple_of3A_2316 = tpu.assume_multiple %reduce_sum3A_2315, 128 : i32
        %dma_start3A_2317 = arith.constant 0 : i32
        %dma_start3A_2318 = arith.constant 4 : i32
        %dma_start3A_2319 = arith.constant 0 : i32
        %dma_start3A_2320 = arith.constant 0 : i32
        %dma_start3A_2321 = tpu.memref_slice %arg9[%dma_start3A_2317, %dma_start3A_2318, %dma_start3A_2319, %dma_start3A_2320] : memref<2x8x16x128xf32, #tpu.memory_space<vmem>> -> memref<1x1x16x128xf32, #tpu.memory_space<vmem>>
        %dma_start3A_2322 = tpu.memref_squeeze %dma_start3A_2321 : memref<1x1x16x128xf32, #tpu.memory_space<vmem>> -> memref<16x128xf32, #tpu.memory_space<vmem>>
        %dma_start3A_2323 = arith.constant 0 : i32
        %dma_start3A_2324 = tpu.memref_slice %arg4[%dma_start3A_2323, %multiple_of3A_2308] : memref<16x1000000xf32, #tpu.memory_space<hbm>> -> memref<16x128xf32, #tpu.memory_space<hbm>>
        %dma_start3A_2325 = arith.constant 0 : i32
        %dma_start3A_2326 = arith.constant 0 : i32
        %dma_start3A_2327 = tpu.memref_slice %arg9[%dma_start3A_2317, %dma_start3A_2318, %dma_start3A_2325, %dma_start3A_2326] : memref<2x8x16x128xf32, #tpu.memory_space<vmem>> -> memref<1x1x16x128xf32, #tpu.memory_space<vmem>>
        %dma_start3A_2328 = tpu.memref_squeeze %dma_start3A_2327 : memref<1x1x16x128xf32, #tpu.memory_space<vmem>> -> memref<16x128xf32, #tpu.memory_space<vmem>>
        %dma_start3A_2329 = arith.constant 0 : i32
        %dma_start3A_2330 = tpu.memref_slice %arg4[%dma_start3A_2329, %multiple_of3A_2308] : memref<16x1000000xf32, #tpu.memory_space<hbm>> -> memref<16x128xf32, #tpu.memory_space<hbm>>
        tpu.enqueue_dma source(%dma_start3A_2330 : memref<16x128xf32, #tpu.memory_space<hbm>>) target(%dma_start3A_2328 : memref<16x128xf32, #tpu.memory_space<vmem>>) target_semaphore(%arg12 : memref<!tpu.dma_semaphore, #tpu.memory_space<semaphore_mem>>)
        %dma_start3A_2331 = arith.constant 0 : i32
        %dma_start3A_2332 = arith.constant 4 : i32
        %dma_start3A_2333 = arith.constant 0 : i32
        %dma_start3A_2334 = arith.constant 0 : i32
        %dma_start3A_2335 = tpu.memref_slice %arg10[%dma_start3A_2331, %dma_start3A_2332, %dma_start3A_2333, %dma_start3A_2334] : memref<2x8x16x128xf32, #tpu.memory_space<vmem>> -> memref<1x1x16x128xf32, #tpu.memory_space<vmem>>
        %dma_start3A_2336 = tpu.memref_squeeze %dma_start3A_2335 : memref<1x1x16x128xf32, #tpu.memory_space<vmem>> -> memref<16x128xf32, #tpu.memory_space<vmem>>
        %dma_start3A_2337 = arith.constant 0 : i32
        %dma_start3A_2338 = tpu.memref_slice %arg5[%dma_start3A_2337, %multiple_of3A_2316] : memref<16x1000000xf32, #tpu.memory_space<hbm>> -> memref<16x128xf32, #tpu.memory_space<hbm>>
        %dma_start3A_2339 = arith.constant 0 : i32
        %dma_start3A_2340 = arith.constant 0 : i32
        %dma_start3A_2341 = tpu.memref_slice %arg10[%dma_start3A_2331, %dma_start3A_2332, %dma_start3A_2339, %dma_start3A_2340] : memref<2x8x16x128xf32, #tpu.memory_space<vmem>> -> memref<1x1x16x128xf32, #tpu.memory_space<vmem>>
        %dma_start3A_2342 = tpu.memref_squeeze %dma_start3A_2341 : memref<1x1x16x128xf32, #tpu.memory_space<vmem>> -> memref<16x128xf32, #tpu.memory_space<vmem>>
        %dma_start3A_2343 = arith.constant 0 : i32
        %dma_start3A_2344 = tpu.memref_slice %arg5[%dma_start3A_2343, %multiple_of3A_2316] : memref<16x1000000xf32, #tpu.memory_space<hbm>> -> memref<16x128xf32, #tpu.memory_space<hbm>>
        tpu.enqueue_dma source(%dma_start3A_2344 : memref<16x128xf32, #tpu.memory_space<hbm>>) target(%dma_start3A_2342 : memref<16x128xf32, #tpu.memory_space<vmem>>) target_semaphore(%arg12 : memref<!tpu.dma_semaphore, #tpu.memory_space<semaphore_mem>>)
        %eq3A_2345 = arith.constant 5 : i32
        %eq3A_2346 = vector.broadcast %eq3A_2345 : i32 to vector<16xi32>
        %eq3A_2347 = arith.cmpi eq, %iota3A, %eq3A_2346 : vector<16xi32>
        %jit3A_2348 = arith.constant 0 : i32
        %broadcast_in_dim3A_2349 = vector.broadcast %jit3A_2348 : i32 to vector<16xi32>
        %select_n3A_2350 = arith.select %eq3A_2347, %mul3A_2075, %broadcast_in_dim3A_2349 : vector<16xi1>, vector<16xi32>
        %reduce_sum3A_2351 = arith.constant true
        %reduce_sum3A_2352 = vector.broadcast %reduce_sum3A_2351 : i1 to vector<16xi1>
        %reduce_sum3A_2353 = tpu.scan <sum>, %select_n3A_2350 masked %reduce_sum3A_2352 : vector<16xi32>, vector<16xi1> -> vector<16xi32>
        %reduce_sum3A_2354 = vector.extract %reduce_sum3A_2353[15] : i32 from vector<16xi32>
        %multiple_of3A_2355 = tpu.assume_multiple %reduce_sum3A_2354, 128 : i32
        %jit3A_2356 = arith.constant 0 : i32
        %broadcast_in_dim3A_2357 = vector.broadcast %jit3A_2356 : i32 to vector<16xi32>
        %select_n3A_2358 = arith.select %eq3A_2347, %mul3A_2109, %broadcast_in_dim3A_2357 : vector<16xi1>, vector<16xi32>
        %reduce_sum3A_2359 = arith.constant true
        %reduce_sum3A_2360 = vector.broadcast %reduce_sum3A_2359 : i1 to vector<16xi1>
        %reduce_sum3A_2361 = tpu.scan <sum>, %select_n3A_2358 masked %reduce_sum3A_2360 : vector<16xi32>, vector<16xi1> -> vector<16xi32>
        %reduce_sum3A_2362 = vector.extract %reduce_sum3A_2361[15] : i32 from vector<16xi32>
        %multiple_of3A_2363 = tpu.assume_multiple %reduce_sum3A_2362, 128 : i32
        %dma_start3A_2364 = arith.constant 0 : i32
        %dma_start3A_2365 = arith.constant 5 : i32
        %dma_start3A_2366 = arith.constant 0 : i32
        %dma_start3A_2367 = arith.constant 0 : i32
        %dma_start3A_2368 = tpu.memref_slice %arg9[%dma_start3A_2364, %dma_start3A_2365, %dma_start3A_2366, %dma_start3A_2367] : memref<2x8x16x128xf32, #tpu.memory_space<vmem>> -> memref<1x1x16x128xf32, #tpu.memory_space<vmem>>
        %dma_start3A_2369 = tpu.memref_squeeze %dma_start3A_2368 : memref<1x1x16x128xf32, #tpu.memory_space<vmem>> -> memref<16x128xf32, #tpu.memory_space<vmem>>
        %dma_start3A_2370 = arith.constant 0 : i32
        %dma_start3A_2371 = tpu.memref_slice %arg4[%dma_start3A_2370, %multiple_of3A_2355] : memref<16x1000000xf32, #tpu.memory_space<hbm>> -> memref<16x128xf32, #tpu.memory_space<hbm>>
        %dma_start3A_2372 = arith.constant 0 : i32
        %dma_start3A_2373 = arith.constant 0 : i32
        %dma_start3A_2374 = tpu.memref_slice %arg9[%dma_start3A_2364, %dma_start3A_2365, %dma_start3A_2372, %dma_start3A_2373] : memref<2x8x16x128xf32, #tpu.memory_space<vmem>> -> memref<1x1x16x128xf32, #tpu.memory_space<vmem>>
        %dma_start3A_2375 = tpu.memref_squeeze %dma_start3A_2374 : memref<1x1x16x128xf32, #tpu.memory_space<vmem>> -> memref<16x128xf32, #tpu.memory_space<vmem>>
        %dma_start3A_2376 = arith.constant 0 : i32
        %dma_start3A_2377 = tpu.memref_slice %arg4[%dma_start3A_2376, %multiple_of3A_2355] : memref<16x1000000xf32, #tpu.memory_space<hbm>> -> memref<16x128xf32, #tpu.memory_space<hbm>>
        tpu.enqueue_dma source(%dma_start3A_2377 : memref<16x128xf32, #tpu.memory_space<hbm>>) target(%dma_start3A_2375 : memref<16x128xf32, #tpu.memory_space<vmem>>) target_semaphore(%arg12 : memref<!tpu.dma_semaphore, #tpu.memory_space<semaphore_mem>>)
        %dma_start3A_2378 = arith.constant 0 : i32
        %dma_start3A_2379 = arith.constant 5 : i32
        %dma_start3A_2380 = arith.constant 0 : i32
        %dma_start3A_2381 = arith.constant 0 : i32
        %dma_start3A_2382 = tpu.memref_slice %arg10[%dma_start3A_2378, %dma_start3A_2379, %dma_start3A_2380, %dma_start3A_2381] : memref<2x8x16x128xf32, #tpu.memory_space<vmem>> -> memref<1x1x16x128xf32, #tpu.memory_space<vmem>>
        %dma_start3A_2383 = tpu.memref_squeeze %dma_start3A_2382 : memref<1x1x16x128xf32, #tpu.memory_space<vmem>> -> memref<16x128xf32, #tpu.memory_space<vmem>>
        %dma_start3A_2384 = arith.constant 0 : i32
        %dma_start3A_2385 = tpu.memref_slice %arg5[%dma_start3A_2384, %multiple_of3A_2363] : memref<16x1000000xf32, #tpu.memory_space<hbm>> -> memref<16x128xf32, #tpu.memory_space<hbm>>
        %dma_start3A_2386 = arith.constant 0 : i32
        %dma_start3A_2387 = arith.constant 0 : i32
        %dma_start3A_2388 = tpu.memref_slice %arg10[%dma_start3A_2378, %dma_start3A_2379, %dma_start3A_2386, %dma_start3A_2387] : memref<2x8x16x128xf32, #tpu.memory_space<vmem>> -> memref<1x1x16x128xf32, #tpu.memory_space<vmem>>
        %dma_start3A_2389 = tpu.memref_squeeze %dma_start3A_2388 : memref<1x1x16x128xf32, #tpu.memory_space<vmem>> -> memref<16x128xf32, #tpu.memory_space<vmem>>
        %dma_start3A_2390 = arith.constant 0 : i32
        %dma_start3A_2391 = tpu.memref_slice %arg5[%dma_start3A_2390, %multiple_of3A_2363] : memref<16x1000000xf32, #tpu.memory_space<hbm>> -> memref<16x128xf32, #tpu.memory_space<hbm>>
        tpu.enqueue_dma source(%dma_start3A_2391 : memref<16x128xf32, #tpu.memory_space<hbm>>) target(%dma_start3A_2389 : memref<16x128xf32, #tpu.memory_space<vmem>>) target_semaphore(%arg12 : memref<!tpu.dma_semaphore, #tpu.memory_space<semaphore_mem>>)
        %eq3A_2392 = arith.constant 6 : i32
        %eq3A_2393 = vector.broadcast %eq3A_2392 : i32 to vector<16xi32>
        %eq3A_2394 = arith.cmpi eq, %iota3A, %eq3A_2393 : vector<16xi32>
        %jit3A_2395 = arith.constant 0 : i32
        %broadcast_in_dim3A_2396 = vector.broadcast %jit3A_2395 : i32 to vector<16xi32>
        %select_n3A_2397 = arith.select %eq3A_2394, %mul3A_2075, %broadcast_in_dim3A_2396 : vector<16xi1>, vector<16xi32>
        %reduce_sum3A_2398 = arith.constant true
        %reduce_sum3A_2399 = vector.broadcast %reduce_sum3A_2398 : i1 to vector<16xi1>
        %reduce_sum3A_2400 = tpu.scan <sum>, %select_n3A_2397 masked %reduce_sum3A_2399 : vector<16xi32>, vector<16xi1> -> vector<16xi32>
        %reduce_sum3A_2401 = vector.extract %reduce_sum3A_2400[15] : i32 from vector<16xi32>
        %multiple_of3A_2402 = tpu.assume_multiple %reduce_sum3A_2401, 128 : i32
        %jit3A_2403 = arith.constant 0 : i32
        %broadcast_in_dim3A_2404 = vector.broadcast %jit3A_2403 : i32 to vector<16xi32>
        %select_n3A_2405 = arith.select %eq3A_2394, %mul3A_2109, %broadcast_in_dim3A_2404 : vector<16xi1>, vector<16xi32>
        %reduce_sum3A_2406 = arith.constant true
        %reduce_sum3A_2407 = vector.broadcast %reduce_sum3A_2406 : i1 to vector<16xi1>
        %reduce_sum3A_2408 = tpu.scan <sum>, %select_n3A_2405 masked %reduce_sum3A_2407 : vector<16xi32>, vector<16xi1> -> vector<16xi32>
        %reduce_sum3A_2409 = vector.extract %reduce_sum3A_2408[15] : i32 from vector<16xi32>
        %multiple_of3A_2410 = tpu.assume_multiple %reduce_sum3A_2409, 128 : i32
        %dma_start3A_2411 = arith.constant 0 : i32
        %dma_start3A_2412 = arith.constant 6 : i32
        %dma_start3A_2413 = arith.constant 0 : i32
        %dma_start3A_2414 = arith.constant 0 : i32
        %dma_start3A_2415 = tpu.memref_slice %arg9[%dma_start3A_2411, %dma_start3A_2412, %dma_start3A_2413, %dma_start3A_2414] : memref<2x8x16x128xf32, #tpu.memory_space<vmem>> -> memref<1x1x16x128xf32, #tpu.memory_space<vmem>>
        %dma_start3A_2416 = tpu.memref_squeeze %dma_start3A_2415 : memref<1x1x16x128xf32, #tpu.memory_space<vmem>> -> memref<16x128xf32, #tpu.memory_space<vmem>>
        %dma_start3A_2417 = arith.constant 0 : i32
        %dma_start3A_2418 = tpu.memref_slice %arg4[%dma_start3A_2417, %multiple_of3A_2402] : memref<16x1000000xf32, #tpu.memory_space<hbm>> -> memref<16x128xf32, #tpu.memory_space<hbm>>
        %dma_start3A_2419 = arith.constant 0 : i32
        %dma_start3A_2420 = arith.constant 0 : i32
        %dma_start3A_2421 = tpu.memref_slice %arg9[%dma_start3A_2411, %dma_start3A_2412, %dma_start3A_2419, %dma_start3A_2420] : memref<2x8x16x128xf32, #tpu.memory_space<vmem>> -> memref<1x1x16x128xf32, #tpu.memory_space<vmem>>
        %dma_start3A_2422 = tpu.memref_squeeze %dma_start3A_2421 : memref<1x1x16x128xf32, #tpu.memory_space<vmem>> -> memref<16x128xf32, #tpu.memory_space<vmem>>
        %dma_start3A_2423 = arith.constant 0 : i32
        %dma_start3A_2424 = tpu.memref_slice %arg4[%dma_start3A_2423, %multiple_of3A_2402] : memref<16x1000000xf32, #tpu.memory_space<hbm>> -> memref<16x128xf32, #tpu.memory_space<hbm>>
        tpu.enqueue_dma source(%dma_start3A_2424 : memref<16x128xf32, #tpu.memory_space<hbm>>) target(%dma_start3A_2422 : memref<16x128xf32, #tpu.memory_space<vmem>>) target_semaphore(%arg12 : memref<!tpu.dma_semaphore, #tpu.memory_space<semaphore_mem>>)
        %dma_start3A_2425 = arith.constant 0 : i32
        %dma_start3A_2426 = arith.constant 6 : i32
        %dma_start3A_2427 = arith.constant 0 : i32
        %dma_start3A_2428 = arith.constant 0 : i32
        %dma_start3A_2429 = tpu.memref_slice %arg10[%dma_start3A_2425, %dma_start3A_2426, %dma_start3A_2427, %dma_start3A_2428] : memref<2x8x16x128xf32, #tpu.memory_space<vmem>> -> memref<1x1x16x128xf32, #tpu.memory_space<vmem>>
        %dma_start3A_2430 = tpu.memref_squeeze %dma_start3A_2429 : memref<1x1x16x128xf32, #tpu.memory_space<vmem>> -> memref<16x128xf32, #tpu.memory_space<vmem>>
        %dma_start3A_2431 = arith.constant 0 : i32
        %dma_start3A_2432 = tpu.memref_slice %arg5[%dma_start3A_2431, %multiple_of3A_2410] : memref<16x1000000xf32, #tpu.memory_space<hbm>> -> memref<16x128xf32, #tpu.memory_space<hbm>>
        %dma_start3A_2433 = arith.constant 0 : i32
        %dma_start3A_2434 = arith.constant 0 : i32
        %dma_start3A_2435 = tpu.memref_slice %arg10[%dma_start3A_2425, %dma_start3A_2426, %dma_start3A_2433, %dma_start3A_2434] : memref<2x8x16x128xf32, #tpu.memory_space<vmem>> -> memref<1x1x16x128xf32, #tpu.memory_space<vmem>>
        %dma_start3A_2436 = tpu.memref_squeeze %dma_start3A_2435 : memref<1x1x16x128xf32, #tpu.memory_space<vmem>> -> memref<16x128xf32, #tpu.memory_space<vmem>>
        %dma_start3A_2437 = arith.constant 0 : i32
        %dma_start3A_2438 = tpu.memref_slice %arg5[%dma_start3A_2437, %multiple_of3A_2410] : memref<16x1000000xf32, #tpu.memory_space<hbm>> -> memref<16x128xf32, #tpu.memory_space<hbm>>
        tpu.enqueue_dma source(%dma_start3A_2438 : memref<16x128xf32, #tpu.memory_space<hbm>>) target(%dma_start3A_2436 : memref<16x128xf32, #tpu.memory_space<vmem>>) target_semaphore(%arg12 : memref<!tpu.dma_semaphore, #tpu.memory_space<semaphore_mem>>)
        %eq3A_2439 = arith.constant 7 : i32
        %eq3A_2440 = vector.broadcast %eq3A_2439 : i32 to vector<16xi32>
        %eq3A_2441 = arith.cmpi eq, %iota3A, %eq3A_2440 : vector<16xi32>
        %jit3A_2442 = arith.constant 0 : i32
        %broadcast_in_dim3A_2443 = vector.broadcast %jit3A_2442 : i32 to vector<16xi32>
        %select_n3A_2444 = arith.select %eq3A_2441, %mul3A_2075, %broadcast_in_dim3A_2443 : vector<16xi1>, vector<16xi32>
        %reduce_sum3A_2445 = arith.constant true
        %reduce_sum3A_2446 = vector.broadcast %reduce_sum3A_2445 : i1 to vector<16xi1>
        %reduce_sum3A_2447 = tpu.scan <sum>, %select_n3A_2444 masked %reduce_sum3A_2446 : vector<16xi32>, vector<16xi1> -> vector<16xi32>
        %reduce_sum3A_2448 = vector.extract %reduce_sum3A_2447[15] : i32 from vector<16xi32>
        %multiple_of3A_2449 = tpu.assume_multiple %reduce_sum3A_2448, 128 : i32
        %jit3A_2450 = arith.constant 0 : i32
        %broadcast_in_dim3A_2451 = vector.broadcast %jit3A_2450 : i32 to vector<16xi32>
        %select_n3A_2452 = arith.select %eq3A_2441, %mul3A_2109, %broadcast_in_dim3A_2451 : vector<16xi1>, vector<16xi32>
        %reduce_sum3A_2453 = arith.constant true
        %reduce_sum3A_2454 = vector.broadcast %reduce_sum3A_2453 : i1 to vector<16xi1>
        %reduce_sum3A_2455 = tpu.scan <sum>, %select_n3A_2452 masked %reduce_sum3A_2454 : vector<16xi32>, vector<16xi1> -> vector<16xi32>
        %reduce_sum3A_2456 = vector.extract %reduce_sum3A_2455[15] : i32 from vector<16xi32>
        %multiple_of3A_2457 = tpu.assume_multiple %reduce_sum3A_2456, 128 : i32
        %dma_start3A_2458 = arith.constant 0 : i32
        %dma_start3A_2459 = arith.constant 7 : i32
        %dma_start3A_2460 = arith.constant 0 : i32
        %dma_start3A_2461 = arith.constant 0 : i32
        %dma_start3A_2462 = tpu.memref_slice %arg9[%dma_start3A_2458, %dma_start3A_2459, %dma_start3A_2460, %dma_start3A_2461] : memref<2x8x16x128xf32, #tpu.memory_space<vmem>> -> memref<1x1x16x128xf32, #tpu.memory_space<vmem>>
        %dma_start3A_2463 = tpu.memref_squeeze %dma_start3A_2462 : memref<1x1x16x128xf32, #tpu.memory_space<vmem>> -> memref<16x128xf32, #tpu.memory_space<vmem>>
        %dma_start3A_2464 = arith.constant 0 : i32
        %dma_start3A_2465 = tpu.memref_slice %arg4[%dma_start3A_2464, %multiple_of3A_2449] : memref<16x1000000xf32, #tpu.memory_space<hbm>> -> memref<16x128xf32, #tpu.memory_space<hbm>>
        %dma_start3A_2466 = arith.constant 0 : i32
        %dma_start3A_2467 = arith.constant 0 : i32
        %dma_start3A_2468 = tpu.memref_slice %arg9[%dma_start3A_2458, %dma_start3A_2459, %dma_start3A_2466, %dma_start3A_2467] : memref<2x8x16x128xf32, #tpu.memory_space<vmem>> -> memref<1x1x16x128xf32, #tpu.memory_space<vmem>>
        %dma_start3A_2469 = tpu.memref_squeeze %dma_start3A_2468 : memref<1x1x16x128xf32, #tpu.memory_space<vmem>> -> memref<16x128xf32, #tpu.memory_space<vmem>>
        %dma_start3A_2470 = arith.constant 0 : i32
        %dma_start3A_2471 = tpu.memref_slice %arg4[%dma_start3A_2470, %multiple_of3A_2449] : memref<16x1000000xf32, #tpu.memory_space<hbm>> -> memref<16x128xf32, #tpu.memory_space<hbm>>
        tpu.enqueue_dma source(%dma_start3A_2471 : memref<16x128xf32, #tpu.memory_space<hbm>>) target(%dma_start3A_2469 : memref<16x128xf32, #tpu.memory_space<vmem>>) target_semaphore(%arg12 : memref<!tpu.dma_semaphore, #tpu.memory_space<semaphore_mem>>)
        %dma_start3A_2472 = arith.constant 0 : i32
        %dma_start3A_2473 = arith.constant 7 : i32
        %dma_start3A_2474 = arith.constant 0 : i32
        %dma_start3A_2475 = arith.constant 0 : i32
        %dma_start3A_2476 = tpu.memref_slice %arg10[%dma_start3A_2472, %dma_start3A_2473, %dma_start3A_2474, %dma_start3A_2475] : memref<2x8x16x128xf32, #tpu.memory_space<vmem>> -> memref<1x1x16x128xf32, #tpu.memory_space<vmem>>
        %dma_start3A_2477 = tpu.memref_squeeze %dma_start3A_2476 : memref<1x1x16x128xf32, #tpu.memory_space<vmem>> -> memref<16x128xf32, #tpu.memory_space<vmem>>
        %dma_start3A_2478 = arith.constant 0 : i32
        %dma_start3A_2479 = tpu.memref_slice %arg5[%dma_start3A_2478, %multiple_of3A_2457] : memref<16x1000000xf32, #tpu.memory_space<hbm>> -> memref<16x128xf32, #tpu.memory_space<hbm>>
        %dma_start3A_2480 = arith.constant 0 : i32
        %dma_start3A_2481 = arith.constant 0 : i32
        %dma_start3A_2482 = tpu.memref_slice %arg10[%dma_start3A_2472, %dma_start3A_2473, %dma_start3A_2480, %dma_start3A_2481] : memref<2x8x16x128xf32, #tpu.memory_space<vmem>> -> memref<1x1x16x128xf32, #tpu.memory_space<vmem>>
        %dma_start3A_2483 = tpu.memref_squeeze %dma_start3A_2482 : memref<1x1x16x128xf32, #tpu.memory_space<vmem>> -> memref<16x128xf32, #tpu.memory_space<vmem>>
        %dma_start3A_2484 = arith.constant 0 : i32
        %dma_start3A_2485 = tpu.memref_slice %arg5[%dma_start3A_2484, %multiple_of3A_2457] : memref<16x1000000xf32, #tpu.memory_space<hbm>> -> memref<16x128xf32, #tpu.memory_space<hbm>>
        tpu.enqueue_dma source(%dma_start3A_2485 : memref<16x128xf32, #tpu.memory_space<hbm>>) target(%dma_start3A_2483 : memref<16x128xf32, #tpu.memory_space<vmem>>) target_semaphore(%arg12 : memref<!tpu.dma_semaphore, #tpu.memory_space<semaphore_mem>>)
        %jit3A_2486 = arith.constant 128 : i32
        %eq3A_2487 = arith.constant 0 : i32
        %eq3A_2488 = arith.cmpi eq, %jit3A_2486, %eq3A_2487 : i32
        %jit3A_2489 = arith.constant 1 : i32
        %select_n3A_2490 = arith.select %eq3A_2488, %jit3A_2489, %jit3A_2486 : i32
        %rem3A_2491 = vector.broadcast %select_n3A_2490 : i32 to vector<16xi32>
        %rem3A_2492 = arith.remsi %get3A_2037, %rem3A_2491 : vector<16xi32>
        %ne3A_2493 = arith.constant 0 : i32
        %ne3A_2494 = vector.broadcast %ne3A_2493 : i32 to vector<16xi32>
        %ne3A_2495 = arith.cmpi ne, %rem3A_2492, %ne3A_2494 : vector<16xi32>
        %lt3A_2496 = arith.constant 0 : i32
        %lt3A_2497 = vector.broadcast %lt3A_2496 : i32 to vector<16xi32>
        %lt3A_2498 = arith.cmpi slt, %rem3A_2492, %lt3A_2497 : vector<16xi32>
        %lt3A_2499 = arith.constant 0 : i32
        %lt3A_2500 = arith.cmpi slt, %select_n3A_2490, %lt3A_2499 : i32
        %ne3A_2501 = vector.broadcast %lt3A_2500 : i1 to vector<16xi1>
        %ne3A_2502 = vector.broadcast %ne3A_2501 : vector<16xi1> to vector<16xi1>
        %ne3A_2503 = arith.xori %lt3A_2498, %ne3A_2502 : vector<16xi1>
        %and3A_2504 = arith.andi %ne3A_2503, %ne3A_2495 : vector<16xi1>
        %add3A_2505 = vector.broadcast %select_n3A_2490 : i32 to vector<16xi32>
        %add3A_2506 = arith.addi %rem3A_2492, %add3A_2505 : vector<16xi32>
        %select_n3A_2507 = arith.select %and3A_2504, %add3A_2506, %rem3A_2492 : vector<16xi1>, vector<16xi32>
        %jit3A_2508 = arith.constant 128 : i32
        %eq3A_2509 = arith.constant 0 : i32
        %eq3A_2510 = arith.cmpi eq, %jit3A_2508, %eq3A_2509 : i32
        %jit3A_2511 = arith.constant 1 : i32
        %select_n3A_2512 = arith.select %eq3A_2510, %jit3A_2511, %jit3A_2508 : i32
        %rem3A_2513 = vector.broadcast %select_n3A_2512 : i32 to vector<16xi32>
        %rem3A_2514 = arith.remsi %get3A_2041, %rem3A_2513 : vector<16xi32>
        %ne3A_2515 = arith.constant 0 : i32
        %ne3A_2516 = vector.broadcast %ne3A_2515 : i32 to vector<16xi32>
        %ne3A_2517 = arith.cmpi ne, %rem3A_2514, %ne3A_2516 : vector<16xi32>
        %lt3A_2518 = arith.constant 0 : i32
        %lt3A_2519 = vector.broadcast %lt3A_2518 : i32 to vector<16xi32>
        %lt3A_2520 = arith.cmpi slt, %rem3A_2514, %lt3A_2519 : vector<16xi32>
        %lt3A_2521 = arith.constant 0 : i32
        %lt3A_2522 = arith.cmpi slt, %select_n3A_2512, %lt3A_2521 : i32
        %ne3A_2523 = vector.broadcast %lt3A_2522 : i1 to vector<16xi1>
        %ne3A_2524 = vector.broadcast %ne3A_2523 : vector<16xi1> to vector<16xi1>
        %ne3A_2525 = arith.xori %lt3A_2520, %ne3A_2524 : vector<16xi1>
        %and3A_2526 = arith.andi %ne3A_2525, %ne3A_2517 : vector<16xi1>
        %add3A_2527 = vector.broadcast %select_n3A_2512 : i32 to vector<16xi32>
        %add3A_2528 = arith.addi %rem3A_2514, %add3A_2527 : vector<16xi32>
        %select_n3A_2529 = arith.select %and3A_2526, %add3A_2528, %rem3A_2514 : vector<16xi1>, vector<16xi32>
        scf.yield %select_n3A_2507, %select_n3A_2529 : vector<16xi32>, vector<16xi32>
      } else {
        scf.yield %iota3A, %iota3A : vector<16xi32>, vector<16xi32>
      }
      %dma_wait3A_1498 = arith.constant 1 : i32
      %dma_wait3A_1499 = arith.constant 0 : i32
      %dma_wait3A_1500 = arith.constant 0 : i32
      %dma_wait3A_1501 = arith.constant 0 : i32
      %dma_wait3A_1502 = tpu.memref_slice %arg9[%dma_wait3A_1498, %dma_wait3A_1499, %dma_wait3A_1500, %dma_wait3A_1501] : memref<2x8x16x128xf32, #tpu.memory_space<vmem>> -> memref<1x1x16x128xf32, #tpu.memory_space<vmem>>
      %dma_wait3A_1503 = tpu.memref_squeeze %dma_wait3A_1502 : memref<1x1x16x128xf32, #tpu.memory_space<vmem>> -> memref<16x128xf32, #tpu.memory_space<vmem>>
      %dma_wait3A_1504 = arith.constant 0 : i32
      %dma_wait3A_1505 = arith.constant 0 : i32
      %dma_wait3A_1506 = tpu.memref_slice %arg4[%dma_wait3A_1504, %dma_wait3A_1505] : memref<16x1000000xf32, #tpu.memory_space<hbm>> -> memref<16x128xf32, #tpu.memory_space<hbm>>
      %dma_wait3A_1507 = arith.constant 0 : i32
      %dma_wait3A_1508 = arith.constant 0 : i32
      %dma_wait3A_1509 = tpu.memref_slice %arg9[%dma_wait3A_1498, %dma_wait3A_1499, %dma_wait3A_1507, %dma_wait3A_1508] : memref<2x8x16x128xf32, #tpu.memory_space<vmem>> -> memref<1x1x16x128xf32, #tpu.memory_space<vmem>>
      %dma_wait3A_1510 = tpu.memref_squeeze %dma_wait3A_1509 : memref<1x1x16x128xf32, #tpu.memory_space<vmem>> -> memref<16x128xf32, #tpu.memory_space<vmem>>
      %dma_wait3A_1511 = arith.constant 0 : i32
      %dma_wait3A_1512 = arith.constant 0 : i32
      %dma_wait3A_1513 = tpu.memref_slice %arg4[%dma_wait3A_1511, %dma_wait3A_1512] : memref<16x1000000xf32, #tpu.memory_space<hbm>> -> memref<16x128xf32, #tpu.memory_space<hbm>>
      tpu.wait_dma2 semaphore(%arg13 : memref<!tpu.dma_semaphore, #tpu.memory_space<semaphore_mem>>) src(%dma_wait3A_1513 : memref<16x128xf32, #tpu.memory_space<hbm>>) dst(%dma_wait3A_1510 : memref<16x128xf32, #tpu.memory_space<vmem>>)
      %dma_wait3A_1514 = arith.constant 1 : i32
      %dma_wait3A_1515 = arith.constant 0 : i32
      %dma_wait3A_1516 = arith.constant 0 : i32
      %dma_wait3A_1517 = arith.constant 0 : i32
      %dma_wait3A_1518 = tpu.memref_slice %arg10[%dma_wait3A_1514, %dma_wait3A_1515, %dma_wait3A_1516, %dma_wait3A_1517] : memref<2x8x16x128xf32, #tpu.memory_space<vmem>> -> memref<1x1x16x128xf32, #tpu.memory_space<vmem>>
      %dma_wait3A_1519 = tpu.memref_squeeze %dma_wait3A_1518 : memref<1x1x16x128xf32, #tpu.memory_space<vmem>> -> memref<16x128xf32, #tpu.memory_space<vmem>>
      %dma_wait3A_1520 = arith.constant 0 : i32
      %dma_wait3A_1521 = arith.constant 0 : i32
      %dma_wait3A_1522 = tpu.memref_slice %arg5[%dma_wait3A_1520, %dma_wait3A_1521] : memref<16x1000000xf32, #tpu.memory_space<hbm>> -> memref<16x128xf32, #tpu.memory_space<hbm>>
      %dma_wait3A_1523 = arith.constant 0 : i32
      %dma_wait3A_1524 = arith.constant 0 : i32
      %dma_wait3A_1525 = tpu.memref_slice %arg10[%dma_wait3A_1514, %dma_wait3A_1515, %dma_wait3A_1523, %dma_wait3A_1524] : memref<2x8x16x128xf32, #tpu.memory_space<vmem>> -> memref<1x1x16x128xf32, #tpu.memory_space<vmem>>
      %dma_wait3A_1526 = tpu.memref_squeeze %dma_wait3A_1525 : memref<1x1x16x128xf32, #tpu.memory_space<vmem>> -> memref<16x128xf32, #tpu.memory_space<vmem>>
      %dma_wait3A_1527 = arith.constant 0 : i32
      %dma_wait3A_1528 = arith.constant 0 : i32
      %dma_wait3A_1529 = tpu.memref_slice %arg5[%dma_wait3A_1527, %dma_wait3A_1528] : memref<16x1000000xf32, #tpu.memory_space<hbm>> -> memref<16x128xf32, #tpu.memory_space<hbm>>
      tpu.wait_dma2 semaphore(%arg13 : memref<!tpu.dma_semaphore, #tpu.memory_space<semaphore_mem>>) src(%dma_wait3A_1529 : memref<16x128xf32, #tpu.memory_space<hbm>>) dst(%dma_wait3A_1526 : memref<16x128xf32, #tpu.memory_space<vmem>>)
      %dma_wait3A_1530 = arith.constant 1 : i32
      %dma_wait3A_1531 = arith.constant 0 : i32
      %dma_wait3A_1532 = arith.constant 0 : i32
      %dma_wait3A_1533 = arith.constant 0 : i32
      %dma_wait3A_1534 = tpu.memref_slice %arg9[%dma_wait3A_1530, %dma_wait3A_1531, %dma_wait3A_1532, %dma_wait3A_1533] : memref<2x8x16x128xf32, #tpu.memory_space<vmem>> -> memref<1x1x16x128xf32, #tpu.memory_space<vmem>>
      %dma_wait3A_1535 = tpu.memref_squeeze %dma_wait3A_1534 : memref<1x1x16x128xf32, #tpu.memory_space<vmem>> -> memref<16x128xf32, #tpu.memory_space<vmem>>
      %dma_wait3A_1536 = arith.constant 0 : i32
      %dma_wait3A_1537 = arith.constant 0 : i32
      %dma_wait3A_1538 = tpu.memref_slice %arg4[%dma_wait3A_1536, %dma_wait3A_1537] : memref<16x1000000xf32, #tpu.memory_space<hbm>> -> memref<16x128xf32, #tpu.memory_space<hbm>>
      %dma_wait3A_1539 = arith.constant 0 : i32
      %dma_wait3A_1540 = arith.constant 0 : i32
      %dma_wait3A_1541 = tpu.memref_slice %arg9[%dma_wait3A_1530, %dma_wait3A_1531, %dma_wait3A_1539, %dma_wait3A_1540] : memref<2x8x16x128xf32, #tpu.memory_space<vmem>> -> memref<1x1x16x128xf32, #tpu.memory_space<vmem>>
      %dma_wait3A_1542 = tpu.memref_squeeze %dma_wait3A_1541 : memref<1x1x16x128xf32, #tpu.memory_space<vmem>> -> memref<16x128xf32, #tpu.memory_space<vmem>>
      %dma_wait3A_1543 = arith.constant 0 : i32
      %dma_wait3A_1544 = arith.constant 0 : i32
      %dma_wait3A_1545 = tpu.memref_slice %arg4[%dma_wait3A_1543, %dma_wait3A_1544] : memref<16x1000000xf32, #tpu.memory_space<hbm>> -> memref<16x128xf32, #tpu.memory_space<hbm>>
      tpu.wait_dma2 semaphore(%arg13 : memref<!tpu.dma_semaphore, #tpu.memory_space<semaphore_mem>>) src(%dma_wait3A_1545 : memref<16x128xf32, #tpu.memory_space<hbm>>) dst(%dma_wait3A_1542 : memref<16x128xf32, #tpu.memory_space<vmem>>)
      %dma_wait3A_1546 = arith.constant 1 : i32
      %dma_wait3A_1547 = arith.constant 0 : i32
      %dma_wait3A_1548 = arith.constant 0 : i32
      %dma_wait3A_1549 = arith.constant 0 : i32
      %dma_wait3A_1550 = tpu.memref_slice %arg10[%dma_wait3A_1546, %dma_wait3A_1547, %dma_wait3A_1548, %dma_wait3A_1549] : memref<2x8x16x128xf32, #tpu.memory_space<vmem>> -> memref<1x1x16x128xf32, #tpu.memory_space<vmem>>
      %dma_wait3A_1551 = tpu.memref_squeeze %dma_wait3A_1550 : memref<1x1x16x128xf32, #tpu.memory_space<vmem>> -> memref<16x128xf32, #tpu.memory_space<vmem>>
      %dma_wait3A_1552 = arith.constant 0 : i32
      %dma_wait3A_1553 = arith.constant 0 : i32
      %dma_wait3A_1554 = tpu.memref_slice %arg5[%dma_wait3A_1552, %dma_wait3A_1553] : memref<16x1000000xf32, #tpu.memory_space<hbm>> -> memref<16x128xf32, #tpu.memory_space<hbm>>
      %dma_wait3A_1555 = arith.constant 0 : i32
      %dma_wait3A_1556 = arith.constant 0 : i32
      %dma_wait3A_1557 = tpu.memref_slice %arg10[%dma_wait3A_1546, %dma_wait3A_1547, %dma_wait3A_1555, %dma_wait3A_1556] : memref<2x8x16x128xf32, #tpu.memory_space<vmem>> -> memref<1x1x16x128xf32, #tpu.memory_space<vmem>>
      %dma_wait3A_1558 = tpu.memref_squeeze %dma_wait3A_1557 : memref<1x1x16x128xf32, #tpu.memory_space<vmem>> -> memref<16x128xf32, #tpu.memory_space<vmem>>
      %dma_wait3A_1559 = arith.constant 0 : i32
      %dma_wait3A_1560 = arith.constant 0 : i32
      %dma_wait3A_1561 = tpu.memref_slice %arg5[%dma_wait3A_1559, %dma_wait3A_1560] : memref<16x1000000xf32, #tpu.memory_space<hbm>> -> memref<16x128xf32, #tpu.memory_space<hbm>>
      tpu.wait_dma2 semaphore(%arg13 : memref<!tpu.dma_semaphore, #tpu.memory_space<semaphore_mem>>) src(%dma_wait3A_1561 : memref<16x128xf32, #tpu.memory_space<hbm>>) dst(%dma_wait3A_1558 : memref<16x128xf32, #tpu.memory_space<vmem>>)
      %dma_wait3A_1562 = arith.constant 1 : i32
      %dma_wait3A_1563 = arith.constant 0 : i32
      %dma_wait3A_1564 = arith.constant 0 : i32
      %dma_wait3A_1565 = arith.constant 0 : i32
      %dma_wait3A_1566 = tpu.memref_slice %arg9[%dma_wait3A_1562, %dma_wait3A_1563, %dma_wait3A_1564, %dma_wait3A_1565] : memref<2x8x16x128xf32, #tpu.memory_space<vmem>> -> memref<1x1x16x128xf32, #tpu.memory_space<vmem>>
      %dma_wait3A_1567 = tpu.memref_squeeze %dma_wait3A_1566 : memref<1x1x16x128xf32, #tpu.memory_space<vmem>> -> memref<16x128xf32, #tpu.memory_space<vmem>>
      %dma_wait3A_1568 = arith.constant 0 : i32
      %dma_wait3A_1569 = arith.constant 0 : i32
      %dma_wait3A_1570 = tpu.memref_slice %arg4[%dma_wait3A_1568, %dma_wait3A_1569] : memref<16x1000000xf32, #tpu.memory_space<hbm>> -> memref<16x128xf32, #tpu.memory_space<hbm>>
      %dma_wait3A_1571 = arith.constant 0 : i32
      %dma_wait3A_1572 = arith.constant 0 : i32
      %dma_wait3A_1573 = tpu.memref_slice %arg9[%dma_wait3A_1562, %dma_wait3A_1563, %dma_wait3A_1571, %dma_wait3A_1572] : memref<2x8x16x128xf32, #tpu.memory_space<vmem>> -> memref<1x1x16x128xf32, #tpu.memory_space<vmem>>
      %dma_wait3A_1574 = tpu.memref_squeeze %dma_wait3A_1573 : memref<1x1x16x128xf32, #tpu.memory_space<vmem>> -> memref<16x128xf32, #tpu.memory_space<vmem>>
      %dma_wait3A_1575 = arith.constant 0 : i32
      %dma_wait3A_1576 = arith.constant 0 : i32
      %dma_wait3A_1577 = tpu.memref_slice %arg4[%dma_wait3A_1575, %dma_wait3A_1576] : memref<16x1000000xf32, #tpu.memory_space<hbm>> -> memref<16x128xf32, #tpu.memory_space<hbm>>
      tpu.wait_dma2 semaphore(%arg13 : memref<!tpu.dma_semaphore, #tpu.memory_space<semaphore_mem>>) src(%dma_wait3A_1577 : memref<16x128xf32, #tpu.memory_space<hbm>>) dst(%dma_wait3A_1574 : memref<16x128xf32, #tpu.memory_space<vmem>>)
      %dma_wait3A_1578 = arith.constant 1 : i32
      %dma_wait3A_1579 = arith.constant 0 : i32
      %dma_wait3A_1580 = arith.constant 0 : i32
      %dma_wait3A_1581 = arith.constant 0 : i32
      %dma_wait3A_1582 = tpu.memref_slice %arg10[%dma_wait3A_1578, %dma_wait3A_1579, %dma_wait3A_1580, %dma_wait3A_1581] : memref<2x8x16x128xf32, #tpu.memory_space<vmem>> -> memref<1x1x16x128xf32, #tpu.memory_space<vmem>>
      %dma_wait3A_1583 = tpu.memref_squeeze %dma_wait3A_1582 : memref<1x1x16x128xf32, #tpu.memory_space<vmem>> -> memref<16x128xf32, #tpu.memory_space<vmem>>
      %dma_wait3A_1584 = arith.constant 0 : i32
      %dma_wait3A_1585 = arith.constant 0 : i32
      %dma_wait3A_1586 = tpu.memref_slice %arg5[%dma_wait3A_1584, %dma_wait3A_1585] : memref<16x1000000xf32, #tpu.memory_space<hbm>> -> memref<16x128xf32, #tpu.memory_space<hbm>>
      %dma_wait3A_1587 = arith.constant 0 : i32
      %dma_wait3A_1588 = arith.constant 0 : i32
      %dma_wait3A_1589 = tpu.memref_slice %arg10[%dma_wait3A_1578, %dma_wait3A_1579, %dma_wait3A_1587, %dma_wait3A_1588] : memref<2x8x16x128xf32, #tpu.memory_space<vmem>> -> memref<1x1x16x128xf32, #tpu.memory_space<vmem>>
      %dma_wait3A_1590 = tpu.memref_squeeze %dma_wait3A_1589 : memref<1x1x16x128xf32, #tpu.memory_space<vmem>> -> memref<16x128xf32, #tpu.memory_space<vmem>>
      %dma_wait3A_1591 = arith.constant 0 : i32
      %dma_wait3A_1592 = arith.constant 0 : i32
      %dma_wait3A_1593 = tpu.memref_slice %arg5[%dma_wait3A_1591, %dma_wait3A_1592] : memref<16x1000000xf32, #tpu.memory_space<hbm>> -> memref<16x128xf32, #tpu.memory_space<hbm>>
      tpu.wait_dma2 semaphore(%arg13 : memref<!tpu.dma_semaphore, #tpu.memory_space<semaphore_mem>>) src(%dma_wait3A_1593 : memref<16x128xf32, #tpu.memory_space<hbm>>) dst(%dma_wait3A_1590 : memref<16x128xf32, #tpu.memory_space<vmem>>)
      %dma_wait3A_1594 = arith.constant 1 : i32
      %dma_wait3A_1595 = arith.constant 0 : i32
      %dma_wait3A_1596 = arith.constant 0 : i32
      %dma_wait3A_1597 = arith.constant 0 : i32
      %dma_wait3A_1598 = tpu.memref_slice %arg9[%dma_wait3A_1594, %dma_wait3A_1595, %dma_wait3A_1596, %dma_wait3A_1597] : memref<2x8x16x128xf32, #tpu.memory_space<vmem>> -> memref<1x1x16x128xf32, #tpu.memory_space<vmem>>
      %dma_wait3A_1599 = tpu.memref_squeeze %dma_wait3A_1598 : memref<1x1x16x128xf32, #tpu.memory_space<vmem>> -> memref<16x128xf32, #tpu.memory_space<vmem>>
      %dma_wait3A_1600 = arith.constant 0 : i32
      %dma_wait3A_1601 = arith.constant 0 : i32
      %dma_wait3A_1602 = tpu.memref_slice %arg4[%dma_wait3A_1600, %dma_wait3A_1601] : memref<16x1000000xf32, #tpu.memory_space<hbm>> -> memref<16x128xf32, #tpu.memory_space<hbm>>
      %dma_wait3A_1603 = arith.constant 0 : i32
      %dma_wait3A_1604 = arith.constant 0 : i32
      %dma_wait3A_1605 = tpu.memref_slice %arg9[%dma_wait3A_1594, %dma_wait3A_1595, %dma_wait3A_1603, %dma_wait3A_1604] : memref<2x8x16x128xf32, #tpu.memory_space<vmem>> -> memref<1x1x16x128xf32, #tpu.memory_space<vmem>>
      %dma_wait3A_1606 = tpu.memref_squeeze %dma_wait3A_1605 : memref<1x1x16x128xf32, #tpu.memory_space<vmem>> -> memref<16x128xf32, #tpu.memory_space<vmem>>
      %dma_wait3A_1607 = arith.constant 0 : i32
      %dma_wait3A_1608 = arith.constant 0 : i32
      %dma_wait3A_1609 = tpu.memref_slice %arg4[%dma_wait3A_1607, %dma_wait3A_1608] : memref<16x1000000xf32, #tpu.memory_space<hbm>> -> memref<16x128xf32, #tpu.memory_space<hbm>>
      tpu.wait_dma2 semaphore(%arg13 : memref<!tpu.dma_semaphore, #tpu.memory_space<semaphore_mem>>) src(%dma_wait3A_1609 : memref<16x128xf32, #tpu.memory_space<hbm>>) dst(%dma_wait3A_1606 : memref<16x128xf32, #tpu.memory_space<vmem>>)
      %dma_wait3A_1610 = arith.constant 1 : i32
      %dma_wait3A_1611 = arith.constant 0 : i32
      %dma_wait3A_1612 = arith.constant 0 : i32
      %dma_wait3A_1613 = arith.constant 0 : i32
      %dma_wait3A_1614 = tpu.memref_slice %arg10[%dma_wait3A_1610, %dma_wait3A_1611, %dma_wait3A_1612, %dma_wait3A_1613] : memref<2x8x16x128xf32, #tpu.memory_space<vmem>> -> memref<1x1x16x128xf32, #tpu.memory_space<vmem>>
      %dma_wait3A_1615 = tpu.memref_squeeze %dma_wait3A_1614 : memref<1x1x16x128xf32, #tpu.memory_space<vmem>> -> memref<16x128xf32, #tpu.memory_space<vmem>>
      %dma_wait3A_1616 = arith.constant 0 : i32
      %dma_wait3A_1617 = arith.constant 0 : i32
      %dma_wait3A_1618 = tpu.memref_slice %arg5[%dma_wait3A_1616, %dma_wait3A_1617] : memref<16x1000000xf32, #tpu.memory_space<hbm>> -> memref<16x128xf32, #tpu.memory_space<hbm>>
      %dma_wait3A_1619 = arith.constant 0 : i32
      %dma_wait3A_1620 = arith.constant 0 : i32
      %dma_wait3A_1621 = tpu.memref_slice %arg10[%dma_wait3A_1610, %dma_wait3A_1611, %dma_wait3A_1619, %dma_wait3A_1620] : memref<2x8x16x128xf32, #tpu.memory_space<vmem>> -> memref<1x1x16x128xf32, #tpu.memory_space<vmem>>
      %dma_wait3A_1622 = tpu.memref_squeeze %dma_wait3A_1621 : memref<1x1x16x128xf32, #tpu.memory_space<vmem>> -> memref<16x128xf32, #tpu.memory_space<vmem>>
      %dma_wait3A_1623 = arith.constant 0 : i32
      %dma_wait3A_1624 = arith.constant 0 : i32
      %dma_wait3A_1625 = tpu.memref_slice %arg5[%dma_wait3A_1623, %dma_wait3A_1624] : memref<16x1000000xf32, #tpu.memory_space<hbm>> -> memref<16x128xf32, #tpu.memory_space<hbm>>
      tpu.wait_dma2 semaphore(%arg13 : memref<!tpu.dma_semaphore, #tpu.memory_space<semaphore_mem>>) src(%dma_wait3A_1625 : memref<16x128xf32, #tpu.memory_space<hbm>>) dst(%dma_wait3A_1622 : memref<16x128xf32, #tpu.memory_space<vmem>>)
      %dma_wait3A_1626 = arith.constant 1 : i32
      %dma_wait3A_1627 = arith.constant 0 : i32
      %dma_wait3A_1628 = arith.constant 0 : i32
      %dma_wait3A_1629 = arith.constant 0 : i32
      %dma_wait3A_1630 = tpu.memref_slice %arg9[%dma_wait3A_1626, %dma_wait3A_1627, %dma_wait3A_1628, %dma_wait3A_1629] : memref<2x8x16x128xf32, #tpu.memory_space<vmem>> -> memref<1x1x16x128xf32, #tpu.memory_space<vmem>>
      %dma_wait3A_1631 = tpu.memref_squeeze %dma_wait3A_1630 : memref<1x1x16x128xf32, #tpu.memory_space<vmem>> -> memref<16x128xf32, #tpu.memory_space<vmem>>
      %dma_wait3A_1632 = arith.constant 0 : i32
      %dma_wait3A_1633 = arith.constant 0 : i32
      %dma_wait3A_1634 = tpu.memref_slice %arg4[%dma_wait3A_1632, %dma_wait3A_1633] : memref<16x1000000xf32, #tpu.memory_space<hbm>> -> memref<16x128xf32, #tpu.memory_space<hbm>>
      %dma_wait3A_1635 = arith.constant 0 : i32
      %dma_wait3A_1636 = arith.constant 0 : i32
      %dma_wait3A_1637 = tpu.memref_slice %arg9[%dma_wait3A_1626, %dma_wait3A_1627, %dma_wait3A_1635, %dma_wait3A_1636] : memref<2x8x16x128xf32, #tpu.memory_space<vmem>> -> memref<1x1x16x128xf32, #tpu.memory_space<vmem>>
      %dma_wait3A_1638 = tpu.memref_squeeze %dma_wait3A_1637 : memref<1x1x16x128xf32, #tpu.memory_space<vmem>> -> memref<16x128xf32, #tpu.memory_space<vmem>>
      %dma_wait3A_1639 = arith.constant 0 : i32
      %dma_wait3A_1640 = arith.constant 0 : i32
      %dma_wait3A_1641 = tpu.memref_slice %arg4[%dma_wait3A_1639, %dma_wait3A_1640] : memref<16x1000000xf32, #tpu.memory_space<hbm>> -> memref<16x128xf32, #tpu.memory_space<hbm>>
      tpu.wait_dma2 semaphore(%arg13 : memref<!tpu.dma_semaphore, #tpu.memory_space<semaphore_mem>>) src(%dma_wait3A_1641 : memref<16x128xf32, #tpu.memory_space<hbm>>) dst(%dma_wait3A_1638 : memref<16x128xf32, #tpu.memory_space<vmem>>)
      %dma_wait3A_1642 = arith.constant 1 : i32
      %dma_wait3A_1643 = arith.constant 0 : i32
      %dma_wait3A_1644 = arith.constant 0 : i32
      %dma_wait3A_1645 = arith.constant 0 : i32
      %dma_wait3A_1646 = tpu.memref_slice %arg10[%dma_wait3A_1642, %dma_wait3A_1643, %dma_wait3A_1644, %dma_wait3A_1645] : memref<2x8x16x128xf32, #tpu.memory_space<vmem>> -> memref<1x1x16x128xf32, #tpu.memory_space<vmem>>
      %dma_wait3A_1647 = tpu.memref_squeeze %dma_wait3A_1646 : memref<1x1x16x128xf32, #tpu.memory_space<vmem>> -> memref<16x128xf32, #tpu.memory_space<vmem>>
      %dma_wait3A_1648 = arith.constant 0 : i32
      %dma_wait3A_1649 = arith.constant 0 : i32
      %dma_wait3A_1650 = tpu.memref_slice %arg5[%dma_wait3A_1648, %dma_wait3A_1649] : memref<16x1000000xf32, #tpu.memory_space<hbm>> -> memref<16x128xf32, #tpu.memory_space<hbm>>
      %dma_wait3A_1651 = arith.constant 0 : i32
      %dma_wait3A_1652 = arith.constant 0 : i32
      %dma_wait3A_1653 = tpu.memref_slice %arg10[%dma_wait3A_1642, %dma_wait3A_1643, %dma_wait3A_1651, %dma_wait3A_1652] : memref<2x8x16x128xf32, #tpu.memory_space<vmem>> -> memref<1x1x16x128xf32, #tpu.memory_space<vmem>>
      %dma_wait3A_1654 = tpu.memref_squeeze %dma_wait3A_1653 : memref<1x1x16x128xf32, #tpu.memory_space<vmem>> -> memref<16x128xf32, #tpu.memory_space<vmem>>
      %dma_wait3A_1655 = arith.constant 0 : i32
      %dma_wait3A_1656 = arith.constant 0 : i32
      %dma_wait3A_1657 = tpu.memref_slice %arg5[%dma_wait3A_1655, %dma_wait3A_1656] : memref<16x1000000xf32, #tpu.memory_space<hbm>> -> memref<16x128xf32, #tpu.memory_space<hbm>>
      tpu.wait_dma2 semaphore(%arg13 : memref<!tpu.dma_semaphore, #tpu.memory_space<semaphore_mem>>) src(%dma_wait3A_1657 : memref<16x128xf32, #tpu.memory_space<hbm>>) dst(%dma_wait3A_1654 : memref<16x128xf32, #tpu.memory_space<vmem>>)
      %dma_wait3A_1658 = arith.constant 1 : i32
      %dma_wait3A_1659 = arith.constant 0 : i32
      %dma_wait3A_1660 = arith.constant 0 : i32
      %dma_wait3A_1661 = arith.constant 0 : i32
      %dma_wait3A_1662 = tpu.memref_slice %arg9[%dma_wait3A_1658, %dma_wait3A_1659, %dma_wait3A_1660, %dma_wait3A_1661] : memref<2x8x16x128xf32, #tpu.memory_space<vmem>> -> memref<1x1x16x128xf32, #tpu.memory_space<vmem>>
      %dma_wait3A_1663 = tpu.memref_squeeze %dma_wait3A_1662 : memref<1x1x16x128xf32, #tpu.memory_space<vmem>> -> memref<16x128xf32, #tpu.memory_space<vmem>>
      %dma_wait3A_1664 = arith.constant 0 : i32
      %dma_wait3A_1665 = arith.constant 0 : i32
      %dma_wait3A_1666 = tpu.memref_slice %arg4[%dma_wait3A_1664, %dma_wait3A_1665] : memref<16x1000000xf32, #tpu.memory_space<hbm>> -> memref<16x128xf32, #tpu.memory_space<hbm>>
      %dma_wait3A_1667 = arith.constant 0 : i32
      %dma_wait3A_1668 = arith.constant 0 : i32
      %dma_wait3A_1669 = tpu.memref_slice %arg9[%dma_wait3A_1658, %dma_wait3A_1659, %dma_wait3A_1667, %dma_wait3A_1668] : memref<2x8x16x128xf32, #tpu.memory_space<vmem>> -> memref<1x1x16x128xf32, #tpu.memory_space<vmem>>
      %dma_wait3A_1670 = tpu.memref_squeeze %dma_wait3A_1669 : memref<1x1x16x128xf32, #tpu.memory_space<vmem>> -> memref<16x128xf32, #tpu.memory_space<vmem>>
      %dma_wait3A_1671 = arith.constant 0 : i32
      %dma_wait3A_1672 = arith.constant 0 : i32
      %dma_wait3A_1673 = tpu.memref_slice %arg4[%dma_wait3A_1671, %dma_wait3A_1672] : memref<16x1000000xf32, #tpu.memory_space<hbm>> -> memref<16x128xf32, #tpu.memory_space<hbm>>
      tpu.wait_dma2 semaphore(%arg13 : memref<!tpu.dma_semaphore, #tpu.memory_space<semaphore_mem>>) src(%dma_wait3A_1673 : memref<16x128xf32, #tpu.memory_space<hbm>>) dst(%dma_wait3A_1670 : memref<16x128xf32, #tpu.memory_space<vmem>>)
      %dma_wait3A_1674 = arith.constant 1 : i32
      %dma_wait3A_1675 = arith.constant 0 : i32
      %dma_wait3A_1676 = arith.constant 0 : i32
      %dma_wait3A_1677 = arith.constant 0 : i32
      %dma_wait3A_1678 = tpu.memref_slice %arg10[%dma_wait3A_1674, %dma_wait3A_1675, %dma_wait3A_1676, %dma_wait3A_1677] : memref<2x8x16x128xf32, #tpu.memory_space<vmem>> -> memref<1x1x16x128xf32, #tpu.memory_space<vmem>>
      %dma_wait3A_1679 = tpu.memref_squeeze %dma_wait3A_1678 : memref<1x1x16x128xf32, #tpu.memory_space<vmem>> -> memref<16x128xf32, #tpu.memory_space<vmem>>
      %dma_wait3A_1680 = arith.constant 0 : i32
      %dma_wait3A_1681 = arith.constant 0 : i32
      %dma_wait3A_1682 = tpu.memref_slice %arg5[%dma_wait3A_1680, %dma_wait3A_1681] : memref<16x1000000xf32, #tpu.memory_space<hbm>> -> memref<16x128xf32, #tpu.memory_space<hbm>>
      %dma_wait3A_1683 = arith.constant 0 : i32
      %dma_wait3A_1684 = arith.constant 0 : i32
      %dma_wait3A_1685 = tpu.memref_slice %arg10[%dma_wait3A_1674, %dma_wait3A_1675, %dma_wait3A_1683, %dma_wait3A_1684] : memref<2x8x16x128xf32, #tpu.memory_space<vmem>> -> memref<1x1x16x128xf32, #tpu.memory_space<vmem>>
      %dma_wait3A_1686 = tpu.memref_squeeze %dma_wait3A_1685 : memref<1x1x16x128xf32, #tpu.memory_space<vmem>> -> memref<16x128xf32, #tpu.memory_space<vmem>>
      %dma_wait3A_1687 = arith.constant 0 : i32
      %dma_wait3A_1688 = arith.constant 0 : i32
      %dma_wait3A_1689 = tpu.memref_slice %arg5[%dma_wait3A_1687, %dma_wait3A_1688] : memref<16x1000000xf32, #tpu.memory_space<hbm>> -> memref<16x128xf32, #tpu.memory_space<hbm>>
      tpu.wait_dma2 semaphore(%arg13 : memref<!tpu.dma_semaphore, #tpu.memory_space<semaphore_mem>>) src(%dma_wait3A_1689 : memref<16x128xf32, #tpu.memory_space<hbm>>) dst(%dma_wait3A_1686 : memref<16x128xf32, #tpu.memory_space<vmem>>)
      %dma_wait3A_1690 = arith.constant 1 : i32
      %dma_wait3A_1691 = arith.constant 0 : i32
      %dma_wait3A_1692 = arith.constant 0 : i32
      %dma_wait3A_1693 = arith.constant 0 : i32
      %dma_wait3A_1694 = tpu.memref_slice %arg9[%dma_wait3A_1690, %dma_wait3A_1691, %dma_wait3A_1692, %dma_wait3A_1693] : memref<2x8x16x128xf32, #tpu.memory_space<vmem>> -> memref<1x1x16x128xf32, #tpu.memory_space<vmem>>
      %dma_wait3A_1695 = tpu.memref_squeeze %dma_wait3A_1694 : memref<1x1x16x128xf32, #tpu.memory_space<vmem>> -> memref<16x128xf32, #tpu.memory_space<vmem>>
      %dma_wait3A_1696 = arith.constant 0 : i32
      %dma_wait3A_1697 = arith.constant 0 : i32
      %dma_wait3A_1698 = tpu.memref_slice %arg4[%dma_wait3A_1696, %dma_wait3A_1697] : memref<16x1000000xf32, #tpu.memory_space<hbm>> -> memref<16x128xf32, #tpu.memory_space<hbm>>
      %dma_wait3A_1699 = arith.constant 0 : i32
      %dma_wait3A_1700 = arith.constant 0 : i32
      %dma_wait3A_1701 = tpu.memref_slice %arg9[%dma_wait3A_1690, %dma_wait3A_1691, %dma_wait3A_1699, %dma_wait3A_1700] : memref<2x8x16x128xf32, #tpu.memory_space<vmem>> -> memref<1x1x16x128xf32, #tpu.memory_space<vmem>>
      %dma_wait3A_1702 = tpu.memref_squeeze %dma_wait3A_1701 : memref<1x1x16x128xf32, #tpu.memory_space<vmem>> -> memref<16x128xf32, #tpu.memory_space<vmem>>
      %dma_wait3A_1703 = arith.constant 0 : i32
      %dma_wait3A_1704 = arith.constant 0 : i32
      %dma_wait3A_1705 = tpu.memref_slice %arg4[%dma_wait3A_1703, %dma_wait3A_1704] : memref<16x1000000xf32, #tpu.memory_space<hbm>> -> memref<16x128xf32, #tpu.memory_space<hbm>>
      tpu.wait_dma2 semaphore(%arg13 : memref<!tpu.dma_semaphore, #tpu.memory_space<semaphore_mem>>) src(%dma_wait3A_1705 : memref<16x128xf32, #tpu.memory_space<hbm>>) dst(%dma_wait3A_1702 : memref<16x128xf32, #tpu.memory_space<vmem>>)
      %dma_wait3A_1706 = arith.constant 1 : i32
      %dma_wait3A_1707 = arith.constant 0 : i32
      %dma_wait3A_1708 = arith.constant 0 : i32
      %dma_wait3A_1709 = arith.constant 0 : i32
      %dma_wait3A_1710 = tpu.memref_slice %arg10[%dma_wait3A_1706, %dma_wait3A_1707, %dma_wait3A_1708, %dma_wait3A_1709] : memref<2x8x16x128xf32, #tpu.memory_space<vmem>> -> memref<1x1x16x128xf32, #tpu.memory_space<vmem>>
      %dma_wait3A_1711 = tpu.memref_squeeze %dma_wait3A_1710 : memref<1x1x16x128xf32, #tpu.memory_space<vmem>> -> memref<16x128xf32, #tpu.memory_space<vmem>>
      %dma_wait3A_1712 = arith.constant 0 : i32
      %dma_wait3A_1713 = arith.constant 0 : i32
      %dma_wait3A_1714 = tpu.memref_slice %arg5[%dma_wait3A_1712, %dma_wait3A_1713] : memref<16x1000000xf32, #tpu.memory_space<hbm>> -> memref<16x128xf32, #tpu.memory_space<hbm>>
      %dma_wait3A_1715 = arith.constant 0 : i32
      %dma_wait3A_1716 = arith.constant 0 : i32
      %dma_wait3A_1717 = tpu.memref_slice %arg10[%dma_wait3A_1706, %dma_wait3A_1707, %dma_wait3A_1715, %dma_wait3A_1716] : memref<2x8x16x128xf32, #tpu.memory_space<vmem>> -> memref<1x1x16x128xf32, #tpu.memory_space<vmem>>
      %dma_wait3A_1718 = tpu.memref_squeeze %dma_wait3A_1717 : memref<1x1x16x128xf32, #tpu.memory_space<vmem>> -> memref<16x128xf32, #tpu.memory_space<vmem>>
      %dma_wait3A_1719 = arith.constant 0 : i32
      %dma_wait3A_1720 = arith.constant 0 : i32
      %dma_wait3A_1721 = tpu.memref_slice %arg5[%dma_wait3A_1719, %dma_wait3A_1720] : memref<16x1000000xf32, #tpu.memory_space<hbm>> -> memref<16x128xf32, #tpu.memory_space<hbm>>
      tpu.wait_dma2 semaphore(%arg13 : memref<!tpu.dma_semaphore, #tpu.memory_space<semaphore_mem>>) src(%dma_wait3A_1721 : memref<16x128xf32, #tpu.memory_space<hbm>>) dst(%dma_wait3A_1718 : memref<16x128xf32, #tpu.memory_space<vmem>>)
      %dma_wait3A_1722 = arith.constant 1 : i32
      %dma_wait3A_1723 = arith.constant 0 : i32
      %dma_wait3A_1724 = arith.constant 0 : i32
      %dma_wait3A_1725 = arith.constant 0 : i32
      %dma_wait3A_1726 = tpu.memref_slice %arg9[%dma_wait3A_1722, %dma_wait3A_1723, %dma_wait3A_1724, %dma_wait3A_1725] : memref<2x8x16x128xf32, #tpu.memory_space<vmem>> -> memref<1x1x16x128xf32, #tpu.memory_space<vmem>>
      %dma_wait3A_1727 = tpu.memref_squeeze %dma_wait3A_1726 : memref<1x1x16x128xf32, #tpu.memory_space<vmem>> -> memref<16x128xf32, #tpu.memory_space<vmem>>
      %dma_wait3A_1728 = arith.constant 0 : i32
      %dma_wait3A_1729 = arith.constant 0 : i32
      %dma_wait3A_1730 = tpu.memref_slice %arg4[%dma_wait3A_1728, %dma_wait3A_1729] : memref<16x1000000xf32, #tpu.memory_space<hbm>> -> memref<16x128xf32, #tpu.memory_space<hbm>>
      %dma_wait3A_1731 = arith.constant 0 : i32
      %dma_wait3A_1732 = arith.constant 0 : i32
      %dma_wait3A_1733 = tpu.memref_slice %arg9[%dma_wait3A_1722, %dma_wait3A_1723, %dma_wait3A_1731, %dma_wait3A_1732] : memref<2x8x16x128xf32, #tpu.memory_space<vmem>> -> memref<1x1x16x128xf32, #tpu.memory_space<vmem>>
      %dma_wait3A_1734 = tpu.memref_squeeze %dma_wait3A_1733 : memref<1x1x16x128xf32, #tpu.memory_space<vmem>> -> memref<16x128xf32, #tpu.memory_space<vmem>>
      %dma_wait3A_1735 = arith.constant 0 : i32
      %dma_wait3A_1736 = arith.constant 0 : i32
      %dma_wait3A_1737 = tpu.memref_slice %arg4[%dma_wait3A_1735, %dma_wait3A_1736] : memref<16x1000000xf32, #tpu.memory_space<hbm>> -> memref<16x128xf32, #tpu.memory_space<hbm>>
      tpu.wait_dma2 semaphore(%arg13 : memref<!tpu.dma_semaphore, #tpu.memory_space<semaphore_mem>>) src(%dma_wait3A_1737 : memref<16x128xf32, #tpu.memory_space<hbm>>) dst(%dma_wait3A_1734 : memref<16x128xf32, #tpu.memory_space<vmem>>)
      %dma_wait3A_1738 = arith.constant 1 : i32
      %dma_wait3A_1739 = arith.constant 0 : i32
      %dma_wait3A_1740 = arith.constant 0 : i32
      %dma_wait3A_1741 = arith.constant 0 : i32
      %dma_wait3A_1742 = tpu.memref_slice %arg10[%dma_wait3A_1738, %dma_wait3A_1739, %dma_wait3A_1740, %dma_wait3A_1741] : memref<2x8x16x128xf32, #tpu.memory_space<vmem>> -> memref<1x1x16x128xf32, #tpu.memory_space<vmem>>
      %dma_wait3A_1743 = tpu.memref_squeeze %dma_wait3A_1742 : memref<1x1x16x128xf32, #tpu.memory_space<vmem>> -> memref<16x128xf32, #tpu.memory_space<vmem>>
      %dma_wait3A_1744 = arith.constant 0 : i32
      %dma_wait3A_1745 = arith.constant 0 : i32
      %dma_wait3A_1746 = tpu.memref_slice %arg5[%dma_wait3A_1744, %dma_wait3A_1745] : memref<16x1000000xf32, #tpu.memory_space<hbm>> -> memref<16x128xf32, #tpu.memory_space<hbm>>
      %dma_wait3A_1747 = arith.constant 0 : i32
      %dma_wait3A_1748 = arith.constant 0 : i32
      %dma_wait3A_1749 = tpu.memref_slice %arg10[%dma_wait3A_1738, %dma_wait3A_1739, %dma_wait3A_1747, %dma_wait3A_1748] : memref<2x8x16x128xf32, #tpu.memory_space<vmem>> -> memref<1x1x16x128xf32, #tpu.memory_space<vmem>>
      %dma_wait3A_1750 = tpu.memref_squeeze %dma_wait3A_1749 : memref<1x1x16x128xf32, #tpu.memory_space<vmem>> -> memref<16x128xf32, #tpu.memory_space<vmem>>
      %dma_wait3A_1751 = arith.constant 0 : i32
      %dma_wait3A_1752 = arith.constant 0 : i32
      %dma_wait3A_1753 = tpu.memref_slice %arg5[%dma_wait3A_1751, %dma_wait3A_1752] : memref<16x1000000xf32, #tpu.memory_space<hbm>> -> memref<16x128xf32, #tpu.memory_space<hbm>>
      tpu.wait_dma2 semaphore(%arg13 : memref<!tpu.dma_semaphore, #tpu.memory_space<semaphore_mem>>) src(%dma_wait3A_1753 : memref<16x128xf32, #tpu.memory_space<hbm>>) dst(%dma_wait3A_1750 : memref<16x128xf32, #tpu.memory_space<vmem>>)
      %broadcast_in_dim3A_1754 = arith.constant 8 : i32
      %broadcast_in_dim3A_1755 = vector.broadcast %broadcast_in_dim3A_1754 : i32 to vector<16xi32>
      %broadcast_in_dim3A_1756 = vector.shape_cast %broadcast_in_dim3A_1755 : vector<16xi32> to vector<16x1xi32>
      %gather3A_1757 = vector.shape_cast %broadcast_in_dim3A_1756 : vector<16x1xi32> to vector<16xi32>
      %gather3A_1758 = tpu.dynamic_gather %scan3A_978[%gather3A_1757] in [0] : vector<16xi32>, vector<16xi32> -> vector<16xi32>
      %broadcast_in_dim3A_1759 = vector.shape_cast %broadcast_in_dim3A_1755 : vector<16xi32> to vector<16x1xi32>
      %gather3A_1760 = vector.shape_cast %broadcast_in_dim3A_1759 : vector<16x1xi32> to vector<16xi32>
      %gather3A_1761 = tpu.dynamic_gather %scan3A_979[%gather3A_1760] in [0] : vector<16xi32>, vector<16xi32> -> vector<16xi32>
      %gather3A_1762 = arith.constant 1 : i32
      %gather3A_1763 = arith.constant 0 : i32
      %gather3A_1764 = arith.constant 0 : i32
      %gather3A_1765 = arith.constant 0 : i32
      %gather3A_1766 = tpu.memref_slice %arg9[%gather3A_1762, %gather3A_1763, %gather3A_1764, %gather3A_1765] : memref<2x8x16x128xf32, #tpu.memory_space<vmem>> -> memref<1x1x16x128xf32, #tpu.memory_space<vmem>>
      %gather3A_1767 = tpu.memref_squeeze %gather3A_1766 : memref<1x1x16x128xf32, #tpu.memory_space<vmem>> -> memref<16x128xf32, #tpu.memory_space<vmem>>
      %gather3A_1768 = tpu.vector_load_idx %gather3A_1767[%iota3A, %gather3A_1758] : memref<16x128xf32, #tpu.memory_space<vmem>>[vector<16xi32>, vector<16xi32>], vector<16xf32>,
      %gather3A_1769 = arith.constant 1 : i32
      %gather3A_1770 = arith.constant 0 : i32
      %gather3A_1771 = arith.constant 0 : i32
      %gather3A_1772 = arith.constant 0 : i32
      %gather3A_1773 = tpu.memref_slice %arg10[%gather3A_1769, %gather3A_1770, %gather3A_1771, %gather3A_1772] : memref<2x8x16x128xf32, #tpu.memory_space<vmem>> -> memref<1x1x16x128xf32, #tpu.memory_space<vmem>>
      %gather3A_1774 = tpu.memref_squeeze %gather3A_1773 : memref<1x1x16x128xf32, #tpu.memory_space<vmem>> -> memref<16x128xf32, #tpu.memory_space<vmem>>
      %gather3A_1775 = tpu.vector_load_idx %gather3A_1774[%iota3A, %gather3A_1761] : memref<16x128xf32, #tpu.memory_space<vmem>>[vector<16xi32>, vector<16xi32>], vector<16xf32>,
      %mul3A_1776 = arith.mulf %gather3A_1768, %gather3A_1775 : vector<16xf32>
      %reduce_sum3A_1777 = arith.constant true
      %reduce_sum3A_1778 = vector.broadcast %reduce_sum3A_1777 : i1 to vector<16xi1>
      %reduce_sum3A_1779 = tpu.scan <sum>, %mul3A_1776 masked %reduce_sum3A_1778 : vector<16xf32>, vector<16xi1> -> vector<16xf32>
      %reduce_sum3A_1780 = vector.extract %reduce_sum3A_1779[15] : f32 from vector<16xf32>
      %eq3A_1781 = arith.constant 8 : i32
      %eq3A_1782 = vector.broadcast %eq3A_1781 : i32 to vector<16xi32>
      %eq3A_1783 = arith.cmpi eq, %iota3A, %eq3A_1782 : vector<16xi32>
      %broadcast_in_dim3A_1784 = vector.broadcast %reduce_sum3A_1780 : f32 to vector<16xf32>
      %select_n3A_1785 = arith.select %eq3A_1783, %broadcast_in_dim3A_1784, %select_n3A_1491 : vector<16xi1>, vector<16xf32>
      %broadcast_in_dim3A_1786 = arith.constant 9 : i32
      %broadcast_in_dim3A_1787 = vector.broadcast %broadcast_in_dim3A_1786 : i32 to vector<16xi32>
      %broadcast_in_dim3A_1788 = vector.shape_cast %broadcast_in_dim3A_1787 : vector<16xi32> to vector<16x1xi32>
      %gather3A_1789 = vector.shape_cast %broadcast_in_dim3A_1788 : vector<16x1xi32> to vector<16xi32>
      %gather3A_1790 = tpu.dynamic_gather %scan3A_978[%gather3A_1789] in [0] : vector<16xi32>, vector<16xi32> -> vector<16xi32>
      %broadcast_in_dim3A_1791 = vector.shape_cast %broadcast_in_dim3A_1787 : vector<16xi32> to vector<16x1xi32>
      %gather3A_1792 = vector.shape_cast %broadcast_in_dim3A_1791 : vector<16x1xi32> to vector<16xi32>
      %gather3A_1793 = tpu.dynamic_gather %scan3A_979[%gather3A_1792] in [0] : vector<16xi32>, vector<16xi32> -> vector<16xi32>
      %gather3A_1794 = arith.constant 1 : i32
      %gather3A_1795 = arith.constant 1 : i32
      %gather3A_1796 = arith.constant 0 : i32
      %gather3A_1797 = arith.constant 0 : i32
      %gather3A_1798 = tpu.memref_slice %arg9[%gather3A_1794, %gather3A_1795, %gather3A_1796, %gather3A_1797] : memref<2x8x16x128xf32, #tpu.memory_space<vmem>> -> memref<1x1x16x128xf32, #tpu.memory_space<vmem>>
      %gather3A_1799 = tpu.memref_squeeze %gather3A_1798 : memref<1x1x16x128xf32, #tpu.memory_space<vmem>> -> memref<16x128xf32, #tpu.memory_space<vmem>>
      %gather3A_1800 = tpu.vector_load_idx %gather3A_1799[%iota3A, %gather3A_1790] : memref<16x128xf32, #tpu.memory_space<vmem>>[vector<16xi32>, vector<16xi32>], vector<16xf32>,
      %gather3A_1801 = arith.constant 1 : i32
      %gather3A_1802 = arith.constant 1 : i32
      %gather3A_1803 = arith.constant 0 : i32
      %gather3A_1804 = arith.constant 0 : i32
      %gather3A_1805 = tpu.memref_slice %arg10[%gather3A_1801, %gather3A_1802, %gather3A_1803, %gather3A_1804] : memref<2x8x16x128xf32, #tpu.memory_space<vmem>> -> memref<1x1x16x128xf32, #tpu.memory_space<vmem>>
      %gather3A_1806 = tpu.memref_squeeze %gather3A_1805 : memref<1x1x16x128xf32, #tpu.memory_space<vmem>> -> memref<16x128xf32, #tpu.memory_space<vmem>>
      %gather3A_1807 = tpu.vector_load_idx %gather3A_1806[%iota3A, %gather3A_1793] : memref<16x128xf32, #tpu.memory_space<vmem>>[vector<16xi32>, vector<16xi32>], vector<16xf32>,
      %mul3A_1808 = arith.mulf %gather3A_1800, %gather3A_1807 : vector<16xf32>
      %reduce_sum3A_1809 = arith.constant true
      %reduce_sum3A_1810 = vector.broadcast %reduce_sum3A_1809 : i1 to vector<16xi1>
      %reduce_sum3A_1811 = tpu.scan <sum>, %mul3A_1808 masked %reduce_sum3A_1810 : vector<16xf32>, vector<16xi1> -> vector<16xf32>
      %reduce_sum3A_1812 = vector.extract %reduce_sum3A_1811[15] : f32 from vector<16xf32>
      %eq3A_1813 = arith.constant 9 : i32
      %eq3A_1814 = vector.broadcast %eq3A_1813 : i32 to vector<16xi32>
      %eq3A_1815 = arith.cmpi eq, %iota3A, %eq3A_1814 : vector<16xi32>
      %broadcast_in_dim3A_1816 = vector.broadcast %reduce_sum3A_1812 : f32 to vector<16xf32>
      %select_n3A_1817 = arith.select %eq3A_1815, %broadcast_in_dim3A_1816, %select_n3A_1785 : vector<16xi1>, vector<16xf32>
      %broadcast_in_dim3A_1818 = arith.constant 10 : i32
      %broadcast_in_dim3A_1819 = vector.broadcast %broadcast_in_dim3A_1818 : i32 to vector<16xi32>
      %broadcast_in_dim3A_1820 = vector.shape_cast %broadcast_in_dim3A_1819 : vector<16xi32> to vector<16x1xi32>
      %gather3A_1821 = vector.shape_cast %broadcast_in_dim3A_1820 : vector<16x1xi32> to vector<16xi32>
      %gather3A_1822 = tpu.dynamic_gather %scan3A_978[%gather3A_1821] in [0] : vector<16xi32>, vector<16xi32> -> vector<16xi32>
      %broadcast_in_dim3A_1823 = vector.shape_cast %broadcast_in_dim3A_1819 : vector<16xi32> to vector<16x1xi32>
      %gather3A_1824 = vector.shape_cast %broadcast_in_dim3A_1823 : vector<16x1xi32> to vector<16xi32>
      %gather3A_1825 = tpu.dynamic_gather %scan3A_979[%gather3A_1824] in [0] : vector<16xi32>, vector<16xi32> -> vector<16xi32>
      %gather3A_1826 = arith.constant 1 : i32
      %gather3A_1827 = arith.constant 2 : i32
      %gather3A_1828 = arith.constant 0 : i32
      %gather3A_1829 = arith.constant 0 : i32
      %gather3A_1830 = tpu.memref_slice %arg9[%gather3A_1826, %gather3A_1827, %gather3A_1828, %gather3A_1829] : memref<2x8x16x128xf32, #tpu.memory_space<vmem>> -> memref<1x1x16x128xf32, #tpu.memory_space<vmem>>
      %gather3A_1831 = tpu.memref_squeeze %gather3A_1830 : memref<1x1x16x128xf32, #tpu.memory_space<vmem>> -> memref<16x128xf32, #tpu.memory_space<vmem>>
      %gather3A_1832 = tpu.vector_load_idx %gather3A_1831[%iota3A, %gather3A_1822] : memref<16x128xf32, #tpu.memory_space<vmem>>[vector<16xi32>, vector<16xi32>], vector<16xf32>,
      %gather3A_1833 = arith.constant 1 : i32
      %gather3A_1834 = arith.constant 2 : i32
      %gather3A_1835 = arith.constant 0 : i32
      %gather3A_1836 = arith.constant 0 : i32
      %gather3A_1837 = tpu.memref_slice %arg10[%gather3A_1833, %gather3A_1834, %gather3A_1835, %gather3A_1836] : memref<2x8x16x128xf32, #tpu.memory_space<vmem>> -> memref<1x1x16x128xf32, #tpu.memory_space<vmem>>
      %gather3A_1838 = tpu.memref_squeeze %gather3A_1837 : memref<1x1x16x128xf32, #tpu.memory_space<vmem>> -> memref<16x128xf32, #tpu.memory_space<vmem>>
      %gather3A_1839 = tpu.vector_load_idx %gather3A_1838[%iota3A, %gather3A_1825] : memref<16x128xf32, #tpu.memory_space<vmem>>[vector<16xi32>, vector<16xi32>], vector<16xf32>,
      %mul3A_1840 = arith.mulf %gather3A_1832, %gather3A_1839 : vector<16xf32>
      %reduce_sum3A_1841 = arith.constant true
      %reduce_sum3A_1842 = vector.broadcast %reduce_sum3A_1841 : i1 to vector<16xi1>
      %reduce_sum3A_1843 = tpu.scan <sum>, %mul3A_1840 masked %reduce_sum3A_1842 : vector<16xf32>, vector<16xi1> -> vector<16xf32>
      %reduce_sum3A_1844 = vector.extract %reduce_sum3A_1843[15] : f32 from vector<16xf32>
      %eq3A_1845 = arith.constant 10 : i32
      %eq3A_1846 = vector.broadcast %eq3A_1845 : i32 to vector<16xi32>
      %eq3A_1847 = arith.cmpi eq, %iota3A, %eq3A_1846 : vector<16xi32>
      %broadcast_in_dim3A_1848 = vector.broadcast %reduce_sum3A_1844 : f32 to vector<16xf32>
      %select_n3A_1849 = arith.select %eq3A_1847, %broadcast_in_dim3A_1848, %select_n3A_1817 : vector<16xi1>, vector<16xf32>
      %broadcast_in_dim3A_1850 = arith.constant 11 : i32
      %broadcast_in_dim3A_1851 = vector.broadcast %broadcast_in_dim3A_1850 : i32 to vector<16xi32>
      %broadcast_in_dim3A_1852 = vector.shape_cast %broadcast_in_dim3A_1851 : vector<16xi32> to vector<16x1xi32>
      %gather3A_1853 = vector.shape_cast %broadcast_in_dim3A_1852 : vector<16x1xi32> to vector<16xi32>
      %gather3A_1854 = tpu.dynamic_gather %scan3A_978[%gather3A_1853] in [0] : vector<16xi32>, vector<16xi32> -> vector<16xi32>
      %broadcast_in_dim3A_1855 = vector.shape_cast %broadcast_in_dim3A_1851 : vector<16xi32> to vector<16x1xi32>
      %gather3A_1856 = vector.shape_cast %broadcast_in_dim3A_1855 : vector<16x1xi32> to vector<16xi32>
      %gather3A_1857 = tpu.dynamic_gather %scan3A_979[%gather3A_1856] in [0] : vector<16xi32>, vector<16xi32> -> vector<16xi32>
      %gather3A_1858 = arith.constant 1 : i32
      %gather3A_1859 = arith.constant 3 : i32
      %gather3A_1860 = arith.constant 0 : i32
      %gather3A_1861 = arith.constant 0 : i32
      %gather3A_1862 = tpu.memref_slice %arg9[%gather3A_1858, %gather3A_1859, %gather3A_1860, %gather3A_1861] : memref<2x8x16x128xf32, #tpu.memory_space<vmem>> -> memref<1x1x16x128xf32, #tpu.memory_space<vmem>>
      %gather3A_1863 = tpu.memref_squeeze %gather3A_1862 : memref<1x1x16x128xf32, #tpu.memory_space<vmem>> -> memref<16x128xf32, #tpu.memory_space<vmem>>
      %gather3A_1864 = tpu.vector_load_idx %gather3A_1863[%iota3A, %gather3A_1854] : memref<16x128xf32, #tpu.memory_space<vmem>>[vector<16xi32>, vector<16xi32>], vector<16xf32>,
      %gather3A_1865 = arith.constant 1 : i32
      %gather3A_1866 = arith.constant 3 : i32
      %gather3A_1867 = arith.constant 0 : i32
      %gather3A_1868 = arith.constant 0 : i32
      %gather3A_1869 = tpu.memref_slice %arg10[%gather3A_1865, %gather3A_1866, %gather3A_1867, %gather3A_1868] : memref<2x8x16x128xf32, #tpu.memory_space<vmem>> -> memref<1x1x16x128xf32, #tpu.memory_space<vmem>>
      %gather3A_1870 = tpu.memref_squeeze %gather3A_1869 : memref<1x1x16x128xf32, #tpu.memory_space<vmem>> -> memref<16x128xf32, #tpu.memory_space<vmem>>
      %gather3A_1871 = tpu.vector_load_idx %gather3A_1870[%iota3A, %gather3A_1857] : memref<16x128xf32, #tpu.memory_space<vmem>>[vector<16xi32>, vector<16xi32>], vector<16xf32>,
      %mul3A_1872 = arith.mulf %gather3A_1864, %gather3A_1871 : vector<16xf32>
      %reduce_sum3A_1873 = arith.constant true
      %reduce_sum3A_1874 = vector.broadcast %reduce_sum3A_1873 : i1 to vector<16xi1>
      %reduce_sum3A_1875 = tpu.scan <sum>, %mul3A_1872 masked %reduce_sum3A_1874 : vector<16xf32>, vector<16xi1> -> vector<16xf32>
      %reduce_sum3A_1876 = vector.extract %reduce_sum3A_1875[15] : f32 from vector<16xf32>
      %eq3A_1877 = arith.constant 11 : i32
      %eq3A_1878 = vector.broadcast %eq3A_1877 : i32 to vector<16xi32>
      %eq3A_1879 = arith.cmpi eq, %iota3A, %eq3A_1878 : vector<16xi32>
      %broadcast_in_dim3A_1880 = vector.broadcast %reduce_sum3A_1876 : f32 to vector<16xf32>
      %select_n3A_1881 = arith.select %eq3A_1879, %broadcast_in_dim3A_1880, %select_n3A_1849 : vector<16xi1>, vector<16xf32>
      %broadcast_in_dim3A_1882 = arith.constant 12 : i32
      %broadcast_in_dim3A_1883 = vector.broadcast %broadcast_in_dim3A_1882 : i32 to vector<16xi32>
      %broadcast_in_dim3A_1884 = vector.shape_cast %broadcast_in_dim3A_1883 : vector<16xi32> to vector<16x1xi32>
      %gather3A_1885 = vector.shape_cast %broadcast_in_dim3A_1884 : vector<16x1xi32> to vector<16xi32>
      %gather3A_1886 = tpu.dynamic_gather %scan3A_978[%gather3A_1885] in [0] : vector<16xi32>, vector<16xi32> -> vector<16xi32>
      %broadcast_in_dim3A_1887 = vector.shape_cast %broadcast_in_dim3A_1883 : vector<16xi32> to vector<16x1xi32>
      %gather3A_1888 = vector.shape_cast %broadcast_in_dim3A_1887 : vector<16x1xi32> to vector<16xi32>
      %gather3A_1889 = tpu.dynamic_gather %scan3A_979[%gather3A_1888] in [0] : vector<16xi32>, vector<16xi32> -> vector<16xi32>
      %gather3A_1890 = arith.constant 1 : i32
      %gather3A_1891 = arith.constant 4 : i32
      %gather3A_1892 = arith.constant 0 : i32
      %gather3A_1893 = arith.constant 0 : i32
      %gather3A_1894 = tpu.memref_slice %arg9[%gather3A_1890, %gather3A_1891, %gather3A_1892, %gather3A_1893] : memref<2x8x16x128xf32, #tpu.memory_space<vmem>> -> memref<1x1x16x128xf32, #tpu.memory_space<vmem>>
      %gather3A_1895 = tpu.memref_squeeze %gather3A_1894 : memref<1x1x16x128xf32, #tpu.memory_space<vmem>> -> memref<16x128xf32, #tpu.memory_space<vmem>>
      %gather3A_1896 = tpu.vector_load_idx %gather3A_1895[%iota3A, %gather3A_1886] : memref<16x128xf32, #tpu.memory_space<vmem>>[vector<16xi32>, vector<16xi32>], vector<16xf32>,
      %gather3A_1897 = arith.constant 1 : i32
      %gather3A_1898 = arith.constant 4 : i32
      %gather3A_1899 = arith.constant 0 : i32
      %gather3A_1900 = arith.constant 0 : i32
      %gather3A_1901 = tpu.memref_slice %arg10[%gather3A_1897, %gather3A_1898, %gather3A_1899, %gather3A_1900] : memref<2x8x16x128xf32, #tpu.memory_space<vmem>> -> memref<1x1x16x128xf32, #tpu.memory_space<vmem>>
      %gather3A_1902 = tpu.memref_squeeze %gather3A_1901 : memref<1x1x16x128xf32, #tpu.memory_space<vmem>> -> memref<16x128xf32, #tpu.memory_space<vmem>>
      %gather3A_1903 = tpu.vector_load_idx %gather3A_1902[%iota3A, %gather3A_1889] : memref<16x128xf32, #tpu.memory_space<vmem>>[vector<16xi32>, vector<16xi32>], vector<16xf32>,
      %mul3A_1904 = arith.mulf %gather3A_1896, %gather3A_1903 : vector<16xf32>
      %reduce_sum3A_1905 = arith.constant true
      %reduce_sum3A_1906 = vector.broadcast %reduce_sum3A_1905 : i1 to vector<16xi1>
      %reduce_sum3A_1907 = tpu.scan <sum>, %mul3A_1904 masked %reduce_sum3A_1906 : vector<16xf32>, vector<16xi1> -> vector<16xf32>
      %reduce_sum3A_1908 = vector.extract %reduce_sum3A_1907[15] : f32 from vector<16xf32>
      %eq3A_1909 = arith.constant 12 : i32
      %eq3A_1910 = vector.broadcast %eq3A_1909 : i32 to vector<16xi32>
      %eq3A_1911 = arith.cmpi eq, %iota3A, %eq3A_1910 : vector<16xi32>
      %broadcast_in_dim3A_1912 = vector.broadcast %reduce_sum3A_1908 : f32 to vector<16xf32>
      %select_n3A_1913 = arith.select %eq3A_1911, %broadcast_in_dim3A_1912, %select_n3A_1881 : vector<16xi1>, vector<16xf32>
      %broadcast_in_dim3A_1914 = arith.constant 13 : i32
      %broadcast_in_dim3A_1915 = vector.broadcast %broadcast_in_dim3A_1914 : i32 to vector<16xi32>
      %broadcast_in_dim3A_1916 = vector.shape_cast %broadcast_in_dim3A_1915 : vector<16xi32> to vector<16x1xi32>
      %gather3A_1917 = vector.shape_cast %broadcast_in_dim3A_1916 : vector<16x1xi32> to vector<16xi32>
      %gather3A_1918 = tpu.dynamic_gather %scan3A_978[%gather3A_1917] in [0] : vector<16xi32>, vector<16xi32> -> vector<16xi32>
      %broadcast_in_dim3A_1919 = vector.shape_cast %broadcast_in_dim3A_1915 : vector<16xi32> to vector<16x1xi32>
      %gather3A_1920 = vector.shape_cast %broadcast_in_dim3A_1919 : vector<16x1xi32> to vector<16xi32>
      %gather3A_1921 = tpu.dynamic_gather %scan3A_979[%gather3A_1920] in [0] : vector<16xi32>, vector<16xi32> -> vector<16xi32>
      %gather3A_1922 = arith.constant 1 : i32
      %gather3A_1923 = arith.constant 5 : i32
      %gather3A_1924 = arith.constant 0 : i32
      %gather3A_1925 = arith.constant 0 : i32
      %gather3A_1926 = tpu.memref_slice %arg9[%gather3A_1922, %gather3A_1923, %gather3A_1924, %gather3A_1925] : memref<2x8x16x128xf32, #tpu.memory_space<vmem>> -> memref<1x1x16x128xf32, #tpu.memory_space<vmem>>
      %gather3A_1927 = tpu.memref_squeeze %gather3A_1926 : memref<1x1x16x128xf32, #tpu.memory_space<vmem>> -> memref<16x128xf32, #tpu.memory_space<vmem>>
      %gather3A_1928 = tpu.vector_load_idx %gather3A_1927[%iota3A, %gather3A_1918] : memref<16x128xf32, #tpu.memory_space<vmem>>[vector<16xi32>, vector<16xi32>], vector<16xf32>,
      %gather3A_1929 = arith.constant 1 : i32
      %gather3A_1930 = arith.constant 5 : i32
      %gather3A_1931 = arith.constant 0 : i32
      %gather3A_1932 = arith.constant 0 : i32
      %gather3A_1933 = tpu.memref_slice %arg10[%gather3A_1929, %gather3A_1930, %gather3A_1931, %gather3A_1932] : memref<2x8x16x128xf32, #tpu.memory_space<vmem>> -> memref<1x1x16x128xf32, #tpu.memory_space<vmem>>
      %gather3A_1934 = tpu.memref_squeeze %gather3A_1933 : memref<1x1x16x128xf32, #tpu.memory_space<vmem>> -> memref<16x128xf32, #tpu.memory_space<vmem>>
      %gather3A_1935 = tpu.vector_load_idx %gather3A_1934[%iota3A, %gather3A_1921] : memref<16x128xf32, #tpu.memory_space<vmem>>[vector<16xi32>, vector<16xi32>], vector<16xf32>,
      %mul3A_1936 = arith.mulf %gather3A_1928, %gather3A_1935 : vector<16xf32>
      %reduce_sum3A_1937 = arith.constant true
      %reduce_sum3A_1938 = vector.broadcast %reduce_sum3A_1937 : i1 to vector<16xi1>
      %reduce_sum3A_1939 = tpu.scan <sum>, %mul3A_1936 masked %reduce_sum3A_1938 : vector<16xf32>, vector<16xi1> -> vector<16xf32>
      %reduce_sum3A_1940 = vector.extract %reduce_sum3A_1939[15] : f32 from vector<16xf32>
      %eq3A_1941 = arith.constant 13 : i32
      %eq3A_1942 = vector.broadcast %eq3A_1941 : i32 to vector<16xi32>
      %eq3A_1943 = arith.cmpi eq, %iota3A, %eq3A_1942 : vector<16xi32>
      %broadcast_in_dim3A_1944 = vector.broadcast %reduce_sum3A_1940 : f32 to vector<16xf32>
      %select_n3A_1945 = arith.select %eq3A_1943, %broadcast_in_dim3A_1944, %select_n3A_1913 : vector<16xi1>, vector<16xf32>
      %broadcast_in_dim3A_1946 = arith.constant 14 : i32
      %broadcast_in_dim3A_1947 = vector.broadcast %broadcast_in_dim3A_1946 : i32 to vector<16xi32>
      %broadcast_in_dim3A_1948 = vector.shape_cast %broadcast_in_dim3A_1947 : vector<16xi32> to vector<16x1xi32>
      %gather3A_1949 = vector.shape_cast %broadcast_in_dim3A_1948 : vector<16x1xi32> to vector<16xi32>
      %gather3A_1950 = tpu.dynamic_gather %scan3A_978[%gather3A_1949] in [0] : vector<16xi32>, vector<16xi32> -> vector<16xi32>
      %broadcast_in_dim3A_1951 = vector.shape_cast %broadcast_in_dim3A_1947 : vector<16xi32> to vector<16x1xi32>
      %gather3A_1952 = vector.shape_cast %broadcast_in_dim3A_1951 : vector<16x1xi32> to vector<16xi32>
      %gather3A_1953 = tpu.dynamic_gather %scan3A_979[%gather3A_1952] in [0] : vector<16xi32>, vector<16xi32> -> vector<16xi32>
      %gather3A_1954 = arith.constant 1 : i32
      %gather3A_1955 = arith.constant 6 : i32
      %gather3A_1956 = arith.constant 0 : i32
      %gather3A_1957 = arith.constant 0 : i32
      %gather3A_1958 = tpu.memref_slice %arg9[%gather3A_1954, %gather3A_1955, %gather3A_1956, %gather3A_1957] : memref<2x8x16x128xf32, #tpu.memory_space<vmem>> -> memref<1x1x16x128xf32, #tpu.memory_space<vmem>>
      %gather3A_1959 = tpu.memref_squeeze %gather3A_1958 : memref<1x1x16x128xf32, #tpu.memory_space<vmem>> -> memref<16x128xf32, #tpu.memory_space<vmem>>
      %gather3A_1960 = tpu.vector_load_idx %gather3A_1959[%iota3A, %gather3A_1950] : memref<16x128xf32, #tpu.memory_space<vmem>>[vector<16xi32>, vector<16xi32>], vector<16xf32>,
      %gather3A_1961 = arith.constant 1 : i32
      %gather3A_1962 = arith.constant 6 : i32
      %gather3A_1963 = arith.constant 0 : i32
      %gather3A_1964 = arith.constant 0 : i32
      %gather3A_1965 = tpu.memref_slice %arg10[%gather3A_1961, %gather3A_1962, %gather3A_1963, %gather3A_1964] : memref<2x8x16x128xf32, #tpu.memory_space<vmem>> -> memref<1x1x16x128xf32, #tpu.memory_space<vmem>>
      %gather3A_1966 = tpu.memref_squeeze %gather3A_1965 : memref<1x1x16x128xf32, #tpu.memory_space<vmem>> -> memref<16x128xf32, #tpu.memory_space<vmem>>
      %gather3A_1967 = tpu.vector_load_idx %gather3A_1966[%iota3A, %gather3A_1953] : memref<16x128xf32, #tpu.memory_space<vmem>>[vector<16xi32>, vector<16xi32>], vector<16xf32>,
      %mul3A_1968 = arith.mulf %gather3A_1960, %gather3A_1967 : vector<16xf32>
      %reduce_sum3A_1969 = arith.constant true
      %reduce_sum3A_1970 = vector.broadcast %reduce_sum3A_1969 : i1 to vector<16xi1>
      %reduce_sum3A_1971 = tpu.scan <sum>, %mul3A_1968 masked %reduce_sum3A_1970 : vector<16xf32>, vector<16xi1> -> vector<16xf32>
      %reduce_sum3A_1972 = vector.extract %reduce_sum3A_1971[15] : f32 from vector<16xf32>
      %eq3A_1973 = arith.constant 14 : i32
      %eq3A_1974 = vector.broadcast %eq3A_1973 : i32 to vector<16xi32>
      %eq3A_1975 = arith.cmpi eq, %iota3A, %eq3A_1974 : vector<16xi32>
      %broadcast_in_dim3A_1976 = vector.broadcast %reduce_sum3A_1972 : f32 to vector<16xf32>
      %select_n3A_1977 = arith.select %eq3A_1975, %broadcast_in_dim3A_1976, %select_n3A_1945 : vector<16xi1>, vector<16xf32>
      %broadcast_in_dim3A_1978 = arith.constant 15 : i32
      %broadcast_in_dim3A_1979 = vector.broadcast %broadcast_in_dim3A_1978 : i32 to vector<16xi32>
      %broadcast_in_dim3A_1980 = vector.shape_cast %broadcast_in_dim3A_1979 : vector<16xi32> to vector<16x1xi32>
      %gather3A_1981 = vector.shape_cast %broadcast_in_dim3A_1980 : vector<16x1xi32> to vector<16xi32>
      %gather3A_1982 = tpu.dynamic_gather %scan3A_978[%gather3A_1981] in [0] : vector<16xi32>, vector<16xi32> -> vector<16xi32>
      %broadcast_in_dim3A_1983 = vector.shape_cast %broadcast_in_dim3A_1979 : vector<16xi32> to vector<16x1xi32>
      %gather3A_1984 = vector.shape_cast %broadcast_in_dim3A_1983 : vector<16x1xi32> to vector<16xi32>
      %gather3A_1985 = tpu.dynamic_gather %scan3A_979[%gather3A_1984] in [0] : vector<16xi32>, vector<16xi32> -> vector<16xi32>
      %gather3A_1986 = arith.constant 1 : i32
      %gather3A_1987 = arith.constant 7 : i32
      %gather3A_1988 = arith.constant 0 : i32
      %gather3A_1989 = arith.constant 0 : i32
      %gather3A_1990 = tpu.memref_slice %arg9[%gather3A_1986, %gather3A_1987, %gather3A_1988, %gather3A_1989] : memref<2x8x16x128xf32, #tpu.memory_space<vmem>> -> memref<1x1x16x128xf32, #tpu.memory_space<vmem>>
      %gather3A_1991 = tpu.memref_squeeze %gather3A_1990 : memref<1x1x16x128xf32, #tpu.memory_space<vmem>> -> memref<16x128xf32, #tpu.memory_space<vmem>>
      %gather3A_1992 = tpu.vector_load_idx %gather3A_1991[%iota3A, %gather3A_1982] : memref<16x128xf32, #tpu.memory_space<vmem>>[vector<16xi32>, vector<16xi32>], vector<16xf32>,
      %gather3A_1993 = arith.constant 1 : i32
      %gather3A_1994 = arith.constant 7 : i32
      %gather3A_1995 = arith.constant 0 : i32
      %gather3A_1996 = arith.constant 0 : i32
      %gather3A_1997 = tpu.memref_slice %arg10[%gather3A_1993, %gather3A_1994, %gather3A_1995, %gather3A_1996] : memref<2x8x16x128xf32, #tpu.memory_space<vmem>> -> memref<1x1x16x128xf32, #tpu.memory_space<vmem>>
      %gather3A_1998 = tpu.memref_squeeze %gather3A_1997 : memref<1x1x16x128xf32, #tpu.memory_space<vmem>> -> memref<16x128xf32, #tpu.memory_space<vmem>>
      %gather3A_1999 = tpu.vector_load_idx %gather3A_1998[%iota3A, %gather3A_1985] : memref<16x128xf32, #tpu.memory_space<vmem>>[vector<16xi32>, vector<16xi32>], vector<16xf32>,
      %mul3A_2000 = arith.mulf %gather3A_1992, %gather3A_1999 : vector<16xf32>
      %reduce_sum3A_2001 = arith.constant true
      %reduce_sum3A_2002 = vector.broadcast %reduce_sum3A_2001 : i1 to vector<16xi1>
      %reduce_sum3A_2003 = tpu.scan <sum>, %mul3A_2000 masked %reduce_sum3A_2002 : vector<16xf32>, vector<16xi1> -> vector<16xf32>
      %reduce_sum3A_2004 = vector.extract %reduce_sum3A_2003[15] : f32 from vector<16xf32>
      %eq3A_2005 = arith.constant 15 : i32
      %eq3A_2006 = vector.broadcast %eq3A_2005 : i32 to vector<16xi32>
      %eq3A_2007 = arith.cmpi eq, %iota3A, %eq3A_2006 : vector<16xi32>
      %broadcast_in_dim3A_2008 = vector.broadcast %reduce_sum3A_2004 : f32 to vector<16xf32>
      %select_n3A_2009 = arith.select %eq3A_2007, %broadcast_in_dim3A_2008, %select_n3A_1977 : vector<16xi1>, vector<16xf32>
      %add3A_2010 = arith.constant 1 : i32
      %add3A_2011 = arith.addi %scan3A_975, %add3A_2010 : i32
      %lt3A_2012 = arith.constant 32 : i32
      %lt3A_2013 = arith.cmpi slt, %add3A_2011, %lt3A_2012 : i32
      %convert_element_type3A_2014 = arith.extui %lt3A_2013 : i1 to i32
      %cond3A_2015 = arith.constant 0 : i32
      %cond3A_2016 = arith.cmpi ne, %convert_element_type3A_2014, %cond3A_2015 : i32
      %cond3A_2017:2 = scf.if %cond3A_2016 -> (vector<16xi32>, vector<16xi32>) {
        %add3A_2032 = arith.constant 1 : i32
        %add3A_2033 = arith.addi %scan3A_975, %add3A_2032 : i32
        %mul3A_2034 = arith.constant 16 : i32
        %mul3A_2035 = arith.muli %add3A_2033, %mul3A_2034 : i32
        %get3A_2036 = arith.index_cast %mul3A_2035 : i32 to index
        %get3A_2037 = tpu.vector_load %arg7[%get3A_2036] {strides = array<i32>} : memref<512xi32, #tpu.memory_space<vmem>>, vector<16xi32>,
        %mul3A_2038 = arith.constant 16 : i32
        %mul3A_2039 = arith.muli %add3A_2033, %mul3A_2038 : i32
        %get3A_2040 = arith.index_cast %mul3A_2039 : i32 to index
        %get3A_2041 = tpu.vector_load %arg8[%get3A_2040] {strides = array<i32>} : memref<512xi32, #tpu.memory_space<vmem>>, vector<16xi32>,
        %jit3A_2042 = arith.constant 128 : i32
        %div3A_2043 = vector.broadcast %jit3A_2042 : i32 to vector<16xi32>
        %div3A_2044 = arith.divsi %get3A_2037, %div3A_2043 : vector<16xi32>
        %sign3A_2045 = arith.constant 0 : i32
        %sign3A_2046 = vector.broadcast %sign3A_2045 : i32 to vector<16xi32>
        %sign3A_2047 = arith.cmpi sgt, %get3A_2037, %sign3A_2046 : vector<16xi32>
        %sign3A_2048 = arith.extui %sign3A_2047 : vector<16xi1> to vector<16xi32>
        %sign3A_2049 = arith.constant 0 : i32
        %sign3A_2050 = vector.broadcast %sign3A_2049 : i32 to vector<16xi32>
        %sign3A_2051 = arith.cmpi slt, %get3A_2037, %sign3A_2050 : vector<16xi32>
        %sign3A_2052 = arith.extui %sign3A_2051 : vector<16xi1> to vector<16xi32>
        %sign3A_2053 = arith.subi %sign3A_2048, %sign3A_2052 : vector<16xi32>
        %sign3A_2054 = arith.constant 0 : i32
        %sign3A_2055 = arith.cmpi sgt, %jit3A_2042, %sign3A_2054 : i32
        %sign3A_2056 = arith.extui %sign3A_2055 : i1 to i32
        %sign3A_2057 = arith.constant 0 : i32
        %sign3A_2058 = arith.cmpi slt, %jit3A_2042, %sign3A_2057 : i32
        %sign3A_2059 = arith.extui %sign3A_2058 : i1 to i32
        %sign3A_2060 = arith.subi %sign3A_2056, %sign3A_2059 : i32
        %ne3A_2061 = vector.broadcast %sign3A_2060 : i32 to vector<16xi32>
        %ne3A_2062 = arith.cmpi ne, %sign3A_2053, %ne3A_2061 : vector<16xi32>
        %rem3A_2063 = vector.broadcast %jit3A_2042 : i32 to vector<16xi32>
        %rem3A_2064 = arith.remsi %get3A_2037, %rem3A_2063 : vector<16xi32>
        %ne3A_2065 = arith.constant 0 : i32
        %ne3A_2066 = vector.broadcast %ne3A_2065 : i32 to vector<16xi32>
        %ne3A_2067 = arith.cmpi ne, %rem3A_2064, %ne3A_2066 : vector<16xi32>
        %and3A_2068 = arith.andi %ne3A_2062, %ne3A_2067 : vector<16xi1>
        %sub3A_2069 = arith.constant 1 : i32
        %sub3A_2070 = vector.broadcast %sub3A_2069 : i32 to vector<16xi32>
        %sub3A_2071 = arith.subi %div3A_2044, %sub3A_2070 : vector<16xi32>
        %select_n3A_2072 = arith.select %and3A_2068, %sub3A_2071, %div3A_2044 : vector<16xi1>, vector<16xi32>
        %mul3A_2073 = arith.constant 128 : i32
        %mul3A_2074 = vector.broadcast %mul3A_2073 : i32 to vector<16xi32>
        %mul3A_2075 = arith.muli %select_n3A_2072, %mul3A_2074 : vector<16xi32>
        %jit3A_2076 = arith.constant 128 : i32
        %div3A_2077 = vector.broadcast %jit3A_2076 : i32 to vector<16xi32>
        %div3A_2078 = arith.divsi %get3A_2041, %div3A_2077 : vector<16xi32>
        %sign3A_2079 = arith.constant 0 : i32
        %sign3A_2080 = vector.broadcast %sign3A_2079 : i32 to vector<16xi32>
        %sign3A_2081 = arith.cmpi sgt, %get3A_2041, %sign3A_2080 : vector<16xi32>
        %sign3A_2082 = arith.extui %sign3A_2081 : vector<16xi1> to vector<16xi32>
        %sign3A_2083 = arith.constant 0 : i32
        %sign3A_2084 = vector.broadcast %sign3A_2083 : i32 to vector<16xi32>
        %sign3A_2085 = arith.cmpi slt, %get3A_2041, %sign3A_2084 : vector<16xi32>
        %sign3A_2086 = arith.extui %sign3A_2085 : vector<16xi1> to vector<16xi32>
        %sign3A_2087 = arith.subi %sign3A_2082, %sign3A_2086 : vector<16xi32>
        %sign3A_2088 = arith.constant 0 : i32
        %sign3A_2089 = arith.cmpi sgt, %jit3A_2076, %sign3A_2088 : i32
        %sign3A_2090 = arith.extui %sign3A_2089 : i1 to i32
        %sign3A_2091 = arith.constant 0 : i32
        %sign3A_2092 = arith.cmpi slt, %jit3A_2076, %sign3A_2091 : i32
        %sign3A_2093 = arith.extui %sign3A_2092 : i1 to i32
        %sign3A_2094 = arith.subi %sign3A_2090, %sign3A_2093 : i32
        %ne3A_2095 = vector.broadcast %sign3A_2094 : i32 to vector<16xi32>
        %ne3A_2096 = arith.cmpi ne, %sign3A_2087, %ne3A_2095 : vector<16xi32>
        %rem3A_2097 = vector.broadcast %jit3A_2076 : i32 to vector<16xi32>
        %rem3A_2098 = arith.remsi %get3A_2041, %rem3A_2097 : vector<16xi32>
        %ne3A_2099 = arith.constant 0 : i32
        %ne3A_2100 = vector.broadcast %ne3A_2099 : i32 to vector<16xi32>
        %ne3A_2101 = arith.cmpi ne, %rem3A_2098, %ne3A_2100 : vector<16xi32>
        %and3A_2102 = arith.andi %ne3A_2096, %ne3A_2101 : vector<16xi1>
        %sub3A_2103 = arith.constant 1 : i32
        %sub3A_2104 = vector.broadcast %sub3A_2103 : i32 to vector<16xi32>
        %sub3A_2105 = arith.subi %div3A_2078, %sub3A_2104 : vector<16xi32>
        %select_n3A_2106 = arith.select %and3A_2102, %sub3A_2105, %div3A_2078 : vector<16xi1>, vector<16xi32>
        %mul3A_2107 = arith.constant 128 : i32
        %mul3A_2108 = vector.broadcast %mul3A_2107 : i32 to vector<16xi32>
        %mul3A_2109 = arith.muli %select_n3A_2106, %mul3A_2108 : vector<16xi32>
        %eq3A_2110 = arith.constant 8 : i32
        %eq3A_2111 = vector.broadcast %eq3A_2110 : i32 to vector<16xi32>
        %eq3A_2112 = arith.cmpi eq, %iota3A, %eq3A_2111 : vector<16xi32>
        %jit3A_2113 = arith.constant 0 : i32
        %broadcast_in_dim3A_2114 = vector.broadcast %jit3A_2113 : i32 to vector<16xi32>
        %select_n3A_2115 = arith.select %eq3A_2112, %mul3A_2075, %broadcast_in_dim3A_2114 : vector<16xi1>, vector<16xi32>
        %reduce_sum3A_2116 = arith.constant true
        %reduce_sum3A_2117 = vector.broadcast %reduce_sum3A_2116 : i1 to vector<16xi1>
        %reduce_sum3A_2118 = tpu.scan <sum>, %select_n3A_2115 masked %reduce_sum3A_2117 : vector<16xi32>, vector<16xi1> -> vector<16xi32>
        %reduce_sum3A_2119 = vector.extract %reduce_sum3A_2118[15] : i32 from vector<16xi32>
        %multiple_of3A_2120 = tpu.assume_multiple %reduce_sum3A_2119, 128 : i32
        %jit3A_2121 = arith.constant 0 : i32
        %broadcast_in_dim3A_2122 = vector.broadcast %jit3A_2121 : i32 to vector<16xi32>
        %select_n3A_2123 = arith.select %eq3A_2112, %mul3A_2109, %broadcast_in_dim3A_2122 : vector<16xi1>, vector<16xi32>
        %reduce_sum3A_2124 = arith.constant true
        %reduce_sum3A_2125 = vector.broadcast %reduce_sum3A_2124 : i1 to vector<16xi1>
        %reduce_sum3A_2126 = tpu.scan <sum>, %select_n3A_2123 masked %reduce_sum3A_2125 : vector<16xi32>, vector<16xi1> -> vector<16xi32>
        %reduce_sum3A_2127 = vector.extract %reduce_sum3A_2126[15] : i32 from vector<16xi32>
        %multiple_of3A_2128 = tpu.assume_multiple %reduce_sum3A_2127, 128 : i32
        %dma_start3A_2129 = arith.constant 1 : i32
        %dma_start3A_2130 = arith.constant 0 : i32
        %dma_start3A_2131 = arith.constant 0 : i32
        %dma_start3A_2132 = arith.constant 0 : i32
        %dma_start3A_2133 = tpu.memref_slice %arg9[%dma_start3A_2129, %dma_start3A_2130, %dma_start3A_2131, %dma_start3A_2132] : memref<2x8x16x128xf32, #tpu.memory_space<vmem>> -> memref<1x1x16x128xf32, #tpu.memory_space<vmem>>
        %dma_start3A_2134 = tpu.memref_squeeze %dma_start3A_2133 : memref<1x1x16x128xf32, #tpu.memory_space<vmem>> -> memref<16x128xf32, #tpu.memory_space<vmem>>
        %dma_start3A_2135 = arith.constant 0 : i32
        %dma_start3A_2136 = tpu.memref_slice %arg4[%dma_start3A_2135, %multiple_of3A_2120] : memref<16x1000000xf32, #tpu.memory_space<hbm>> -> memref<16x128xf32, #tpu.memory_space<hbm>>
        %dma_start3A_2137 = arith.constant 0 : i32
        %dma_start3A_2138 = arith.constant 0 : i32
        %dma_start3A_2139 = tpu.memref_slice %arg9[%dma_start3A_2129, %dma_start3A_2130, %dma_start3A_2137, %dma_start3A_2138] : memref<2x8x16x128xf32, #tpu.memory_space<vmem>> -> memref<1x1x16x128xf32, #tpu.memory_space<vmem>>
        %dma_start3A_2140 = tpu.memref_squeeze %dma_start3A_2139 : memref<1x1x16x128xf32, #tpu.memory_space<vmem>> -> memref<16x128xf32, #tpu.memory_space<vmem>>
        %dma_start3A_2141 = arith.constant 0 : i32
        %dma_start3A_2142 = tpu.memref_slice %arg4[%dma_start3A_2141, %multiple_of3A_2120] : memref<16x1000000xf32, #tpu.memory_space<hbm>> -> memref<16x128xf32, #tpu.memory_space<hbm>>
        tpu.enqueue_dma source(%dma_start3A_2142 : memref<16x128xf32, #tpu.memory_space<hbm>>) target(%dma_start3A_2140 : memref<16x128xf32, #tpu.memory_space<vmem>>) target_semaphore(%arg13 : memref<!tpu.dma_semaphore, #tpu.memory_space<semaphore_mem>>)
        %dma_start3A_2143 = arith.constant 1 : i32
        %dma_start3A_2144 = arith.constant 0 : i32
        %dma_start3A_2145 = arith.constant 0 : i32
        %dma_start3A_2146 = arith.constant 0 : i32
        %dma_start3A_2147 = tpu.memref_slice %arg10[%dma_start3A_2143, %dma_start3A_2144, %dma_start3A_2145, %dma_start3A_2146] : memref<2x8x16x128xf32, #tpu.memory_space<vmem>> -> memref<1x1x16x128xf32, #tpu.memory_space<vmem>>
        %dma_start3A_2148 = tpu.memref_squeeze %dma_start3A_2147 : memref<1x1x16x128xf32, #tpu.memory_space<vmem>> -> memref<16x128xf32, #tpu.memory_space<vmem>>
        %dma_start3A_2149 = arith.constant 0 : i32
        %dma_start3A_2150 = tpu.memref_slice %arg5[%dma_start3A_2149, %multiple_of3A_2128] : memref<16x1000000xf32, #tpu.memory_space<hbm>> -> memref<16x128xf32, #tpu.memory_space<hbm>>
        %dma_start3A_2151 = arith.constant 0 : i32
        %dma_start3A_2152 = arith.constant 0 : i32
        %dma_start3A_2153 = tpu.memref_slice %arg10[%dma_start3A_2143, %dma_start3A_2144, %dma_start3A_2151, %dma_start3A_2152] : memref<2x8x16x128xf32, #tpu.memory_space<vmem>> -> memref<1x1x16x128xf32, #tpu.memory_space<vmem>>
        %dma_start3A_2154 = tpu.memref_squeeze %dma_start3A_2153 : memref<1x1x16x128xf32, #tpu.memory_space<vmem>> -> memref<16x128xf32, #tpu.memory_space<vmem>>
        %dma_start3A_2155 = arith.constant 0 : i32
        %dma_start3A_2156 = tpu.memref_slice %arg5[%dma_start3A_2155, %multiple_of3A_2128] : memref<16x1000000xf32, #tpu.memory_space<hbm>> -> memref<16x128xf32, #tpu.memory_space<hbm>>
        tpu.enqueue_dma source(%dma_start3A_2156 : memref<16x128xf32, #tpu.memory_space<hbm>>) target(%dma_start3A_2154 : memref<16x128xf32, #tpu.memory_space<vmem>>) target_semaphore(%arg13 : memref<!tpu.dma_semaphore, #tpu.memory_space<semaphore_mem>>)
        %eq3A_2157 = arith.constant 9 : i32
        %eq3A_2158 = vector.broadcast %eq3A_2157 : i32 to vector<16xi32>
        %eq3A_2159 = arith.cmpi eq, %iota3A, %eq3A_2158 : vector<16xi32>
        %jit3A_2160 = arith.constant 0 : i32
        %broadcast_in_dim3A_2161 = vector.broadcast %jit3A_2160 : i32 to vector<16xi32>
        %select_n3A_2162 = arith.select %eq3A_2159, %mul3A_2075, %broadcast_in_dim3A_2161 : vector<16xi1>, vector<16xi32>
        %reduce_sum3A_2163 = arith.constant true
        %reduce_sum3A_2164 = vector.broadcast %reduce_sum3A_2163 : i1 to vector<16xi1>
        %reduce_sum3A_2165 = tpu.scan <sum>, %select_n3A_2162 masked %reduce_sum3A_2164 : vector<16xi32>, vector<16xi1> -> vector<16xi32>
        %reduce_sum3A_2166 = vector.extract %reduce_sum3A_2165[15] : i32 from vector<16xi32>
        %multiple_of3A_2167 = tpu.assume_multiple %reduce_sum3A_2166, 128 : i32
        %jit3A_2168 = arith.constant 0 : i32
        %broadcast_in_dim3A_2169 = vector.broadcast %jit3A_2168 : i32 to vector<16xi32>
        %select_n3A_2170 = arith.select %eq3A_2159, %mul3A_2109, %broadcast_in_dim3A_2169 : vector<16xi1>, vector<16xi32>
        %reduce_sum3A_2171 = arith.constant true
        %reduce_sum3A_2172 = vector.broadcast %reduce_sum3A_2171 : i1 to vector<16xi1>
        %reduce_sum3A_2173 = tpu.scan <sum>, %select_n3A_2170 masked %reduce_sum3A_2172 : vector<16xi32>, vector<16xi1> -> vector<16xi32>
        %reduce_sum3A_2174 = vector.extract %reduce_sum3A_2173[15] : i32 from vector<16xi32>
        %multiple_of3A_2175 = tpu.assume_multiple %reduce_sum3A_2174, 128 : i32
        %dma_start3A_2176 = arith.constant 1 : i32
        %dma_start3A_2177 = arith.constant 1 : i32
        %dma_start3A_2178 = arith.constant 0 : i32
        %dma_start3A_2179 = arith.constant 0 : i32
        %dma_start3A_2180 = tpu.memref_slice %arg9[%dma_start3A_2176, %dma_start3A_2177, %dma_start3A_2178, %dma_start3A_2179] : memref<2x8x16x128xf32, #tpu.memory_space<vmem>> -> memref<1x1x16x128xf32, #tpu.memory_space<vmem>>
        %dma_start3A_2181 = tpu.memref_squeeze %dma_start3A_2180 : memref<1x1x16x128xf32, #tpu.memory_space<vmem>> -> memref<16x128xf32, #tpu.memory_space<vmem>>
        %dma_start3A_2182 = arith.constant 0 : i32
        %dma_start3A_2183 = tpu.memref_slice %arg4[%dma_start3A_2182, %multiple_of3A_2167] : memref<16x1000000xf32, #tpu.memory_space<hbm>> -> memref<16x128xf32, #tpu.memory_space<hbm>>
        %dma_start3A_2184 = arith.constant 0 : i32
        %dma_start3A_2185 = arith.constant 0 : i32
        %dma_start3A_2186 = tpu.memref_slice %arg9[%dma_start3A_2176, %dma_start3A_2177, %dma_start3A_2184, %dma_start3A_2185] : memref<2x8x16x128xf32, #tpu.memory_space<vmem>> -> memref<1x1x16x128xf32, #tpu.memory_space<vmem>>
        %dma_start3A_2187 = tpu.memref_squeeze %dma_start3A_2186 : memref<1x1x16x128xf32, #tpu.memory_space<vmem>> -> memref<16x128xf32, #tpu.memory_space<vmem>>
        %dma_start3A_2188 = arith.constant 0 : i32
        %dma_start3A_2189 = tpu.memref_slice %arg4[%dma_start3A_2188, %multiple_of3A_2167] : memref<16x1000000xf32, #tpu.memory_space<hbm>> -> memref<16x128xf32, #tpu.memory_space<hbm>>
        tpu.enqueue_dma source(%dma_start3A_2189 : memref<16x128xf32, #tpu.memory_space<hbm>>) target(%dma_start3A_2187 : memref<16x128xf32, #tpu.memory_space<vmem>>) target_semaphore(%arg13 : memref<!tpu.dma_semaphore, #tpu.memory_space<semaphore_mem>>)
        %dma_start3A_2190 = arith.constant 1 : i32
        %dma_start3A_2191 = arith.constant 1 : i32
        %dma_start3A_2192 = arith.constant 0 : i32
        %dma_start3A_2193 = arith.constant 0 : i32
        %dma_start3A_2194 = tpu.memref_slice %arg10[%dma_start3A_2190, %dma_start3A_2191, %dma_start3A_2192, %dma_start3A_2193] : memref<2x8x16x128xf32, #tpu.memory_space<vmem>> -> memref<1x1x16x128xf32, #tpu.memory_space<vmem>>
        %dma_start3A_2195 = tpu.memref_squeeze %dma_start3A_2194 : memref<1x1x16x128xf32, #tpu.memory_space<vmem>> -> memref<16x128xf32, #tpu.memory_space<vmem>>
        %dma_start3A_2196 = arith.constant 0 : i32
        %dma_start3A_2197 = tpu.memref_slice %arg5[%dma_start3A_2196, %multiple_of3A_2175] : memref<16x1000000xf32, #tpu.memory_space<hbm>> -> memref<16x128xf32, #tpu.memory_space<hbm>>
        %dma_start3A_2198 = arith.constant 0 : i32
        %dma_start3A_2199 = arith.constant 0 : i32
        %dma_start3A_2200 = tpu.memref_slice %arg10[%dma_start3A_2190, %dma_start3A_2191, %dma_start3A_2198, %dma_start3A_2199] : memref<2x8x16x128xf32, #tpu.memory_space<vmem>> -> memref<1x1x16x128xf32, #tpu.memory_space<vmem>>
        %dma_start3A_2201 = tpu.memref_squeeze %dma_start3A_2200 : memref<1x1x16x128xf32, #tpu.memory_space<vmem>> -> memref<16x128xf32, #tpu.memory_space<vmem>>
        %dma_start3A_2202 = arith.constant 0 : i32
        %dma_start3A_2203 = tpu.memref_slice %arg5[%dma_start3A_2202, %multiple_of3A_2175] : memref<16x1000000xf32, #tpu.memory_space<hbm>> -> memref<16x128xf32, #tpu.memory_space<hbm>>
        tpu.enqueue_dma source(%dma_start3A_2203 : memref<16x128xf32, #tpu.memory_space<hbm>>) target(%dma_start3A_2201 : memref<16x128xf32, #tpu.memory_space<vmem>>) target_semaphore(%arg13 : memref<!tpu.dma_semaphore, #tpu.memory_space<semaphore_mem>>)
        %eq3A_2204 = arith.constant 10 : i32
        %eq3A_2205 = vector.broadcast %eq3A_2204 : i32 to vector<16xi32>
        %eq3A_2206 = arith.cmpi eq, %iota3A, %eq3A_2205 : vector<16xi32>
        %jit3A_2207 = arith.constant 0 : i32
        %broadcast_in_dim3A_2208 = vector.broadcast %jit3A_2207 : i32 to vector<16xi32>
        %select_n3A_2209 = arith.select %eq3A_2206, %mul3A_2075, %broadcast_in_dim3A_2208 : vector<16xi1>, vector<16xi32>
        %reduce_sum3A_2210 = arith.constant true
        %reduce_sum3A_2211 = vector.broadcast %reduce_sum3A_2210 : i1 to vector<16xi1>
        %reduce_sum3A_2212 = tpu.scan <sum>, %select_n3A_2209 masked %reduce_sum3A_2211 : vector<16xi32>, vector<16xi1> -> vector<16xi32>
        %reduce_sum3A_2213 = vector.extract %reduce_sum3A_2212[15] : i32 from vector<16xi32>
        %multiple_of3A_2214 = tpu.assume_multiple %reduce_sum3A_2213, 128 : i32
        %jit3A_2215 = arith.constant 0 : i32
        %broadcast_in_dim3A_2216 = vector.broadcast %jit3A_2215 : i32 to vector<16xi32>
        %select_n3A_2217 = arith.select %eq3A_2206, %mul3A_2109, %broadcast_in_dim3A_2216 : vector<16xi1>, vector<16xi32>
        %reduce_sum3A_2218 = arith.constant true
        %reduce_sum3A_2219 = vector.broadcast %reduce_sum3A_2218 : i1 to vector<16xi1>
        %reduce_sum3A_2220 = tpu.scan <sum>, %select_n3A_2217 masked %reduce_sum3A_2219 : vector<16xi32>, vector<16xi1> -> vector<16xi32>
        %reduce_sum3A_2221 = vector.extract %reduce_sum3A_2220[15] : i32 from vector<16xi32>
        %multiple_of3A_2222 = tpu.assume_multiple %reduce_sum3A_2221, 128 : i32
        %dma_start3A_2223 = arith.constant 1 : i32
        %dma_start3A_2224 = arith.constant 2 : i32
        %dma_start3A_2225 = arith.constant 0 : i32
        %dma_start3A_2226 = arith.constant 0 : i32
        %dma_start3A_2227 = tpu.memref_slice %arg9[%dma_start3A_2223, %dma_start3A_2224, %dma_start3A_2225, %dma_start3A_2226] : memref<2x8x16x128xf32, #tpu.memory_space<vmem>> -> memref<1x1x16x128xf32, #tpu.memory_space<vmem>>
        %dma_start3A_2228 = tpu.memref_squeeze %dma_start3A_2227 : memref<1x1x16x128xf32, #tpu.memory_space<vmem>> -> memref<16x128xf32, #tpu.memory_space<vmem>>
        %dma_start3A_2229 = arith.constant 0 : i32
        %dma_start3A_2230 = tpu.memref_slice %arg4[%dma_start3A_2229, %multiple_of3A_2214] : memref<16x1000000xf32, #tpu.memory_space<hbm>> -> memref<16x128xf32, #tpu.memory_space<hbm>>
        %dma_start3A_2231 = arith.constant 0 : i32
        %dma_start3A_2232 = arith.constant 0 : i32
        %dma_start3A_2233 = tpu.memref_slice %arg9[%dma_start3A_2223, %dma_start3A_2224, %dma_start3A_2231, %dma_start3A_2232] : memref<2x8x16x128xf32, #tpu.memory_space<vmem>> -> memref<1x1x16x128xf32, #tpu.memory_space<vmem>>
        %dma_start3A_2234 = tpu.memref_squeeze %dma_start3A_2233 : memref<1x1x16x128xf32, #tpu.memory_space<vmem>> -> memref<16x128xf32, #tpu.memory_space<vmem>>
        %dma_start3A_2235 = arith.constant 0 : i32
        %dma_start3A_2236 = tpu.memref_slice %arg4[%dma_start3A_2235, %multiple_of3A_2214] : memref<16x1000000xf32, #tpu.memory_space<hbm>> -> memref<16x128xf32, #tpu.memory_space<hbm>>
        tpu.enqueue_dma source(%dma_start3A_2236 : memref<16x128xf32, #tpu.memory_space<hbm>>) target(%dma_start3A_2234 : memref<16x128xf32, #tpu.memory_space<vmem>>) target_semaphore(%arg13 : memref<!tpu.dma_semaphore, #tpu.memory_space<semaphore_mem>>)
        %dma_start3A_2237 = arith.constant 1 : i32
        %dma_start3A_2238 = arith.constant 2 : i32
        %dma_start3A_2239 = arith.constant 0 : i32
        %dma_start3A_2240 = arith.constant 0 : i32
        %dma_start3A_2241 = tpu.memref_slice %arg10[%dma_start3A_2237, %dma_start3A_2238, %dma_start3A_2239, %dma_start3A_2240] : memref<2x8x16x128xf32, #tpu.memory_space<vmem>> -> memref<1x1x16x128xf32, #tpu.memory_space<vmem>>
        %dma_start3A_2242 = tpu.memref_squeeze %dma_start3A_2241 : memref<1x1x16x128xf32, #tpu.memory_space<vmem>> -> memref<16x128xf32, #tpu.memory_space<vmem>>
        %dma_start3A_2243 = arith.constant 0 : i32
        %dma_start3A_2244 = tpu.memref_slice %arg5[%dma_start3A_2243, %multiple_of3A_2222] : memref<16x1000000xf32, #tpu.memory_space<hbm>> -> memref<16x128xf32, #tpu.memory_space<hbm>>
        %dma_start3A_2245 = arith.constant 0 : i32
        %dma_start3A_2246 = arith.constant 0 : i32
        %dma_start3A_2247 = tpu.memref_slice %arg10[%dma_start3A_2237, %dma_start3A_2238, %dma_start3A_2245, %dma_start3A_2246] : memref<2x8x16x128xf32, #tpu.memory_space<vmem>> -> memref<1x1x16x128xf32, #tpu.memory_space<vmem>>
        %dma_start3A_2248 = tpu.memref_squeeze %dma_start3A_2247 : memref<1x1x16x128xf32, #tpu.memory_space<vmem>> -> memref<16x128xf32, #tpu.memory_space<vmem>>
        %dma_start3A_2249 = arith.constant 0 : i32
        %dma_start3A_2250 = tpu.memref_slice %arg5[%dma_start3A_2249, %multiple_of3A_2222] : memref<16x1000000xf32, #tpu.memory_space<hbm>> -> memref<16x128xf32, #tpu.memory_space<hbm>>
        tpu.enqueue_dma source(%dma_start3A_2250 : memref<16x128xf32, #tpu.memory_space<hbm>>) target(%dma_start3A_2248 : memref<16x128xf32, #tpu.memory_space<vmem>>) target_semaphore(%arg13 : memref<!tpu.dma_semaphore, #tpu.memory_space<semaphore_mem>>)
        %eq3A_2251 = arith.constant 11 : i32
        %eq3A_2252 = vector.broadcast %eq3A_2251 : i32 to vector<16xi32>
        %eq3A_2253 = arith.cmpi eq, %iota3A, %eq3A_2252 : vector<16xi32>
        %jit3A_2254 = arith.constant 0 : i32
        %broadcast_in_dim3A_2255 = vector.broadcast %jit3A_2254 : i32 to vector<16xi32>
        %select_n3A_2256 = arith.select %eq3A_2253, %mul3A_2075, %broadcast_in_dim3A_2255 : vector<16xi1>, vector<16xi32>
        %reduce_sum3A_2257 = arith.constant true
        %reduce_sum3A_2258 = vector.broadcast %reduce_sum3A_2257 : i1 to vector<16xi1>
        %reduce_sum3A_2259 = tpu.scan <sum>, %select_n3A_2256 masked %reduce_sum3A_2258 : vector<16xi32>, vector<16xi1> -> vector<16xi32>
        %reduce_sum3A_2260 = vector.extract %reduce_sum3A_2259[15] : i32 from vector<16xi32>
        %multiple_of3A_2261 = tpu.assume_multiple %reduce_sum3A_2260, 128 : i32
        %jit3A_2262 = arith.constant 0 : i32
        %broadcast_in_dim3A_2263 = vector.broadcast %jit3A_2262 : i32 to vector<16xi32>
        %select_n3A_2264 = arith.select %eq3A_2253, %mul3A_2109, %broadcast_in_dim3A_2263 : vector<16xi1>, vector<16xi32>
        %reduce_sum3A_2265 = arith.constant true
        %reduce_sum3A_2266 = vector.broadcast %reduce_sum3A_2265 : i1 to vector<16xi1>
        %reduce_sum3A_2267 = tpu.scan <sum>, %select_n3A_2264 masked %reduce_sum3A_2266 : vector<16xi32>, vector<16xi1> -> vector<16xi32>
        %reduce_sum3A_2268 = vector.extract %reduce_sum3A_2267[15] : i32 from vector<16xi32>
        %multiple_of3A_2269 = tpu.assume_multiple %reduce_sum3A_2268, 128 : i32
        %dma_start3A_2270 = arith.constant 1 : i32
        %dma_start3A_2271 = arith.constant 3 : i32
        %dma_start3A_2272 = arith.constant 0 : i32
        %dma_start3A_2273 = arith.constant 0 : i32
        %dma_start3A_2274 = tpu.memref_slice %arg9[%dma_start3A_2270, %dma_start3A_2271, %dma_start3A_2272, %dma_start3A_2273] : memref<2x8x16x128xf32, #tpu.memory_space<vmem>> -> memref<1x1x16x128xf32, #tpu.memory_space<vmem>>
        %dma_start3A_2275 = tpu.memref_squeeze %dma_start3A_2274 : memref<1x1x16x128xf32, #tpu.memory_space<vmem>> -> memref<16x128xf32, #tpu.memory_space<vmem>>
        %dma_start3A_2276 = arith.constant 0 : i32
        %dma_start3A_2277 = tpu.memref_slice %arg4[%dma_start3A_2276, %multiple_of3A_2261] : memref<16x1000000xf32, #tpu.memory_space<hbm>> -> memref<16x128xf32, #tpu.memory_space<hbm>>
        %dma_start3A_2278 = arith.constant 0 : i32
        %dma_start3A_2279 = arith.constant 0 : i32
        %dma_start3A_2280 = tpu.memref_slice %arg9[%dma_start3A_2270, %dma_start3A_2271, %dma_start3A_2278, %dma_start3A_2279] : memref<2x8x16x128xf32, #tpu.memory_space<vmem>> -> memref<1x1x16x128xf32, #tpu.memory_space<vmem>>
        %dma_start3A_2281 = tpu.memref_squeeze %dma_start3A_2280 : memref<1x1x16x128xf32, #tpu.memory_space<vmem>> -> memref<16x128xf32, #tpu.memory_space<vmem>>
        %dma_start3A_2282 = arith.constant 0 : i32
        %dma_start3A_2283 = tpu.memref_slice %arg4[%dma_start3A_2282, %multiple_of3A_2261] : memref<16x1000000xf32, #tpu.memory_space<hbm>> -> memref<16x128xf32, #tpu.memory_space<hbm>>
        tpu.enqueue_dma source(%dma_start3A_2283 : memref<16x128xf32, #tpu.memory_space<hbm>>) target(%dma_start3A_2281 : memref<16x128xf32, #tpu.memory_space<vmem>>) target_semaphore(%arg13 : memref<!tpu.dma_semaphore, #tpu.memory_space<semaphore_mem>>)
        %dma_start3A_2284 = arith.constant 1 : i32
        %dma_start3A_2285 = arith.constant 3 : i32
        %dma_start3A_2286 = arith.constant 0 : i32
        %dma_start3A_2287 = arith.constant 0 : i32
        %dma_start3A_2288 = tpu.memref_slice %arg10[%dma_start3A_2284, %dma_start3A_2285, %dma_start3A_2286, %dma_start3A_2287] : memref<2x8x16x128xf32, #tpu.memory_space<vmem>> -> memref<1x1x16x128xf32, #tpu.memory_space<vmem>>
        %dma_start3A_2289 = tpu.memref_squeeze %dma_start3A_2288 : memref<1x1x16x128xf32, #tpu.memory_space<vmem>> -> memref<16x128xf32, #tpu.memory_space<vmem>>
        %dma_start3A_2290 = arith.constant 0 : i32
        %dma_start3A_2291 = tpu.memref_slice %arg5[%dma_start3A_2290, %multiple_of3A_2269] : memref<16x1000000xf32, #tpu.memory_space<hbm>> -> memref<16x128xf32, #tpu.memory_space<hbm>>
        %dma_start3A_2292 = arith.constant 0 : i32
        %dma_start3A_2293 = arith.constant 0 : i32
        %dma_start3A_2294 = tpu.memref_slice %arg10[%dma_start3A_2284, %dma_start3A_2285, %dma_start3A_2292, %dma_start3A_2293] : memref<2x8x16x128xf32, #tpu.memory_space<vmem>> -> memref<1x1x16x128xf32, #tpu.memory_space<vmem>>
        %dma_start3A_2295 = tpu.memref_squeeze %dma_start3A_2294 : memref<1x1x16x128xf32, #tpu.memory_space<vmem>> -> memref<16x128xf32, #tpu.memory_space<vmem>>
        %dma_start3A_2296 = arith.constant 0 : i32
        %dma_start3A_2297 = tpu.memref_slice %arg5[%dma_start3A_2296, %multiple_of3A_2269] : memref<16x1000000xf32, #tpu.memory_space<hbm>> -> memref<16x128xf32, #tpu.memory_space<hbm>>
        tpu.enqueue_dma source(%dma_start3A_2297 : memref<16x128xf32, #tpu.memory_space<hbm>>) target(%dma_start3A_2295 : memref<16x128xf32, #tpu.memory_space<vmem>>) target_semaphore(%arg13 : memref<!tpu.dma_semaphore, #tpu.memory_space<semaphore_mem>>)
        %eq3A_2298 = arith.constant 12 : i32
        %eq3A_2299 = vector.broadcast %eq3A_2298 : i32 to vector<16xi32>
        %eq3A_2300 = arith.cmpi eq, %iota3A, %eq3A_2299 : vector<16xi32>
        %jit3A_2301 = arith.constant 0 : i32
        %broadcast_in_dim3A_2302 = vector.broadcast %jit3A_2301 : i32 to vector<16xi32>
        %select_n3A_2303 = arith.select %eq3A_2300, %mul3A_2075, %broadcast_in_dim3A_2302 : vector<16xi1>, vector<16xi32>
        %reduce_sum3A_2304 = arith.constant true
        %reduce_sum3A_2305 = vector.broadcast %reduce_sum3A_2304 : i1 to vector<16xi1>
        %reduce_sum3A_2306 = tpu.scan <sum>, %select_n3A_2303 masked %reduce_sum3A_2305 : vector<16xi32>, vector<16xi1> -> vector<16xi32>
        %reduce_sum3A_2307 = vector.extract %reduce_sum3A_2306[15] : i32 from vector<16xi32>
        %multiple_of3A_2308 = tpu.assume_multiple %reduce_sum3A_2307, 128 : i32
        %jit3A_2309 = arith.constant 0 : i32
        %broadcast_in_dim3A_2310 = vector.broadcast %jit3A_2309 : i32 to vector<16xi32>
        %select_n3A_2311 = arith.select %eq3A_2300, %mul3A_2109, %broadcast_in_dim3A_2310 : vector<16xi1>, vector<16xi32>
        %reduce_sum3A_2312 = arith.constant true
        %reduce_sum3A_2313 = vector.broadcast %reduce_sum3A_2312 : i1 to vector<16xi1>
        %reduce_sum3A_2314 = tpu.scan <sum>, %select_n3A_2311 masked %reduce_sum3A_2313 : vector<16xi32>, vector<16xi1> -> vector<16xi32>
        %reduce_sum3A_2315 = vector.extract %reduce_sum3A_2314[15] : i32 from vector<16xi32>
        %multiple_of3A_2316 = tpu.assume_multiple %reduce_sum3A_2315, 128 : i32
        %dma_start3A_2317 = arith.constant 1 : i32
        %dma_start3A_2318 = arith.constant 4 : i32
        %dma_start3A_2319 = arith.constant 0 : i32
        %dma_start3A_2320 = arith.constant 0 : i32
        %dma_start3A_2321 = tpu.memref_slice %arg9[%dma_start3A_2317, %dma_start3A_2318, %dma_start3A_2319, %dma_start3A_2320] : memref<2x8x16x128xf32, #tpu.memory_space<vmem>> -> memref<1x1x16x128xf32, #tpu.memory_space<vmem>>
        %dma_start3A_2322 = tpu.memref_squeeze %dma_start3A_2321 : memref<1x1x16x128xf32, #tpu.memory_space<vmem>> -> memref<16x128xf32, #tpu.memory_space<vmem>>
        %dma_start3A_2323 = arith.constant 0 : i32
        %dma_start3A_2324 = tpu.memref_slice %arg4[%dma_start3A_2323, %multiple_of3A_2308] : memref<16x1000000xf32, #tpu.memory_space<hbm>> -> memref<16x128xf32, #tpu.memory_space<hbm>>
        %dma_start3A_2325 = arith.constant 0 : i32
        %dma_start3A_2326 = arith.constant 0 : i32
        %dma_start3A_2327 = tpu.memref_slice %arg9[%dma_start3A_2317, %dma_start3A_2318, %dma_start3A_2325, %dma_start3A_2326] : memref<2x8x16x128xf32, #tpu.memory_space<vmem>> -> memref<1x1x16x128xf32, #tpu.memory_space<vmem>>
        %dma_start3A_2328 = tpu.memref_squeeze %dma_start3A_2327 : memref<1x1x16x128xf32, #tpu.memory_space<vmem>> -> memref<16x128xf32, #tpu.memory_space<vmem>>
        %dma_start3A_2329 = arith.constant 0 : i32
        %dma_start3A_2330 = tpu.memref_slice %arg4[%dma_start3A_2329, %multiple_of3A_2308] : memref<16x1000000xf32, #tpu.memory_space<hbm>> -> memref<16x128xf32, #tpu.memory_space<hbm>>
        tpu.enqueue_dma source(%dma_start3A_2330 : memref<16x128xf32, #tpu.memory_space<hbm>>) target(%dma_start3A_2328 : memref<16x128xf32, #tpu.memory_space<vmem>>) target_semaphore(%arg13 : memref<!tpu.dma_semaphore, #tpu.memory_space<semaphore_mem>>)
        %dma_start3A_2331 = arith.constant 1 : i32
        %dma_start3A_2332 = arith.constant 4 : i32
        %dma_start3A_2333 = arith.constant 0 : i32
        %dma_start3A_2334 = arith.constant 0 : i32
        %dma_start3A_2335 = tpu.memref_slice %arg10[%dma_start3A_2331, %dma_start3A_2332, %dma_start3A_2333, %dma_start3A_2334] : memref<2x8x16x128xf32, #tpu.memory_space<vmem>> -> memref<1x1x16x128xf32, #tpu.memory_space<vmem>>
        %dma_start3A_2336 = tpu.memref_squeeze %dma_start3A_2335 : memref<1x1x16x128xf32, #tpu.memory_space<vmem>> -> memref<16x128xf32, #tpu.memory_space<vmem>>
        %dma_start3A_2337 = arith.constant 0 : i32
        %dma_start3A_2338 = tpu.memref_slice %arg5[%dma_start3A_2337, %multiple_of3A_2316] : memref<16x1000000xf32, #tpu.memory_space<hbm>> -> memref<16x128xf32, #tpu.memory_space<hbm>>
        %dma_start3A_2339 = arith.constant 0 : i32
        %dma_start3A_2340 = arith.constant 0 : i32
        %dma_start3A_2341 = tpu.memref_slice %arg10[%dma_start3A_2331, %dma_start3A_2332, %dma_start3A_2339, %dma_start3A_2340] : memref<2x8x16x128xf32, #tpu.memory_space<vmem>> -> memref<1x1x16x128xf32, #tpu.memory_space<vmem>>
        %dma_start3A_2342 = tpu.memref_squeeze %dma_start3A_2341 : memref<1x1x16x128xf32, #tpu.memory_space<vmem>> -> memref<16x128xf32, #tpu.memory_space<vmem>>
        %dma_start3A_2343 = arith.constant 0 : i32
        %dma_start3A_2344 = tpu.memref_slice %arg5[%dma_start3A_2343, %multiple_of3A_2316] : memref<16x1000000xf32, #tpu.memory_space<hbm>> -> memref<16x128xf32, #tpu.memory_space<hbm>>
        tpu.enqueue_dma source(%dma_start3A_2344 : memref<16x128xf32, #tpu.memory_space<hbm>>) target(%dma_start3A_2342 : memref<16x128xf32, #tpu.memory_space<vmem>>) target_semaphore(%arg13 : memref<!tpu.dma_semaphore, #tpu.memory_space<semaphore_mem>>)
        %eq3A_2345 = arith.constant 13 : i32
        %eq3A_2346 = vector.broadcast %eq3A_2345 : i32 to vector<16xi32>
        %eq3A_2347 = arith.cmpi eq, %iota3A, %eq3A_2346 : vector<16xi32>
        %jit3A_2348 = arith.constant 0 : i32
        %broadcast_in_dim3A_2349 = vector.broadcast %jit3A_2348 : i32 to vector<16xi32>
        %select_n3A_2350 = arith.select %eq3A_2347, %mul3A_2075, %broadcast_in_dim3A_2349 : vector<16xi1>, vector<16xi32>
        %reduce_sum3A_2351 = arith.constant true
        %reduce_sum3A_2352 = vector.broadcast %reduce_sum3A_2351 : i1 to vector<16xi1>
        %reduce_sum3A_2353 = tpu.scan <sum>, %select_n3A_2350 masked %reduce_sum3A_2352 : vector<16xi32>, vector<16xi1> -> vector<16xi32>
        %reduce_sum3A_2354 = vector.extract %reduce_sum3A_2353[15] : i32 from vector<16xi32>
        %multiple_of3A_2355 = tpu.assume_multiple %reduce_sum3A_2354, 128 : i32
        %jit3A_2356 = arith.constant 0 : i32
        %broadcast_in_dim3A_2357 = vector.broadcast %jit3A_2356 : i32 to vector<16xi32>
        %select_n3A_2358 = arith.select %eq3A_2347, %mul3A_2109, %broadcast_in_dim3A_2357 : vector<16xi1>, vector<16xi32>
        %reduce_sum3A_2359 = arith.constant true
        %reduce_sum3A_2360 = vector.broadcast %reduce_sum3A_2359 : i1 to vector<16xi1>
        %reduce_sum3A_2361 = tpu.scan <sum>, %select_n3A_2358 masked %reduce_sum3A_2360 : vector<16xi32>, vector<16xi1> -> vector<16xi32>
        %reduce_sum3A_2362 = vector.extract %reduce_sum3A_2361[15] : i32 from vector<16xi32>
        %multiple_of3A_2363 = tpu.assume_multiple %reduce_sum3A_2362, 128 : i32
        %dma_start3A_2364 = arith.constant 1 : i32
        %dma_start3A_2365 = arith.constant 5 : i32
        %dma_start3A_2366 = arith.constant 0 : i32
        %dma_start3A_2367 = arith.constant 0 : i32
        %dma_start3A_2368 = tpu.memref_slice %arg9[%dma_start3A_2364, %dma_start3A_2365, %dma_start3A_2366, %dma_start3A_2367] : memref<2x8x16x128xf32, #tpu.memory_space<vmem>> -> memref<1x1x16x128xf32, #tpu.memory_space<vmem>>
        %dma_start3A_2369 = tpu.memref_squeeze %dma_start3A_2368 : memref<1x1x16x128xf32, #tpu.memory_space<vmem>> -> memref<16x128xf32, #tpu.memory_space<vmem>>
        %dma_start3A_2370 = arith.constant 0 : i32
        %dma_start3A_2371 = tpu.memref_slice %arg4[%dma_start3A_2370, %multiple_of3A_2355] : memref<16x1000000xf32, #tpu.memory_space<hbm>> -> memref<16x128xf32, #tpu.memory_space<hbm>>
        %dma_start3A_2372 = arith.constant 0 : i32
        %dma_start3A_2373 = arith.constant 0 : i32
        %dma_start3A_2374 = tpu.memref_slice %arg9[%dma_start3A_2364, %dma_start3A_2365, %dma_start3A_2372, %dma_start3A_2373] : memref<2x8x16x128xf32, #tpu.memory_space<vmem>> -> memref<1x1x16x128xf32, #tpu.memory_space<vmem>>
        %dma_start3A_2375 = tpu.memref_squeeze %dma_start3A_2374 : memref<1x1x16x128xf32, #tpu.memory_space<vmem>> -> memref<16x128xf32, #tpu.memory_space<vmem>>
        %dma_start3A_2376 = arith.constant 0 : i32
        %dma_start3A_2377 = tpu.memref_slice %arg4[%dma_start3A_2376, %multiple_of3A_2355] : memref<16x1000000xf32, #tpu.memory_space<hbm>> -> memref<16x128xf32, #tpu.memory_space<hbm>>
        tpu.enqueue_dma source(%dma_start3A_2377 : memref<16x128xf32, #tpu.memory_space<hbm>>) target(%dma_start3A_2375 : memref<16x128xf32, #tpu.memory_space<vmem>>) target_semaphore(%arg13 : memref<!tpu.dma_semaphore, #tpu.memory_space<semaphore_mem>>)
        %dma_start3A_2378 = arith.constant 1 : i32
        %dma_start3A_2379 = arith.constant 5 : i32
        %dma_start3A_2380 = arith.constant 0 : i32
        %dma_start3A_2381 = arith.constant 0 : i32
        %dma_start3A_2382 = tpu.memref_slice %arg10[%dma_start3A_2378, %dma_start3A_2379, %dma_start3A_2380, %dma_start3A_2381] : memref<2x8x16x128xf32, #tpu.memory_space<vmem>> -> memref<1x1x16x128xf32, #tpu.memory_space<vmem>>
        %dma_start3A_2383 = tpu.memref_squeeze %dma_start3A_2382 : memref<1x1x16x128xf32, #tpu.memory_space<vmem>> -> memref<16x128xf32, #tpu.memory_space<vmem>>
        %dma_start3A_2384 = arith.constant 0 : i32
        %dma_start3A_2385 = tpu.memref_slice %arg5[%dma_start3A_2384, %multiple_of3A_2363] : memref<16x1000000xf32, #tpu.memory_space<hbm>> -> memref<16x128xf32, #tpu.memory_space<hbm>>
        %dma_start3A_2386 = arith.constant 0 : i32
        %dma_start3A_2387 = arith.constant 0 : i32
        %dma_start3A_2388 = tpu.memref_slice %arg10[%dma_start3A_2378, %dma_start3A_2379, %dma_start3A_2386, %dma_start3A_2387] : memref<2x8x16x128xf32, #tpu.memory_space<vmem>> -> memref<1x1x16x128xf32, #tpu.memory_space<vmem>>
        %dma_start3A_2389 = tpu.memref_squeeze %dma_start3A_2388 : memref<1x1x16x128xf32, #tpu.memory_space<vmem>> -> memref<16x128xf32, #tpu.memory_space<vmem>>
        %dma_start3A_2390 = arith.constant 0 : i32
        %dma_start3A_2391 = tpu.memref_slice %arg5[%dma_start3A_2390, %multiple_of3A_2363] : memref<16x1000000xf32, #tpu.memory_space<hbm>> -> memref<16x128xf32, #tpu.memory_space<hbm>>
        tpu.enqueue_dma source(%dma_start3A_2391 : memref<16x128xf32, #tpu.memory_space<hbm>>) target(%dma_start3A_2389 : memref<16x128xf32, #tpu.memory_space<vmem>>) target_semaphore(%arg13 : memref<!tpu.dma_semaphore, #tpu.memory_space<semaphore_mem>>)
        %eq3A_2392 = arith.constant 14 : i32
        %eq3A_2393 = vector.broadcast %eq3A_2392 : i32 to vector<16xi32>
        %eq3A_2394 = arith.cmpi eq, %iota3A, %eq3A_2393 : vector<16xi32>
        %jit3A_2395 = arith.constant 0 : i32
        %broadcast_in_dim3A_2396 = vector.broadcast %jit3A_2395 : i32 to vector<16xi32>
        %select_n3A_2397 = arith.select %eq3A_2394, %mul3A_2075, %broadcast_in_dim3A_2396 : vector<16xi1>, vector<16xi32>
        %reduce_sum3A_2398 = arith.constant true
        %reduce_sum3A_2399 = vector.broadcast %reduce_sum3A_2398 : i1 to vector<16xi1>
        %reduce_sum3A_2400 = tpu.scan <sum>, %select_n3A_2397 masked %reduce_sum3A_2399 : vector<16xi32>, vector<16xi1> -> vector<16xi32>
        %reduce_sum3A_2401 = vector.extract %reduce_sum3A_2400[15] : i32 from vector<16xi32>
        %multiple_of3A_2402 = tpu.assume_multiple %reduce_sum3A_2401, 128 : i32
        %jit3A_2403 = arith.constant 0 : i32
        %broadcast_in_dim3A_2404 = vector.broadcast %jit3A_2403 : i32 to vector<16xi32>
        %select_n3A_2405 = arith.select %eq3A_2394, %mul3A_2109, %broadcast_in_dim3A_2404 : vector<16xi1>, vector<16xi32>
        %reduce_sum3A_2406 = arith.constant true
        %reduce_sum3A_2407 = vector.broadcast %reduce_sum3A_2406 : i1 to vector<16xi1>
        %reduce_sum3A_2408 = tpu.scan <sum>, %select_n3A_2405 masked %reduce_sum3A_2407 : vector<16xi32>, vector<16xi1> -> vector<16xi32>
        %reduce_sum3A_2409 = vector.extract %reduce_sum3A_2408[15] : i32 from vector<16xi32>
        %multiple_of3A_2410 = tpu.assume_multiple %reduce_sum3A_2409, 128 : i32
        %dma_start3A_2411 = arith.constant 1 : i32
        %dma_start3A_2412 = arith.constant 6 : i32
        %dma_start3A_2413 = arith.constant 0 : i32
        %dma_start3A_2414 = arith.constant 0 : i32
        %dma_start3A_2415 = tpu.memref_slice %arg9[%dma_start3A_2411, %dma_start3A_2412, %dma_start3A_2413, %dma_start3A_2414] : memref<2x8x16x128xf32, #tpu.memory_space<vmem>> -> memref<1x1x16x128xf32, #tpu.memory_space<vmem>>
        %dma_start3A_2416 = tpu.memref_squeeze %dma_start3A_2415 : memref<1x1x16x128xf32, #tpu.memory_space<vmem>> -> memref<16x128xf32, #tpu.memory_space<vmem>>
        %dma_start3A_2417 = arith.constant 0 : i32
        %dma_start3A_2418 = tpu.memref_slice %arg4[%dma_start3A_2417, %multiple_of3A_2402] : memref<16x1000000xf32, #tpu.memory_space<hbm>> -> memref<16x128xf32, #tpu.memory_space<hbm>>
        %dma_start3A_2419 = arith.constant 0 : i32
        %dma_start3A_2420 = arith.constant 0 : i32
        %dma_start3A_2421 = tpu.memref_slice %arg9[%dma_start3A_2411, %dma_start3A_2412, %dma_start3A_2419, %dma_start3A_2420] : memref<2x8x16x128xf32, #tpu.memory_space<vmem>> -> memref<1x1x16x128xf32, #tpu.memory_space<vmem>>
        %dma_start3A_2422 = tpu.memref_squeeze %dma_start3A_2421 : memref<1x1x16x128xf32, #tpu.memory_space<vmem>> -> memref<16x128xf32, #tpu.memory_space<vmem>>
        %dma_start3A_2423 = arith.constant 0 : i32
        %dma_start3A_2424 = tpu.memref_slice %arg4[%dma_start3A_2423, %multiple_of3A_2402] : memref<16x1000000xf32, #tpu.memory_space<hbm>> -> memref<16x128xf32, #tpu.memory_space<hbm>>
        tpu.enqueue_dma source(%dma_start3A_2424 : memref<16x128xf32, #tpu.memory_space<hbm>>) target(%dma_start3A_2422 : memref<16x128xf32, #tpu.memory_space<vmem>>) target_semaphore(%arg13 : memref<!tpu.dma_semaphore, #tpu.memory_space<semaphore_mem>>)
        %dma_start3A_2425 = arith.constant 1 : i32
        %dma_start3A_2426 = arith.constant 6 : i32
        %dma_start3A_2427 = arith.constant 0 : i32
        %dma_start3A_2428 = arith.constant 0 : i32
        %dma_start3A_2429 = tpu.memref_slice %arg10[%dma_start3A_2425, %dma_start3A_2426, %dma_start3A_2427, %dma_start3A_2428] : memref<2x8x16x128xf32, #tpu.memory_space<vmem>> -> memref<1x1x16x128xf32, #tpu.memory_space<vmem>>
        %dma_start3A_2430 = tpu.memref_squeeze %dma_start3A_2429 : memref<1x1x16x128xf32, #tpu.memory_space<vmem>> -> memref<16x128xf32, #tpu.memory_space<vmem>>
        %dma_start3A_2431 = arith.constant 0 : i32
        %dma_start3A_2432 = tpu.memref_slice %arg5[%dma_start3A_2431, %multiple_of3A_2410] : memref<16x1000000xf32, #tpu.memory_space<hbm>> -> memref<16x128xf32, #tpu.memory_space<hbm>>
        %dma_start3A_2433 = arith.constant 0 : i32
        %dma_start3A_2434 = arith.constant 0 : i32
        %dma_start3A_2435 = tpu.memref_slice %arg10[%dma_start3A_2425, %dma_start3A_2426, %dma_start3A_2433, %dma_start3A_2434] : memref<2x8x16x128xf32, #tpu.memory_space<vmem>> -> memref<1x1x16x128xf32, #tpu.memory_space<vmem>>
        %dma_start3A_2436 = tpu.memref_squeeze %dma_start3A_2435 : memref<1x1x16x128xf32, #tpu.memory_space<vmem>> -> memref<16x128xf32, #tpu.memory_space<vmem>>
        %dma_start3A_2437 = arith.constant 0 : i32
        %dma_start3A_2438 = tpu.memref_slice %arg5[%dma_start3A_2437, %multiple_of3A_2410] : memref<16x1000000xf32, #tpu.memory_space<hbm>> -> memref<16x128xf32, #tpu.memory_space<hbm>>
        tpu.enqueue_dma source(%dma_start3A_2438 : memref<16x128xf32, #tpu.memory_space<hbm>>) target(%dma_start3A_2436 : memref<16x128xf32, #tpu.memory_space<vmem>>) target_semaphore(%arg13 : memref<!tpu.dma_semaphore, #tpu.memory_space<semaphore_mem>>)
        %eq3A_2439 = arith.constant 15 : i32
        %eq3A_2440 = vector.broadcast %eq3A_2439 : i32 to vector<16xi32>
        %eq3A_2441 = arith.cmpi eq, %iota3A, %eq3A_2440 : vector<16xi32>
        %jit3A_2442 = arith.constant 0 : i32
        %broadcast_in_dim3A_2443 = vector.broadcast %jit3A_2442 : i32 to vector<16xi32>
        %select_n3A_2444 = arith.select %eq3A_2441, %mul3A_2075, %broadcast_in_dim3A_2443 : vector<16xi1>, vector<16xi32>
        %reduce_sum3A_2445 = arith.constant true
        %reduce_sum3A_2446 = vector.broadcast %reduce_sum3A_2445 : i1 to vector<16xi1>
        %reduce_sum3A_2447 = tpu.scan <sum>, %select_n3A_2444 masked %reduce_sum3A_2446 : vector<16xi32>, vector<16xi1> -> vector<16xi32>
        %reduce_sum3A_2448 = vector.extract %reduce_sum3A_2447[15] : i32 from vector<16xi32>
        %multiple_of3A_2449 = tpu.assume_multiple %reduce_sum3A_2448, 128 : i32
        %jit3A_2450 = arith.constant 0 : i32
        %broadcast_in_dim3A_2451 = vector.broadcast %jit3A_2450 : i32 to vector<16xi32>
        %select_n3A_2452 = arith.select %eq3A_2441, %mul3A_2109, %broadcast_in_dim3A_2451 : vector<16xi1>, vector<16xi32>
        %reduce_sum3A_2453 = arith.constant true
        %reduce_sum3A_2454 = vector.broadcast %reduce_sum3A_2453 : i1 to vector<16xi1>
        %reduce_sum3A_2455 = tpu.scan <sum>, %select_n3A_2452 masked %reduce_sum3A_2454 : vector<16xi32>, vector<16xi1> -> vector<16xi32>
        %reduce_sum3A_2456 = vector.extract %reduce_sum3A_2455[15] : i32 from vector<16xi32>
        %multiple_of3A_2457 = tpu.assume_multiple %reduce_sum3A_2456, 128 : i32
        %dma_start3A_2458 = arith.constant 1 : i32
        %dma_start3A_2459 = arith.constant 7 : i32
        %dma_start3A_2460 = arith.constant 0 : i32
        %dma_start3A_2461 = arith.constant 0 : i32
        %dma_start3A_2462 = tpu.memref_slice %arg9[%dma_start3A_2458, %dma_start3A_2459, %dma_start3A_2460, %dma_start3A_2461] : memref<2x8x16x128xf32, #tpu.memory_space<vmem>> -> memref<1x1x16x128xf32, #tpu.memory_space<vmem>>
        %dma_start3A_2463 = tpu.memref_squeeze %dma_start3A_2462 : memref<1x1x16x128xf32, #tpu.memory_space<vmem>> -> memref<16x128xf32, #tpu.memory_space<vmem>>
        %dma_start3A_2464 = arith.constant 0 : i32
        %dma_start3A_2465 = tpu.memref_slice %arg4[%dma_start3A_2464, %multiple_of3A_2449] : memref<16x1000000xf32, #tpu.memory_space<hbm>> -> memref<16x128xf32, #tpu.memory_space<hbm>>
        %dma_start3A_2466 = arith.constant 0 : i32
        %dma_start3A_2467 = arith.constant 0 : i32
        %dma_start3A_2468 = tpu.memref_slice %arg9[%dma_start3A_2458, %dma_start3A_2459, %dma_start3A_2466, %dma_start3A_2467] : memref<2x8x16x128xf32, #tpu.memory_space<vmem>> -> memref<1x1x16x128xf32, #tpu.memory_space<vmem>>
        %dma_start3A_2469 = tpu.memref_squeeze %dma_start3A_2468 : memref<1x1x16x128xf32, #tpu.memory_space<vmem>> -> memref<16x128xf32, #tpu.memory_space<vmem>>
        %dma_start3A_2470 = arith.constant 0 : i32
        %dma_start3A_2471 = tpu.memref_slice %arg4[%dma_start3A_2470, %multiple_of3A_2449] : memref<16x1000000xf32, #tpu.memory_space<hbm>> -> memref<16x128xf32, #tpu.memory_space<hbm>>
        tpu.enqueue_dma source(%dma_start3A_2471 : memref<16x128xf32, #tpu.memory_space<hbm>>) target(%dma_start3A_2469 : memref<16x128xf32, #tpu.memory_space<vmem>>) target_semaphore(%arg13 : memref<!tpu.dma_semaphore, #tpu.memory_space<semaphore_mem>>)
        %dma_start3A_2472 = arith.constant 1 : i32
        %dma_start3A_2473 = arith.constant 7 : i32
        %dma_start3A_2474 = arith.constant 0 : i32
        %dma_start3A_2475 = arith.constant 0 : i32
        %dma_start3A_2476 = tpu.memref_slice %arg10[%dma_start3A_2472, %dma_start3A_2473, %dma_start3A_2474, %dma_start3A_2475] : memref<2x8x16x128xf32, #tpu.memory_space<vmem>> -> memref<1x1x16x128xf32, #tpu.memory_space<vmem>>
        %dma_start3A_2477 = tpu.memref_squeeze %dma_start3A_2476 : memref<1x1x16x128xf32, #tpu.memory_space<vmem>> -> memref<16x128xf32, #tpu.memory_space<vmem>>
        %dma_start3A_2478 = arith.constant 0 : i32
        %dma_start3A_2479 = tpu.memref_slice %arg5[%dma_start3A_2478, %multiple_of3A_2457] : memref<16x1000000xf32, #tpu.memory_space<hbm>> -> memref<16x128xf32, #tpu.memory_space<hbm>>
        %dma_start3A_2480 = arith.constant 0 : i32
        %dma_start3A_2481 = arith.constant 0 : i32
        %dma_start3A_2482 = tpu.memref_slice %arg10[%dma_start3A_2472, %dma_start3A_2473, %dma_start3A_2480, %dma_start3A_2481] : memref<2x8x16x128xf32, #tpu.memory_space<vmem>> -> memref<1x1x16x128xf32, #tpu.memory_space<vmem>>
        %dma_start3A_2483 = tpu.memref_squeeze %dma_start3A_2482 : memref<1x1x16x128xf32, #tpu.memory_space<vmem>> -> memref<16x128xf32, #tpu.memory_space<vmem>>
        %dma_start3A_2484 = arith.constant 0 : i32
        %dma_start3A_2485 = tpu.memref_slice %arg5[%dma_start3A_2484, %multiple_of3A_2457] : memref<16x1000000xf32, #tpu.memory_space<hbm>> -> memref<16x128xf32, #tpu.memory_space<hbm>>
        tpu.enqueue_dma source(%dma_start3A_2485 : memref<16x128xf32, #tpu.memory_space<hbm>>) target(%dma_start3A_2483 : memref<16x128xf32, #tpu.memory_space<vmem>>) target_semaphore(%arg13 : memref<!tpu.dma_semaphore, #tpu.memory_space<semaphore_mem>>)
        %jit3A_2486 = arith.constant 128 : i32
        %eq3A_2487 = arith.constant 0 : i32
        %eq3A_2488 = arith.cmpi eq, %jit3A_2486, %eq3A_2487 : i32
        %jit3A_2489 = arith.constant 1 : i32
        %select_n3A_2490 = arith.select %eq3A_2488, %jit3A_2489, %jit3A_2486 : i32
        %rem3A_2491 = vector.broadcast %select_n3A_2490 : i32 to vector<16xi32>
        %rem3A_2492 = arith.remsi %get3A_2037, %rem3A_2491 : vector<16xi32>
        %ne3A_2493 = arith.constant 0 : i32
        %ne3A_2494 = vector.broadcast %ne3A_2493 : i32 to vector<16xi32>
        %ne3A_2495 = arith.cmpi ne, %rem3A_2492, %ne3A_2494 : vector<16xi32>
        %lt3A_2496 = arith.constant 0 : i32
        %lt3A_2497 = vector.broadcast %lt3A_2496 : i32 to vector<16xi32>
        %lt3A_2498 = arith.cmpi slt, %rem3A_2492, %lt3A_2497 : vector<16xi32>
        %lt3A_2499 = arith.constant 0 : i32
        %lt3A_2500 = arith.cmpi slt, %select_n3A_2490, %lt3A_2499 : i32
        %ne3A_2501 = vector.broadcast %lt3A_2500 : i1 to vector<16xi1>
        %ne3A_2502 = vector.broadcast %ne3A_2501 : vector<16xi1> to vector<16xi1>
        %ne3A_2503 = arith.xori %lt3A_2498, %ne3A_2502 : vector<16xi1>
        %and3A_2504 = arith.andi %ne3A_2503, %ne3A_2495 : vector<16xi1>
        %add3A_2505 = vector.broadcast %select_n3A_2490 : i32 to vector<16xi32>
        %add3A_2506 = arith.addi %rem3A_2492, %add3A_2505 : vector<16xi32>
        %select_n3A_2507 = arith.select %and3A_2504, %add3A_2506, %rem3A_2492 : vector<16xi1>, vector<16xi32>
        %jit3A_2508 = arith.constant 128 : i32
        %eq3A_2509 = arith.constant 0 : i32
        %eq3A_2510 = arith.cmpi eq, %jit3A_2508, %eq3A_2509 : i32
        %jit3A_2511 = arith.constant 1 : i32
        %select_n3A_2512 = arith.select %eq3A_2510, %jit3A_2511, %jit3A_2508 : i32
        %rem3A_2513 = vector.broadcast %select_n3A_2512 : i32 to vector<16xi32>
        %rem3A_2514 = arith.remsi %get3A_2041, %rem3A_2513 : vector<16xi32>
        %ne3A_2515 = arith.constant 0 : i32
        %ne3A_2516 = vector.broadcast %ne3A_2515 : i32 to vector<16xi32>
        %ne3A_2517 = arith.cmpi ne, %rem3A_2514, %ne3A_2516 : vector<16xi32>
        %lt3A_2518 = arith.constant 0 : i32
        %lt3A_2519 = vector.broadcast %lt3A_2518 : i32 to vector<16xi32>
        %lt3A_2520 = arith.cmpi slt, %rem3A_2514, %lt3A_2519 : vector<16xi32>
        %lt3A_2521 = arith.constant 0 : i32
        %lt3A_2522 = arith.cmpi slt, %select_n3A_2512, %lt3A_2521 : i32
        %ne3A_2523 = vector.broadcast %lt3A_2522 : i1 to vector<16xi1>
        %ne3A_2524 = vector.broadcast %ne3A_2523 : vector<16xi1> to vector<16xi1>
        %ne3A_2525 = arith.xori %lt3A_2520, %ne3A_2524 : vector<16xi1>
        %and3A_2526 = arith.andi %ne3A_2525, %ne3A_2517 : vector<16xi1>
        %add3A_2527 = vector.broadcast %select_n3A_2512 : i32 to vector<16xi32>
        %add3A_2528 = arith.addi %rem3A_2514, %add3A_2527 : vector<16xi32>
        %select_n3A_2529 = arith.select %and3A_2526, %add3A_2528, %rem3A_2514 : vector<16xi1>, vector<16xi32>
        scf.yield %select_n3A_2507, %select_n3A_2529 : vector<16xi32>, vector<16xi32>
      } else {
        scf.yield %iota3A, %iota3A : vector<16xi32>, vector<16xi32>
      }
      %neg3A = arith.constant 0.000000e+00 : f32
      %neg3A_2018 = vector.broadcast %neg3A : f32 to vector<16xf32>
      %neg3A_2019 = arith.subf %neg3A_2018, %select_n3A_2009 : vector<16xf32>
      %exp3A = math.exp %neg3A_2019 : vector<16xf32>
      %add3A_2020 = arith.constant 1.000000e+00 : f32
      %add3A_2021 = vector.broadcast %add3A_2020 : f32 to vector<16xf32>
      %add3A_2022 = arith.addf %add3A_2021, %exp3A : vector<16xf32>
      %div3A_2023 = arith.constant 4.000000e+00 : f32
      %div3A_2024 = vector.broadcast %div3A_2023 : f32 to vector<16xf32>
      %div3A_2025 = arith.divf %div3A_2024, %add3A_2022 : vector<16xf32>
      %add3A_2026 = arith.constant 1.000000e+00 : f32
      %add3A_2027 = vector.broadcast %add3A_2026 : f32 to vector<16xf32>
      %add3A_2028 = arith.addf %add3A_2027, %div3A_2025 : vector<16xf32>
      %mul3A_2029 = arith.constant 16 : i32
      %mul3A_2030 = arith.muli %scan3A_975, %mul3A_2029 : i32
      %swap3A = arith.index_cast %mul3A_2030 : i32 to index
      %swap3A_2031 = tpu.vector_load %arg11[%swap3A] {strides = array<i32>} : memref<512xf32, #tpu.memory_space<vmem>>, vector<16xf32>,
      tpu.vector_store %arg11[%swap3A], %add3A_2028 {strides = array<i32>} : memref<512xf32, #tpu.memory_space<vmem>>, vector<16xf32>,
      scf.yield %cond3A_1497#0, %cond3A_1497#1, %cond3A_2017#0, %cond3A_2017#1 : vector<16xi32>, vector<16xi32>, vector<16xi32>, vector<16xi32>
    }
    %scan3A_974 = arith.constant 32 : i32
    "tpu.region"() ({
      %run_scoped3A = tpu.sem_alloc : memref<!tpu.dma_semaphore, #tpu.memory_space<semaphore_mem>>
      %dma_start3A_975 = arith.constant 0 : i32
      %dma_start3A_976 = tpu.memref_slice %arg6[%add3A, %dma_start3A_975] : memref<32x512xf32, #tpu.memory_space<hbm>> -> memref<1x512xf32, #tpu.memory_space<hbm>>
      %dma_start3A_977 = tpu.memref_squeeze %dma_start3A_976 : memref<1x512xf32, #tpu.memory_space<hbm>> -> memref<512xf32, #tpu.memory_space<hbm>>
      %dma_start3A_978 = arith.constant 0 : i32
      %dma_start3A_979 = tpu.memref_slice %arg6[%add3A, %dma_start3A_978] : memref<32x512xf32, #tpu.memory_space<hbm>> -> memref<1x512xf32, #tpu.memory_space<hbm>>
      %dma_start3A_980 = tpu.memref_squeeze %dma_start3A_979 : memref<1x512xf32, #tpu.memory_space<hbm>> -> memref<512xf32, #tpu.memory_space<hbm>>
      tpu.enqueue_dma source(%arg11 : memref<512xf32, #tpu.memory_space<vmem>>) target(%dma_start3A_980 : memref<512xf32, #tpu.memory_space<hbm>>) target_semaphore(%run_scoped3A : memref<!tpu.dma_semaphore, #tpu.memory_space<semaphore_mem>>)
      %dma_wait3A = arith.constant 0 : i32
      %dma_wait3A_981 = tpu.memref_slice %arg6[%add3A, %dma_wait3A] : memref<32x512xf32, #tpu.memory_space<hbm>> -> memref<1x512xf32, #tpu.memory_space<hbm>>
      %dma_wait3A_982 = tpu.memref_squeeze %dma_wait3A_981 : memref<1x512xf32, #tpu.memory_space<hbm>> -> memref<512xf32, #tpu.memory_space<hbm>>
      %dma_wait3A_983 = arith.constant 0 : i32
      %dma_wait3A_984 = tpu.memref_slice %arg6[%add3A, %dma_wait3A_983] : memref<32x512xf32, #tpu.memory_space<hbm>> -> memref<1x512xf32, #tpu.memory_space<hbm>>
      %dma_wait3A_985 = tpu.memref_squeeze %dma_wait3A_984 : memref<1x512xf32, #tpu.memory_space<hbm>> -> memref<512xf32, #tpu.memory_space<hbm>>
      tpu.wait_dma2 semaphore(%run_scoped3A : memref<!tpu.dma_semaphore, #tpu.memory_space<semaphore_mem>>) src(%arg11 : memref<512xf32, #tpu.memory_space<vmem>>) dst(%dma_wait3A_985 : memref<512xf32, #tpu.memory_space<hbm>>)
      tpu.yield
    }) : () -> ()
    return
  }
}

</mosaic_0001>

<sc_bundles>
// kernel: kernel.3.cloned.1.call-start
scs
__scs_entry_jumppad:
0x0: {  	(pc) =	sbr.rel $0x88, $3  }
0x1: {  	(tag) =	ssettag $0x0;
	lr =	simm.s32 $0x1  }
0x2: {  	[smem:$0x3F9E] =	sst lr;
	_ =	strace $0xD0000000  }
0x3: {  	_ = 	snop  }
0x4: {  	_ = 	snop  }
0x5: {  	_ = 	snop  }
0x6: {  	_ = 	snop  }
0x7: {  	_ = 	snop  }
__scs_overlays_trampoline_lowered:
0x8: {  	[smem:$0x3FAD] =	sst s0  }
0x9: {  	[smem:$0x3FAE] =	sst s1  }
0xa: {  	[smem:$0x3FAF] =	sst s2  }
0xb: {  	[smem:$0x3FB0] =	sst s3  }
0xc: {  	[smem:$0x3FB1] =	sst s4  }
0xd: {  	[smem:$0x3FB2] =	sst s5  }
0xe: {  	[smem:$0x3FB3] =	sst s6  }
0xf: {  	[smem:$0x3FB4] =	sst s7  }
0x10: {  	[smem:$0x3FB5] =	sst s8  }
0x11: {  	[smem:$0x3FB6] =	sst s9;
	s0 =	simm.s32 @!p0 $0x0  }
0x12: {  	s1 =	sld [smem:$0x3F9C];
	s0 =	simm.s32 @p0 $0x1  }
0x13: {  	[smem:$0x3FB7] =	sst s0;
	s0 =	simm.s32 @!p1 $0x0  }
0x14: {  	s2 =	sld [smem:$0x3F9B];
	s0 =	simm.s32 @p1 $0x1  }
0x15: {  	[smem:$0x3FB8] =	sst s0;
	s0 =	simm.s32 @!p2 $0x0  }
0x16: {  	s3 =	sld [smem:$0x3FDB];
	s0 =	simm.s32 @p2 $0x1  }
0x17: {  	s4 =	simm.s32 $0x1BF5;
	[smem:$0x3FBA] =	sst s0  }
0x18: {  	s0 =	sld [smem:$0x3F9D];
	_ =	swait.ge [sflag:s4], $0x0  }
0x19: {  	s7 =	sld [smem:$0x3F9E]  }
0x1a: {  	s8 =	sadd.s32 $0xFFFFE003, lr  }
0x1b: {  	s9 =	sadd.s32 $0xFFFFFEF7, lr;
	s5 =	simm.s32 $0xFFFFFFFF;
	p2 =	slt.u32 s8, $0xFFFFF086  }
0x1c: {  	p1 =	slt.u32 s9, $0xF7A;
	s5 =	simm.s32 @!p2 $0x0  }
0x1d: {  	s5 =	simm.s32 @p1 $0x1;
	p0 =	seq.s32 s7, s2  }
0x1e: {  	s7 =	smul.u32 @!p0 $0xF7A, s2;
	p2 =	seq.s32 @!p0 s5, $0x0  }
0x1f: {  	s9 =	smul.u32 $0xF7A, s1;
	s8 =	simm.s32 @!p0 $0x1BF5;
	p2 =	por !p2, p0  }
0x20: {  	[sflag:s8] =	ssyncset.s32 @!p0 $0xFFFFF086;
	s6 =	sadd.s32 @!p0 s3, s7;
	s7 =	simm.s32 @!p0 $0x108  }
0x21: {  	s3 =	sadd.s32 s3, s9;
	s6 =	sadd.s32 @!p0 $0x88, s6;
	s7 =	simm.s32 @p2 $0x1082  }
0x22: {  	[simem:s7], [sflag:s8] =	dma.local @!p0 [hbm:s6], $0xF7A  }
0x23: {  	s9 =	sor.u32 $0xD0000000, s2;
	s6 =	simm.s32 $0x108;
	_ =	swait.ge @!p0 [sflag:s8], $0x0  }
0x24: {  	s3 =	sadd.s32 $0x88, s3;
	s6 =	simm.s32 @!p1 $0x1082;
	[sflag:s4] =	ssyncset.s32 $0xFFFFF086  }
0x25: {  	[simem:s6], [sflag:s4] =	dma.local [hbm:s3], $0xF7A  }
0x26: {  	[smem:$0x3F9E] =	sst s1;
	(tag) =	ssettag s2;
	_ =	strace s9  }
0x27: {  	s1 =	sld [smem:$0x3FAE]  }
0x28: {  	s2 =	sld [smem:$0x3FAF]  }
0x29: {  	s4 =	sld [smem:$0x3FB1]  }
0x2a: {  	p0 =	seq.s32 s5, $0x0;
	s5 =	sld [smem:$0x3FB2]  }
0x2b: {  	s6 =	sld [smem:$0x3FB3]  }
0x2c: {  	s7 =	sld [smem:$0x3FB4]  }
0x2d: {  	s3 =	simm.s32 $0x108;
	s8 =	sld [smem:$0x3FB5]  }
0x2e: {  	s3 =	simm.s32 @!p0 $0x1082;
	s9 =	sld [smem:$0x3FB6]  }
0x2f: {  	lr =	sadd.s32 s0, s3;
	s0 =	sld [smem:$0x3FAD]  }
0x30: {  	s3 =	sld [smem:$0x3FB0]  }
0x31: {  	[smem:$0x3FB9] =	sst s10  }
0x32: {  	s10 =	sld [smem:$0x3FB7];
	_ =	sdelay $0x3  }
0x33: {  	p0 =	seq.s32 s10, $0x1;
	s10 =	sld [smem:$0x3FB9];
	_ =	sdelay $0x3  }
0x34: {  	[smem:$0x3FB9] =	sst s10  }
0x35: {  	s10 =	sld [smem:$0x3FB8];
	_ =	sdelay $0x3  }
0x36: {  	p1 =	seq.s32 s10, $0x1;
	s10 =	sld [smem:$0x3FB9];
	_ =	sdelay $0x3  }
0x37: {  	[smem:$0x3FB9] =	sst s10  }
0x38: {  	s10 =	sld [smem:$0x3FBA]  }
0x39: {  	_ = 	snop;
	(pc) =	sbr.ind lr, $3  }
0x3a: {  	_ = 	snop  }
0x3b: {  	_ = 	snop  }
0x3c: {  	p2 =	seq.s32 s10, $0x1;
	s10 =	sld [smem:$0x3FB9]  }
0x3d: {  	_ =	shalt  }
0x3e: {  	_ =	shalt  }
0x3f: {  	_ =	shalt  }
0x40: {  	_ =	shalt  }
0x41: {  	_ =	shalt  }
0x42: {  	_ =	shalt  }
0x43: {  	_ =	shalt  }
0x44: {  	_ =	shalt  }
0x45: {  	_ =	shalt  }
0x46: {  	_ =	shalt  }
0x47: {  	_ =	shalt  }
0x48: {  	_ =	shalt  }
0x49: {  	_ =	shalt  }
0x4a: {  	_ =	shalt  }
0x4b: {  	_ =	shalt  }
0x4c: {  	_ =	shalt  }
0x4d: {  	_ =	shalt  }
0x4e: {  	_ =	shalt  }
0x4f: {  	_ =	shalt  }
0x50: {  	_ =	shalt  }
0x51: {  	_ =	shalt  }
0x52: {  	_ =	shalt  }
0x53: {  	_ =	shalt  }
0x54: {  	_ =	shalt  }
0x55: {  	_ =	shalt  }
0x56: {  	_ =	shalt  }
0x57: {  	_ =	shalt  }
0x58: {  	_ =	shalt  }
0x59: {  	_ =	shalt  }
0x5a: {  	_ =	shalt  }
0x5b: {  	_ =	shalt  }
0x5c: {  	_ =	shalt  }
0x5d: {  	_ =	shalt  }
0x5e: {  	_ =	shalt  }
0x5f: {  	_ =	shalt  }
0x60: {  	_ =	shalt  }
0x61: {  	_ =	shalt  }
0x62: {  	_ =	shalt  }
0x63: {  	_ =	shalt  }
0x64: {  	_ =	shalt  }
0x65: {  	_ =	shalt  }
0x66: {  	_ =	shalt  }
0x67: {  	_ =	shalt  }
0x68: {  	_ =	shalt  }
0x69: {  	_ =	shalt  }
0x6a: {  	_ =	shalt  }
0x6b: {  	_ =	shalt  }
0x6c: {  	_ =	shalt  }
0x6d: {  	_ =	shalt  }
0x6e: {  	_ =	shalt  }
0x6f: {  	_ =	shalt  }
0x70: {  	_ =	shalt  }
0x71: {  	_ =	shalt  }
0x72: {  	_ =	shalt  }
0x73: {  	_ =	shalt  }
0x74: {  	_ =	shalt  }
0x75: {  	_ =	shalt  }
0x76: {  	_ =	shalt  }
0x77: {  	_ =	shalt  }
0x78: {  	_ =	shalt  }
0x79: {  	_ =	shalt  }
0x7a: {  	_ =	shalt  }
0x7b: {  	_ =	shalt  }
0x7c: {  	_ =	shalt  }
0x7d: {  	_ =	shalt  }
0x7e: {  	_ =	shalt  }
0x7f: {  	_ =	shalt  }
0x80: {  	_ =	shalt  }
0x81: {  	_ =	shalt  }
0x82: {  	_ =	shalt  }
0x83: {  	_ =	shalt  }
0x84: {  	_ =	shalt  }
0x85: {  	_ =	shalt  }
0x86: {  	_ =	shalt  }
0x87: {  	_ =	shalt  }
.Lfunc_end0:
.L_simem_size_0:
called_computation_lowered:
.L_overlay_start_0:
0x88: {  	s2 =	sld [smem:$0x3FD9]  }
0x89: {  	s3 =	sld [smem:$0x3FFE];
	_ =	sdelay $0x1  }
0x8a: {  	s1 =	srdreg.scid  }
0x8b: {  	s0 =	sand.u32 $0x1, s1  }
0x8c: {  	s17 =	sshll.u32 s0, $0xA;
	s2 =	sadd.s32 s3, s2  }
0x8d: {  	s2 =	sadd.s32 s2, s17  }
0x8e: {  	[smem:$0x3FC5] =	sst s2  }
0x8f: {  	_ = 	snop  }
0x90: {  	s2 =	sld [smem:$0x3FC8]  }
0x91: {  	s18 =	sld [smem:$0x3FC7]  }
0x92: {  	s4 =	sld [smem:$0x3FD0];
	(tm) =	ssettm $0x1  }
0x93: {  	s5 =	sld [smem:$0x3FFB];
	_ =	sdelay $0x3  }
0x94: {  	_ =	strace s5  }
0x95: {  	s5 =	sld [smem:$0x3FFC];
	_ =	sdelay $0x3  }
0x96: {  	_ =	strace s5  }
0x97: {  	s5 =	sld [smem:$0x3FFD];
	_ =	sdelay $0x3  }
0x98: {  	_ =	strace s5  }
0x99: {  	_ =	strace $0x8FFFFFFF  }
0x9a: {  	s19 =	sld [smem:$0x3FDB];
	_ =	sdelay $0x1  }
0x9b: {  	s6 =	simm.s32 $_scs_section_size  }
0x9c: {  	s7 =	simm.s32 $_size__tile_overlayer_lowered;
	s8 =	simm.s32 $_tile_overlayer_lowered  }
0x9d: {  	s22 =	simm.s32 $0x1BFF;
	s21 =	sshll.u32 s8, $0x1;
	s5 =	sadd.s32 s6, s19  }
0x9e: {  	s9 =	simm.s32 $0x0;
	s20 =	sshll.u32 s7, $0x1;
	s7 =	sadd.s32 s21, s5  }
0x9f: {  	[timem:s9], [sflag:s22] =	dma.local [hbm:s7], s20  }
0xa0: {  	_ =	swait.ge [sflag:s22], s20  }
0xa1: {  	s6 =	ssub.s32 $0x0, s20;
	[sflag:s22] =	ssyncset.done $0x0  }
0xa2: {  	[sflag:s22] =	ssyncadd.s32 s6;
	_ =	sdelay $0x1  }
0xa3: {  	s23 =	simm.s32 $0x1B8B  }
0xa4: {  	_ =	swait.ge [sflag:s23], $0x1  }
0xa5: {  	[sflag:s23] =	ssyncset.done $0x0  }
0xa6: {  	s25 =	simm.s32 $0x1B8E;
	s24 =	sld [smem:$0x3FFE];
	[sflag:s23] =	ssyncadd.s32 $0xFFFFFFFF  }
0xa7: {  	s26 =	simm.s32 $execute0_lowered;
	[smem:$0x3FD2] =	sst s25  }
0xa8: {  	s7 =	sshll.u32 s26, $0x1;
	_ =	strace $0x80000046;
	[dreg:$0x1] =	wrdreg $0xFFFFFFFF  }
0xa9: {  	s28 =	simm.s32 $_size_execute0_lowered;
	s5 =	sadd.s32 s5, s7;
	[dreg:$0x0] =	wrdreg $0x0  }
0xaa: {  	s7 =	sshll.u32 s28, $0x1;
	[dreg:$0x2] =	wrdreg s5  }
0xab: {  	[dreg:$0x3] =	wrdreg s7  }
0xac: {  	[dreg:$0x4] =	wrdreg $0xC0  }
0xad: {  	_ =	task [dreg:s9], $0x5FFFF  }
0xae: {  	[dreg:$0x1] =	wrdreg $0xFFFFFFFF  }
0xaf: {  	[dreg:$0x0] =	wrdreg $0x60  }
0xb0: {  	[dreg:$0x2] =	wrdreg s4  }
0xb1: {  	[dreg:$0x3] =	wrdreg s24  }
0xb2: {  	[dreg:$0x4] =	wrdreg s2  }
0xb3: {  	[dreg:$0x5] =	wrdreg s18  }
0xb4: {  	[dreg:$0x6] =	wrdreg $0x9  }
0xb5: {  	_ =	task.clear_ibuf [dreg:s9], $0x7FFFF;
	_ =	strace $0x90000046  }
0xb6: {  	s29 =	simm.s32 $0x9;
	_ =	strace $0x80000048  }
0xb7: {  	_ =	swait.ge [sflag:s29], $0x1  }
0xb8: {  	[sflag:s29] =	ssyncadd.s32 $0xFFFFFFFF  }
0xb9: {  	_ =	strace $0x90000048  }
0xba: {  	_ =	sfence  }
0xbb: {  	s30 =	sld [smem:$0x0];
	_ =	sdelay $0x2  }
0xbc: {  	s31 =	sshll.u32 s1, $0xD;
	s1 =	sshrl.u32 s1, $0x2  }
0xbd: {  	s3 =	sand.u32 $0x4000, s31;
	s1 =	sadd.s32 s1, s30  }
0xbe: {  	s0 =	sor.u32 s3, s0;
	s1 =	sshll.u32 s1, $0x11  }
0xbf: {  	s0 =	sor.u32 s1, s0  }
0xc0: {  	s0 =	sadd.s32 $0x8F2B, s0  }
0xc1: {  	[sflag:s0] =	ssyncadd.remote.s32 $0x1  }
0xc2: {  	_ =	sfence.sel $0xFFFF  }
0xc3: {  	[dreg:$0x0] =	wrdreg $0xFFFFFFFF;
	(pc) =	sbr.abs _section_cstart, $3  }
0xc4: {  	[dreg:$0x1] =	wrdreg $0xFFFFFFFF  }
0xc5: {  	_ =	task.clear_ibuf [dreg:s9], $0x2FFFF;
	_ =	strace $0x9FFFFFFF  }
0xc6: {  	(tm) =	ssettm $0x7FFFFFFF  }
0xc7: {  	_ =	shalt  }
tec
execute0_lowered:
.L_overlay_start_1:
0x0: {  	(tag) =	ssettag $0x1  }
0x1: {  	s0 =	rddreg [dreg:$0x0]  }
0x2: {  	s2 =	rddreg [dreg:$0x1]  }
0x3: {  	s1 =	rddreg [dreg:$0x2]  }
0x4: {  	s3 =	rddreg [dreg:$0x3]  }
0x5: {  	s5 =	simm.s32 $0x0;
	s4 =	srdreg.scid;
	s6 =	stileid.u32  }
0x6: {  	s10 =	simm.s32 $0x400;
	s13 =	simm.s32 $0x7A1400;
	s28 =	simm.s32 $0xAC00  }
0x7: {  	s29 =	simm.s32 $0xB400;
	s30 =	simm.s32 $0xBC00;
	s31 =	simm.s32 $0xC400  }
0x8: {  	s12 =	simm.s32 $0x5400;
	s8 =	simm.s32 $0x6400;
	s9 =	simm.s32 $0x6C00  }
0x9: {  	s11 =	simm.s32 $0xEC00;
	s14 =	simm.s32 $0x7400;
	s15 =	simm.s32 $0xF400  }
0xa: {  	s16 =	simm.s32 $0x7C00;
	s17 =	simm.s32 $0xFC00;
	s18 =	simm.s32 $0x1  }
0xb: {  	s19 =	simm.s32 $0x2;
	s21 =	simm.s32 $0x0;
	[smem:$0x7FF] =	sst s5  }
0xc: {  	v0 =	vimm.s32 $0x0;
	vm0 =	vmmov $0x1;
	vm3 =	vcmask $0xB10;
	s4 =	sand.u32 $0x1, s4;
	s23 =	sshll.u32 s6, $0x5;
	s6 =	sshll.u32 s6, $0x7  }
0xd: {  	vm4 =	vcmask $0xF14;
	vm5 =	vcmask $0x1318;
	vm6 =	vcmask $0x171C;
	s7 =	sshll.u32 s4, $0x4;
	s5 =	sand.u32 $0x60, s23;
	s4 =	ssub.s32 $0x2, s4  }
0xe: {  	vm7 =	vcmask $0x1B20;
	vm8 =	vcmask $0x1F24;
	vm9 =	vcmask $0x2328;
	s6 =	sand.u32 $0x600, s6;
	_ =	strace $0x80000047;
	s5 =	sor.u32 s7, s5  }
0xf: {  	vm10 =	vcmask $0x272C;
	vm11 =	vcmask $0x2B30;
	vm12 =	vcmask $0x2F34;
	s24 =	sshrl.u32 s4, $0x1;
	s7 =	simm.s32 $0xDC00;
	s5 =	sor.u32 s6, s5  }
0x10: {  	vm13 =	vcmask $0x3338;
	vm14 =	vcmask $0x373C;
	vm15 =	vmmov $0x7fff;
	s4 =	ssub.s32 s4, s24;
	s24 =	simm.s32 $0x9400;
	s6 =	simm.s32 $0xE400  }
.Ltmp0:
0x11: {  	v1 =	vimm.s32 $0x1;
	v2 =	vimm.s32 $0x2;
	v3 =	vimm.s32 $0x3;
	s0 =	sadd.s32 s0, s5;
	s25 =	sadd.s32 s2, s5;
	(pc) =	sbr.rel .LBB2_1-.Ltmp0, $4  }
0x12: {  	v4 =	vimm.s32 $0x4;
	v5 =	vimm.s32 $0x5;
	v6 =	vimm.s32 $0x6;
	s26 =	smax.u32 s4, $0x1;
	s2 =	simm.s32 $0xCC00;
	[dreg:$0x5] =	wrdreg s0  }
0x13: {  	v7 =	vimm.s32 $0x7;
	v8 =	vimm.s32 $0x8;
	v9 =	vimm.s32 $0x9;
	s4 =	simm.s32 $0xD400;
	s5 =	simm.s32 $0x5C00;
	[dreg:$0x6] =	wrdreg s25  }
0x14: {  	v10 =	vimm.s32 $0xA;
	v11 =	vimm.s32 $0xB;
	v12 =	vimm.s32 $0xC;
	s0 =	sadd.s32 $0x800, s25;
	[dreg:$0x8] =	wrdreg s26;
	s25 =	simm.s32 $0x9C00  }
0x15: {  	v13 =	vimm.s32 $0xD;
	v14 =	vimm.s32 $0xE;
	v15 =	vimm.s32 $0xF;
	s26 =	simm.s32 $0xA400;
	[dreg:$0x7] =	wrdreg s0;
	s0 =	simm.s32 $0x4C00  }
.LBB2_7:
0x16: {  	s20 =	rddreg [dreg:$0x7];
	s21 =	simm.s32 $0x80;
	s22 =	simm.s32 $0x10400  }
0x17: {  	[hbm4b:s20+s21] =	stream.strided.scatter [tilespmem:s22], [sflag:$0x3], $0x200, s10, s21, $0x38;
	[tilespmem:$0x10600] =	vst v63  }
0x18: {  	s22 =	simm.s32 $0x3  }
0x19: {  	_ =	swait.ge [sflag:s22], $0x200  }
0x1a: {  	s20 =	rddreg [dreg:$0x9]  }
0x1b: {  	s23 =	rddreg [dreg:$0x8];
	s21 =	sadd.s32 $0x1, s20  }
0x1c: {  	p0 =	sne.s32 s21, s23  }
.Ltmp1:
0x1d: {  	_ = 	snop;
	(pc) =	sbr.rel @!p0 .LBB2_8-.Ltmp1, $3  }
0x1e: {  	_ =	sdelay $0x1  }
0x1f: {  	[sflag:s22] =	ssyncset.done $0x0  }
0x20: {  	[sflag:s22] =	ssyncadd.s32 $0xFFFFFE00  }
.LBB2_1:
0x21: {  	[dreg:$0x9] =	wrdreg s21;
	s20 =	simm.s32 $0x0  }
0x22: {  	s23 =	simm.s32 $0x3;
	s22 =	simm.s32 $0x80;
	s21 =	rddreg [dreg:$0x5]  }
0x23: {  	[tilespmem:s20], [sflag:$0x3] =	stream.strided.gather [hbm4b:s21+s22], $0x200, s10, s22, $0x38;
	[tilespmem:$0x10600] =	vst v63  }
0x24: {  	_ =	swait.ge [sflag:s23], $0x200  }
0x25: {  	[sflag:s23] =	ssyncset.done $0x0  }
0x26: {  	s21 =	simm.s32 $0x200;
	s20 =	rddreg [dreg:$0x6];
	[sflag:s23] =	ssyncadd.s32 $0xFFFFFE00  }
0x27: {  	[tilespmem:s21], [sflag:$0x3] =	stream.strided.gather [hbm4b:s20+s22], $0x200, s10, s22, $0x38;
	[tilespmem:$0x10600] =	vst v63  }
0x28: {  	s21 =	simm.s32 $0x3  }
0x29: {  	_ =	swait.ge [sflag:s21], $0x200  }
0x2a: {  	[sflag:s21] =	ssyncset.done $0x0  }
0x2b: {  	[sflag:s21] =	ssyncadd.s32 $0xFFFFFE00  }
0x2c: {  	v16 =	vld [tilespmem:$0x0];
	_ =	sdelay $0x4  }
0x2d: {  	v17 =	vld [tilespmem:$0x200];
	v18 =	vshra.s32 v16, $0x1F  }
0x2e: {  	v18 =	vshrl.u32 v18, $0x19  }
0x2f: {  	v18 =	vadd.s32 v18, v16  }
0x30: {  	v18 =	vshra.s32 v18, $0x7  }
0x31: {  	v19 =	vshll.u32 v18, $0x7  }
0x32: {  	vm1 =	vlt.s32 v16, $0x1;
	v60 =	vshra.s32 v17, $0x1F;
	vm2 =	vne.s32 v16, v19  }
0x33: {  	v19 =	vshrl.u32 v60, $0x19;
	vm1 =	vmand vm1, vm2  }
0x34: {  	v19 =	vadd.s32 v19, v17;
	v20 =	vsel vm1, $0xFFFFFFFF, v0  }
0x35: {  	v61 =	vand.u32 $0xFFFFFF80, v19;
	v18 =	vadd.s32 v20, v18  }
0x36: {  	vm1 =	vlt.s32 v17, $0x1;
	vm2 =	vne.s32 v17, v61;
	v18 =	vshll.u32 v18, $0x7  }
0x37: {  	vm1 =	vmand vm1, vm2;
	v62 =	vnsel vm0, $0x0, v18  }
0x38: {  	v19 =	vshrl.u32 v19, $0x7;
	v21 =	vsel vm1, $0xFFFFFFFF, v0;
	(xrf0) =	vadd.scan.msk.s32 $0xffff, v62  }
0x39: {  	v19 =	vadd.s32 v21, v19  }
0x3a: {  	v19 =	vshll.u32 v19, $0x7  }
0x3b: {  	v63 =	vnsel vm0, $0x0, v19  }
0x3c: {  	(xrf0) =	vadd.scan.msk.s32 $0xffff, v63;
	_ =	sdelay $0x1  }
0x3d: {  	vm1 =	vcmask $0x308;
	v32, _, _ =	vpop (xrf0)  }
0x3e: {  	v33 =	vsel vm1, $0x0, v18;
	(v2sf) =	vpush v32, $0xF  }
0x3f: {  	(xrf0) =	vadd.scan.msk.s32 $0xffff, v33;
	_ =	sdelay $0x1  }
0x40: {  	v34, _, _ =	vpop (xrf0)  }
0x41: {  	v35 =	vsel vm1, $0x0, v19;
	(v2sf) =	vpush v34, $0xF  }
0x42: {  	(xrf0) =	vadd.scan.msk.s32 $0xffff, v35;
	_ =	sdelay $0x1  }
0x43: {  	vm1 =	vcmask $0x70C;
	v36, _, _ =	vpop (xrf0)  }
0x44: {  	v37 =	vsel vm1, $0x0, v18;
	(v2sf) =	vpush v36, $0xF  }
0x45: {  	(xrf0) =	vadd.scan.msk.s32 $0xffff, v37;
	_ =	sdelay $0x1  }
0x46: {  	v38, _, _ =	vpop (xrf0)  }
0x47: {  	v39 =	vsel vm1, $0x0, v19;
	(v2sf) =	vpush v38, $0xF  }
0x48: {  	(xrf0) =	vadd.scan.msk.s32 $0xffff, v39;
	_ =	sdelay $0x1  }
0x49: {  	v40, _, _ =	vpop (xrf0);
	s21 =	spop (v2sf)  }
0x4a: {  	v41 =	vsel vm3, $0x0, v18;
	(v2sf) =	vpush v40, $0xF;
	s20 =	sand.u32 $0xFFFFF80, s21  }
0x4b: {  	(xrf0) =	vadd.scan.msk.s32 $0xffff, v41;
	s20 =	sadd.s32 s1, s20  }
0x4c: {  	[tilespmem:s10], [sflag:$0x1] =	stream.strided.gather [hbm4b:s20+s10], $0x800, s13, s10, $0x38;
	[tilespmem:$0x10600] =	vst v63  }
0x4d: {  	v42, _, _ =	vpop (xrf0);
	s21 =	spop (v2sf)  }
0x4e: {  	v43 =	vsel vm3, $0x0, v19;
	(v2sf) =	vpush v42, $0xF;
	s20 =	sand.u32 $0xFFFFF80, s21  }
0x4f: {  	s23 =	simm.s32 $0x8400;
	(xrf0) =	vadd.scan.msk.s32 $0xffff, v43;
	s20 =	sadd.s32 s3, s20  }
0x50: {  	[tilespmem:s23], [sflag:$0x1] =	stream.strided.gather [hbm4b:s20+s10], $0x800, s13, s10, $0x38;
	[tilespmem:$0x10600] =	vst v63  }
0x51: {  	v44, _, _ =	vpop (xrf0);
	s21 =	spop (v2sf)  }
0x52: {  	v45 =	vsel vm4, $0x0, v18;
	(v2sf) =	vpush v44, $0xF;
	s20 =	sand.u32 $0xFFFFF80, s21  }
0x53: {  	(xrf0) =	vadd.scan.msk.s32 $0xffff, v45;
	s21 =	simm.s32 $0xC00;
	s20 =	sadd.s32 s1, s20  }
0x54: {  	[tilespmem:s21], [sflag:$0x1] =	stream.strided.gather [hbm4b:s20+s10], $0x800, s13, s10, $0x38;
	[tilespmem:$0x10600] =	vst v63  }
0x55: {  	v46, _, _ =	vpop (xrf0);
	s21 =	spop (v2sf)  }
0x56: {  	v47 =	vsel vm4, $0x0, v19;
	(v2sf) =	vpush v46, $0xF;
	s20 =	sand.u32 $0xFFFFF80, s21  }
0x57: {  	s22 =	simm.s32 $0x8C00;
	(xrf0) =	vadd.scan.msk.s32 $0xffff, v47;
	s20 =	sadd.s32 s3, s20  }
0x58: {  	[tilespmem:s22], [sflag:$0x1] =	stream.strided.gather [hbm4b:s20+s10], $0x800, s13, s10, $0x38;
	[tilespmem:$0x10600] =	vst v63  }
0x59: {  	v48, _, _ =	vpop (xrf0);
	s21 =	spop (v2sf)  }
0x5a: {  	v49 =	vsel vm5, $0x0, v18;
	(v2sf) =	vpush v48, $0xF;
	s20 =	sand.u32 $0xFFFFF80, s21  }
0x5b: {  	(xrf0) =	vadd.scan.msk.s32 $0xffff, v49;
	s21 =	simm.s32 $0x1400;
	s20 =	sadd.s32 s1, s20  }
0x5c: {  	[tilespmem:s21], [sflag:$0x1] =	stream.strided.gather [hbm4b:s20+s10], $0x800, s13, s10, $0x38;
	[tilespmem:$0x10600] =	vst v63  }
0x5d: {  	v50, _, _ =	vpop (xrf0);
	s21 =	spop (v2sf)  }
0x5e: {  	v51 =	vsel vm5, $0x0, v19;
	(v2sf) =	vpush v50, $0xF;
	s20 =	sand.u32 $0xFFFFF80, s21  }
0x5f: {  	(xrf0) =	vadd.scan.msk.s32 $0xffff, v51;
	s20 =	sadd.s32 s3, s20  }
0x60: {  	[tilespmem:s24], [sflag:$0x1] =	stream.strided.gather [hbm4b:s20+s10], $0x800, s13, s10, $0x38;
	[tilespmem:$0x10600] =	vst v63  }
0x61: {  	v52, _, _ =	vpop (xrf0);
	s21 =	spop (v2sf)  }
0x62: {  	v53 =	vsel vm6, $0x0, v18;
	(v2sf) =	vpush v52, $0xF;
	s20 =	sand.u32 $0xFFFFF80, s21  }
0x63: {  	(xrf0) =	vadd.scan.msk.s32 $0xffff, v53;
	s21 =	simm.s32 $0x1C00;
	s20 =	sadd.s32 s1, s20  }
0x64: {  	[tilespmem:s21], [sflag:$0x1] =	stream.strided.gather [hbm4b:s20+s10], $0x800, s13, s10, $0x38;
	[tilespmem:$0x10600] =	vst v63  }
0x65: {  	v54, _, _ =	vpop (xrf0);
	s21 =	spop (v2sf)  }
0x66: {  	v55 =	vsel vm6, $0x0, v19;
	(v2sf) =	vpush v54, $0xF;
	s20 =	sand.u32 $0xFFFFF80, s21  }
0x67: {  	(xrf0) =	vadd.scan.msk.s32 $0xffff, v55;
	s20 =	sadd.s32 s3, s20  }
0x68: {  	[tilespmem:s25], [sflag:$0x1] =	stream.strided.gather [hbm4b:s20+s10], $0x800, s13, s10, $0x38;
	[tilespmem:$0x10600] =	vst v63  }
0x69: {  	v56, _, _ =	vpop (xrf0);
	s21 =	spop (v2sf)  }
0x6a: {  	v18 =	vsel vm7, $0x0, v18;
	(v2sf) =	vpush v56, $0xF;
	s20 =	sand.u32 $0xFFFFF80, s21  }
0x6b: {  	(xrf0) =	vadd.scan.msk.s32 $0xffff, v18;
	s21 =	simm.s32 $0x2400;
	s20 =	sadd.s32 s1, s20  }
0x6c: {  	[tilespmem:s21], [sflag:$0x1] =	stream.strided.gather [hbm4b:s20+s10], $0x800, s13, s10, $0x38;
	[tilespmem:$0x10600] =	vst v63  }
0x6d: {  	v57, _, _ =	vpop (xrf0);
	s21 =	spop (v2sf)  }
0x6e: {  	v58 =	vsel vm7, $0x0, v19;
	(v2sf) =	vpush v57, $0xF;
	s20 =	sand.u32 $0xFFFFF80, s21  }
0x6f: {  	(xrf0) =	vadd.scan.msk.s32 $0xffff, v58;
	s20 =	sadd.s32 s3, s20  }
0x70: {  	[tilespmem:s26], [sflag:$0x1] =	stream.strided.gather [hbm4b:s20+s10], $0x800, s13, s10, $0x38;
	[tilespmem:$0x10600] =	vst v63  }
0x71: {  	v59, _, _ =	vpop (xrf0);
	s21 =	spop (v2sf)  }
0x72: {  	(v2sf) =	vpush v59, $0xF;
	s20 =	sand.u32 $0xFFFFF80, s21  }
0x73: {  	s21 =	simm.s32 $0x2C00;
	s20 =	sadd.s32 s1, s20  }
0x74: {  	[tilespmem:s21], [sflag:$0x1] =	stream.strided.gather [hbm4b:s20+s10], $0x800, s13, s10, $0x38;
	[tilespmem:$0x10600] =	vst v63  }
0x75: {  	v60, _, _ =	vpop (xrf0);
	s21 =	spop (v2sf)  }
0x76: {  	(v2sf) =	vpush v60, $0xF;
	s20 =	sand.u32 $0xFFFFF80, s21  }
0x77: {  	s20 =	sadd.s32 s3, s20  }
0x78: {  	[tilespmem:s28], [sflag:$0x1] =	stream.strided.gather [hbm4b:s20+s10], $0x800, s13, s10, $0x38;
	[tilespmem:$0x10600] =	vst v63  }
0x79: {  	s21 =	spop (v2sf)  }
0x7a: {  	s20 =	sand.u32 $0xFFFFF80, s21  }
0x7b: {  	s21 =	simm.s32 $0x3400;
	s20 =	sadd.s32 s1, s20  }
0x7c: {  	[tilespmem:s21], [sflag:$0x1] =	stream.strided.gather [hbm4b:s20+s10], $0x800, s13, s10, $0x38;
	[tilespmem:$0x10600] =	vst v63  }
0x7d: {  	s21 =	spop (v2sf)  }
0x7e: {  	s20 =	sand.u32 $0xFFFFF80, s21  }
0x7f: {  	s20 =	sadd.s32 s3, s20  }
0x80: {  	[tilespmem:s29], [sflag:$0x1] =	stream.strided.gather [hbm4b:s20+s10], $0x800, s13, s10, $0x38;
	[tilespmem:$0x10600] =	vst v63  }
0x81: {  	s21 =	spop (v2sf)  }
0x82: {  	s20 =	sand.u32 $0xFFFFF80, s21  }
0x83: {  	s21 =	simm.s32 $0x3C00;
	s20 =	sadd.s32 s1, s20  }
0x84: {  	[tilespmem:s21], [sflag:$0x1] =	stream.strided.gather [hbm4b:s20+s10], $0x800, s13, s10, $0x38;
	[tilespmem:$0x10600] =	vst v63  }
0x85: {  	s21 =	spop (v2sf)  }
0x86: {  	s20 =	sand.u32 $0xFFFFF80, s21  }
0x87: {  	s20 =	sadd.s32 s3, s20  }
0x88: {  	[tilespmem:s30], [sflag:$0x1] =	stream.strided.gather [hbm4b:s20+s10], $0x800, s13, s10, $0x38;
	[tilespmem:$0x10600] =	vst v63  }
0x89: {  	v18 =	vld [tilespmem:$0x0];
	_ =	sdelay $0x3  }
0x8a: {  	v19 =	vld [tilespmem:$0x200]  }
0x8b: {  	v61 =	vshra.s32 v18, $0x1F  }
0x8c: {  	v20 =	vshrl.u32 v61, $0x19  }
0x8d: {  	v20 =	vadd.s32 v20, v18  }
0x8e: {  	v62 =	vand.u32 $0xFFFFFF80, v20  }
0x8f: {  	vm1 =	vlt.s32 v18, $0x1;
	v63 =	vshra.s32 v19, $0x1F;
	vm2 =	vne.s32 v18, v62  }
0x90: {  	v21 =	vshrl.u32 v63, $0x19;
	vm1 =	vmand vm1, vm2  }
0x91: {  	v21 =	vadd.s32 v21, v19;
	v20 =	vshrl.u32 v20, $0x7;
	v22 =	vsel vm1, $0xFFFFFFFF, v0  }
0x92: {  	v32 =	vand.u32 $0xFFFFFF80, v21;
	v20 =	vadd.s32 v22, v20  }
0x93: {  	vm2 =	vne.s32 v19, v32;
	vm1 =	vlt.s32 v19, $0x1;
	v20 =	vshll.u32 v20, $0x7  }
0x94: {  	vm1 =	vmand vm1, vm2;
	v33 =	vsel vm8, $0x0, v20  }
0x95: {  	v21 =	vshrl.u32 v21, $0x7;
	v23 =	vsel vm1, $0xFFFFFFFF, v0;
	(xrf0) =	vadd.scan.msk.s32 $0xffff, v33  }
0x96: {  	v21 =	vadd.s32 v23, v21  }
0x97: {  	v21 =	vshll.u32 v21, $0x7  }
0x98: {  	v34 =	vsel vm8, $0x0, v21  }
0x99: {  	(xrf0) =	vadd.scan.msk.s32 $0xffff, v34;
	_ =	sdelay $0x1  }
0x9a: {  	v35, _, _ =	vpop (xrf0)  }
0x9b: {  	v36 =	vsel vm9, $0x0, v20;
	(v2sf) =	vpush v35, $0xF  }
0x9c: {  	(xrf0) =	vadd.scan.msk.s32 $0xffff, v36  }
0x9d: {  	v38 =	vsel vm9, $0x0, v21  }
0x9e: {  	v37, _, _ =	vpop (xrf0);
	(xrf0) =	vadd.scan.msk.s32 $0xffff, v38  }
0x9f: {  	(v2sf) =	vpush v37, $0xF;
	_ =	sdelay $0x2  }
0xa0: {  	v40 =	vsel vm10, $0x0, v20;
	v39, _, _ =	vpop (xrf0)  }
0xa1: {  	(xrf0) =	vadd.scan.msk.s32 $0xffff, v40;
	(v2sf) =	vpush v39, $0xF  }
0xa2: {  	v41, _, _ =	vpop (xrf0)  }
0xa3: {  	v42 =	vsel vm10, $0x0, v21;
	(v2sf) =	vpush v41, $0xF  }
0xa4: {  	(xrf0) =	vadd.scan.msk.s32 $0xffff, v42;
	_ =	sdelay $0x2  }
0xa5: {  	v43, _, _ =	vpop (xrf0)  }
0xa6: {  	v44 =	vsel vm11, $0x0, v20;
	s21 =	spop (v2sf);
	(v2sf) =	vpush v43, $0xF  }
0xa7: {  	v46 =	vsel vm11, $0x0, v21;
	(xrf0) =	vadd.scan.msk.s32 $0xffff, v44;
	s20 =	sand.u32 $0xFFFFF80, s21  }
0xa8: {  	v45, _, _ =	vpop (xrf0);
	(xrf0) =	vadd.scan.msk.s32 $0xffff, v46;
	s21 =	simm.s32 $0x4400;
	s20 =	sadd.s32 s1, s20  }
0xa9: {  	[tilespmem:s21], [sflag:$0x2] =	stream.strided.gather [hbm4b:s20+s10], $0x800, s13, s10, $0x38;
	[tilespmem:$0x10600] =	vst v63  }
0xaa: {  	s21 =	spop (v2sf);
	(v2sf) =	vpush v45, $0xF  }
0xab: {  	s20 =	sand.u32 $0xFFFFF80, s21  }
0xac: {  	s20 =	sadd.s32 s3, s20  }
0xad: {  	v48 =	vsel vm12, $0x0, v20;
	v47, _, _ =	vpop (xrf0);
	[tilespmem:s31], [sflag:$0x2] =	stream.strided.gather [hbm4b:s20+s10], $0x800, s13, s10, $0x38;
	[tilespmem:$0x10600] =	vst v63  }
0xae: {  	(xrf0) =	vadd.scan.msk.s32 $0xffff, v48;
	s21 =	spop (v2sf);
	(v2sf) =	vpush v47, $0xF  }
0xaf: {  	v50 =	vsel vm12, $0x0, v21;
	v49, _, _ =	vpop (xrf0);
	s20 =	sand.u32 $0xFFFFF80, s21  }
0xb0: {  	(xrf0) =	vadd.scan.msk.s32 $0xffff, v50;
	s20 =	sadd.s32 s1, s20;
	s21 =	spop (v2sf);
	(v2sf) =	vpush v49, $0xF  }
0xb1: {  	[tilespmem:s0], [sflag:$0x2] =	stream.strided.gather [hbm4b:s20+s10], $0x800, s13, s10, $0x38;
	[tilespmem:$0x10600] =	vst v63  }
0xb2: {  	s20 =	sand.u32 $0xFFFFF80, s21  }
0xb3: {  	s20 =	sadd.s32 s3, s20  }
0xb4: {  	v51, _, _ =	vpop (xrf0);
	[tilespmem:s2], [sflag:$0x2] =	stream.strided.gather [hbm4b:s20+s10], $0x800, s13, s10, $0x38;
	[tilespmem:$0x10600] =	vst v63  }
0xb5: {  	v52 =	vsel vm13, $0x0, v20;
	s21 =	spop (v2sf);
	(v2sf) =	vpush v51, $0xF  }
0xb6: {  	v54 =	vsel vm13, $0x0, v21;
	(xrf0) =	vadd.scan.msk.s32 $0xffff, v52;
	s20 =	sand.u32 $0xFFFFF80, s21  }
0xb7: {  	v53, _, _ =	vpop (xrf0);
	(xrf0) =	vadd.scan.msk.s32 $0xffff, v54;
	s20 =	sadd.s32 s1, s20  }
0xb8: {  	[tilespmem:s12], [sflag:$0x2] =	stream.strided.gather [hbm4b:s20+s10], $0x800, s13, s10, $0x38;
	[tilespmem:$0x10600] =	vst v63  }
0xb9: {  	s21 =	spop (v2sf);
	(v2sf) =	vpush v53, $0xF  }
0xba: {  	s20 =	sand.u32 $0xFFFFF80, s21  }
0xbb: {  	s20 =	sadd.s32 s3, s20  }
0xbc: {  	v56 =	vsel vm14, $0x0, v20;
	v55, _, _ =	vpop (xrf0);
	[tilespmem:s4], [sflag:$0x2] =	stream.strided.gather [hbm4b:s20+s10], $0x800, s13, s10, $0x38;
	[tilespmem:$0x10600] =	vst v63  }
0xbd: {  	(xrf0) =	vadd.scan.msk.s32 $0xffff, v56;
	s21 =	spop (v2sf);
	(v2sf) =	vpush v55, $0xF  }
0xbe: {  	v57, _, _ =	vpop (xrf0);
	s20 =	sand.u32 $0xFFFFF80, s21  }
0xbf: {  	s20 =	sadd.s32 s1, s20;
	s21 =	spop (v2sf);
	(v2sf) =	vpush v57, $0xF  }
0xc0: {  	v58 =	vsel vm14, $0x0, v21;
	[tilespmem:s5], [sflag:$0x2] =	stream.strided.gather [hbm4b:s20+s10], $0x800, s13, s10, $0x38;
	[tilespmem:$0x10600] =	vst v63  }
0xc1: {  	(xrf0) =	vadd.scan.msk.s32 $0xffff, v58;
	s20 =	sand.u32 $0xFFFFF80, s21  }
0xc2: {  	s20 =	sadd.s32 s3, s20  }
0xc3: {  	v59, _, _ =	vpop (xrf0);
	[tilespmem:s7], [sflag:$0x2] =	stream.strided.gather [hbm4b:s20+s10], $0x800, s13, s10, $0x38;
	[tilespmem:$0x10600] =	vst v63  }
0xc4: {  	v20 =	vsel vm15, $0x0, v20;
	s21 =	spop (v2sf);
	(v2sf) =	vpush v59, $0xF  }
0xc5: {  	(xrf0) =	vadd.scan.msk.s32 $0xffff, v20;
	s20 =	sand.u32 $0xFFFFF80, s21  }
0xc6: {  	s20 =	sadd.s32 s1, s20  }
0xc7: {  	v60, _, _ =	vpop (xrf0);
	[tilespmem:s8], [sflag:$0x2] =	stream.strided.gather [hbm4b:s20+s10], $0x800, s13, s10, $0x38;
	[tilespmem:$0x10600] =	vst v63  }
0xc8: {  	v61 =	vsel vm15, $0x0, v21;
	s21 =	spop (v2sf);
	(v2sf) =	vpush v60, $0xF  }
0xc9: {  	(xrf0) =	vadd.scan.msk.s32 $0xffff, v61;
	s20 =	sand.u32 $0xFFFFF80, s21  }
0xca: {  	s20 =	sadd.s32 s3, s20  }
0xcb: {  	v62, _, _ =	vpop (xrf0);
	[tilespmem:s6], [sflag:$0x2] =	stream.strided.gather [hbm4b:s20+s10], $0x800, s13, s10, $0x38;
	[tilespmem:$0x10600] =	vst v63  }
0xcc: {  	s21 =	spop (v2sf);
	(v2sf) =	vpush v62, $0xF  }
0xcd: {  	s20 =	sand.u32 $0xFFFFF80, s21  }
0xce: {  	s20 =	sadd.s32 s1, s20;
	s21 =	spop (v2sf)  }
0xcf: {  	v63, _, _ =	vpop (xrf0);
	[tilespmem:s9], [sflag:$0x2] =	stream.strided.gather [hbm4b:s20+s10], $0x800, s13, s10, $0x38;
	[tilespmem:$0x10600] =	vst v63  }
0xd0: {  	(v2sf) =	vpush v63, $0xF;
	s20 =	sand.u32 $0xFFFFF80, s21  }
0xd1: {  	s20 =	sadd.s32 s3, s20  }
0xd2: {  	[tilespmem:s11], [sflag:$0x2] =	stream.strided.gather [hbm4b:s20+s10], $0x800, s13, s10, $0x38;
	[tilespmem:$0x10600] =	vst v63  }
0xd3: {  	s21 =	spop (v2sf)  }
0xd4: {  	s20 =	sand.u32 $0xFFFFF80, s21  }
0xd5: {  	s20 =	sadd.s32 s1, s20  }
0xd6: {  	[tilespmem:s14], [sflag:$0x2] =	stream.strided.gather [hbm4b:s20+s10], $0x800, s13, s10, $0x38;
	[tilespmem:$0x10600] =	vst v63  }
0xd7: {  	s21 =	spop (v2sf)  }
0xd8: {  	s20 =	sand.u32 $0xFFFFF80, s21  }
0xd9: {  	s20 =	sadd.s32 s3, s20  }
0xda: {  	[tilespmem:s15], [sflag:$0x2] =	stream.strided.gather [hbm4b:s20+s10], $0x800, s13, s10, $0x38;
	[tilespmem:$0x10600] =	vst v63  }
0xdb: {  	s21 =	spop (v2sf)  }
0xdc: {  	s20 =	sand.u32 $0xFFFFF80, s21  }
0xdd: {  	s20 =	sadd.s32 s1, s20  }
0xde: {  	[tilespmem:s16], [sflag:$0x2] =	stream.strided.gather [hbm4b:s20+s10], $0x800, s13, s10, $0x38;
	[tilespmem:$0x10600] =	vst v63  }
.Ltmp2:
0xdf: {  	s21 =	spop (v2sf);
	(pc) =	sbr.rel .LBB2_2-.Ltmp2, $4  }
0xe0: {  	s20 =	sand.u32 $0xFFFFF80, s21  }
0xe1: {  	s20 =	sadd.s32 s3, s20  }
0xe2: {  	v26 =	vand.u32 $0x7F, v16;
	[tilespmem:s17], [sflag:$0x2] =	stream.strided.gather [hbm4b:s20+s10], $0x800, s13, s10, $0x38;
	[tilespmem:$0x10600] =	vst v63  }
0xe3: {  	v25 =	vand.u32 $0x7F, v17;
	v28 =	vand.u32 $0x7F, v18;
	v24 =	vand.u32 $0x7F, v19;
	s20 =	simm.s32 $0x0  }
.LBB2_6:
0xe4: {  	v21 =	vbroadcast v21, $0xF;
	v22 =	vbroadcast v22, $0xF  }
0xe5: {  	v23 =	vbroadcast v23, $0xF  }
0xe6: {  	vm1 =	vmmov $0x3;
	v20 =	vbroadcast v20, $0xF;
	v21 =	vsel vm0, v21, v22  }
0xe7: {  	v19 =	vbroadcast v19, $0xF;
	v21 =	vsel vm1, v21, v23;
	vm1 =	vmmov $0x7  }
0xe8: {  	v18 =	vbroadcast v18, $0xF;
	v20 =	vsel vm1, v21, v20;
	vm1 =	vmmov $0xf  }
0xe9: {  	v17 =	vbroadcast v17, $0xF;
	v19 =	vsel vm1, v20, v19;
	vm1 =	vmmov $0x1f  }
0xea: {  	v16 =	vbroadcast v16, $0xF;
	v18 =	vsel vm1, v19, v18;
	vm1 =	vmmov $0x3f  }
0xeb: {  	v60 =	vbroadcast v35, $0xF;
	v17 =	vsel vm1, v18, v17;
	vm1 =	vmmov $0x7f  }
0xec: {  	v16 =	vsel vm1, v17, v16;
	v17 =	vbroadcast v34, $0xF;
	vm1 =	vcmask $0x2320  }
0xed: {  	v61 =	vbroadcast v33, $0xF;
	v16 =	vsel vm1, v60, v16;
	vm1 =	vmmov $0x1ff  }
0xee: {  	v16 =	vsel vm1, v16, v17;
	vm1 =	vmmov $0x3ff;
	v17 =	vbroadcast v32, $0xF  }
0xef: {  	v62 =	vbroadcast v31, $0xF;
	v16 =	vsel vm1, v16, v61;
	vm1 =	vmmov $0x7ff  }
0xf0: {  	v16 =	vsel vm1, v16, v17;
	vm1 =	vmmov $0xfff;
	v17 =	vbroadcast v30, $0xF  }
0xf1: {  	v63 =	vbroadcast v29, $0xF;
	v16 =	vsel vm1, v16, v62;
	vm1 =	vmmov $0x1fff  }
0xf2: {  	v16 =	vsel vm1, v16, v17;
	vm1 =	vmmov $0x3fff  }
0xf3: {  	v16 =	vsel vm1, v16, v63  }
0xf4: {  	v16 =	vsel vm15, v16, v28  }
0xf5: {  	v16 =	vsub.f32 $0.0e+00, v16;
	_ =	sdelay $0x1  }
0xf6: {  	v16 =	vmul.f32 $1.442695020e+00, v16;
	_ =	sdelay $0x1  }
0xf7: {  	(erf) = vpow2.f32 v16;
	_ =	sdelay $0x8  }
0xf8: {  	v16 =	vpop (erf)  }
0xf9: {  	v16 =	vadd.f32 $1.000000000e+00, v16;
	_ =	sdelay $0x1  }
0xfa: {  	(erf) = vrcp.f32 v16;
	_ =	sdelay $0x7  }
0xfb: {  	s21 =	sshra.s32 s20, $0x2;
	s20 =	sadd.s32 $0x40, s20  }
0xfc: {  	p0 =	sne.s32 s20, $0x800;
	v16 =	vpop (erf)  }
.Ltmp3:
0xfd: {  	v16 =	vmul.f32 $4.000000000e+00, v16;
	(pc) =	sbr.rel @!p0 .LBB2_7-.Ltmp3, $3  }
0xfe: {  	_ = 	snop  }
0xff: {  	v16 =	vadd.f32 $1.000000000e+00, v16;
	_ =	sdelay $0x1  }
0x100: {  	v28 =	vmov v27;
	[tilespmem:s21+$0x10400] =	vst v16  }
.LBB2_2:
0x101: {  	_ =	swait.ge [sflag:s18], $0x800  }
0x102: {  	[sflag:s18] =	ssyncset.done $0x0  }
0x103: {  	[sflag:s18] =	ssyncadd.s32 $0xFFFFF800  }
0x104: {  	_ =	swait.ge [sflag:s18], $0x800  }
0x105: {  	[sflag:s18] =	ssyncset.done $0x0  }
0x106: {  	[sflag:s18] =	ssyncadd.s32 $0xFFFFF800  }
0x107: {  	_ =	swait.ge [sflag:s18], $0x800  }
0x108: {  	[sflag:s18] =	ssyncset.done $0x0  }
0x109: {  	[sflag:s18] =	ssyncadd.s32 $0xFFFFF800  }
0x10a: {  	_ =	swait.ge [sflag:s18], $0x800  }
0x10b: {  	[sflag:s18] =	ssyncset.done $0x0  }
0x10c: {  	[sflag:s18] =	ssyncadd.s32 $0xFFFFF800  }
0x10d: {  	_ =	swait.ge [sflag:s18], $0x800  }
0x10e: {  	[sflag:s18] =	ssyncset.done $0x0  }
0x10f: {  	[sflag:s18] =	ssyncadd.s32 $0xFFFFF800  }
0x110: {  	_ =	swait.ge [sflag:s18], $0x800  }
0x111: {  	[sflag:s18] =	ssyncset.done $0x0  }
0x112: {  	[sflag:s18] =	ssyncadd.s32 $0xFFFFF800  }
0x113: {  	_ =	swait.ge [sflag:s18], $0x800  }
0x114: {  	[sflag:s18] =	ssyncset.done $0x0  }
0x115: {  	[sflag:s18] =	ssyncadd.s32 $0xFFFFF800  }
0x116: {  	_ =	swait.ge [sflag:s18], $0x800  }
0x117: {  	[sflag:s18] =	ssyncset.done $0x0  }
0x118: {  	[sflag:s18] =	ssyncadd.s32 $0xFFFFF800  }
0x119: {  	_ =	swait.ge [sflag:s18], $0x800  }
0x11a: {  	[sflag:s18] =	ssyncset.done $0x0  }
0x11b: {  	[sflag:s18] =	ssyncadd.s32 $0xFFFFF800  }
0x11c: {  	_ =	swait.ge [sflag:s18], $0x800  }
0x11d: {  	[sflag:s18] =	ssyncset.done $0x0  }
0x11e: {  	[sflag:s18] =	ssyncadd.s32 $0xFFFFF800  }
0x11f: {  	_ =	swait.ge [sflag:s18], $0x800  }
0x120: {  	[sflag:s18] =	ssyncset.done $0x0  }
0x121: {  	[sflag:s18] =	ssyncadd.s32 $0xFFFFF800  }
0x122: {  	_ =	swait.ge [sflag:s18], $0x800  }
0x123: {  	[sflag:s18] =	ssyncset.done $0x0  }
0x124: {  	[sflag:s18] =	ssyncadd.s32 $0xFFFFF800  }
0x125: {  	_ =	swait.ge [sflag:s18], $0x800  }
0x126: {  	[sflag:s18] =	ssyncset.done $0x0  }
0x127: {  	[sflag:s18] =	ssyncadd.s32 $0xFFFFF800  }
0x128: {  	_ =	swait.ge [sflag:s18], $0x800  }
0x129: {  	v27 =	vlaneseq.u32;
	[sflag:s18] =	ssyncset.done $0x0  }
0x12a: {  	v16 =	vperm.xlane v26, v0;
	v29 =	vmul.u32 $0x80, v27;
	[sflag:s18] =	ssyncadd.s32 $0xFFFFF800  }
0x12b: {  	v17 =	vperm.xlane v25, v0;
	_ =	swait.ge [sflag:s18], $0x800  }
0x12c: {  	v18 =	vperm.xlane v26, v1;
	v16 =	vadd.s32 v29, v16;
	[sflag:s18] =	ssyncset.done $0x0  }
0x12d: {  	v19 =	vperm.xlane v25, v1;
	v17 =	vadd.s32 v29, v17;
	[sflag:s18] =	ssyncadd.s32 $0xFFFFF800  }
0x12e: {  	v21 =	vperm.xlane v25, v2;
	v18 =	vadd.s32 v29, v18;
	_ =	swait.ge [sflag:s18], $0x800  }
0x12f: {  	v23 =	vperm.xlane v25, v3;
	v19 =	vadd.s32 v29, v19;
	[sflag:s18] =	ssyncset.done $0x0  }
0x130: {  	v31 =	vperm.xlane v25, v4;
	v21 =	vadd.s32 v29, v21;
	[sflag:s18] =	ssyncadd.s32 $0xFFFFF800  }
0x131: {  	v33 =	vperm.xlane v25, v5;
	v23 =	vadd.s32 v29, v23;
	v16 =	vld.idx.msk [tilespmem:v16+s10+$0x0], $0xffff  }
0x132: {  	v20 =	vperm.xlane v26, v2;
	s21 =	simm.s32 $0xC00;
	v31 =	vadd.s32 v29, v31;
	v17 =	vld.idx.msk [tilespmem:v17+s23+$0x0], $0xffff  }
0x133: {  	v22 =	vperm.xlane v26, v3;
	v33 =	vadd.s32 v29, v33;
	v18 =	vld.idx.msk [tilespmem:v18+s21+$0x0], $0xffff  }
0x134: {  	v30 =	vperm.xlane v26, v4;
	v20 =	vadd.s32 v29, v20;
	v19 =	vld.idx.msk [tilespmem:v19+s22+$0x0], $0xffff  }
0x135: {  	v32 =	vperm.xlane v26, v5;
	v22 =	vadd.s32 v29, v22;
	v21 =	vld.idx.msk [tilespmem:v21+s24+$0x0], $0xffff  }
0x136: {  	v34 =	vperm.xlane v26, v6;
	v30 =	vadd.s32 v29, v30;
	v23 =	vld.idx.msk [tilespmem:v23+s25+$0x0], $0xffff  }
0x137: {  	v35 =	vperm.xlane v25, v6;
	v32 =	vadd.s32 v29, v32;
	v31 =	vld.idx.msk [tilespmem:v31+s26+$0x0], $0xffff  }
0x138: {  	v26 =	vperm.xlane v26, v7;
	v34 =	vadd.s32 v29, v34;
	s21 =	simm.s32 $0x1400;
	v33 =	vld.idx.msk [tilespmem:v33+s28+$0x0], $0xffff  }
0x139: {  	v25 =	vperm.xlane v25, v7;
	v35 =	vadd.s32 v29, v35;
	v20 =	vld.idx.msk [tilespmem:v20+s21+$0x0], $0xffff;
	s21 =	simm.s32 $0x1C00  }
0x13a: {  	v26 =	vadd.s32 v29, v26;
	v22 =	vld.idx.msk [tilespmem:v22+s21+$0x0], $0xffff;
	s21 =	simm.s32 $0x2400  }
0x13b: {  	v25 =	vadd.s32 v29, v25;
	v30 =	vld.idx.msk [tilespmem:v30+s21+$0x0], $0xffff;
	s21 =	simm.s32 $0x2C00  }
0x13c: {  	v32 =	vld.idx.msk [tilespmem:v32+s21+$0x0], $0xffff;
	s21 =	simm.s32 $0x3400  }
0x13d: {  	v34 =	vld.idx.msk [tilespmem:v34+s21+$0x0], $0xffff  }
0x13e: {  	v16 =	vmul.f32 v17, v16;
	v17 =	vld.idx.msk [tilespmem:v35+s29+$0x0], $0xffff;
	s21 =	simm.s32 $0x3C00  }
0x13f: {  	v18 =	vmul.f32 v19, v18;
	v19 =	vld.idx.msk [tilespmem:v26+s21+$0x0], $0xffff  }
0x140: {  	(xrf2) =	vadd.scan.msk.f32 $0xffff, v16;
	v16 =	vmul.f32 v21, v20;
	v20 =	vld.idx.msk [tilespmem:v25+s30+$0x0], $0xffff  }
0x141: {  	(xrf2) =	vadd.scan.msk.f32 $0xffff, v18;
	v18 =	vmul.f32 v23, v22  }
0x142: {  	(xrf2) =	vadd.scan.msk.f32 $0xffff, v16;
	v16 =	vmul.f32 v31, v30  }
0x143: {  	(xrf2) =	vadd.scan.msk.f32 $0xffff, v18;
	v18 =	vmul.f32 v33, v32  }
0x144: {  	(xrf2) =	vadd.scan.msk.f32 $0xffff, v16;
	v16 =	vmul.f32 v17, v34  }
0x145: {  	(xrf2) =	vadd.scan.msk.f32 $0xffff, v18;
	v17 =	vmul.f32 v20, v19  }
0x146: {  	(xrf2) =	vadd.scan.msk.f32 $0xffff, v16  }
0x147: {  	(xrf2) =	vadd.scan.msk.f32 $0xffff, v17;
	_ =	sdelay $0x2  }
0x148: {  	v21, _, _ =	vpop (xrf2)  }
0x149: {  	v22, _, _ =	vpop (xrf2)  }
0x14a: {  	p0 =	seq.s32 s20, $0x7C0;
	v23, _, _ =	vpop (xrf2)  }
.Ltmp4:
0x14b: {  	v20, _, _ =	vpop (xrf2);
	(pc) =	sbr.rel @p0 .LBB2_4-.Ltmp4, $4  }
0x14c: {  	v19, _, _ =	vpop (xrf2)  }
0x14d: {  	v18, _, _ =	vpop (xrf2)  }
0x14e: {  	v17, _, _ =	vpop (xrf2)  }
0x14f: {  	v26 =	vlaneseq.u32;
	v25 =	vlaneseq.u32;
	v16, _, _ =	vpop (xrf2)  }
0x150: {  	s21 =	sshra.s32 s20, $0x2  }
0x151: {  	v25 =	vld [tilespmem:s21+$0x10];
	_ =	sdelay $0x4  }
0x152: {  	v30 =	vld [tilespmem:s21+$0x210];
	v26 =	vshra.s32 v25, $0x1F  }
0x153: {  	v26 =	vshrl.u32 v26, $0x19  }
0x154: {  	v26 =	vadd.s32 v26, v25  }
0x155: {  	v26 =	vshra.s32 v26, $0x7  }
0x156: {  	v31 =	vshll.u32 v26, $0x7  }
0x157: {  	vm1 =	vlt.s32 v25, $0x1;
	vm2 =	vne.s32 v25, v31;
	v31 =	vshra.s32 v30, $0x1F  }
0x158: {  	vm1 =	vmand vm1, vm2;
	v31 =	vshrl.u32 v31, $0x19  }
0x159: {  	v32 =	vsel vm1, $0xFFFFFFFF, v0;
	v31 =	vadd.s32 v31, v30  }
0x15a: {  	v26 =	vadd.s32 v32, v26;
	v63 =	vand.u32 $0xFFFFFF80, v31  }
0x15b: {  	vm1 =	vlt.s32 v30, $0x1;
	v26 =	vshll.u32 v26, $0x7;
	vm2 =	vne.s32 v30, v63  }
0x15c: {  	vm1 =	vmand vm1, vm2;
	v36 =	vnsel vm0, $0x0, v26  }
0x15d: {  	v31 =	vshrl.u32 v31, $0x7;
	(xrf0) =	vadd.scan.msk.s32 $0xffff, v36;
	v37 =	vsel vm1, $0xFFFFFFFF, v0  }
0x15e: {  	v31 =	vadd.s32 v37, v31  }
0x15f: {  	v31 =	vshll.u32 v31, $0x7  }
0x160: {  	v38 =	vnsel vm0, $0x0, v31  }
0x161: {  	vm1 =	vcmask $0x308;
	(xrf0) =	vadd.scan.msk.s32 $0xffff, v38  }
0x162: {  	v40 =	vsel vm1, $0x0, v26  }
0x163: {  	v39, _, _ =	vpop (xrf0);
	(xrf0) =	vadd.scan.msk.s32 $0xffff, v40  }
0x164: {  	(v2sf) =	vpush v39, $0xF;
	_ =	sdelay $0x2  }
0x165: {  	v42 =	vsel vm1, $0x0, v31;
	v41, _, _ =	vpop (xrf0)  }
0x166: {  	(xrf0) =	vadd.scan.msk.s32 $0xffff, v42;
	(v2sf) =	vpush v41, $0xF  }
0x167: {  	v43, _, _ =	vpop (xrf0)  }
0x168: {  	vm1 =	vcmask $0x70C;
	(v2sf) =	vpush v43, $0xF  }
0x169: {  	v44 =	vsel vm1, $0x0, v26  }
0x16a: {  	(xrf0) =	vadd.scan.msk.s32 $0xffff, v44;
	_ =	sdelay $0x1  }
0x16b: {  	v45, _, _ =	vpop (xrf0)  }
0x16c: {  	v46 =	vsel vm1, $0x0, v31;
	(v2sf) =	vpush v45, $0xF  }
0x16d: {  	(xrf0) =	vadd.scan.msk.s32 $0xffff, v46  }
0x16e: {  	v48 =	vsel vm3, $0x0, v26  }
0x16f: {  	v47, _, _ =	vpop (xrf0);
	(xrf0) =	vadd.scan.msk.s32 $0xffff, v48  }
0x170: {  	s25 =	spop (v2sf);
	(v2sf) =	vpush v47, $0xF  }
0x171: {  	s21 =	sand.u32 $0xFFFFF80, s25  }
0x172: {  	s21 =	sadd.s32 s1, s21  }
0x173: {  	v50 =	vsel vm3, $0x0, v31;
	v49, _, _ =	vpop (xrf0);
	[tilespmem:s10], [sflag:$0x1] =	stream.strided.gather [hbm4b:s21+s10], $0x800, s13, s10, $0x38;
	[tilespmem:$0x10600] =	vst v63  }
0x174: {  	(xrf0) =	vadd.scan.msk.s32 $0xffff, v50;
	s26 =	spop (v2sf);
	(v2sf) =	vpush v49, $0xF  }
0x175: {  	v51, _, _ =	vpop (xrf0);
	s21 =	sand.u32 $0xFFFFF80, s26  }
0x176: {  	s21 =	sadd.s32 s3, s21;
	s22 =	spop (v2sf);
	(v2sf) =	vpush v51, $0xF  }
0x177: {  	v52 =	vsel vm4, $0x0, v26;
	[tilespmem:s23], [sflag:$0x1] =	stream.strided.gather [hbm4b:s21+s10], $0x800, s13, s10, $0x38;
	[tilespmem:$0x10600] =	vst v63  }
0x178: {  	(xrf0) =	vadd.scan.msk.s32 $0xffff, v52;
	s21 =	sand.u32 $0xFFFFF80, s22  }
0x179: {  	s22 =	simm.s32 $0xC00;
	s21 =	sadd.s32 s1, s21  }
0x17a: {  	v53, _, _ =	vpop (xrf0);
	[tilespmem:s22], [sflag:$0x1] =	stream.strided.gather [hbm4b:s21+s10], $0x800, s13, s10, $0x38;
	[tilespmem:$0x10600] =	vst v63  }
0x17b: {  	v54 =	vsel vm4, $0x0, v31;
	s24 =	spop (v2sf);
	(v2sf) =	vpush v53, $0xF  }
0x17c: {  	(xrf0) =	vadd.scan.msk.s32 $0xffff, v54;
	s21 =	sand.u32 $0xFFFFF80, s24  }
0x17d: {  	s22 =	simm.s32 $0x8C00;
	s21 =	sadd.s32 s3, s21  }
0x17e: {  	v55, _, _ =	vpop (xrf0);
	[tilespmem:s22], [sflag:$0x1] =	stream.strided.gather [hbm4b:s21+s10], $0x800, s13, s10, $0x38;
	[tilespmem:$0x10600] =	vst v63  }
0x17f: {  	v56 =	vsel vm5, $0x0, v26;
	s25 =	spop (v2sf);
	(v2sf) =	vpush v55, $0xF  }
0x180: {  	(xrf0) =	vadd.scan.msk.s32 $0xffff, v56;
	s21 =	sand.u32 $0xFFFFF80, s25  }
0x181: {  	s24 =	simm.s32 $0x1400;
	s21 =	sadd.s32 s1, s21  }
0x182: {  	v57, _, _ =	vpop (xrf0);
	[tilespmem:s24], [sflag:$0x1] =	stream.strided.gather [hbm4b:s21+s10], $0x800, s13, s10, $0x38;
	[tilespmem:$0x10600] =	vst v63  }
0x183: {  	v58 =	vsel vm5, $0x0, v31;
	s26 =	spop (v2sf);
	(v2sf) =	vpush v57, $0xF  }
0x184: {  	(xrf0) =	vadd.scan.msk.s32 $0xffff, v58;
	s21 =	sand.u32 $0xFFFFF80, s26  }
0x185: {  	s24 =	simm.s32 $0x9400;
	s21 =	sadd.s32 s3, s21;
	s25 =	spop (v2sf)  }
0x186: {  	v59, _, _ =	vpop (xrf0);
	[tilespmem:s24], [sflag:$0x1] =	stream.strided.gather [hbm4b:s21+s10], $0x800, s13, s10, $0x38;
	[tilespmem:$0x10600] =	vst v63  }
0x187: {  	v60 =	vsel vm6, $0x0, v26;
	(v2sf) =	vpush v59, $0xF;
	s21 =	sand.u32 $0xFFFFF80, s25  }
0x188: {  	(xrf0) =	vadd.scan.msk.s32 $0xffff, v60;
	s25 =	simm.s32 $0x1C00;
	s21 =	sadd.s32 s1, s21  }
0x189: {  	[tilespmem:s25], [sflag:$0x1] =	stream.strided.gather [hbm4b:s21+s10], $0x800, s13, s10, $0x38;
	[tilespmem:$0x10600] =	vst v63  }
0x18a: {  	v61, _, _ =	vpop (xrf0);
	s26 =	spop (v2sf)  }
0x18b: {  	v62 =	vsel vm6, $0x0, v31;
	(v2sf) =	vpush v61, $0xF;
	s21 =	sand.u32 $0xFFFFF80, s26  }
0x18c: {  	(xrf0) =	vadd.scan.msk.s32 $0xffff, v62;
	s25 =	simm.s32 $0x9C00;
	s21 =	sadd.s32 s3, s21  }
0x18d: {  	[tilespmem:s25], [sflag:$0x1] =	stream.strided.gather [hbm4b:s21+s10], $0x800, s13, s10, $0x38;
	[tilespmem:$0x10600] =	vst v63  }
0x18e: {  	v63, _, _ =	vpop (xrf0);
	s26 =	spop (v2sf)  }
0x18f: {  	v26 =	vsel vm7, $0x0, v26;
	(v2sf) =	vpush v63, $0xF;
	s21 =	sand.u32 $0xFFFFF80, s26  }
0x190: {  	(xrf0) =	vadd.scan.msk.s32 $0xffff, v26;
	s26 =	simm.s32 $0x2400;
	s21 =	sadd.s32 s1, s21  }
0x191: {  	[tilespmem:s26], [sflag:$0x1] =	stream.strided.gather [hbm4b:s21+s10], $0x800, s13, s10, $0x38;
	[tilespmem:$0x10600] =	vst v63  }
0x192: {  	v26, _, _ =	vpop (xrf0);
	s21 =	spop (v2sf)  }
0x193: {  	(v2sf) =	vpush v26, $0xF;
	v26 =	vsel vm7, $0x0, v31;
	s21 =	sand.u32 $0xFFFFF80, s21  }
0x194: {  	s26 =	simm.s32 $0xA400;
	(xrf0) =	vadd.scan.msk.s32 $0xffff, v26;
	s21 =	sadd.s32 s3, s21  }
0x195: {  	[tilespmem:s26], [sflag:$0x1] =	stream.strided.gather [hbm4b:s21+s10], $0x800, s13, s10, $0x38;
	[tilespmem:$0x10600] =	vst v63  }
0x196: {  	v26, _, _ =	vpop (xrf0);
	s21 =	spop (v2sf)  }
0x197: {  	s21 =	sand.u32 $0xFFFFF80, s21;
	(v2sf) =	vpush v26, $0xF  }
0x198: {  	s28 =	simm.s32 $0x2C00;
	s21 =	sadd.s32 s1, s21  }
0x199: {  	[tilespmem:s28], [sflag:$0x1] =	stream.strided.gather [hbm4b:s21+s10], $0x800, s13, s10, $0x38;
	[tilespmem:$0x10600] =	vst v63  }
0x19a: {  	s21 =	spop (v2sf);
	v26, _, _ =	vpop (xrf0)  }
0x19b: {  	s21 =	sand.u32 $0xFFFFF80, s21;
	(v2sf) =	vpush v26, $0xF  }
0x19c: {  	s28 =	simm.s32 $0xAC00;
	s21 =	sadd.s32 s3, s21  }
0x19d: {  	[tilespmem:s28], [sflag:$0x1] =	stream.strided.gather [hbm4b:s21+s10], $0x800, s13, s10, $0x38;
	[tilespmem:$0x10600] =	vst v63  }
0x19e: {  	s21 =	spop (v2sf)  }
0x19f: {  	s21 =	sand.u32 $0xFFFFF80, s21  }
0x1a0: {  	s29 =	simm.s32 $0x3400;
	s21 =	sadd.s32 s1, s21  }
0x1a1: {  	[tilespmem:s29], [sflag:$0x1] =	stream.strided.gather [hbm4b:s21+s10], $0x800, s13, s10, $0x38;
	[tilespmem:$0x10600] =	vst v63  }
0x1a2: {  	s21 =	spop (v2sf)  }
0x1a3: {  	s21 =	sand.u32 $0xFFFFF80, s21  }
0x1a4: {  	s29 =	simm.s32 $0xB400;
	s21 =	sadd.s32 s3, s21  }
0x1a5: {  	[tilespmem:s29], [sflag:$0x1] =	stream.strided.gather [hbm4b:s21+s10], $0x800, s13, s10, $0x38;
	[tilespmem:$0x10600] =	vst v63  }
0x1a6: {  	s21 =	spop (v2sf)  }
0x1a7: {  	s21 =	sand.u32 $0xFFFFF80, s21  }
0x1a8: {  	s30 =	simm.s32 $0x3C00;
	s21 =	sadd.s32 s1, s21  }
0x1a9: {  	[tilespmem:s30], [sflag:$0x1] =	stream.strided.gather [hbm4b:s21+s10], $0x800, s13, s10, $0x38;
	[tilespmem:$0x10600] =	vst v63  }
0x1aa: {  	s21 =	spop (v2sf)  }
0x1ab: {  	s21 =	sand.u32 $0xFFFFF80, s21  }
0x1ac: {  	s30 =	simm.s32 $0xBC00;
	s21 =	sadd.s32 s3, s21  }
0x1ad: {  	v26 =	vand.u32 $0x7F, v25;
	v25 =	vand.u32 $0x7F, v30;
	[tilespmem:s30], [sflag:$0x1] =	stream.strided.gather [hbm4b:s21+s10], $0x800, s13, s10, $0x38;
	[tilespmem:$0x10600] =	vst v63  }
.LBB2_4:
0x1ae: {  	_ =	swait.ge [sflag:s19], $0x800  }
0x1af: {  	[sflag:s19] =	ssyncset.done $0x0  }
0x1b0: {  	[sflag:s19] =	ssyncadd.s32 $0xFFFFF800  }
0x1b1: {  	_ =	swait.ge [sflag:s19], $0x800  }
0x1b2: {  	[sflag:s19] =	ssyncset.done $0x0  }
0x1b3: {  	[sflag:s19] =	ssyncadd.s32 $0xFFFFF800  }
0x1b4: {  	_ =	swait.ge [sflag:s19], $0x800  }
0x1b5: {  	[sflag:s19] =	ssyncset.done $0x0  }
0x1b6: {  	[sflag:s19] =	ssyncadd.s32 $0xFFFFF800  }
0x1b7: {  	_ =	swait.ge [sflag:s19], $0x800  }
0x1b8: {  	[sflag:s19] =	ssyncset.done $0x0  }
0x1b9: {  	[sflag:s19] =	ssyncadd.s32 $0xFFFFF800  }
0x1ba: {  	_ =	swait.ge [sflag:s19], $0x800  }
0x1bb: {  	[sflag:s19] =	ssyncset.done $0x0  }
0x1bc: {  	[sflag:s19] =	ssyncadd.s32 $0xFFFFF800  }
0x1bd: {  	_ =	swait.ge [sflag:s19], $0x800  }
0x1be: {  	[sflag:s19] =	ssyncset.done $0x0  }
0x1bf: {  	[sflag:s19] =	ssyncadd.s32 $0xFFFFF800  }
0x1c0: {  	_ =	swait.ge [sflag:s19], $0x800  }
0x1c1: {  	[sflag:s19] =	ssyncset.done $0x0  }
0x1c2: {  	[sflag:s19] =	ssyncadd.s32 $0xFFFFF800  }
0x1c3: {  	_ =	swait.ge [sflag:s19], $0x800  }
0x1c4: {  	[sflag:s19] =	ssyncset.done $0x0  }
0x1c5: {  	[sflag:s19] =	ssyncadd.s32 $0xFFFFF800  }
0x1c6: {  	_ =	swait.ge [sflag:s19], $0x800  }
0x1c7: {  	[sflag:s19] =	ssyncset.done $0x0  }
0x1c8: {  	[sflag:s19] =	ssyncadd.s32 $0xFFFFF800  }
0x1c9: {  	_ =	swait.ge [sflag:s19], $0x800  }
0x1ca: {  	[sflag:s19] =	ssyncset.done $0x0  }
0x1cb: {  	[sflag:s19] =	ssyncadd.s32 $0xFFFFF800  }
0x1cc: {  	_ =	swait.ge [sflag:s19], $0x800  }
0x1cd: {  	[sflag:s19] =	ssyncset.done $0x0  }
0x1ce: {  	[sflag:s19] =	ssyncadd.s32 $0xFFFFF800  }
0x1cf: {  	_ =	swait.ge [sflag:s19], $0x800  }
0x1d0: {  	[sflag:s19] =	ssyncset.done $0x0  }
0x1d1: {  	[sflag:s19] =	ssyncadd.s32 $0xFFFFF800  }
0x1d2: {  	_ =	swait.ge [sflag:s19], $0x800  }
0x1d3: {  	[sflag:s19] =	ssyncset.done $0x0  }
0x1d4: {  	[sflag:s19] =	ssyncadd.s32 $0xFFFFF800  }
0x1d5: {  	_ =	swait.ge [sflag:s19], $0x800  }
0x1d6: {  	[sflag:s19] =	ssyncset.done $0x0  }
0x1d7: {  	v30 =	vperm.xlane v28, v8;
	[sflag:s19] =	ssyncadd.s32 $0xFFFFF800  }
0x1d8: {  	v31 =	vperm.xlane v24, v8;
	_ =	swait.ge [sflag:s19], $0x800  }
0x1d9: {  	v32 =	vperm.xlane v28, v9;
	v30 =	vadd.s32 v29, v30;
	[sflag:s19] =	ssyncset.done $0x0  }
0x1da: {  	v33 =	vperm.xlane v24, v9;
	v31 =	vadd.s32 v29, v31;
	[sflag:s19] =	ssyncadd.s32 $0xFFFFF800  }
0x1db: {  	v34 =	vperm.xlane v28, v10;
	v32 =	vadd.s32 v29, v32;
	_ =	swait.ge [sflag:s19], $0x800  }
0x1dc: {  	v35 =	vperm.xlane v24, v10;
	v33 =	vadd.s32 v29, v33;
	[sflag:s19] =	ssyncset.done $0x0  }
0x1dd: {  	v36 =	vperm.xlane v28, v11;
	s21 =	simm.s32 $0x4400;
	v34 =	vadd.s32 v29, v34;
	[sflag:s19] =	ssyncadd.s32 $0xFFFFF800  }
0x1de: {  	v37 =	vperm.xlane v24, v11;
	v35 =	vadd.s32 v29, v35;
	v30 =	vld.idx.msk [tilespmem:v30+s21+$0x0], $0xffff  }
0x1df: {  	v38 =	vperm.xlane v28, v12;
	v36 =	vadd.s32 v29, v36;
	v31 =	vld.idx.msk [tilespmem:v31+s31+$0x0], $0xffff  }
0x1e0: {  	v39 =	vperm.xlane v24, v12;
	v37 =	vadd.s32 v29, v37;
	v32 =	vld.idx.msk [tilespmem:v32+s0+$0x0], $0xffff  }
0x1e1: {  	v40 =	vperm.xlane v28, v13;
	v38 =	vadd.s32 v29, v38;
	v33 =	vld.idx.msk [tilespmem:v33+s2+$0x0], $0xffff  }
0x1e2: {  	v41 =	vperm.xlane v24, v13;
	v39 =	vadd.s32 v29, v39;
	v34 =	vld.idx.msk [tilespmem:v34+s12+$0x0], $0xffff  }
0x1e3: {  	v42 =	vperm.xlane v28, v14;
	v40 =	vadd.s32 v29, v40;
	v35 =	vld.idx.msk [tilespmem:v35+s4+$0x0], $0xffff  }
0x1e4: {  	v28 =	vperm.xlane v28, v15;
	v41 =	vadd.s32 v29, v41;
	v36 =	vld.idx.msk [tilespmem:v36+s5+$0x0], $0xffff  }
0x1e5: {  	v43 =	vperm.xlane v24, v14;
	v42 =	vadd.s32 v29, v42;
	v37 =	vld.idx.msk [tilespmem:v37+s7+$0x0], $0xffff  }
0x1e6: {  	v24 =	vperm.xlane v24, v15;
	v28 =	vadd.s32 v29, v28;
	v38 =	vld.idx.msk [tilespmem:v38+s8+$0x0], $0xffff  }
0x1e7: {  	v43 =	vadd.s32 v29, v43;
	v39 =	vld.idx.msk [tilespmem:v39+s6+$0x0], $0xffff  }
0x1e8: {  	v24 =	vadd.s32 v29, v24;
	v29 =	vld.idx.msk [tilespmem:v40+s9+$0x0], $0xffff  }
0x1e9: {  	v61 =	vld.idx.msk [tilespmem:v41+s11+$0x0], $0xffff  }
0x1ea: {  	v62 =	vld.idx.msk [tilespmem:v42+s14+$0x0], $0xffff  }
0x1eb: {  	v28 =	vld.idx.msk [tilespmem:v28+s16+$0x0], $0xffff;
	v30 =	vmul.f32 v31, v30  }
0x1ec: {  	v31 =	vld.idx.msk [tilespmem:v43+s15+$0x0], $0xffff;
	v32 =	vmul.f32 v33, v32  }
0x1ed: {  	v24 =	vld.idx.msk [tilespmem:v24+s17+$0x0], $0xffff;
	(xrf2) =	vadd.scan.msk.f32 $0xffff, v30;
	v30 =	vmul.f32 v35, v34  }
0x1ee: {  	v63 =	vmul.f32 v37, v36;
	(xrf2) =	vadd.scan.msk.f32 $0xffff, v32  }
0x1ef: {  	(xrf2) =	vadd.scan.msk.f32 $0xffff, v30;
	v30 =	vmul.f32 v39, v38  }
0x1f0: {  	v29 =	vmul.f32 v61, v29;
	(xrf2) =	vadd.scan.msk.f32 $0xffff, v63  }
0x1f1: {  	(xrf2) =	vadd.scan.msk.f32 $0xffff, v30;
	v30 =	vmul.f32 v31, v62  }
0x1f2: {  	v24 =	vmul.f32 v24, v28;
	(xrf2) =	vadd.scan.msk.f32 $0xffff, v29  }
0x1f3: {  	(xrf2) =	vadd.scan.msk.f32 $0xffff, v30  }
0x1f4: {  	(xrf2) =	vadd.scan.msk.f32 $0xffff, v24;
	_ =	sdelay $0x2  }
0x1f5: {  	v35, _, _ =	vpop (xrf2)  }
0x1f6: {  	v34, _, _ =	vpop (xrf2)  }
0x1f7: {  	v33, _, _ =	vpop (xrf2)  }
.Ltmp5:
0x1f8: {  	v32, _, _ =	vpop (xrf2);
	(pc) =	sbr.rel @p0 .LBB2_6-.Ltmp5, $4  }
0x1f9: {  	v31, _, _ =	vpop (xrf2)  }
0x1fa: {  	v30, _, _ =	vpop (xrf2)  }
0x1fb: {  	v29, _, _ =	vpop (xrf2)  }
0x1fc: {  	v24 =	vlaneseq.u32;
	v28, _, _ =	vpop (xrf2)  }
0x1fd: {  	s21 =	sshra.s32 s20, $0x2  }
0x1fe: {  	v24 =	vld [tilespmem:s21+$0x10];
	_ =	sdelay $0x4  }
0x1ff: {  	v36 =	vld [tilespmem:s21+$0x210];
	v27 =	vshra.s32 v24, $0x1F  }
0x200: {  	v27 =	vshrl.u32 v27, $0x19  }
0x201: {  	v27 =	vadd.s32 v27, v24  }
0x202: {  	v27 =	vshra.s32 v27, $0x7  }
0x203: {  	v37 =	vshll.u32 v27, $0x7  }
0x204: {  	vm1 =	vlt.s32 v24, $0x1;
	v58 =	vshra.s32 v36, $0x1F;
	vm2 =	vne.s32 v24, v37  }
0x205: {  	v37 =	vshrl.u32 v58, $0x19;
	vm1 =	vmand vm1, vm2  }
0x206: {  	v37 =	vadd.s32 v37, v36;
	v38 =	vsel vm1, $0xFFFFFFFF, v0  }
0x207: {  	v59 =	vand.u32 $0xFFFFFF80, v37;
	v27 =	vadd.s32 v38, v27  }
0x208: {  	vm1 =	vlt.s32 v36, $0x1;
	vm2 =	vne.s32 v36, v59;
	v27 =	vshll.u32 v27, $0x7  }
0x209: {  	vm1 =	vmand vm1, vm2;
	v60 =	vsel vm8, $0x0, v27  }
0x20a: {  	v37 =	vshrl.u32 v37, $0x7;
	v61 =	vsel vm1, $0xFFFFFFFF, v0;
	(xrf0) =	vadd.scan.msk.s32 $0xffff, v60  }
0x20b: {  	v37 =	vadd.s32 v61, v37  }
0x20c: {  	v37 =	vshll.u32 v37, $0x7  }
0x20d: {  	v62 =	vsel vm8, $0x0, v37  }
0x20e: {  	(xrf0) =	vadd.scan.msk.s32 $0xffff, v62;
	_ =	sdelay $0x1  }
0x20f: {  	v63, _, _ =	vpop (xrf0)  }
0x210: {  	v40 =	vsel vm9, $0x0, v27;
	(v2sf) =	vpush v63, $0xF  }
0x211: {  	(xrf0) =	vadd.scan.msk.s32 $0xffff, v40;
	_ =	sdelay $0x1  }
0x212: {  	v41, _, _ =	vpop (xrf0)  }
0x213: {  	v42 =	vsel vm9, $0x0, v37;
	(v2sf) =	vpush v41, $0xF  }
0x214: {  	(xrf0) =	vadd.scan.msk.s32 $0xffff, v42;
	_ =	sdelay $0x1  }
0x215: {  	v43, _, _ =	vpop (xrf0)  }
0x216: {  	v44 =	vsel vm10, $0x0, v27;
	(v2sf) =	vpush v43, $0xF  }
0x217: {  	(xrf0) =	vadd.scan.msk.s32 $0xffff, v44;
	_ =	sdelay $0x1  }
0x218: {  	v45, _, _ =	vpop (xrf0)  }
0x219: {  	v46 =	vsel vm10, $0x0, v37;
	(v2sf) =	vpush v45, $0xF  }
0x21a: {  	(xrf0) =	vadd.scan.msk.s32 $0xffff, v46;
	_ =	sdelay $0x1  }
0x21b: {  	v47, _, _ =	vpop (xrf0);
	s21 =	spop (v2sf)  }
0x21c: {  	v48 =	vsel vm11, $0x0, v27;
	(v2sf) =	vpush v47, $0xF;
	s21 =	sand.u32 $0xFFFFF80, s21  }
0x21d: {  	s31 =	simm.s32 $0x4400;
	(xrf0) =	vadd.scan.msk.s32 $0xffff, v48;
	s21 =	sadd.s32 s1, s21  }
0x21e: {  	[tilespmem:s31], [sflag:$0x2] =	stream.strided.gather [hbm4b:s21+s10], $0x800, s13, s10, $0x38;
	[tilespmem:$0x10600] =	vst v63  }
0x21f: {  	v49, _, _ =	vpop (xrf0);
	s21 =	spop (v2sf)  }
0x220: {  	v50 =	vsel vm11, $0x0, v37;
	(v2sf) =	vpush v49, $0xF;
	s21 =	sand.u32 $0xFFFFF80, s21  }
0x221: {  	(xrf0) =	vadd.scan.msk.s32 $0xffff, v50;
	s31 =	simm.s32 $0xC400;
	s21 =	sadd.s32 s3, s21  }
0x222: {  	[tilespmem:s31], [sflag:$0x2] =	stream.strided.gather [hbm4b:s21+s10], $0x800, s13, s10, $0x38;
	[tilespmem:$0x10600] =	vst v63  }
0x223: {  	v51, _, _ =	vpop (xrf0);
	s21 =	spop (v2sf)  }
0x224: {  	v52 =	vsel vm12, $0x0, v27;
	(v2sf) =	vpush v51, $0xF;
	s21 =	sand.u32 $0xFFFFF80, s21  }
0x225: {  	(xrf0) =	vadd.scan.msk.s32 $0xffff, v52;
	s21 =	sadd.s32 s1, s21  }
0x226: {  	[tilespmem:s0], [sflag:$0x2] =	stream.strided.gather [hbm4b:s21+s10], $0x800, s13, s10, $0x38;
	[tilespmem:$0x10600] =	vst v63  }
0x227: {  	v53, _, _ =	vpop (xrf0);
	s21 =	spop (v2sf)  }
0x228: {  	v54 =	vsel vm12, $0x0, v37;
	(v2sf) =	vpush v53, $0xF;
	s21 =	sand.u32 $0xFFFFF80, s21  }
0x229: {  	(xrf0) =	vadd.scan.msk.s32 $0xffff, v54;
	s21 =	sadd.s32 s3, s21  }
0x22a: {  	[tilespmem:s2], [sflag:$0x2] =	stream.strided.gather [hbm4b:s21+s10], $0x800, s13, s10, $0x38;
	[tilespmem:$0x10600] =	vst v63  }
0x22b: {  	v55, _, _ =	vpop (xrf0);
	s21 =	spop (v2sf)  }
0x22c: {  	v56 =	vsel vm13, $0x0, v27;
	(v2sf) =	vpush v55, $0xF;
	s21 =	sand.u32 $0xFFFFF80, s21  }
0x22d: {  	(xrf0) =	vadd.scan.msk.s32 $0xffff, v56;
	s21 =	sadd.s32 s1, s21  }
0x22e: {  	[tilespmem:s12], [sflag:$0x2] =	stream.strided.gather [hbm4b:s21+s10], $0x800, s13, s10, $0x38;
	[tilespmem:$0x10600] =	vst v63  }
0x22f: {  	v57, _, _ =	vpop (xrf0);
	s21 =	spop (v2sf)  }
0x230: {  	v58 =	vsel vm13, $0x0, v37;
	(v2sf) =	vpush v57, $0xF;
	s21 =	sand.u32 $0xFFFFF80, s21  }
0x231: {  	(xrf0) =	vadd.scan.msk.s32 $0xffff, v58;
	s21 =	sadd.s32 s3, s21  }
0x232: {  	[tilespmem:s4], [sflag:$0x2] =	stream.strided.gather [hbm4b:s21+s10], $0x800, s13, s10, $0x38;
	[tilespmem:$0x10600] =	vst v63  }
0x233: {  	v59, _, _ =	vpop (xrf0);
	s21 =	spop (v2sf)  }
0x234: {  	v60 =	vsel vm14, $0x0, v27;
	(v2sf) =	vpush v59, $0xF;
	s21 =	sand.u32 $0xFFFFF80, s21  }
0x235: {  	(xrf0) =	vadd.scan.msk.s32 $0xffff, v60;
	s21 =	sadd.s32 s1, s21  }
0x236: {  	[tilespmem:s5], [sflag:$0x2] =	stream.strided.gather [hbm4b:s21+s10], $0x800, s13, s10, $0x38;
	[tilespmem:$0x10600] =	vst v63  }
0x237: {  	v61, _, _ =	vpop (xrf0);
	s21 =	spop (v2sf)  }
0x238: {  	v62 =	vsel vm14, $0x0, v37;
	(v2sf) =	vpush v61, $0xF;
	s21 =	sand.u32 $0xFFFFF80, s21  }
0x239: {  	(xrf0) =	vadd.scan.msk.s32 $0xffff, v62;
	s21 =	sadd.s32 s3, s21  }
0x23a: {  	[tilespmem:s7], [sflag:$0x2] =	stream.strided.gather [hbm4b:s21+s10], $0x800, s13, s10, $0x38;
	[tilespmem:$0x10600] =	vst v63  }
0x23b: {  	v63, _, _ =	vpop (xrf0);
	s21 =	spop (v2sf)  }
0x23c: {  	v27 =	vsel vm15, $0x0, v27;
	(v2sf) =	vpush v63, $0xF;
	s21 =	sand.u32 $0xFFFFF80, s21  }
0x23d: {  	(xrf0) =	vadd.scan.msk.s32 $0xffff, v27;
	s21 =	sadd.s32 s1, s21  }
0x23e: {  	[tilespmem:s8], [sflag:$0x2] =	stream.strided.gather [hbm4b:s21+s10], $0x800, s13, s10, $0x38;
	[tilespmem:$0x10600] =	vst v63  }
0x23f: {  	v27, _, _ =	vpop (xrf0);
	s21 =	spop (v2sf)  }
0x240: {  	(v2sf) =	vpush v27, $0xF;
	v27 =	vsel vm15, $0x0, v37;
	s21 =	sand.u32 $0xFFFFF80, s21  }
0x241: {  	(xrf0) =	vadd.scan.msk.s32 $0xffff, v27;
	s21 =	sadd.s32 s3, s21  }
0x242: {  	[tilespmem:s6], [sflag:$0x2] =	stream.strided.gather [hbm4b:s21+s10], $0x800, s13, s10, $0x38;
	[tilespmem:$0x10600] =	vst v63  }
0x243: {  	v27, _, _ =	vpop (xrf0);
	s21 =	spop (v2sf)  }
0x244: {  	s21 =	sand.u32 $0xFFFFF80, s21;
	(v2sf) =	vpush v27, $0xF  }
0x245: {  	s21 =	sadd.s32 s1, s21  }
0x246: {  	[tilespmem:s9], [sflag:$0x2] =	stream.strided.gather [hbm4b:s21+s10], $0x800, s13, s10, $0x38;
	[tilespmem:$0x10600] =	vst v63  }
0x247: {  	s21 =	spop (v2sf)  }
0x248: {  	v27, _, _ =	vpop (xrf0);
	s21 =	sand.u32 $0xFFFFF80, s21  }
0x249: {  	(v2sf) =	vpush v27, $0xF;
	s21 =	sadd.s32 s3, s21  }
0x24a: {  	[tilespmem:s11], [sflag:$0x2] =	stream.strided.gather [hbm4b:s21+s10], $0x800, s13, s10, $0x38;
	[tilespmem:$0x10600] =	vst v63  }
0x24b: {  	s21 =	spop (v2sf)  }
0x24c: {  	s21 =	sand.u32 $0xFFFFF80, s21  }
0x24d: {  	s21 =	sadd.s32 s1, s21  }
0x24e: {  	[tilespmem:s14], [sflag:$0x2] =	stream.strided.gather [hbm4b:s21+s10], $0x800, s13, s10, $0x38;
	[tilespmem:$0x10600] =	vst v63  }
0x24f: {  	s21 =	spop (v2sf)  }
0x250: {  	s21 =	sand.u32 $0xFFFFF80, s21  }
0x251: {  	s21 =	sadd.s32 s3, s21  }
0x252: {  	[tilespmem:s15], [sflag:$0x2] =	stream.strided.gather [hbm4b:s21+s10], $0x800, s13, s10, $0x38;
	[tilespmem:$0x10600] =	vst v63  }
0x253: {  	s21 =	spop (v2sf)  }
0x254: {  	s21 =	sand.u32 $0xFFFFF80, s21  }
0x255: {  	s21 =	sadd.s32 s1, s21  }
0x256: {  	[tilespmem:s16], [sflag:$0x2] =	stream.strided.gather [hbm4b:s21+s10], $0x800, s13, s10, $0x38;
	[tilespmem:$0x10600] =	vst v63  }
.Ltmp6:
0x257: {  	_ = 	snop;
	(pc) =	sbr.rel .LBB2_6-.Ltmp6, $4  }
0x258: {  	s21 =	spop (v2sf)  }
0x259: {  	s21 =	sand.u32 $0xFFFFF80, s21  }
0x25a: {  	s21 =	sadd.s32 s3, s21  }
0x25b: {  	v27 =	vand.u32 $0x7F, v24;
	v24 =	vand.u32 $0x7F, v36;
	[tilespmem:s17], [sflag:$0x2] =	stream.strided.gather [hbm4b:s21+s10], $0x800, s13, s10, $0x38;
	[tilespmem:$0x10600] =	vst v63  }
.LBB2_8:
0x25c: {  	_ =	sfence.sel $0x180000  }
0x25d: {  	[bflag:$0x0] =	sbarrier.arrive $0xFFFF  }
0x25e: {  	_ =	strace $0x90000047  }
0x25f: {  	s0 =	stileid.u32;
	[bflag:$0x2] =	sbarrier.arrive $0xFFFF  }
0x260: {  	p0 =	sne.s32 s0, $0x0;
	s0 =	rddreg [dreg:$0x4]  }
0x261: {  	s0 =	sadd.s32 @!p0 $0x100000, s0  }
0x262: {  	[sflag:s0] =	ssyncadd.tile.s32 @!p0 $0x1;
	_ =	shalt  }
.Lfunc_end2:
_tile_overlayer_lowered:
.L_overlay_start_2:
0x263: {  	(tag) =	ssettag $0x2  }
0x264: {  	s0 =	rddreg [dreg:$0x0];
	s2 =	stileid.u32  }
0x265: {  	s1 =	rddreg [dreg:$0x1];
	p0 =	sne.s32 s2, $0x0  }
0x266: {  	s3 =	rddreg [dreg:$0x2];
	[bflag:$0x3] =	sbarrier.arrive $0xFFFF;
	s2 =	simm.s32 @!p0 $0x1C03  }
0x267: {  	[timem:s3], [sflag:s2] =	dma.local @!p0 [hbm:s0], s1  }
0x268: {  	s0 =	simm.s32 @!p0 $0x3  }
0x269: {  	_ =	swait.ge @!p0 [sflag:s0], s1  }
0x26a: {  	s1 =	ssub.s32 @!p0 $0x0, s1;
	[sflag:s0] =	ssyncset.done @!p0 $0x0  }
0x26b: {  	[sflag:s0] =	ssyncadd.s32 @!p0 s1  }
0x26c: {  	[bflag:$0x3] =	sbarrier.arrive $0xFFFF  }
0x26d: {  	_ =	shalt  }

</sc_bundles>
